<compile_context>
chip_gen: v7x
topology: tpu7x:2x2x1
jax: 0.10.2.dev20260603
libtpu: 0.0.44.dev20260713+nightly
codegen_flags: <defaults>
</compile_context>

<pallas_src>
import jax
import jax.numpy as jnp
from jax import lax
from jax.experimental import pallas as pl
from jax.experimental.pallas import tpu as pltpu
from jax.experimental.pallas import tpu_sc as plsc

_N = 524288
_NLOW = 262144
_NT = 16
_NE = _N // _NT
_G = _NE // 16
_U = 8
_TOP = -(2 ** 31)


def _ukey(x):
    k = plsc.bitcast(x, jnp.int32)
    m = k >> 31
    return k ^ (m | jnp.int32(_TOP))


def _vsqrt(v):
    i = plsc.bitcast(v, jnp.int32)
    y = plsc.bitcast(jnp.int32(0x5F3759DF) - (i >> 1), jnp.float32)
    for _ in range(4):
        y = y * (1.5 - 0.5 * v * y * y)
    return v * y


def _verf(x):
    sgn = jnp.where(x < 0.0, -1.0, 1.0).astype(jnp.float32)
    a = jnp.abs(x)
    t = 1.0 / (1.0 + 0.3275911 * a)
    poly = t * (0.254829592 + t * (-0.284496736 + t * (1.421413741
           + t * (-1.453152027 + t * 1.061405429))))
    return sgn * (1.0 - poly * jnp.exp(-a * a))


def _popcnt(mask):
    return plsc.all_reduce_population_count(mask)[0]


def _zero(ref, nwords, zeros16):
    @plsc.parallel_loop(0, nwords // 16, unroll=8)
    def _zz(j):
        ref[pl.ds(j * 16, 16)] = zeros16


def _publish_and_reduce(sid, hist, hmerged, allh, shared_h):
    @plsc.parallel_loop(0, 16, unroll=4)
    def _mg(g):
        acc = hist[pl.ds(g * 16, 16)]
        for l in range(1, 16):
            acc = acc + hist[pl.ds(l * 257 + g * 16, 16)]
        hmerged[pl.ds(g * 16, 16)] = acc
    pltpu.sync_copy(hmerged, shared_h.at[sid])
    plsc.subcore_barrier()
    pltpu.sync_copy(shared_h, allh)


def _pick(allh, r):
    def dec(g, carry):
        nbkt, below, cumbase = carry
        gcnt = allh[0, pl.ds(g * 16, 16)]
        for tl in range(1, 16):
            gcnt = gcnt + allh[tl, pl.ds(g * 16, 16)]
        cum = plsc.cumsum(gcnt) + cumbase
        mask = cum <= r
        nbkt = nbkt + _popcnt(mask)
        below = below + jnp.sum(jnp.where(mask, gcnt, 0))
        return (nbkt, below, cum[15])

    nbkt, below, _ = lax.fori_loop(
        0, 16, dec, (jnp.int32(0), jnp.int32(0), jnp.int32(0)))
    return nbkt, below


def _sc_body(x_hbm, out_hbm, xbuf, cbuf, hist, hist2, hist3, hist4,
             hmerged, allh, shared_h, shared_stats, rowbuf, statsbuf,
             resbuf, dma_sem, dma_sem2):
    sid = lax.axis_index("s")
    lane = lax.iota(jnp.int32, 16)
    lane_base = lane * 257
    ones = jnp.ones((16,), jnp.int32)
    zeros16i = jnp.zeros((16,), jnp.int32)
    zeros16f = jnp.zeros((16,), jnp.float32)

    half = _NE // 2
    with jax.named_scope("stage_in"):
        cp1 = pltpu.async_copy(
            x_hbm.at[pl.ds(sid * _NE, half)], xbuf.at[pl.ds(0, half)],
            dma_sem)
        cp2 = pltpu.async_copy(
            x_hbm.at[pl.ds(sid * _NE + half, half)],
            xbuf.at[pl.ds(half, half)], dma_sem2)
        _zero(hist, 4224, zeros16i)
        _zero(hist2, 4224, zeros16i)
        _zero(hist3, 4224, zeros16i)
        _zero(hist4, 4224, zeros16i)
        cp1.wait()

    with jax.named_scope("scan1"):
        @plsc.parallel_loop(0, _G // 2, unroll=_U, carry=(zeros16f, zeros16f))
        def _s1a(i, carry):
            acc_s, acc_ss = carry
            x = xbuf[pl.ds(i * 16, 16)]
            b1 = lax.shift_right_logical(_ukey(x), 24)
            plsc.addupdate_scatter(hist, [lane_base + b1], ones)
            return (acc_s + x, acc_ss + x * x)

        cp2.wait()

        @plsc.parallel_loop(_G // 2, _G, unroll=_U, carry=_s1a)
        def _s1b(i, carry):
            acc_s, acc_ss = carry
            x = xbuf[pl.ds(i * 16, 16)]
            b1 = lax.shift_right_logical(_ukey(x), 24)
            plsc.addupdate_scatter(hist, [lane_base + b1], ones)
            return (acc_s + x, acc_ss + x * x)

        acc_s, acc_ss = _s1b

    r = jnp.int32(_NLOW)
    _publish_and_reduce(sid, hist, hmerged, allh, shared_h)
    with jax.named_scope("merge1"):
        sel1, below1 = _pick(allh, r)
    r = r - below1
    a_sl = zeros16f
    a_ssl = zeros16f

    lane_g = lane * _G
    with jax.named_scope("scan2"):
        @plsc.parallel_loop(
            0, _G, unroll=_U,
            carry=(jnp.zeros((16,), jnp.int32), a_sl, a_ssl))
        def _s2(i, carry):
            off_v, a_sl, a_ssl = carry
            x = xbuf[pl.ds(i * 16, 16)]
            b1 = lax.shift_right_logical(_ukey(x), 24)
            lt = b1 < sel1
            a_sl = a_sl + jnp.where(lt, x, 0.0)
            a_ssl = a_ssl + jnp.where(lt, x * x, 0.0)
            match = b1 == sel1
            plsc.store_scatter(cbuf, [lane_g + off_v], x, mask=match)
            return (off_v + match.astype(jnp.int32), a_sl, a_ssl)

        cnt2_v, a_sl, a_ssl = _s2
        m2 = jnp.max(cnt2_v)


    def s2b(j, _):
        x = plsc.load_gather(cbuf, [lane_g + j])
        uk = _ukey(x)
        valid = j < cnt2_v
        b2 = lax.shift_right_logical(uk, 16) & 255
        plsc.addupdate_scatter(hist2, [lane_base + b2], ones, mask=valid)
        return 0

    lax.fori_loop(0, m2, s2b, 0)

    _publish_and_reduce(sid, hist2, hmerged, allh, shared_h)
    sel2, below2 = _pick(allh, r)
    r = r - below2


    def s3(j, carry):
        off_v, a_sl, a_ssl = carry
        x = plsc.load_gather(cbuf, [lane_g + j])
        uk = _ukey(x)
        valid = j < cnt2_v
        b2 = lax.shift_right_logical(uk, 16) & 255
        lt = valid & (b2 < sel2)
        a_sl = a_sl + jnp.where(lt, x, 0.0)
        a_ssl = a_ssl + jnp.where(lt, x * x, 0.0)
        match = valid & (b2 == sel2)
        b3 = lax.shift_right_logical(uk, 8) & 255
        plsc.addupdate_scatter(hist3, [lane_base + b3], ones, mask=match)
        plsc.store_scatter(xbuf, [lane_g + off_v], x, mask=match)
        return (off_v + match.astype(jnp.int32), a_sl, a_ssl)

    cnt3_v, a_sl, a_ssl = lax.fori_loop(
        0, m2, s3, (jnp.zeros((16,), jnp.int32), a_sl, a_ssl))
    m3 = jnp.max(cnt3_v)

    _publish_and_reduce(sid, hist3, hmerged, allh, shared_h)
    sel3, below3 = _pick(allh, r)
    r = r - below3

    def s4(j, carry):
        a_sl, a_ssl = carry
        x = plsc.load_gather(xbuf, [lane_g + j])
        uk = _ukey(x)
        valid = j < cnt3_v
        b3 = lax.shift_right_logical(uk, 8) & 255
        lt = valid & (b3 < sel3)
        a_sl = a_sl + jnp.where(lt, x, 0.0)
        a_ssl = a_ssl + jnp.where(lt, x * x, 0.0)
        match = valid & (b3 == sel3)
        b4 = uk & 255
        plsc.addupdate_scatter(hist4, [lane_base + b4], ones, mask=match)
        return (a_sl, a_ssl)

    a_sl, a_ssl = lax.fori_loop(0, m3, s4, (a_sl, a_ssl))

    _publish_and_reduce(sid, hist4, hmerged, allh, shared_h)
    sel4, below4 = _pick(allh, r)
    r = r - below4

    def s5(j, carry):
        a_sl, a_ssl = carry
        x = plsc.load_gather(xbuf, [lane_g + j])
        uk = _ukey(x)
        valid = j < cnt3_v
        b3 = lax.shift_right_logical(uk, 8) & 255
        b4 = uk & 255
        lt = valid & (b3 == sel3) & (b4 < sel4)
        a_sl = a_sl + jnp.where(lt, x, 0.0)
        a_ssl = a_ssl + jnp.where(lt, x * x, 0.0)
        return (a_sl, a_ssl)

    a_sl, a_ssl = lax.fori_loop(0, m3, s5, (a_sl, a_ssl))

    io = lane
    row = (jnp.where(io == 0, jnp.sum(a_sl), 0.0)
           + jnp.where(io == 1, jnp.sum(a_ssl), 0.0)
           + jnp.where(io == 2, jnp.sum(acc_s), 0.0)
           + jnp.where(io == 3, jnp.sum(acc_ss), 0.0)).astype(jnp.float32)
    rowbuf[...] = row
    plsc.subcore_barrier()
    pltpu.sync_copy(rowbuf, shared_stats.at[sid])
    plsc.subcore_barrier()

    @pl.when(sid == 0)
    def _():
        pltpu.sync_copy(shared_stats, statsbuf)
        tot = statsbuf[0, :]
        for tl in range(1, 16):
            tot = tot + statsbuf[tl, :]

        ku = ((sel1 * 256 + sel2) * 256 + sel3) * 256 + sel4
        kuv = jnp.zeros((16,), jnp.int32) + ku
        kbits = jnp.where(kuv < 0, kuv ^ jnp.int32(_TOP), ~kuv)
        tv = plsc.bitcast(kbits, jnp.float32)

        ones_f = jnp.ones((16,), jnp.float32)
        sum_lt = ones_f * tot[0]
        ss_lt = ones_f * tot[1]
        total_s = ones_f * tot[2]
        total_ss = ones_f * tot[3]

        nlow = jnp.float32(_NLOW)
        nhigh = jnp.float32(_N - _NLOW)
        clt = jnp.int32(_NLOW) - r
        fill = nlow - clt.astype(jnp.float32)
        sum_low = sum_lt + fill * tv
        ss_low = ss_lt + fill * tv * tv
        sum_high = total_s - sum_low
        ss_high = total_ss - ss_low

        mu0 = sum_low / nlow
        mu1 = sum_high / nhigh
        var0 = (ss_low - sum_low * mu0) / (nlow - 1.0)
        var1 = (ss_high - sum_high * mu1) / (nhigh - 1.0)
        v0 = _vsqrt(var0)
        v1 = _vsqrt(var1)

        sq2 = jnp.float32(1.4142135623730951)
        inv_sqrt2pi = jnp.float32(0.3989422804014327)
        sigma0 = _vsqrt(v0)
        sigma1 = _vsqrt(v1)
        z0 = (-1.0 - mu0) / sigma0
        z1 = (1.0 - mu1) / sigma1
        mor0 = jnp.exp(-0.5 * z0 * z0) * inv_sqrt2pi / sigma0
        mor1 = jnp.exp(-0.5 * z1 * z1) * inv_sqrt2pi / sigma1
        res = 0.25 * (mu0 + 1.0) * (1.0 - _verf((-mu0 - 1.0) / (sq2 * sigma0)))
        res = res + 0.5 * v0 * mor0
        m3 = 1.0 - mu1
        res = res + 0.25 * m3 * (1.0 + _verf(m3 / (sq2 * sigma1)))
        res = res + 0.5 * v1 * mor1
        res = res + tv * tv

        resbuf[...] = res.astype(jnp.float32)
        pltpu.sync_copy(resbuf, out_hbm)


@jax.jit
def _run(x):
    mesh = plsc.VectorSubcoreMesh(
        core_axis_name="c", subcore_axis_name="s",
        num_cores=1, num_subcores=_NT)
    f = pl.kernel(
        _sc_body,
        out_type=jax.ShapeDtypeStruct((16,), jnp.float32),
        mesh=mesh,
        compiler_params=pltpu.CompilerParams(needs_layout_passes=False),
        scratch_types=[
            pltpu.VMEM((_NE,), jnp.float32),
            pltpu.VMEM((_NE,), jnp.float32),
            pltpu.VMEM((4224,), jnp.int32),
            pltpu.VMEM((4224,), jnp.int32),
            pltpu.VMEM((4224,), jnp.int32),
            pltpu.VMEM((4224,), jnp.int32),
            pltpu.VMEM((256,), jnp.int32),
            pltpu.VMEM((16, 256), jnp.int32),
            pltpu.VMEM_SHARED((16, 256), jnp.int32),
            pltpu.VMEM_SHARED((16, 16), jnp.float32),
            pltpu.VMEM((16,), jnp.float32),
            pltpu.VMEM((16, 16), jnp.float32),
            pltpu.VMEM((16,), jnp.float32),
            pltpu.SemaphoreType.DMA,
            pltpu.SemaphoreType.DMA,
        ],
    )
    return f(x)


def kernel(x):
    return _run(x)[0]

# --- scband reference (transcript-rebuilt; emitter-appended) ---
"""Pipeline reference for scband-unsup-risk-56143812493444 (READ-ONLY COPY).

The authoritative reference and input builder live on the scoring server;
editing this copy changes nothing except your own understanding.
"""

import math
import jax, jax.numpy as jnp
import numpy as np
from jax.scipy.special import erf

PRIOR0 = 0.5
N_ELEM = 524288

def _normal_pdf(x, mu, sigma):
    return jnp.exp(-0.5 * ((x - mu) / sigma) ** 2) / (sigma * jnp.sqrt(2.0 * jnp.pi))

def binrisk(mu0, mu1, var0, var1, prior0):
    sq2 = jnp.sqrt(jnp.asarray(2.0, dtype=jnp.float32))
    sigma0 = jnp.sqrt(var0)
    sigma1 = jnp.sqrt(var1)
    mor0 = _normal_pdf(-1.0, mu0, sigma0)
    mor1 = _normal_pdf(1.0, mu1, sigma1)
    prior1 = 1.0 - prior0
    m = mu0 + 1.0
    r = (prior0 / 2.0) * m
    mm = (-mu0 - 1.0) / (sq2 * sigma0)
    mm = 1.0 - erf(mm)
    term1 = r * mm
    r = term1
    term2 = prior0 * var0 * mor0
    r = r + term2
    m3 = 1.0 - mu1
    term3 = (prior1 / 2.0) * m3
    mm3 = m3 / (sq2 * sigma1)
    mm3 = 1.0 + erf(mm3)
    term3 = term3 * mm3
    r = r + term3
    term4 = prior1 * var1 * mor1
    r = r + term4
    return r

def setup_inputs(seed: int = 0) -> dict:
    key = jax.random.key(seed)
    x = jax.random.normal(key, (N_ELEM,), dtype=jnp.float32)
    return {"x": x}

def reference(x):
    xx = jnp.sort(x.reshape(-1))
    n = int(PRIOR0 * x.shape[0])  # static split point, matches (p0 * x.size(0)).int()
    llow = jnp.mean(xx[0:n])
    lhig = jnp.mean(xx[n:])
    sigbas = jnp.std(xx[0:n], ddof=1)   # torch.std is unbiased
    sighaut = jnp.std(xx[n:], ddof=1)
    l = binrisk(llow, lhig, sigbas, sighaut, PRIOR0)
    pdist = xx[n] * xx[n]
    pdist = 1.0 * pdist
    l = l + pdist
    return l

if __name__ == "__main__":
    import jax
    _d = setup_inputs()
    print(jax.jit(kernel)(*tuple(_d.values())))

</pallas_src>

<mosaic_0001>
#map = affine_map<(d0, d1) -> (0)>
module attributes {stable_mosaic.version = 14 : i64} {
  func.func @_sc_body(%arg0: i32, %arg1: i32, %arg2: memref<524288xf32, #tpu.memory_space<hbm>>, %arg3: memref<16xf32, #tpu.memory_space<hbm>>, %arg4: memref<32768xf32, #tpu.memory_space<vmem>>, %arg5: memref<32768xf32, #tpu.memory_space<vmem>>, %arg6: memref<4224xi32, #tpu.memory_space<vmem>>, %arg7: memref<4224xi32, #tpu.memory_space<vmem>>, %arg8: memref<4224xi32, #tpu.memory_space<vmem>>, %arg9: memref<4224xi32, #tpu.memory_space<vmem>>, %arg10: memref<256xi32, #tpu.memory_space<vmem>>, %arg11: memref<16x256xi32, #tpu.memory_space<vmem>>, %arg12: memref<16x256xi32, #tpu.memory_space<vmem_shared>>, %arg13: memref<16x16xf32, #tpu.memory_space<vmem_shared>>, %arg14: memref<16xf32, #tpu.memory_space<vmem>>, %arg15: memref<16x16xf32, #tpu.memory_space<vmem>>, %arg16: memref<16xf32, #tpu.memory_space<vmem>>, %arg17: memref<!tpu.dma_semaphore, #tpu.memory_space<semaphore_mem>>, %arg18: memref<!tpu.dma_semaphore, #tpu.memory_space<semaphore_mem>>) attributes {dimension_semantics = [#tpu.dimension_semantics<core_parallel>, #tpu.dimension_semantics<subcore_parallel>], iteration_bounds = array<i64: 1, 16>, scalar_prefetch = 0 : i64, scratch_operands = 15 : i64, tpu.core_type = #tpu.core_type<sc_vector_subcore>, window_params = [{transform_indices = #map}, {transform_indices = #map}]} {
    %iota3A = tpu.iota {dimensions = array<i32: 0>} : vector<16xi32>
    %mul3A = arith.constant 257 : i32
    %mul3A_0 = vector.broadcast %mul3A : i32 to vector<16xi32>
    %mul3A_1 = arith.muli %iota3A, %mul3A_0 : vector<16xi32>
    %broadcast_in_dim3A = arith.constant 1 : i32
    %broadcast_in_dim3A_2 = vector.broadcast %broadcast_in_dim3A : i32 to vector<16xi32>
    %broadcast_in_dim3A_3 = arith.constant 0 : i32
    %broadcast_in_dim3A_4 = vector.broadcast %broadcast_in_dim3A_3 : i32 to vector<16xi32>
    %broadcast_in_dim3A_5 = arith.constant 0.000000e+00 : f32
    %broadcast_in_dim3A_6 = vector.broadcast %broadcast_in_dim3A_5 : f32 to vector<16xf32>
    "tpu.trace_start"() <{level = 10 : i32, message = "stage_in"}> : () -> ()
    %mul3A_7 = arith.constant 32768 : i32
    %mul3A_8 = arith.muli %arg1, %mul3A_7 : i32
    %dma_start3A = arith.constant 0 : i32
    %dma_start3A_9 = tpu.memref_slice %arg4[%dma_start3A] : memref<32768xf32, #tpu.memory_space<vmem>> -> memref<16384xf32, #tpu.memory_space<vmem>>
    %dma_start3A_10 = tpu.memref_slice %arg2[%mul3A_8] : memref<524288xf32, #tpu.memory_space<hbm>> -> memref<16384xf32, #tpu.memory_space<hbm>>
    %dma_start3A_11 = arith.constant 0 : i32
    %dma_start3A_12 = tpu.memref_slice %arg4[%dma_start3A_11] : memref<32768xf32, #tpu.memory_space<vmem>> -> memref<16384xf32, #tpu.memory_space<vmem>>
    %dma_start3A_13 = tpu.memref_slice %arg2[%mul3A_8] : memref<524288xf32, #tpu.memory_space<hbm>> -> memref<16384xf32, #tpu.memory_space<hbm>>
    tpu.enqueue_dma source(%dma_start3A_13 : memref<16384xf32, #tpu.memory_space<hbm>>) target(%dma_start3A_12 : memref<16384xf32, #tpu.memory_space<vmem>>) target_semaphore(%arg17 : memref<!tpu.dma_semaphore, #tpu.memory_space<semaphore_mem>>)
    %mul3A_14 = arith.constant 32768 : i32
    %mul3A_15 = arith.muli %arg1, %mul3A_14 : i32
    %add3A = arith.constant 16384 : i32
    %add3A_16 = arith.addi %mul3A_15, %add3A : i32
    %dma_start3A_17 = arith.constant 16384 : i32
    %dma_start3A_18 = tpu.memref_slice %arg4[%dma_start3A_17] : memref<32768xf32, #tpu.memory_space<vmem>> -> memref<16384xf32, #tpu.memory_space<vmem>>
    %dma_start3A_19 = tpu.memref_slice %arg2[%add3A_16] : memref<524288xf32, #tpu.memory_space<hbm>> -> memref<16384xf32, #tpu.memory_space<hbm>>
    %dma_start3A_20 = arith.constant 16384 : i32
    %dma_start3A_21 = tpu.memref_slice %arg4[%dma_start3A_20] : memref<32768xf32, #tpu.memory_space<vmem>> -> memref<16384xf32, #tpu.memory_space<vmem>>
    %dma_start3A_22 = tpu.memref_slice %arg2[%add3A_16] : memref<524288xf32, #tpu.memory_space<hbm>> -> memref<16384xf32, #tpu.memory_space<hbm>>
    tpu.enqueue_dma source(%dma_start3A_22 : memref<16384xf32, #tpu.memory_space<hbm>>) target(%dma_start3A_21 : memref<16384xf32, #tpu.memory_space<vmem>>) target_semaphore(%arg18 : memref<!tpu.dma_semaphore, #tpu.memory_space<semaphore_mem>>)
    %parallel_loop3A = arith.constant 0 : i32
    %parallel_loop3A_23 = arith.constant 264 : i32
    %parallel_loop3A_24 = arith.constant 1 : i32
    scf.for %parallel_loop3A_227 = %parallel_loop3A to %parallel_loop3A_23 step %parallel_loop3A_24  : i32 {
      %parallel_loop3A_228 = arith.constant 16 : i32
      %parallel_loop3A_229 = arith.muli %parallel_loop3A_227, %parallel_loop3A_228 : i32
      %parallel_loop3A_230 = arith.index_cast %parallel_loop3A_229 : i32 to index
      %parallel_loop3A_231 = tpu.vector_load %arg6[%parallel_loop3A_230] {strides = array<i32>} : memref<4224xi32, #tpu.memory_space<vmem>>, vector<16xi32>,
      tpu.vector_store %arg6[%parallel_loop3A_230], %broadcast_in_dim3A_4 {strides = array<i32>} : memref<4224xi32, #tpu.memory_space<vmem>>, vector<16xi32>,
    } {sc.loop_unroll_factor = 8 : i64, sc.parallel_access}
    %parallel_loop3A_25 = arith.constant 0 : i32
    %parallel_loop3A_26 = arith.constant 264 : i32
    %parallel_loop3A_27 = arith.constant 1 : i32
    scf.for %parallel_loop3A_227 = %parallel_loop3A_25 to %parallel_loop3A_26 step %parallel_loop3A_27  : i32 {
      %parallel_loop3A_228 = arith.constant 16 : i32
      %parallel_loop3A_229 = arith.muli %parallel_loop3A_227, %parallel_loop3A_228 : i32
      %parallel_loop3A_230 = arith.index_cast %parallel_loop3A_229 : i32 to index
      %parallel_loop3A_231 = tpu.vector_load %arg7[%parallel_loop3A_230] {strides = array<i32>} : memref<4224xi32, #tpu.memory_space<vmem>>, vector<16xi32>,
      tpu.vector_store %arg7[%parallel_loop3A_230], %broadcast_in_dim3A_4 {strides = array<i32>} : memref<4224xi32, #tpu.memory_space<vmem>>, vector<16xi32>,
    } {sc.loop_unroll_factor = 8 : i64, sc.parallel_access}
    %parallel_loop3A_28 = arith.constant 0 : i32
    %parallel_loop3A_29 = arith.constant 264 : i32
    %parallel_loop3A_30 = arith.constant 1 : i32
    scf.for %parallel_loop3A_227 = %parallel_loop3A_28 to %parallel_loop3A_29 step %parallel_loop3A_30  : i32 {
      %parallel_loop3A_228 = arith.constant 16 : i32
      %parallel_loop3A_229 = arith.muli %parallel_loop3A_227, %parallel_loop3A_228 : i32
      %parallel_loop3A_230 = arith.index_cast %parallel_loop3A_229 : i32 to index
      %parallel_loop3A_231 = tpu.vector_load %arg8[%parallel_loop3A_230] {strides = array<i32>} : memref<4224xi32, #tpu.memory_space<vmem>>, vector<16xi32>,
      tpu.vector_store %arg8[%parallel_loop3A_230], %broadcast_in_dim3A_4 {strides = array<i32>} : memref<4224xi32, #tpu.memory_space<vmem>>, vector<16xi32>,
    } {sc.loop_unroll_factor = 8 : i64, sc.parallel_access}
    %parallel_loop3A_31 = arith.constant 0 : i32
    %parallel_loop3A_32 = arith.constant 264 : i32
    %parallel_loop3A_33 = arith.constant 1 : i32
    scf.for %parallel_loop3A_227 = %parallel_loop3A_31 to %parallel_loop3A_32 step %parallel_loop3A_33  : i32 {
      %parallel_loop3A_228 = arith.constant 16 : i32
      %parallel_loop3A_229 = arith.muli %parallel_loop3A_227, %parallel_loop3A_228 : i32
      %parallel_loop3A_230 = arith.index_cast %parallel_loop3A_229 : i32 to index
      %parallel_loop3A_231 = tpu.vector_load %arg9[%parallel_loop3A_230] {strides = array<i32>} : memref<4224xi32, #tpu.memory_space<vmem>>, vector<16xi32>,
      tpu.vector_store %arg9[%parallel_loop3A_230], %broadcast_in_dim3A_4 {strides = array<i32>} : memref<4224xi32, #tpu.memory_space<vmem>>, vector<16xi32>,
    } {sc.loop_unroll_factor = 8 : i64, sc.parallel_access}
    %dma_wait3A = arith.constant 0 : i32
    %dma_wait3A_34 = tpu.memref_slice %arg4[%dma_wait3A] : memref<32768xf32, #tpu.memory_space<vmem>> -> memref<16384xf32, #tpu.memory_space<vmem>>
    %dma_wait3A_35 = tpu.memref_slice %arg2[%mul3A_8] : memref<524288xf32, #tpu.memory_space<hbm>> -> memref<16384xf32, #tpu.memory_space<hbm>>
    %dma_wait3A_36 = arith.constant 0 : i32
    %dma_wait3A_37 = tpu.memref_slice %arg4[%dma_wait3A_36] : memref<32768xf32, #tpu.memory_space<vmem>> -> memref<16384xf32, #tpu.memory_space<vmem>>
    %dma_wait3A_38 = tpu.memref_slice %arg2[%mul3A_8] : memref<524288xf32, #tpu.memory_space<hbm>> -> memref<16384xf32, #tpu.memory_space<hbm>>
    tpu.wait_dma2 semaphore(%arg17 : memref<!tpu.dma_semaphore, #tpu.memory_space<semaphore_mem>>) src(%dma_wait3A_38 : memref<16384xf32, #tpu.memory_space<hbm>>) dst(%dma_wait3A_37 : memref<16384xf32, #tpu.memory_space<vmem>>)
    %parallel_loop3A_39 = arith.constant 0 : i32
    %parallel_loop3A_40 = arith.constant 1024 : i32
    %parallel_loop3A_41 = arith.constant 1 : i32
    "tpu.trace_stop"() : () -> ()
    "tpu.trace_start"() <{level = 10 : i32, message = "scan1"}> : () -> ()
    %parallel_loop3A_42:2 = scf.for %parallel_loop3A_227 = %parallel_loop3A_39 to %parallel_loop3A_40 step %parallel_loop3A_41 iter_args(%parallel_loop3A_228 = %broadcast_in_dim3A_6, %parallel_loop3A_229 = %broadcast_in_dim3A_6) -> (vector<16xf32>, vector<16xf32>)  : i32 {
      %parallel_loop3A_230 = arith.constant 16 : i32
      %parallel_loop3A_231 = arith.muli %parallel_loop3A_227, %parallel_loop3A_230 : i32
      %parallel_loop3A_232 = arith.index_cast %parallel_loop3A_231 : i32 to index
      %parallel_loop3A_233 = tpu.vector_load %arg4[%parallel_loop3A_232] {strides = array<i32>} : memref<32768xf32, #tpu.memory_space<vmem>>, vector<16xf32>,
      %parallel_loop3A_234 = vector.bitcast %parallel_loop3A_233 : vector<16xf32> to vector<16xi32>
      %parallel_loop3A_235 = arith.constant 31 : i32
      %parallel_loop3A_236 = vector.broadcast %parallel_loop3A_235 : i32 to vector<16xi32>
      %parallel_loop3A_237 = arith.shrsi %parallel_loop3A_234, %parallel_loop3A_236 : vector<16xi32>
      %parallel_loop3A_238 = arith.constant -2147483648 : i32
      %parallel_loop3A_239 = vector.broadcast %parallel_loop3A_238 : i32 to vector<16xi32>
      %parallel_loop3A_240 = arith.ori %parallel_loop3A_237, %parallel_loop3A_239 : vector<16xi32>
      %parallel_loop3A_241 = arith.xori %parallel_loop3A_234, %parallel_loop3A_240 : vector<16xi32>
      %parallel_loop3A_242 = arith.constant 24 : i32
      %parallel_loop3A_243 = vector.broadcast %parallel_loop3A_242 : i32 to vector<16xi32>
      %parallel_loop3A_244 = arith.shrui %parallel_loop3A_241, %parallel_loop3A_243 : vector<16xi32>
      %parallel_loop3A_245 = arith.addi %mul3A_1, %parallel_loop3A_244 : vector<16xi32>
      tpu.vector_store_idx %arg6[%parallel_loop3A_245], %broadcast_in_dim3A_2 {add = true} : memref<4224xi32, #tpu.memory_space<vmem>>[vector<16xi32>], vector<16xi32>,
      %parallel_loop3A_246 = arith.addf %parallel_loop3A_228, %parallel_loop3A_233 : vector<16xf32>
      %parallel_loop3A_247 = arith.mulf %parallel_loop3A_233, %parallel_loop3A_233 : vector<16xf32>
      %parallel_loop3A_248 = arith.addf %parallel_loop3A_229, %parallel_loop3A_247 : vector<16xf32>
      scf.yield %parallel_loop3A_246, %parallel_loop3A_248 : vector<16xf32>, vector<16xf32>
    } {sc.loop_unroll_factor = 8 : i64, sc.parallel_access}
    %dma_wait3A_43 = arith.constant 16384 : i32
    %dma_wait3A_44 = tpu.memref_slice %arg4[%dma_wait3A_43] : memref<32768xf32, #tpu.memory_space<vmem>> -> memref<16384xf32, #tpu.memory_space<vmem>>
    %dma_wait3A_45 = tpu.memref_slice %arg2[%add3A_16] : memref<524288xf32, #tpu.memory_space<hbm>> -> memref<16384xf32, #tpu.memory_space<hbm>>
    %dma_wait3A_46 = arith.constant 16384 : i32
    %dma_wait3A_47 = tpu.memref_slice %arg4[%dma_wait3A_46] : memref<32768xf32, #tpu.memory_space<vmem>> -> memref<16384xf32, #tpu.memory_space<vmem>>
    %dma_wait3A_48 = tpu.memref_slice %arg2[%add3A_16] : memref<524288xf32, #tpu.memory_space<hbm>> -> memref<16384xf32, #tpu.memory_space<hbm>>
    tpu.wait_dma2 semaphore(%arg18 : memref<!tpu.dma_semaphore, #tpu.memory_space<semaphore_mem>>) src(%dma_wait3A_48 : memref<16384xf32, #tpu.memory_space<hbm>>) dst(%dma_wait3A_47 : memref<16384xf32, #tpu.memory_space<vmem>>)
    %parallel_loop3A_49 = arith.constant 1024 : i32
    %parallel_loop3A_50 = arith.constant 2048 : i32
    %parallel_loop3A_51 = arith.constant 1 : i32
    %parallel_loop3A_52:2 = scf.for %parallel_loop3A_227 = %parallel_loop3A_49 to %parallel_loop3A_50 step %parallel_loop3A_51 iter_args(%parallel_loop3A_228 = %parallel_loop3A_42#0, %parallel_loop3A_229 = %parallel_loop3A_42#1) -> (vector<16xf32>, vector<16xf32>)  : i32 {
      %parallel_loop3A_230 = arith.constant 16 : i32
      %parallel_loop3A_231 = arith.muli %parallel_loop3A_227, %parallel_loop3A_230 : i32
      %parallel_loop3A_232 = arith.index_cast %parallel_loop3A_231 : i32 to index
      %parallel_loop3A_233 = tpu.vector_load %arg4[%parallel_loop3A_232] {strides = array<i32>} : memref<32768xf32, #tpu.memory_space<vmem>>, vector<16xf32>,
      %parallel_loop3A_234 = vector.bitcast %parallel_loop3A_233 : vector<16xf32> to vector<16xi32>
      %parallel_loop3A_235 = arith.constant 31 : i32
      %parallel_loop3A_236 = vector.broadcast %parallel_loop3A_235 : i32 to vector<16xi32>
      %parallel_loop3A_237 = arith.shrsi %parallel_loop3A_234, %parallel_loop3A_236 : vector<16xi32>
      %parallel_loop3A_238 = arith.constant -2147483648 : i32
      %parallel_loop3A_239 = vector.broadcast %parallel_loop3A_238 : i32 to vector<16xi32>
      %parallel_loop3A_240 = arith.ori %parallel_loop3A_237, %parallel_loop3A_239 : vector<16xi32>
      %parallel_loop3A_241 = arith.xori %parallel_loop3A_234, %parallel_loop3A_240 : vector<16xi32>
      %parallel_loop3A_242 = arith.constant 24 : i32
      %parallel_loop3A_243 = vector.broadcast %parallel_loop3A_242 : i32 to vector<16xi32>
      %parallel_loop3A_244 = arith.shrui %parallel_loop3A_241, %parallel_loop3A_243 : vector<16xi32>
      %parallel_loop3A_245 = arith.addi %mul3A_1, %parallel_loop3A_244 : vector<16xi32>
      tpu.vector_store_idx %arg6[%parallel_loop3A_245], %broadcast_in_dim3A_2 {add = true} : memref<4224xi32, #tpu.memory_space<vmem>>[vector<16xi32>], vector<16xi32>,
      %parallel_loop3A_246 = arith.addf %parallel_loop3A_228, %parallel_loop3A_233 : vector<16xf32>
      %parallel_loop3A_247 = arith.mulf %parallel_loop3A_233, %parallel_loop3A_233 : vector<16xf32>
      %parallel_loop3A_248 = arith.addf %parallel_loop3A_229, %parallel_loop3A_247 : vector<16xf32>
      scf.yield %parallel_loop3A_246, %parallel_loop3A_248 : vector<16xf32>, vector<16xf32>
    } {sc.loop_unroll_factor = 8 : i64, sc.parallel_access}
    %parallel_loop3A_53 = arith.constant 0 : i32
    %parallel_loop3A_54 = arith.constant 16 : i32
    %parallel_loop3A_55 = arith.constant 1 : i32
    "tpu.trace_stop"() : () -> ()
    scf.for %parallel_loop3A_227 = %parallel_loop3A_53 to %parallel_loop3A_54 step %parallel_loop3A_55  : i32 {
      %parallel_loop3A_228 = arith.constant 16 : i32
      %parallel_loop3A_229 = arith.muli %parallel_loop3A_227, %parallel_loop3A_228 : i32
      %parallel_loop3A_230 = arith.index_cast %parallel_loop3A_229 : i32 to index
      %parallel_loop3A_231 = tpu.vector_load %arg6[%parallel_loop3A_230] {strides = array<i32>} : memref<4224xi32, #tpu.memory_space<vmem>>, vector<16xi32>,
      %parallel_loop3A_232 = arith.constant 16 : i32
      %parallel_loop3A_233 = arith.muli %parallel_loop3A_227, %parallel_loop3A_232 : i32
      %parallel_loop3A_234 = arith.constant 257 : i32
      %parallel_loop3A_235 = arith.addi %parallel_loop3A_234, %parallel_loop3A_233 : i32
      %parallel_loop3A_236 = arith.index_cast %parallel_loop3A_235 : i32 to index
      %parallel_loop3A_237 = tpu.vector_load %arg6[%parallel_loop3A_236] {strides = array<i32>} : memref<4224xi32, #tpu.memory_space<vmem>>, vector<16xi32>,
      %parallel_loop3A_238 = arith.addi %parallel_loop3A_231, %parallel_loop3A_237 : vector<16xi32>
      %parallel_loop3A_239 = arith.constant 16 : i32
      %parallel_loop3A_240 = arith.muli %parallel_loop3A_227, %parallel_loop3A_239 : i32
      %parallel_loop3A_241 = arith.constant 514 : i32
      %parallel_loop3A_242 = arith.addi %parallel_loop3A_241, %parallel_loop3A_240 : i32
      %parallel_loop3A_243 = arith.index_cast %parallel_loop3A_242 : i32 to index
      %parallel_loop3A_244 = tpu.vector_load %arg6[%parallel_loop3A_243] {strides = array<i32>} : memref<4224xi32, #tpu.memory_space<vmem>>, vector<16xi32>,
      %parallel_loop3A_245 = arith.addi %parallel_loop3A_238, %parallel_loop3A_244 : vector<16xi32>
      %parallel_loop3A_246 = arith.constant 16 : i32
      %parallel_loop3A_247 = arith.muli %parallel_loop3A_227, %parallel_loop3A_246 : i32
      %parallel_loop3A_248 = arith.constant 771 : i32
      %parallel_loop3A_249 = arith.addi %parallel_loop3A_248, %parallel_loop3A_247 : i32
      %parallel_loop3A_250 = arith.index_cast %parallel_loop3A_249 : i32 to index
      %parallel_loop3A_251 = tpu.vector_load %arg6[%parallel_loop3A_250] {strides = array<i32>} : memref<4224xi32, #tpu.memory_space<vmem>>, vector<16xi32>,
      %parallel_loop3A_252 = arith.addi %parallel_loop3A_245, %parallel_loop3A_251 : vector<16xi32>
      %parallel_loop3A_253 = arith.constant 16 : i32
      %parallel_loop3A_254 = arith.muli %parallel_loop3A_227, %parallel_loop3A_253 : i32
      %parallel_loop3A_255 = arith.constant 1028 : i32
      %parallel_loop3A_256 = arith.addi %parallel_loop3A_255, %parallel_loop3A_254 : i32
      %parallel_loop3A_257 = arith.index_cast %parallel_loop3A_256 : i32 to index
      %parallel_loop3A_258 = tpu.vector_load %arg6[%parallel_loop3A_257] {strides = array<i32>} : memref<4224xi32, #tpu.memory_space<vmem>>, vector<16xi32>,
      %parallel_loop3A_259 = arith.addi %parallel_loop3A_252, %parallel_loop3A_258 : vector<16xi32>
      %parallel_loop3A_260 = arith.constant 16 : i32
      %parallel_loop3A_261 = arith.muli %parallel_loop3A_227, %parallel_loop3A_260 : i32
      %parallel_loop3A_262 = arith.constant 1285 : i32
      %parallel_loop3A_263 = arith.addi %parallel_loop3A_262, %parallel_loop3A_261 : i32
      %parallel_loop3A_264 = arith.index_cast %parallel_loop3A_263 : i32 to index
      %parallel_loop3A_265 = tpu.vector_load %arg6[%parallel_loop3A_264] {strides = array<i32>} : memref<4224xi32, #tpu.memory_space<vmem>>, vector<16xi32>,
      %parallel_loop3A_266 = arith.addi %parallel_loop3A_259, %parallel_loop3A_265 : vector<16xi32>
      %parallel_loop3A_267 = arith.constant 16 : i32
      %parallel_loop3A_268 = arith.muli %parallel_loop3A_227, %parallel_loop3A_267 : i32
      %parallel_loop3A_269 = arith.constant 1542 : i32
      %parallel_loop3A_270 = arith.addi %parallel_loop3A_269, %parallel_loop3A_268 : i32
      %parallel_loop3A_271 = arith.index_cast %parallel_loop3A_270 : i32 to index
      %parallel_loop3A_272 = tpu.vector_load %arg6[%parallel_loop3A_271] {strides = array<i32>} : memref<4224xi32, #tpu.memory_space<vmem>>, vector<16xi32>,
      %parallel_loop3A_273 = arith.addi %parallel_loop3A_266, %parallel_loop3A_272 : vector<16xi32>
      %parallel_loop3A_274 = arith.constant 16 : i32
      %parallel_loop3A_275 = arith.muli %parallel_loop3A_227, %parallel_loop3A_274 : i32
      %parallel_loop3A_276 = arith.constant 1799 : i32
      %parallel_loop3A_277 = arith.addi %parallel_loop3A_276, %parallel_loop3A_275 : i32
      %parallel_loop3A_278 = arith.index_cast %parallel_loop3A_277 : i32 to index
      %parallel_loop3A_279 = tpu.vector_load %arg6[%parallel_loop3A_278] {strides = array<i32>} : memref<4224xi32, #tpu.memory_space<vmem>>, vector<16xi32>,
      %parallel_loop3A_280 = arith.addi %parallel_loop3A_273, %parallel_loop3A_279 : vector<16xi32>
      %parallel_loop3A_281 = arith.constant 16 : i32
      %parallel_loop3A_282 = arith.muli %parallel_loop3A_227, %parallel_loop3A_281 : i32
      %parallel_loop3A_283 = arith.constant 2056 : i32
      %parallel_loop3A_284 = arith.addi %parallel_loop3A_283, %parallel_loop3A_282 : i32
      %parallel_loop3A_285 = arith.index_cast %parallel_loop3A_284 : i32 to index
      %parallel_loop3A_286 = tpu.vector_load %arg6[%parallel_loop3A_285] {strides = array<i32>} : memref<4224xi32, #tpu.memory_space<vmem>>, vector<16xi32>,
      %parallel_loop3A_287 = arith.addi %parallel_loop3A_280, %parallel_loop3A_286 : vector<16xi32>
      %parallel_loop3A_288 = arith.constant 16 : i32
      %parallel_loop3A_289 = arith.muli %parallel_loop3A_227, %parallel_loop3A_288 : i32
      %parallel_loop3A_290 = arith.constant 2313 : i32
      %parallel_loop3A_291 = arith.addi %parallel_loop3A_290, %parallel_loop3A_289 : i32
      %parallel_loop3A_292 = arith.index_cast %parallel_loop3A_291 : i32 to index
      %parallel_loop3A_293 = tpu.vector_load %arg6[%parallel_loop3A_292] {strides = array<i32>} : memref<4224xi32, #tpu.memory_space<vmem>>, vector<16xi32>,
      %parallel_loop3A_294 = arith.addi %parallel_loop3A_287, %parallel_loop3A_293 : vector<16xi32>
      %parallel_loop3A_295 = arith.constant 16 : i32
      %parallel_loop3A_296 = arith.muli %parallel_loop3A_227, %parallel_loop3A_295 : i32
      %parallel_loop3A_297 = arith.constant 2570 : i32
      %parallel_loop3A_298 = arith.addi %parallel_loop3A_297, %parallel_loop3A_296 : i32
      %parallel_loop3A_299 = arith.index_cast %parallel_loop3A_298 : i32 to index
      %parallel_loop3A_300 = tpu.vector_load %arg6[%parallel_loop3A_299] {strides = array<i32>} : memref<4224xi32, #tpu.memory_space<vmem>>, vector<16xi32>,
      %parallel_loop3A_301 = arith.addi %parallel_loop3A_294, %parallel_loop3A_300 : vector<16xi32>
      %parallel_loop3A_302 = arith.constant 16 : i32
      %parallel_loop3A_303 = arith.muli %parallel_loop3A_227, %parallel_loop3A_302 : i32
      %parallel_loop3A_304 = arith.constant 2827 : i32
      %parallel_loop3A_305 = arith.addi %parallel_loop3A_304, %parallel_loop3A_303 : i32
      %parallel_loop3A_306 = arith.index_cast %parallel_loop3A_305 : i32 to index
      %parallel_loop3A_307 = tpu.vector_load %arg6[%parallel_loop3A_306] {strides = array<i32>} : memref<4224xi32, #tpu.memory_space<vmem>>, vector<16xi32>,
      %parallel_loop3A_308 = arith.addi %parallel_loop3A_301, %parallel_loop3A_307 : vector<16xi32>
      %parallel_loop3A_309 = arith.constant 16 : i32
      %parallel_loop3A_310 = arith.muli %parallel_loop3A_227, %parallel_loop3A_309 : i32
      %parallel_loop3A_311 = arith.constant 3084 : i32
      %parallel_loop3A_312 = arith.addi %parallel_loop3A_311, %parallel_loop3A_310 : i32
      %parallel_loop3A_313 = arith.index_cast %parallel_loop3A_312 : i32 to index
      %parallel_loop3A_314 = tpu.vector_load %arg6[%parallel_loop3A_313] {strides = array<i32>} : memref<4224xi32, #tpu.memory_space<vmem>>, vector<16xi32>,
      %parallel_loop3A_315 = arith.addi %parallel_loop3A_308, %parallel_loop3A_314 : vector<16xi32>
      %parallel_loop3A_316 = arith.constant 16 : i32
      %parallel_loop3A_317 = arith.muli %parallel_loop3A_227, %parallel_loop3A_316 : i32
      %parallel_loop3A_318 = arith.constant 3341 : i32
      %parallel_loop3A_319 = arith.addi %parallel_loop3A_318, %parallel_loop3A_317 : i32
      %parallel_loop3A_320 = arith.index_cast %parallel_loop3A_319 : i32 to index
      %parallel_loop3A_321 = tpu.vector_load %arg6[%parallel_loop3A_320] {strides = array<i32>} : memref<4224xi32, #tpu.memory_space<vmem>>, vector<16xi32>,
      %parallel_loop3A_322 = arith.addi %parallel_loop3A_315, %parallel_loop3A_321 : vector<16xi32>
      %parallel_loop3A_323 = arith.constant 16 : i32
      %parallel_loop3A_324 = arith.muli %parallel_loop3A_227, %parallel_loop3A_323 : i32
      %parallel_loop3A_325 = arith.constant 3598 : i32
      %parallel_loop3A_326 = arith.addi %parallel_loop3A_325, %parallel_loop3A_324 : i32
      %parallel_loop3A_327 = arith.index_cast %parallel_loop3A_326 : i32 to index
      %parallel_loop3A_328 = tpu.vector_load %arg6[%parallel_loop3A_327] {strides = array<i32>} : memref<4224xi32, #tpu.memory_space<vmem>>, vector<16xi32>,
      %parallel_loop3A_329 = arith.addi %parallel_loop3A_322, %parallel_loop3A_328 : vector<16xi32>
      %parallel_loop3A_330 = arith.constant 16 : i32
      %parallel_loop3A_331 = arith.muli %parallel_loop3A_227, %parallel_loop3A_330 : i32
      %parallel_loop3A_332 = arith.constant 3855 : i32
      %parallel_loop3A_333 = arith.addi %parallel_loop3A_332, %parallel_loop3A_331 : i32
      %parallel_loop3A_334 = arith.index_cast %parallel_loop3A_333 : i32 to index
      %parallel_loop3A_335 = tpu.vector_load %arg6[%parallel_loop3A_334] {strides = array<i32>} : memref<4224xi32, #tpu.memory_space<vmem>>, vector<16xi32>,
      %parallel_loop3A_336 = arith.addi %parallel_loop3A_329, %parallel_loop3A_335 : vector<16xi32>
      %parallel_loop3A_337 = arith.constant 16 : i32
      %parallel_loop3A_338 = arith.muli %parallel_loop3A_227, %parallel_loop3A_337 : i32
      %parallel_loop3A_339 = arith.index_cast %parallel_loop3A_338 : i32 to index
      %parallel_loop3A_340 = tpu.vector_load %arg10[%parallel_loop3A_339] {strides = array<i32>} : memref<256xi32, #tpu.memory_space<vmem>>, vector<16xi32>,
      tpu.vector_store %arg10[%parallel_loop3A_339], %parallel_loop3A_336 {strides = array<i32>} : memref<256xi32, #tpu.memory_space<vmem>>, vector<16xi32>,
    } {sc.loop_unroll_factor = 4 : i64, sc.parallel_access}
    "tpu.region"() ({
      %run_scoped3A = tpu.sem_alloc : memref<!tpu.dma_semaphore, #tpu.memory_space<semaphore_mem>>
      %dma_start3A_227 = arith.constant 0 : i32
      %dma_start3A_228 = tpu.memref_slice %arg12[%arg1, %dma_start3A_227] : memref<16x256xi32, #tpu.memory_space<vmem_shared>> -> memref<1x256xi32, #tpu.memory_space<vmem_shared>>
      %dma_start3A_229 = tpu.memref_squeeze %dma_start3A_228 : memref<1x256xi32, #tpu.memory_space<vmem_shared>> -> memref<256xi32, #tpu.memory_space<vmem_shared>>
      %dma_start3A_230 = arith.constant 0 : i32
      %dma_start3A_231 = tpu.memref_slice %arg12[%arg1, %dma_start3A_230] : memref<16x256xi32, #tpu.memory_space<vmem_shared>> -> memref<1x256xi32, #tpu.memory_space<vmem_shared>>
      %dma_start3A_232 = tpu.memref_squeeze %dma_start3A_231 : memref<1x256xi32, #tpu.memory_space<vmem_shared>> -> memref<256xi32, #tpu.memory_space<vmem_shared>>
      tpu.enqueue_dma source(%arg10 : memref<256xi32, #tpu.memory_space<vmem>>) target(%dma_start3A_232 : memref<256xi32, #tpu.memory_space<vmem_shared>>) target_semaphore(%run_scoped3A : memref<!tpu.dma_semaphore, #tpu.memory_space<semaphore_mem>>)
      %dma_wait3A_233 = arith.constant 0 : i32
      %dma_wait3A_234 = tpu.memref_slice %arg12[%arg1, %dma_wait3A_233] : memref<16x256xi32, #tpu.memory_space<vmem_shared>> -> memref<1x256xi32, #tpu.memory_space<vmem_shared>>
      %dma_wait3A_235 = tpu.memref_squeeze %dma_wait3A_234 : memref<1x256xi32, #tpu.memory_space<vmem_shared>> -> memref<256xi32, #tpu.memory_space<vmem_shared>>
      %dma_wait3A_236 = arith.constant 0 : i32
      %dma_wait3A_237 = tpu.memref_slice %arg12[%arg1, %dma_wait3A_236] : memref<16x256xi32, #tpu.memory_space<vmem_shared>> -> memref<1x256xi32, #tpu.memory_space<vmem_shared>>
      %dma_wait3A_238 = tpu.memref_squeeze %dma_wait3A_237 : memref<1x256xi32, #tpu.memory_space<vmem_shared>> -> memref<256xi32, #tpu.memory_space<vmem_shared>>
      tpu.wait_dma2 semaphore(%run_scoped3A : memref<!tpu.dma_semaphore, #tpu.memory_space<semaphore_mem>>) src(%arg10 : memref<256xi32, #tpu.memory_space<vmem>>) dst(%dma_wait3A_238 : memref<256xi32, #tpu.memory_space<vmem_shared>>)
      tpu.yield
    }) : () -> ()
    %barrier3A = arith.constant 0 : index
    tpu.barrier barrier_id(%barrier3A)
    "tpu.region"() ({
      %run_scoped3A = tpu.sem_alloc : memref<!tpu.dma_semaphore, #tpu.memory_space<semaphore_mem>>
      tpu.enqueue_dma source(%arg12 : memref<16x256xi32, #tpu.memory_space<vmem_shared>>) target(%arg11 : memref<16x256xi32, #tpu.memory_space<vmem>>) target_semaphore(%run_scoped3A : memref<!tpu.dma_semaphore, #tpu.memory_space<semaphore_mem>>)
      tpu.wait_dma2 semaphore(%run_scoped3A : memref<!tpu.dma_semaphore, #tpu.memory_space<semaphore_mem>>) src(%arg12 : memref<16x256xi32, #tpu.memory_space<vmem_shared>>) dst(%arg11 : memref<16x256xi32, #tpu.memory_space<vmem>>)
      tpu.yield
    }) : () -> ()
    "tpu.trace_start"() <{level = 10 : i32, message = "merge1"}> : () -> ()
    %scan3A = arith.constant 262144 : i32
    %scan3A_56 = arith.constant 0 : i32
    %scan3A_57 = arith.constant 0 : i32
    %scan3A_58 = arith.constant 0 : i32
    %scan3A_59 = arith.constant 0 : i32
    %scan3A_60 = arith.constant 16 : i32
    %scan3A_61 = arith.addi %scan3A_59, %scan3A_60 : i32
    %scan3A_62 = arith.constant 1 : i32
    %scan3A_63:3 = scf.for %scan3A_227 = %scan3A_59 to %scan3A_61 step %scan3A_62 iter_args(%scan3A_228 = %scan3A_56, %scan3A_229 = %scan3A_57, %scan3A_230 = %scan3A_58) -> (i32, i32, i32)  : i32 {
      %mul3A_231 = arith.constant 16 : i32
      %mul3A_232 = arith.muli %scan3A_227, %mul3A_231 : i32
      %get3A = arith.constant 0 : i32
      %get3A_233 = arith.index_cast %get3A : i32 to index
      %get3A_234 = arith.index_cast %mul3A_232 : i32 to index
      %get3A_235 = tpu.vector_load %arg11[%get3A_233, %get3A_234] {strides = array<i32>} : memref<16x256xi32, #tpu.memory_space<vmem>>, vector<16xi32>,
      %mul3A_236 = arith.constant 16 : i32
      %mul3A_237 = arith.muli %scan3A_227, %mul3A_236 : i32
      %get3A_238 = arith.constant 1 : i32
      %get3A_239 = arith.index_cast %get3A_238 : i32 to index
      %get3A_240 = arith.index_cast %mul3A_237 : i32 to index
      %get3A_241 = tpu.vector_load %arg11[%get3A_239, %get3A_240] {strides = array<i32>} : memref<16x256xi32, #tpu.memory_space<vmem>>, vector<16xi32>,
      %add3A_242 = arith.addi %get3A_235, %get3A_241 : vector<16xi32>
      %mul3A_243 = arith.constant 16 : i32
      %mul3A_244 = arith.muli %scan3A_227, %mul3A_243 : i32
      %get3A_245 = arith.constant 2 : i32
      %get3A_246 = arith.index_cast %get3A_245 : i32 to index
      %get3A_247 = arith.index_cast %mul3A_244 : i32 to index
      %get3A_248 = tpu.vector_load %arg11[%get3A_246, %get3A_247] {strides = array<i32>} : memref<16x256xi32, #tpu.memory_space<vmem>>, vector<16xi32>,
      %add3A_249 = arith.addi %add3A_242, %get3A_248 : vector<16xi32>
      %mul3A_250 = arith.constant 16 : i32
      %mul3A_251 = arith.muli %scan3A_227, %mul3A_250 : i32
      %get3A_252 = arith.constant 3 : i32
      %get3A_253 = arith.index_cast %get3A_252 : i32 to index
      %get3A_254 = arith.index_cast %mul3A_251 : i32 to index
      %get3A_255 = tpu.vector_load %arg11[%get3A_253, %get3A_254] {strides = array<i32>} : memref<16x256xi32, #tpu.memory_space<vmem>>, vector<16xi32>,
      %add3A_256 = arith.addi %add3A_249, %get3A_255 : vector<16xi32>
      %mul3A_257 = arith.constant 16 : i32
      %mul3A_258 = arith.muli %scan3A_227, %mul3A_257 : i32
      %get3A_259 = arith.constant 4 : i32
      %get3A_260 = arith.index_cast %get3A_259 : i32 to index
      %get3A_261 = arith.index_cast %mul3A_258 : i32 to index
      %get3A_262 = tpu.vector_load %arg11[%get3A_260, %get3A_261] {strides = array<i32>} : memref<16x256xi32, #tpu.memory_space<vmem>>, vector<16xi32>,
      %add3A_263 = arith.addi %add3A_256, %get3A_262 : vector<16xi32>
      %mul3A_264 = arith.constant 16 : i32
      %mul3A_265 = arith.muli %scan3A_227, %mul3A_264 : i32
      %get3A_266 = arith.constant 5 : i32
      %get3A_267 = arith.index_cast %get3A_266 : i32 to index
      %get3A_268 = arith.index_cast %mul3A_265 : i32 to index
      %get3A_269 = tpu.vector_load %arg11[%get3A_267, %get3A_268] {strides = array<i32>} : memref<16x256xi32, #tpu.memory_space<vmem>>, vector<16xi32>,
      %add3A_270 = arith.addi %add3A_263, %get3A_269 : vector<16xi32>
      %mul3A_271 = arith.constant 16 : i32
      %mul3A_272 = arith.muli %scan3A_227, %mul3A_271 : i32
      %get3A_273 = arith.constant 6 : i32
      %get3A_274 = arith.index_cast %get3A_273 : i32 to index
      %get3A_275 = arith.index_cast %mul3A_272 : i32 to index
      %get3A_276 = tpu.vector_load %arg11[%get3A_274, %get3A_275] {strides = array<i32>} : memref<16x256xi32, #tpu.memory_space<vmem>>, vector<16xi32>,
      %add3A_277 = arith.addi %add3A_270, %get3A_276 : vector<16xi32>
      %mul3A_278 = arith.constant 16 : i32
      %mul3A_279 = arith.muli %scan3A_227, %mul3A_278 : i32
      %get3A_280 = arith.constant 7 : i32
      %get3A_281 = arith.index_cast %get3A_280 : i32 to index
      %get3A_282 = arith.index_cast %mul3A_279 : i32 to index
      %get3A_283 = tpu.vector_load %arg11[%get3A_281, %get3A_282] {strides = array<i32>} : memref<16x256xi32, #tpu.memory_space<vmem>>, vector<16xi32>,
      %add3A_284 = arith.addi %add3A_277, %get3A_283 : vector<16xi32>
      %mul3A_285 = arith.constant 16 : i32
      %mul3A_286 = arith.muli %scan3A_227, %mul3A_285 : i32
      %get3A_287 = arith.constant 8 : i32
      %get3A_288 = arith.index_cast %get3A_287 : i32 to index
      %get3A_289 = arith.index_cast %mul3A_286 : i32 to index
      %get3A_290 = tpu.vector_load %arg11[%get3A_288, %get3A_289] {strides = array<i32>} : memref<16x256xi32, #tpu.memory_space<vmem>>, vector<16xi32>,
      %add3A_291 = arith.addi %add3A_284, %get3A_290 : vector<16xi32>
      %mul3A_292 = arith.constant 16 : i32
      %mul3A_293 = arith.muli %scan3A_227, %mul3A_292 : i32
      %get3A_294 = arith.constant 9 : i32
      %get3A_295 = arith.index_cast %get3A_294 : i32 to index
      %get3A_296 = arith.index_cast %mul3A_293 : i32 to index
      %get3A_297 = tpu.vector_load %arg11[%get3A_295, %get3A_296] {strides = array<i32>} : memref<16x256xi32, #tpu.memory_space<vmem>>, vector<16xi32>,
      %add3A_298 = arith.addi %add3A_291, %get3A_297 : vector<16xi32>
      %mul3A_299 = arith.constant 16 : i32
      %mul3A_300 = arith.muli %scan3A_227, %mul3A_299 : i32
      %get3A_301 = arith.constant 10 : i32
      %get3A_302 = arith.index_cast %get3A_301 : i32 to index
      %get3A_303 = arith.index_cast %mul3A_300 : i32 to index
      %get3A_304 = tpu.vector_load %arg11[%get3A_302, %get3A_303] {strides = array<i32>} : memref<16x256xi32, #tpu.memory_space<vmem>>, vector<16xi32>,
      %add3A_305 = arith.addi %add3A_298, %get3A_304 : vector<16xi32>
      %mul3A_306 = arith.constant 16 : i32
      %mul3A_307 = arith.muli %scan3A_227, %mul3A_306 : i32
      %get3A_308 = arith.constant 11 : i32
      %get3A_309 = arith.index_cast %get3A_308 : i32 to index
      %get3A_310 = arith.index_cast %mul3A_307 : i32 to index
      %get3A_311 = tpu.vector_load %arg11[%get3A_309, %get3A_310] {strides = array<i32>} : memref<16x256xi32, #tpu.memory_space<vmem>>, vector<16xi32>,
      %add3A_312 = arith.addi %add3A_305, %get3A_311 : vector<16xi32>
      %mul3A_313 = arith.constant 16 : i32
      %mul3A_314 = arith.muli %scan3A_227, %mul3A_313 : i32
      %get3A_315 = arith.constant 12 : i32
      %get3A_316 = arith.index_cast %get3A_315 : i32 to index
      %get3A_317 = arith.index_cast %mul3A_314 : i32 to index
      %get3A_318 = tpu.vector_load %arg11[%get3A_316, %get3A_317] {strides = array<i32>} : memref<16x256xi32, #tpu.memory_space<vmem>>, vector<16xi32>,
      %add3A_319 = arith.addi %add3A_312, %get3A_318 : vector<16xi32>
      %mul3A_320 = arith.constant 16 : i32
      %mul3A_321 = arith.muli %scan3A_227, %mul3A_320 : i32
      %get3A_322 = arith.constant 13 : i32
      %get3A_323 = arith.index_cast %get3A_322 : i32 to index
      %get3A_324 = arith.index_cast %mul3A_321 : i32 to index
      %get3A_325 = tpu.vector_load %arg11[%get3A_323, %get3A_324] {strides = array<i32>} : memref<16x256xi32, #tpu.memory_space<vmem>>, vector<16xi32>,
      %add3A_326 = arith.addi %add3A_319, %get3A_325 : vector<16xi32>
      %mul3A_327 = arith.constant 16 : i32
      %mul3A_328 = arith.muli %scan3A_227, %mul3A_327 : i32
      %get3A_329 = arith.constant 14 : i32
      %get3A_330 = arith.index_cast %get3A_329 : i32 to index
      %get3A_331 = arith.index_cast %mul3A_328 : i32 to index
      %get3A_332 = tpu.vector_load %arg11[%get3A_330, %get3A_331] {strides = array<i32>} : memref<16x256xi32, #tpu.memory_space<vmem>>, vector<16xi32>,
      %add3A_333 = arith.addi %add3A_326, %get3A_332 : vector<16xi32>
      %mul3A_334 = arith.constant 16 : i32
      %mul3A_335 = arith.muli %scan3A_227, %mul3A_334 : i32
      %get3A_336 = arith.constant 15 : i32
      %get3A_337 = arith.index_cast %get3A_336 : i32 to index
      %get3A_338 = arith.index_cast %mul3A_335 : i32 to index
      %get3A_339 = tpu.vector_load %arg11[%get3A_337, %get3A_338] {strides = array<i32>} : memref<16x256xi32, #tpu.memory_space<vmem>>, vector<16xi32>,
      %add3A_340 = arith.addi %add3A_333, %get3A_339 : vector<16xi32>
      %broadcast_in_dim3A_341 = arith.constant true
      %broadcast_in_dim3A_342 = vector.broadcast %broadcast_in_dim3A_341 : i1 to vector<16xi1>
      %masked_cumsum3A = tpu.scan <sum>, %add3A_340 masked %broadcast_in_dim3A_342 : vector<16xi32>, vector<16xi1> -> vector<16xi32>
      %add3A_343 = vector.broadcast %scan3A_230 : i32 to vector<16xi32>
      %add3A_344 = arith.addi %masked_cumsum3A, %add3A_343 : vector<16xi32>
      %le3A = vector.broadcast %scan3A : i32 to vector<16xi32>
      %le3A_345 = arith.cmpi sle, %add3A_344, %le3A : vector<16xi32>
      %all_reduce_population_count3A = tpu.all_reduce %le3A_345 {dim = 0 : i64, kind = #tpu.reduction_kind<sum>} : vector<16xi1> -> vector<16xi32>
      %slice3A = vector.extract_strided_slice %all_reduce_population_count3A {offsets = [0], sizes = [1], strides = [1]} : vector<16xi32> to vector<1xi32>
      %squeeze3A = vector.extract %slice3A[0] : i32 from vector<1xi32>
      %add3A_346 = arith.addi %scan3A_228, %squeeze3A : i32
      %jit3A_347 = arith.constant 0 : i32
      %broadcast_in_dim3A_348 = vector.broadcast %jit3A_347 : i32 to vector<16xi32>
      %select_n3A_349 = arith.select %le3A_345, %add3A_340, %broadcast_in_dim3A_348 : vector<16xi1>, vector<16xi32>
      %reduce_sum3A_350 = arith.constant true
      %reduce_sum3A_351 = vector.broadcast %reduce_sum3A_350 : i1 to vector<16xi1>
      %reduce_sum3A_352 = tpu.scan <sum>, %select_n3A_349 masked %reduce_sum3A_351 : vector<16xi32>, vector<16xi1> -> vector<16xi32>
      %reduce_sum3A_353 = vector.extract %reduce_sum3A_352[15] : i32 from vector<16xi32>
      %add3A_354 = arith.addi %scan3A_229, %reduce_sum3A_353 : i32
      %slice3A_355 = vector.extract_strided_slice %add3A_344 {offsets = [15], sizes = [1], strides = [1]} : vector<16xi32> to vector<1xi32>
      %squeeze3A_356 = vector.extract %slice3A_355[0] : i32 from vector<1xi32>
      scf.yield %add3A_346, %add3A_354, %squeeze3A_356 : i32, i32, i32
    }
    %scan3A_64 = arith.constant 16 : i32
    "tpu.trace_stop"() : () -> ()
    %sub3A = arith.constant 262144 : i32
    %sub3A_65 = arith.subi %sub3A, %scan3A_63#1 : i32
    %mul3A_66 = arith.constant 2048 : i32
    %mul3A_67 = vector.broadcast %mul3A_66 : i32 to vector<16xi32>
    %mul3A_68 = arith.muli %iota3A, %mul3A_67 : vector<16xi32>
    %broadcast_in_dim3A_69 = arith.constant 0 : i32
    "tpu.trace_start"() <{level = 10 : i32, message = "scan2"}> : () -> ()
    %broadcast_in_dim3A_70 = vector.broadcast %broadcast_in_dim3A_69 : i32 to vector<16xi32>
    %parallel_loop3A_71 = arith.constant 0 : i32
    %parallel_loop3A_72 = arith.constant 2048 : i32
    %parallel_loop3A_73 = arith.constant 1 : i32
    %parallel_loop3A_74:3 = scf.for %parallel_loop3A_227 = %parallel_loop3A_71 to %parallel_loop3A_72 step %parallel_loop3A_73 iter_args(%parallel_loop3A_228 = %broadcast_in_dim3A_70, %parallel_loop3A_229 = %broadcast_in_dim3A_6, %parallel_loop3A_230 = %broadcast_in_dim3A_6) -> (vector<16xi32>, vector<16xf32>, vector<16xf32>)  : i32 {
      %parallel_loop3A_231 = arith.constant 16 : i32
      %parallel_loop3A_232 = arith.muli %parallel_loop3A_227, %parallel_loop3A_231 : i32
      %parallel_loop3A_233 = arith.index_cast %parallel_loop3A_232 : i32 to index
      %parallel_loop3A_234 = tpu.vector_load %arg4[%parallel_loop3A_233] {strides = array<i32>} : memref<32768xf32, #tpu.memory_space<vmem>>, vector<16xf32>,
      %parallel_loop3A_235 = vector.bitcast %parallel_loop3A_234 : vector<16xf32> to vector<16xi32>
      %parallel_loop3A_236 = arith.constant 31 : i32
      %parallel_loop3A_237 = vector.broadcast %parallel_loop3A_236 : i32 to vector<16xi32>
      %parallel_loop3A_238 = arith.shrsi %parallel_loop3A_235, %parallel_loop3A_237 : vector<16xi32>
      %parallel_loop3A_239 = arith.constant -2147483648 : i32
      %parallel_loop3A_240 = vector.broadcast %parallel_loop3A_239 : i32 to vector<16xi32>
      %parallel_loop3A_241 = arith.ori %parallel_loop3A_238, %parallel_loop3A_240 : vector<16xi32>
      %parallel_loop3A_242 = arith.xori %parallel_loop3A_235, %parallel_loop3A_241 : vector<16xi32>
      %parallel_loop3A_243 = arith.constant 24 : i32
      %parallel_loop3A_244 = vector.broadcast %parallel_loop3A_243 : i32 to vector<16xi32>
      %parallel_loop3A_245 = arith.shrui %parallel_loop3A_242, %parallel_loop3A_244 : vector<16xi32>
      %parallel_loop3A_246 = vector.broadcast %scan3A_63#0 : i32 to vector<16xi32>
      %parallel_loop3A_247 = arith.cmpi slt, %parallel_loop3A_245, %parallel_loop3A_246 : vector<16xi32>
      %parallel_loop3A_248 = arith.constant 0.000000e+00 : f32
      %parallel_loop3A_249 = vector.broadcast %parallel_loop3A_248 : f32 to vector<16xf32>
      %parallel_loop3A_250 = arith.select %parallel_loop3A_247, %parallel_loop3A_234, %parallel_loop3A_249 : vector<16xi1>, vector<16xf32>
      %parallel_loop3A_251 = arith.addf %parallel_loop3A_229, %parallel_loop3A_250 : vector<16xf32>
      %parallel_loop3A_252 = arith.mulf %parallel_loop3A_234, %parallel_loop3A_234 : vector<16xf32>
      %parallel_loop3A_253 = arith.constant 0.000000e+00 : f32
      %parallel_loop3A_254 = vector.broadcast %parallel_loop3A_253 : f32 to vector<16xf32>
      %parallel_loop3A_255 = arith.select %parallel_loop3A_247, %parallel_loop3A_252, %parallel_loop3A_254 : vector<16xi1>, vector<16xf32>
      %parallel_loop3A_256 = arith.addf %parallel_loop3A_230, %parallel_loop3A_255 : vector<16xf32>
      %parallel_loop3A_257 = vector.broadcast %scan3A_63#0 : i32 to vector<16xi32>
      %parallel_loop3A_258 = arith.cmpi eq, %parallel_loop3A_245, %parallel_loop3A_257 : vector<16xi32>
      %parallel_loop3A_259 = arith.addi %mul3A_68, %parallel_loop3A_228 : vector<16xi32>
      tpu.vector_store_idx %arg5[%parallel_loop3A_259], %parallel_loop3A_234 masked %parallel_loop3A_258 : memref<32768xf32, #tpu.memory_space<vmem>>[vector<16xi32>], vector<16xf32>, vector<16xi1>
      %parallel_loop3A_260 = arith.extui %parallel_loop3A_258 : vector<16xi1> to vector<16xi32>
      %parallel_loop3A_261 = arith.addi %parallel_loop3A_228, %parallel_loop3A_260 : vector<16xi32>
      scf.yield %parallel_loop3A_261, %parallel_loop3A_251, %parallel_loop3A_256 : vector<16xi32>, vector<16xf32>, vector<16xf32>
    } {sc.loop_unroll_factor = 8 : i64, sc.parallel_access}
    %reduce_max3A = arith.constant true
    %reduce_max3A_75 = vector.broadcast %reduce_max3A : i1 to vector<16xi1>
    %reduce_max3A_76 = arith.constant -2147483648 : i32
    %reduce_max3A_77 = vector.broadcast %reduce_max3A_76 : i32 to vector<16xi32>
    %reduce_max3A_78 = arith.xori %parallel_loop3A_74#0, %reduce_max3A_77 : vector<16xi32>
    %reduce_max3A_79 = tpu.scan <max>, %reduce_max3A_78 masked %reduce_max3A_75 : vector<16xi32>, vector<16xi1> -> vector<16xi32>
    %reduce_max3A_80 = arith.xori %reduce_max3A_79, %reduce_max3A_77 : vector<16xi32>
    %reduce_max3A_81 = vector.extract %reduce_max3A_80[15] : i32 from vector<16xi32>
    %while3A = arith.constant 0 : i32
    %while3A_82 = arith.constant 0 : i32
    "tpu.trace_stop"() : () -> ()
    %while3A_83 = arith.subi %reduce_max3A_81, %while3A : i32
    %while3A_84 = arith.addi %while3A, %while3A_83 : i32
    %while3A_85 = arith.constant 1 : i32
    %while3A_86 = arith.divsi %while3A_83, %while3A_85 : i32
    %while3A_87 = arith.muli %while3A_86, %while3A_85 : i32
    %while3A_88 = arith.addi %while3A, %while3A_87 : i32
    %while3A_89 = arith.constant 1 : i32
    %while3A_90 = scf.for %while3A_227 = %while3A to %while3A_88 step %while3A_89 iter_args(%while3A_228 = %while3A_82) -> (i32)  : i32 {
      %add3A_229 = vector.broadcast %while3A_227 : i32 to vector<16xi32>
      %add3A_230 = arith.addi %mul3A_68, %add3A_229 : vector<16xi32>
      %gather3A = tpu.vector_load_idx %arg5[%add3A_230] : memref<32768xf32, #tpu.memory_space<vmem>>[vector<16xi32>], vector<16xf32>,
      %bitcast3A = vector.bitcast %gather3A : vector<16xf32> to vector<16xi32>
      %shift_right_arithmetic3A = arith.constant 31 : i32
      %shift_right_arithmetic3A_231 = vector.broadcast %shift_right_arithmetic3A : i32 to vector<16xi32>
      %shift_right_arithmetic3A_232 = arith.shrsi %bitcast3A, %shift_right_arithmetic3A_231 : vector<16xi32>
      %or3A = arith.constant -2147483648 : i32
      %or3A_233 = vector.broadcast %or3A : i32 to vector<16xi32>
      %or3A_234 = arith.ori %shift_right_arithmetic3A_232, %or3A_233 : vector<16xi32>
      %xor3A = arith.xori %bitcast3A, %or3A_234 : vector<16xi32>
      %lt3A = vector.broadcast %while3A_227 : i32 to vector<16xi32>
      %lt3A_235 = arith.cmpi slt, %lt3A, %parallel_loop3A_74#0 : vector<16xi32>
      %shift_right_logical3A = arith.constant 16 : i32
      %shift_right_logical3A_236 = vector.broadcast %shift_right_logical3A : i32 to vector<16xi32>
      %shift_right_logical3A_237 = arith.shrui %xor3A, %shift_right_logical3A_236 : vector<16xi32>
      %and3A = arith.constant 255 : i32
      %and3A_238 = vector.broadcast %and3A : i32 to vector<16xi32>
      %and3A_239 = arith.andi %shift_right_logical3A_237, %and3A_238 : vector<16xi32>
      %add3A_240 = arith.addi %mul3A_1, %and3A_239 : vector<16xi32>
      tpu.vector_store_idx %arg7[%add3A_240], %broadcast_in_dim3A_2 masked %lt3A_235 {add = true} : memref<4224xi32, #tpu.memory_space<vmem>>[vector<16xi32>], vector<16xi32>, vector<16xi1>
      %while3A_241 = arith.constant 0 : i32
      scf.yield %while3A_241 : i32
    }
    %while3A_91 = arith.constant 1 : i32
    %while3A_92 = scf.for %while3A_227 = %while3A_88 to %while3A_84 step %while3A_91 iter_args(%while3A_228 = %while3A_90) -> (i32)  : i32 {
      %add3A_229 = vector.broadcast %while3A_227 : i32 to vector<16xi32>
      %add3A_230 = arith.addi %mul3A_68, %add3A_229 : vector<16xi32>
      %gather3A = tpu.vector_load_idx %arg5[%add3A_230] : memref<32768xf32, #tpu.memory_space<vmem>>[vector<16xi32>], vector<16xf32>,
      %bitcast3A = vector.bitcast %gather3A : vector<16xf32> to vector<16xi32>
      %shift_right_arithmetic3A = arith.constant 31 : i32
      %shift_right_arithmetic3A_231 = vector.broadcast %shift_right_arithmetic3A : i32 to vector<16xi32>
      %shift_right_arithmetic3A_232 = arith.shrsi %bitcast3A, %shift_right_arithmetic3A_231 : vector<16xi32>
      %or3A = arith.constant -2147483648 : i32
      %or3A_233 = vector.broadcast %or3A : i32 to vector<16xi32>
      %or3A_234 = arith.ori %shift_right_arithmetic3A_232, %or3A_233 : vector<16xi32>
      %xor3A = arith.xori %bitcast3A, %or3A_234 : vector<16xi32>
      %lt3A = vector.broadcast %while3A_227 : i32 to vector<16xi32>
      %lt3A_235 = arith.cmpi slt, %lt3A, %parallel_loop3A_74#0 : vector<16xi32>
      %shift_right_logical3A = arith.constant 16 : i32
      %shift_right_logical3A_236 = vector.broadcast %shift_right_logical3A : i32 to vector<16xi32>
      %shift_right_logical3A_237 = arith.shrui %xor3A, %shift_right_logical3A_236 : vector<16xi32>
      %and3A = arith.constant 255 : i32
      %and3A_238 = vector.broadcast %and3A : i32 to vector<16xi32>
      %and3A_239 = arith.andi %shift_right_logical3A_237, %and3A_238 : vector<16xi32>
      %add3A_240 = arith.addi %mul3A_1, %and3A_239 : vector<16xi32>
      tpu.vector_store_idx %arg7[%add3A_240], %broadcast_in_dim3A_2 masked %lt3A_235 {add = true} : memref<4224xi32, #tpu.memory_space<vmem>>[vector<16xi32>], vector<16xi32>, vector<16xi1>
      %while3A_241 = arith.constant 0 : i32
      scf.yield %while3A_241 : i32
    }
    %parallel_loop3A_93 = arith.constant 0 : i32
    %parallel_loop3A_94 = arith.constant 16 : i32
    %parallel_loop3A_95 = arith.constant 1 : i32
    scf.for %parallel_loop3A_227 = %parallel_loop3A_93 to %parallel_loop3A_94 step %parallel_loop3A_95  : i32 {
      %parallel_loop3A_228 = arith.constant 16 : i32
      %parallel_loop3A_229 = arith.muli %parallel_loop3A_227, %parallel_loop3A_228 : i32
      %parallel_loop3A_230 = arith.index_cast %parallel_loop3A_229 : i32 to index
      %parallel_loop3A_231 = tpu.vector_load %arg7[%parallel_loop3A_230] {strides = array<i32>} : memref<4224xi32, #tpu.memory_space<vmem>>, vector<16xi32>,
      %parallel_loop3A_232 = arith.constant 16 : i32
      %parallel_loop3A_233 = arith.muli %parallel_loop3A_227, %parallel_loop3A_232 : i32
      %parallel_loop3A_234 = arith.constant 257 : i32
      %parallel_loop3A_235 = arith.addi %parallel_loop3A_234, %parallel_loop3A_233 : i32
      %parallel_loop3A_236 = arith.index_cast %parallel_loop3A_235 : i32 to index
      %parallel_loop3A_237 = tpu.vector_load %arg7[%parallel_loop3A_236] {strides = array<i32>} : memref<4224xi32, #tpu.memory_space<vmem>>, vector<16xi32>,
      %parallel_loop3A_238 = arith.addi %parallel_loop3A_231, %parallel_loop3A_237 : vector<16xi32>
      %parallel_loop3A_239 = arith.constant 16 : i32
      %parallel_loop3A_240 = arith.muli %parallel_loop3A_227, %parallel_loop3A_239 : i32
      %parallel_loop3A_241 = arith.constant 514 : i32
      %parallel_loop3A_242 = arith.addi %parallel_loop3A_241, %parallel_loop3A_240 : i32
      %parallel_loop3A_243 = arith.index_cast %parallel_loop3A_242 : i32 to index
      %parallel_loop3A_244 = tpu.vector_load %arg7[%parallel_loop3A_243] {strides = array<i32>} : memref<4224xi32, #tpu.memory_space<vmem>>, vector<16xi32>,
      %parallel_loop3A_245 = arith.addi %parallel_loop3A_238, %parallel_loop3A_244 : vector<16xi32>
      %parallel_loop3A_246 = arith.constant 16 : i32
      %parallel_loop3A_247 = arith.muli %parallel_loop3A_227, %parallel_loop3A_246 : i32
      %parallel_loop3A_248 = arith.constant 771 : i32
      %parallel_loop3A_249 = arith.addi %parallel_loop3A_248, %parallel_loop3A_247 : i32
      %parallel_loop3A_250 = arith.index_cast %parallel_loop3A_249 : i32 to index
      %parallel_loop3A_251 = tpu.vector_load %arg7[%parallel_loop3A_250] {strides = array<i32>} : memref<4224xi32, #tpu.memory_space<vmem>>, vector<16xi32>,
      %parallel_loop3A_252 = arith.addi %parallel_loop3A_245, %parallel_loop3A_251 : vector<16xi32>
      %parallel_loop3A_253 = arith.constant 16 : i32
      %parallel_loop3A_254 = arith.muli %parallel_loop3A_227, %parallel_loop3A_253 : i32
      %parallel_loop3A_255 = arith.constant 1028 : i32
      %parallel_loop3A_256 = arith.addi %parallel_loop3A_255, %parallel_loop3A_254 : i32
      %parallel_loop3A_257 = arith.index_cast %parallel_loop3A_256 : i32 to index
      %parallel_loop3A_258 = tpu.vector_load %arg7[%parallel_loop3A_257] {strides = array<i32>} : memref<4224xi32, #tpu.memory_space<vmem>>, vector<16xi32>,
      %parallel_loop3A_259 = arith.addi %parallel_loop3A_252, %parallel_loop3A_258 : vector<16xi32>
      %parallel_loop3A_260 = arith.constant 16 : i32
      %parallel_loop3A_261 = arith.muli %parallel_loop3A_227, %parallel_loop3A_260 : i32
      %parallel_loop3A_262 = arith.constant 1285 : i32
      %parallel_loop3A_263 = arith.addi %parallel_loop3A_262, %parallel_loop3A_261 : i32
      %parallel_loop3A_264 = arith.index_cast %parallel_loop3A_263 : i32 to index
      %parallel_loop3A_265 = tpu.vector_load %arg7[%parallel_loop3A_264] {strides = array<i32>} : memref<4224xi32, #tpu.memory_space<vmem>>, vector<16xi32>,
      %parallel_loop3A_266 = arith.addi %parallel_loop3A_259, %parallel_loop3A_265 : vector<16xi32>
      %parallel_loop3A_267 = arith.constant 16 : i32
      %parallel_loop3A_268 = arith.muli %parallel_loop3A_227, %parallel_loop3A_267 : i32
      %parallel_loop3A_269 = arith.constant 1542 : i32
      %parallel_loop3A_270 = arith.addi %parallel_loop3A_269, %parallel_loop3A_268 : i32
      %parallel_loop3A_271 = arith.index_cast %parallel_loop3A_270 : i32 to index
      %parallel_loop3A_272 = tpu.vector_load %arg7[%parallel_loop3A_271] {strides = array<i32>} : memref<4224xi32, #tpu.memory_space<vmem>>, vector<16xi32>,
      %parallel_loop3A_273 = arith.addi %parallel_loop3A_266, %parallel_loop3A_272 : vector<16xi32>
      %parallel_loop3A_274 = arith.constant 16 : i32
      %parallel_loop3A_275 = arith.muli %parallel_loop3A_227, %parallel_loop3A_274 : i32
      %parallel_loop3A_276 = arith.constant 1799 : i32
      %parallel_loop3A_277 = arith.addi %parallel_loop3A_276, %parallel_loop3A_275 : i32
      %parallel_loop3A_278 = arith.index_cast %parallel_loop3A_277 : i32 to index
      %parallel_loop3A_279 = tpu.vector_load %arg7[%parallel_loop3A_278] {strides = array<i32>} : memref<4224xi32, #tpu.memory_space<vmem>>, vector<16xi32>,
      %parallel_loop3A_280 = arith.addi %parallel_loop3A_273, %parallel_loop3A_279 : vector<16xi32>
      %parallel_loop3A_281 = arith.constant 16 : i32
      %parallel_loop3A_282 = arith.muli %parallel_loop3A_227, %parallel_loop3A_281 : i32
      %parallel_loop3A_283 = arith.constant 2056 : i32
      %parallel_loop3A_284 = arith.addi %parallel_loop3A_283, %parallel_loop3A_282 : i32
      %parallel_loop3A_285 = arith.index_cast %parallel_loop3A_284 : i32 to index
      %parallel_loop3A_286 = tpu.vector_load %arg7[%parallel_loop3A_285] {strides = array<i32>} : memref<4224xi32, #tpu.memory_space<vmem>>, vector<16xi32>,
      %parallel_loop3A_287 = arith.addi %parallel_loop3A_280, %parallel_loop3A_286 : vector<16xi32>
      %parallel_loop3A_288 = arith.constant 16 : i32
      %parallel_loop3A_289 = arith.muli %parallel_loop3A_227, %parallel_loop3A_288 : i32
      %parallel_loop3A_290 = arith.constant 2313 : i32
      %parallel_loop3A_291 = arith.addi %parallel_loop3A_290, %parallel_loop3A_289 : i32
      %parallel_loop3A_292 = arith.index_cast %parallel_loop3A_291 : i32 to index
      %parallel_loop3A_293 = tpu.vector_load %arg7[%parallel_loop3A_292] {strides = array<i32>} : memref<4224xi32, #tpu.memory_space<vmem>>, vector<16xi32>,
      %parallel_loop3A_294 = arith.addi %parallel_loop3A_287, %parallel_loop3A_293 : vector<16xi32>
      %parallel_loop3A_295 = arith.constant 16 : i32
      %parallel_loop3A_296 = arith.muli %parallel_loop3A_227, %parallel_loop3A_295 : i32
      %parallel_loop3A_297 = arith.constant 2570 : i32
      %parallel_loop3A_298 = arith.addi %parallel_loop3A_297, %parallel_loop3A_296 : i32
      %parallel_loop3A_299 = arith.index_cast %parallel_loop3A_298 : i32 to index
      %parallel_loop3A_300 = tpu.vector_load %arg7[%parallel_loop3A_299] {strides = array<i32>} : memref<4224xi32, #tpu.memory_space<vmem>>, vector<16xi32>,
      %parallel_loop3A_301 = arith.addi %parallel_loop3A_294, %parallel_loop3A_300 : vector<16xi32>
      %parallel_loop3A_302 = arith.constant 16 : i32
      %parallel_loop3A_303 = arith.muli %parallel_loop3A_227, %parallel_loop3A_302 : i32
      %parallel_loop3A_304 = arith.constant 2827 : i32
      %parallel_loop3A_305 = arith.addi %parallel_loop3A_304, %parallel_loop3A_303 : i32
      %parallel_loop3A_306 = arith.index_cast %parallel_loop3A_305 : i32 to index
      %parallel_loop3A_307 = tpu.vector_load %arg7[%parallel_loop3A_306] {strides = array<i32>} : memref<4224xi32, #tpu.memory_space<vmem>>, vector<16xi32>,
      %parallel_loop3A_308 = arith.addi %parallel_loop3A_301, %parallel_loop3A_307 : vector<16xi32>
      %parallel_loop3A_309 = arith.constant 16 : i32
      %parallel_loop3A_310 = arith.muli %parallel_loop3A_227, %parallel_loop3A_309 : i32
      %parallel_loop3A_311 = arith.constant 3084 : i32
      %parallel_loop3A_312 = arith.addi %parallel_loop3A_311, %parallel_loop3A_310 : i32
      %parallel_loop3A_313 = arith.index_cast %parallel_loop3A_312 : i32 to index
      %parallel_loop3A_314 = tpu.vector_load %arg7[%parallel_loop3A_313] {strides = array<i32>} : memref<4224xi32, #tpu.memory_space<vmem>>, vector<16xi32>,
      %parallel_loop3A_315 = arith.addi %parallel_loop3A_308, %parallel_loop3A_314 : vector<16xi32>
      %parallel_loop3A_316 = arith.constant 16 : i32
      %parallel_loop3A_317 = arith.muli %parallel_loop3A_227, %parallel_loop3A_316 : i32
      %parallel_loop3A_318 = arith.constant 3341 : i32
      %parallel_loop3A_319 = arith.addi %parallel_loop3A_318, %parallel_loop3A_317 : i32
      %parallel_loop3A_320 = arith.index_cast %parallel_loop3A_319 : i32 to index
      %parallel_loop3A_321 = tpu.vector_load %arg7[%parallel_loop3A_320] {strides = array<i32>} : memref<4224xi32, #tpu.memory_space<vmem>>, vector<16xi32>,
      %parallel_loop3A_322 = arith.addi %parallel_loop3A_315, %parallel_loop3A_321 : vector<16xi32>
      %parallel_loop3A_323 = arith.constant 16 : i32
      %parallel_loop3A_324 = arith.muli %parallel_loop3A_227, %parallel_loop3A_323 : i32
      %parallel_loop3A_325 = arith.constant 3598 : i32
      %parallel_loop3A_326 = arith.addi %parallel_loop3A_325, %parallel_loop3A_324 : i32
      %parallel_loop3A_327 = arith.index_cast %parallel_loop3A_326 : i32 to index
      %parallel_loop3A_328 = tpu.vector_load %arg7[%parallel_loop3A_327] {strides = array<i32>} : memref<4224xi32, #tpu.memory_space<vmem>>, vector<16xi32>,
      %parallel_loop3A_329 = arith.addi %parallel_loop3A_322, %parallel_loop3A_328 : vector<16xi32>
      %parallel_loop3A_330 = arith.constant 16 : i32
      %parallel_loop3A_331 = arith.muli %parallel_loop3A_227, %parallel_loop3A_330 : i32
      %parallel_loop3A_332 = arith.constant 3855 : i32
      %parallel_loop3A_333 = arith.addi %parallel_loop3A_332, %parallel_loop3A_331 : i32
      %parallel_loop3A_334 = arith.index_cast %parallel_loop3A_333 : i32 to index
      %parallel_loop3A_335 = tpu.vector_load %arg7[%parallel_loop3A_334] {strides = array<i32>} : memref<4224xi32, #tpu.memory_space<vmem>>, vector<16xi32>,
      %parallel_loop3A_336 = arith.addi %parallel_loop3A_329, %parallel_loop3A_335 : vector<16xi32>
      %parallel_loop3A_337 = arith.constant 16 : i32
      %parallel_loop3A_338 = arith.muli %parallel_loop3A_227, %parallel_loop3A_337 : i32
      %parallel_loop3A_339 = arith.index_cast %parallel_loop3A_338 : i32 to index
      %parallel_loop3A_340 = tpu.vector_load %arg10[%parallel_loop3A_339] {strides = array<i32>} : memref<256xi32, #tpu.memory_space<vmem>>, vector<16xi32>,
      tpu.vector_store %arg10[%parallel_loop3A_339], %parallel_loop3A_336 {strides = array<i32>} : memref<256xi32, #tpu.memory_space<vmem>>, vector<16xi32>,
    } {sc.loop_unroll_factor = 4 : i64, sc.parallel_access}
    "tpu.region"() ({
      %run_scoped3A = tpu.sem_alloc : memref<!tpu.dma_semaphore, #tpu.memory_space<semaphore_mem>>
      %dma_start3A_227 = arith.constant 0 : i32
      %dma_start3A_228 = tpu.memref_slice %arg12[%arg1, %dma_start3A_227] : memref<16x256xi32, #tpu.memory_space<vmem_shared>> -> memref<1x256xi32, #tpu.memory_space<vmem_shared>>
      %dma_start3A_229 = tpu.memref_squeeze %dma_start3A_228 : memref<1x256xi32, #tpu.memory_space<vmem_shared>> -> memref<256xi32, #tpu.memory_space<vmem_shared>>
      %dma_start3A_230 = arith.constant 0 : i32
      %dma_start3A_231 = tpu.memref_slice %arg12[%arg1, %dma_start3A_230] : memref<16x256xi32, #tpu.memory_space<vmem_shared>> -> memref<1x256xi32, #tpu.memory_space<vmem_shared>>
      %dma_start3A_232 = tpu.memref_squeeze %dma_start3A_231 : memref<1x256xi32, #tpu.memory_space<vmem_shared>> -> memref<256xi32, #tpu.memory_space<vmem_shared>>
      tpu.enqueue_dma source(%arg10 : memref<256xi32, #tpu.memory_space<vmem>>) target(%dma_start3A_232 : memref<256xi32, #tpu.memory_space<vmem_shared>>) target_semaphore(%run_scoped3A : memref<!tpu.dma_semaphore, #tpu.memory_space<semaphore_mem>>)
      %dma_wait3A_233 = arith.constant 0 : i32
      %dma_wait3A_234 = tpu.memref_slice %arg12[%arg1, %dma_wait3A_233] : memref<16x256xi32, #tpu.memory_space<vmem_shared>> -> memref<1x256xi32, #tpu.memory_space<vmem_shared>>
      %dma_wait3A_235 = tpu.memref_squeeze %dma_wait3A_234 : memref<1x256xi32, #tpu.memory_space<vmem_shared>> -> memref<256xi32, #tpu.memory_space<vmem_shared>>
      %dma_wait3A_236 = arith.constant 0 : i32
      %dma_wait3A_237 = tpu.memref_slice %arg12[%arg1, %dma_wait3A_236] : memref<16x256xi32, #tpu.memory_space<vmem_shared>> -> memref<1x256xi32, #tpu.memory_space<vmem_shared>>
      %dma_wait3A_238 = tpu.memref_squeeze %dma_wait3A_237 : memref<1x256xi32, #tpu.memory_space<vmem_shared>> -> memref<256xi32, #tpu.memory_space<vmem_shared>>
      tpu.wait_dma2 semaphore(%run_scoped3A : memref<!tpu.dma_semaphore, #tpu.memory_space<semaphore_mem>>) src(%arg10 : memref<256xi32, #tpu.memory_space<vmem>>) dst(%dma_wait3A_238 : memref<256xi32, #tpu.memory_space<vmem_shared>>)
      tpu.yield
    }) : () -> ()
    %barrier3A_96 = arith.constant 0 : index
    tpu.barrier barrier_id(%barrier3A_96)
    "tpu.region"() ({
      %run_scoped3A = tpu.sem_alloc : memref<!tpu.dma_semaphore, #tpu.memory_space<semaphore_mem>>
      tpu.enqueue_dma source(%arg12 : memref<16x256xi32, #tpu.memory_space<vmem_shared>>) target(%arg11 : memref<16x256xi32, #tpu.memory_space<vmem>>) target_semaphore(%run_scoped3A : memref<!tpu.dma_semaphore, #tpu.memory_space<semaphore_mem>>)
      tpu.wait_dma2 semaphore(%run_scoped3A : memref<!tpu.dma_semaphore, #tpu.memory_space<semaphore_mem>>) src(%arg12 : memref<16x256xi32, #tpu.memory_space<vmem_shared>>) dst(%arg11 : memref<16x256xi32, #tpu.memory_space<vmem>>)
      tpu.yield
    }) : () -> ()
    %scan3A_97 = arith.constant 0 : i32
    %scan3A_98 = arith.constant 0 : i32
    %scan3A_99 = arith.constant 0 : i32
    %scan3A_100 = arith.constant 0 : i32
    %scan3A_101 = arith.constant 16 : i32
    %scan3A_102 = arith.addi %scan3A_100, %scan3A_101 : i32
    %scan3A_103 = arith.constant 1 : i32
    %scan3A_104:3 = scf.for %scan3A_227 = %scan3A_100 to %scan3A_102 step %scan3A_103 iter_args(%scan3A_228 = %scan3A_97, %scan3A_229 = %scan3A_98, %scan3A_230 = %scan3A_99) -> (i32, i32, i32)  : i32 {
      %mul3A_231 = arith.constant 16 : i32
      %mul3A_232 = arith.muli %scan3A_227, %mul3A_231 : i32
      %get3A = arith.constant 0 : i32
      %get3A_233 = arith.index_cast %get3A : i32 to index
      %get3A_234 = arith.index_cast %mul3A_232 : i32 to index
      %get3A_235 = tpu.vector_load %arg11[%get3A_233, %get3A_234] {strides = array<i32>} : memref<16x256xi32, #tpu.memory_space<vmem>>, vector<16xi32>,
      %mul3A_236 = arith.constant 16 : i32
      %mul3A_237 = arith.muli %scan3A_227, %mul3A_236 : i32
      %get3A_238 = arith.constant 1 : i32
      %get3A_239 = arith.index_cast %get3A_238 : i32 to index
      %get3A_240 = arith.index_cast %mul3A_237 : i32 to index
      %get3A_241 = tpu.vector_load %arg11[%get3A_239, %get3A_240] {strides = array<i32>} : memref<16x256xi32, #tpu.memory_space<vmem>>, vector<16xi32>,
      %add3A_242 = arith.addi %get3A_235, %get3A_241 : vector<16xi32>
      %mul3A_243 = arith.constant 16 : i32
      %mul3A_244 = arith.muli %scan3A_227, %mul3A_243 : i32
      %get3A_245 = arith.constant 2 : i32
      %get3A_246 = arith.index_cast %get3A_245 : i32 to index
      %get3A_247 = arith.index_cast %mul3A_244 : i32 to index
      %get3A_248 = tpu.vector_load %arg11[%get3A_246, %get3A_247] {strides = array<i32>} : memref<16x256xi32, #tpu.memory_space<vmem>>, vector<16xi32>,
      %add3A_249 = arith.addi %add3A_242, %get3A_248 : vector<16xi32>
      %mul3A_250 = arith.constant 16 : i32
      %mul3A_251 = arith.muli %scan3A_227, %mul3A_250 : i32
      %get3A_252 = arith.constant 3 : i32
      %get3A_253 = arith.index_cast %get3A_252 : i32 to index
      %get3A_254 = arith.index_cast %mul3A_251 : i32 to index
      %get3A_255 = tpu.vector_load %arg11[%get3A_253, %get3A_254] {strides = array<i32>} : memref<16x256xi32, #tpu.memory_space<vmem>>, vector<16xi32>,
      %add3A_256 = arith.addi %add3A_249, %get3A_255 : vector<16xi32>
      %mul3A_257 = arith.constant 16 : i32
      %mul3A_258 = arith.muli %scan3A_227, %mul3A_257 : i32
      %get3A_259 = arith.constant 4 : i32
      %get3A_260 = arith.index_cast %get3A_259 : i32 to index
      %get3A_261 = arith.index_cast %mul3A_258 : i32 to index
      %get3A_262 = tpu.vector_load %arg11[%get3A_260, %get3A_261] {strides = array<i32>} : memref<16x256xi32, #tpu.memory_space<vmem>>, vector<16xi32>,
      %add3A_263 = arith.addi %add3A_256, %get3A_262 : vector<16xi32>
      %mul3A_264 = arith.constant 16 : i32
      %mul3A_265 = arith.muli %scan3A_227, %mul3A_264 : i32
      %get3A_266 = arith.constant 5 : i32
      %get3A_267 = arith.index_cast %get3A_266 : i32 to index
      %get3A_268 = arith.index_cast %mul3A_265 : i32 to index
      %get3A_269 = tpu.vector_load %arg11[%get3A_267, %get3A_268] {strides = array<i32>} : memref<16x256xi32, #tpu.memory_space<vmem>>, vector<16xi32>,
      %add3A_270 = arith.addi %add3A_263, %get3A_269 : vector<16xi32>
      %mul3A_271 = arith.constant 16 : i32
      %mul3A_272 = arith.muli %scan3A_227, %mul3A_271 : i32
      %get3A_273 = arith.constant 6 : i32
      %get3A_274 = arith.index_cast %get3A_273 : i32 to index
      %get3A_275 = arith.index_cast %mul3A_272 : i32 to index
      %get3A_276 = tpu.vector_load %arg11[%get3A_274, %get3A_275] {strides = array<i32>} : memref<16x256xi32, #tpu.memory_space<vmem>>, vector<16xi32>,
      %add3A_277 = arith.addi %add3A_270, %get3A_276 : vector<16xi32>
      %mul3A_278 = arith.constant 16 : i32
      %mul3A_279 = arith.muli %scan3A_227, %mul3A_278 : i32
      %get3A_280 = arith.constant 7 : i32
      %get3A_281 = arith.index_cast %get3A_280 : i32 to index
      %get3A_282 = arith.index_cast %mul3A_279 : i32 to index
      %get3A_283 = tpu.vector_load %arg11[%get3A_281, %get3A_282] {strides = array<i32>} : memref<16x256xi32, #tpu.memory_space<vmem>>, vector<16xi32>,
      %add3A_284 = arith.addi %add3A_277, %get3A_283 : vector<16xi32>
      %mul3A_285 = arith.constant 16 : i32
      %mul3A_286 = arith.muli %scan3A_227, %mul3A_285 : i32
      %get3A_287 = arith.constant 8 : i32
      %get3A_288 = arith.index_cast %get3A_287 : i32 to index
      %get3A_289 = arith.index_cast %mul3A_286 : i32 to index
      %get3A_290 = tpu.vector_load %arg11[%get3A_288, %get3A_289] {strides = array<i32>} : memref<16x256xi32, #tpu.memory_space<vmem>>, vector<16xi32>,
      %add3A_291 = arith.addi %add3A_284, %get3A_290 : vector<16xi32>
      %mul3A_292 = arith.constant 16 : i32
      %mul3A_293 = arith.muli %scan3A_227, %mul3A_292 : i32
      %get3A_294 = arith.constant 9 : i32
      %get3A_295 = arith.index_cast %get3A_294 : i32 to index
      %get3A_296 = arith.index_cast %mul3A_293 : i32 to index
      %get3A_297 = tpu.vector_load %arg11[%get3A_295, %get3A_296] {strides = array<i32>} : memref<16x256xi32, #tpu.memory_space<vmem>>, vector<16xi32>,
      %add3A_298 = arith.addi %add3A_291, %get3A_297 : vector<16xi32>
      %mul3A_299 = arith.constant 16 : i32
      %mul3A_300 = arith.muli %scan3A_227, %mul3A_299 : i32
      %get3A_301 = arith.constant 10 : i32
      %get3A_302 = arith.index_cast %get3A_301 : i32 to index
      %get3A_303 = arith.index_cast %mul3A_300 : i32 to index
      %get3A_304 = tpu.vector_load %arg11[%get3A_302, %get3A_303] {strides = array<i32>} : memref<16x256xi32, #tpu.memory_space<vmem>>, vector<16xi32>,
      %add3A_305 = arith.addi %add3A_298, %get3A_304 : vector<16xi32>
      %mul3A_306 = arith.constant 16 : i32
      %mul3A_307 = arith.muli %scan3A_227, %mul3A_306 : i32
      %get3A_308 = arith.constant 11 : i32
      %get3A_309 = arith.index_cast %get3A_308 : i32 to index
      %get3A_310 = arith.index_cast %mul3A_307 : i32 to index
      %get3A_311 = tpu.vector_load %arg11[%get3A_309, %get3A_310] {strides = array<i32>} : memref<16x256xi32, #tpu.memory_space<vmem>>, vector<16xi32>,
      %add3A_312 = arith.addi %add3A_305, %get3A_311 : vector<16xi32>
      %mul3A_313 = arith.constant 16 : i32
      %mul3A_314 = arith.muli %scan3A_227, %mul3A_313 : i32
      %get3A_315 = arith.constant 12 : i32
      %get3A_316 = arith.index_cast %get3A_315 : i32 to index
      %get3A_317 = arith.index_cast %mul3A_314 : i32 to index
      %get3A_318 = tpu.vector_load %arg11[%get3A_316, %get3A_317] {strides = array<i32>} : memref<16x256xi32, #tpu.memory_space<vmem>>, vector<16xi32>,
      %add3A_319 = arith.addi %add3A_312, %get3A_318 : vector<16xi32>
      %mul3A_320 = arith.constant 16 : i32
      %mul3A_321 = arith.muli %scan3A_227, %mul3A_320 : i32
      %get3A_322 = arith.constant 13 : i32
      %get3A_323 = arith.index_cast %get3A_322 : i32 to index
      %get3A_324 = arith.index_cast %mul3A_321 : i32 to index
      %get3A_325 = tpu.vector_load %arg11[%get3A_323, %get3A_324] {strides = array<i32>} : memref<16x256xi32, #tpu.memory_space<vmem>>, vector<16xi32>,
      %add3A_326 = arith.addi %add3A_319, %get3A_325 : vector<16xi32>
      %mul3A_327 = arith.constant 16 : i32
      %mul3A_328 = arith.muli %scan3A_227, %mul3A_327 : i32
      %get3A_329 = arith.constant 14 : i32
      %get3A_330 = arith.index_cast %get3A_329 : i32 to index
      %get3A_331 = arith.index_cast %mul3A_328 : i32 to index
      %get3A_332 = tpu.vector_load %arg11[%get3A_330, %get3A_331] {strides = array<i32>} : memref<16x256xi32, #tpu.memory_space<vmem>>, vector<16xi32>,
      %add3A_333 = arith.addi %add3A_326, %get3A_332 : vector<16xi32>
      %mul3A_334 = arith.constant 16 : i32
      %mul3A_335 = arith.muli %scan3A_227, %mul3A_334 : i32
      %get3A_336 = arith.constant 15 : i32
      %get3A_337 = arith.index_cast %get3A_336 : i32 to index
      %get3A_338 = arith.index_cast %mul3A_335 : i32 to index
      %get3A_339 = tpu.vector_load %arg11[%get3A_337, %get3A_338] {strides = array<i32>} : memref<16x256xi32, #tpu.memory_space<vmem>>, vector<16xi32>,
      %add3A_340 = arith.addi %add3A_333, %get3A_339 : vector<16xi32>
      %broadcast_in_dim3A_341 = arith.constant true
      %broadcast_in_dim3A_342 = vector.broadcast %broadcast_in_dim3A_341 : i1 to vector<16xi1>
      %masked_cumsum3A = tpu.scan <sum>, %add3A_340 masked %broadcast_in_dim3A_342 : vector<16xi32>, vector<16xi1> -> vector<16xi32>
      %add3A_343 = vector.broadcast %scan3A_230 : i32 to vector<16xi32>
      %add3A_344 = arith.addi %masked_cumsum3A, %add3A_343 : vector<16xi32>
      %le3A = vector.broadcast %sub3A_65 : i32 to vector<16xi32>
      %le3A_345 = arith.cmpi sle, %add3A_344, %le3A : vector<16xi32>
      %all_reduce_population_count3A = tpu.all_reduce %le3A_345 {dim = 0 : i64, kind = #tpu.reduction_kind<sum>} : vector<16xi1> -> vector<16xi32>
      %slice3A = vector.extract_strided_slice %all_reduce_population_count3A {offsets = [0], sizes = [1], strides = [1]} : vector<16xi32> to vector<1xi32>
      %squeeze3A = vector.extract %slice3A[0] : i32 from vector<1xi32>
      %add3A_346 = arith.addi %scan3A_228, %squeeze3A : i32
      %jit3A_347 = arith.constant 0 : i32
      %broadcast_in_dim3A_348 = vector.broadcast %jit3A_347 : i32 to vector<16xi32>
      %select_n3A_349 = arith.select %le3A_345, %add3A_340, %broadcast_in_dim3A_348 : vector<16xi1>, vector<16xi32>
      %reduce_sum3A_350 = arith.constant true
      %reduce_sum3A_351 = vector.broadcast %reduce_sum3A_350 : i1 to vector<16xi1>
      %reduce_sum3A_352 = tpu.scan <sum>, %select_n3A_349 masked %reduce_sum3A_351 : vector<16xi32>, vector<16xi1> -> vector<16xi32>
      %reduce_sum3A_353 = vector.extract %reduce_sum3A_352[15] : i32 from vector<16xi32>
      %add3A_354 = arith.addi %scan3A_229, %reduce_sum3A_353 : i32
      %slice3A_355 = vector.extract_strided_slice %add3A_344 {offsets = [15], sizes = [1], strides = [1]} : vector<16xi32> to vector<1xi32>
      %squeeze3A_356 = vector.extract %slice3A_355[0] : i32 from vector<1xi32>
      scf.yield %add3A_346, %add3A_354, %squeeze3A_356 : i32, i32, i32
    }
    %scan3A_105 = arith.constant 16 : i32
    %sub3A_106 = arith.subi %sub3A_65, %scan3A_104#1 : i32
    %broadcast_in_dim3A_107 = arith.constant 0 : i32
    %broadcast_in_dim3A_108 = vector.broadcast %broadcast_in_dim3A_107 : i32 to vector<16xi32>
    %while3A_109 = arith.constant 0 : i32
    %while3A_110 = arith.subi %reduce_max3A_81, %while3A_109 : i32
    %while3A_111 = arith.addi %while3A_109, %while3A_110 : i32
    %while3A_112 = arith.constant 1 : i32
    %while3A_113 = arith.divsi %while3A_110, %while3A_112 : i32
    %while3A_114 = arith.muli %while3A_113, %while3A_112 : i32
    %while3A_115 = arith.addi %while3A_109, %while3A_114 : i32
    %while3A_116 = arith.constant 1 : i32
    %while3A_117:3 = scf.for %while3A_227 = %while3A_109 to %while3A_115 step %while3A_116 iter_args(%while3A_228 = %broadcast_in_dim3A_108, %while3A_229 = %parallel_loop3A_74#1, %while3A_230 = %parallel_loop3A_74#2) -> (vector<16xi32>, vector<16xf32>, vector<16xf32>)  : i32 {
      %add3A_231 = vector.broadcast %while3A_227 : i32 to vector<16xi32>
      %add3A_232 = arith.addi %mul3A_68, %add3A_231 : vector<16xi32>
      %gather3A = tpu.vector_load_idx %arg5[%add3A_232] : memref<32768xf32, #tpu.memory_space<vmem>>[vector<16xi32>], vector<16xf32>,
      %bitcast3A = vector.bitcast %gather3A : vector<16xf32> to vector<16xi32>
      %shift_right_arithmetic3A = arith.constant 31 : i32
      %shift_right_arithmetic3A_233 = vector.broadcast %shift_right_arithmetic3A : i32 to vector<16xi32>
      %shift_right_arithmetic3A_234 = arith.shrsi %bitcast3A, %shift_right_arithmetic3A_233 : vector<16xi32>
      %or3A = arith.constant -2147483648 : i32
      %or3A_235 = vector.broadcast %or3A : i32 to vector<16xi32>
      %or3A_236 = arith.ori %shift_right_arithmetic3A_234, %or3A_235 : vector<16xi32>
      %xor3A = arith.xori %bitcast3A, %or3A_236 : vector<16xi32>
      %lt3A = vector.broadcast %while3A_227 : i32 to vector<16xi32>
      %lt3A_237 = arith.cmpi slt, %lt3A, %parallel_loop3A_74#0 : vector<16xi32>
      %shift_right_logical3A = arith.constant 16 : i32
      %shift_right_logical3A_238 = vector.broadcast %shift_right_logical3A : i32 to vector<16xi32>
      %shift_right_logical3A_239 = arith.shrui %xor3A, %shift_right_logical3A_238 : vector<16xi32>
      %and3A = arith.constant 255 : i32
      %and3A_240 = vector.broadcast %and3A : i32 to vector<16xi32>
      %and3A_241 = arith.andi %shift_right_logical3A_239, %and3A_240 : vector<16xi32>
      %lt3A_242 = vector.broadcast %scan3A_104#0 : i32 to vector<16xi32>
      %lt3A_243 = arith.cmpi slt, %and3A_241, %lt3A_242 : vector<16xi32>
      %and3A_244 = arith.andi %lt3A_237, %lt3A_243 : vector<16xi1>
      %jit3A_245 = arith.constant 0.000000e+00 : f32
      %broadcast_in_dim3A_246 = vector.broadcast %jit3A_245 : f32 to vector<16xf32>
      %select_n3A_247 = arith.select %and3A_244, %gather3A, %broadcast_in_dim3A_246 : vector<16xi1>, vector<16xf32>
      %add3A_248 = arith.addf %while3A_229, %select_n3A_247 : vector<16xf32>
      %mul3A_249 = arith.mulf %gather3A, %gather3A : vector<16xf32>
      %jit3A_250 = arith.constant 0.000000e+00 : f32
      %broadcast_in_dim3A_251 = vector.broadcast %jit3A_250 : f32 to vector<16xf32>
      %select_n3A_252 = arith.select %and3A_244, %mul3A_249, %broadcast_in_dim3A_251 : vector<16xi1>, vector<16xf32>
      %add3A_253 = arith.addf %while3A_230, %select_n3A_252 : vector<16xf32>
      %eq3A_254 = vector.broadcast %scan3A_104#0 : i32 to vector<16xi32>
      %eq3A_255 = arith.cmpi eq, %and3A_241, %eq3A_254 : vector<16xi32>
      %and3A_256 = arith.andi %lt3A_237, %eq3A_255 : vector<16xi1>
      %shift_right_logical3A_257 = arith.constant 8 : i32
      %shift_right_logical3A_258 = vector.broadcast %shift_right_logical3A_257 : i32 to vector<16xi32>
      %shift_right_logical3A_259 = arith.shrui %xor3A, %shift_right_logical3A_258 : vector<16xi32>
      %and3A_260 = arith.constant 255 : i32
      %and3A_261 = vector.broadcast %and3A_260 : i32 to vector<16xi32>
      %and3A_262 = arith.andi %shift_right_logical3A_259, %and3A_261 : vector<16xi32>
      %add3A_263 = arith.addi %mul3A_1, %and3A_262 : vector<16xi32>
      tpu.vector_store_idx %arg8[%add3A_263], %broadcast_in_dim3A_2 masked %and3A_256 {add = true} : memref<4224xi32, #tpu.memory_space<vmem>>[vector<16xi32>], vector<16xi32>, vector<16xi1>
      %add3A_264 = arith.addi %mul3A_68, %while3A_228 : vector<16xi32>
      tpu.vector_store_idx %arg4[%add3A_264], %gather3A masked %and3A_256 : memref<32768xf32, #tpu.memory_space<vmem>>[vector<16xi32>], vector<16xf32>, vector<16xi1>
      %convert_element_type3A_265 = arith.extui %and3A_256 : vector<16xi1> to vector<16xi32>
      %add3A_266 = arith.addi %while3A_228, %convert_element_type3A_265 : vector<16xi32>
      scf.yield %add3A_266, %add3A_248, %add3A_253 : vector<16xi32>, vector<16xf32>, vector<16xf32>
    }
    %while3A_118 = arith.constant 1 : i32
    %while3A_119:3 = scf.for %while3A_227 = %while3A_115 to %while3A_111 step %while3A_118 iter_args(%while3A_228 = %while3A_117#0, %while3A_229 = %while3A_117#1, %while3A_230 = %while3A_117#2) -> (vector<16xi32>, vector<16xf32>, vector<16xf32>)  : i32 {
      %add3A_231 = vector.broadcast %while3A_227 : i32 to vector<16xi32>
      %add3A_232 = arith.addi %mul3A_68, %add3A_231 : vector<16xi32>
      %gather3A = tpu.vector_load_idx %arg5[%add3A_232] : memref<32768xf32, #tpu.memory_space<vmem>>[vector<16xi32>], vector<16xf32>,
      %bitcast3A = vector.bitcast %gather3A : vector<16xf32> to vector<16xi32>
      %shift_right_arithmetic3A = arith.constant 31 : i32
      %shift_right_arithmetic3A_233 = vector.broadcast %shift_right_arithmetic3A : i32 to vector<16xi32>
      %shift_right_arithmetic3A_234 = arith.shrsi %bitcast3A, %shift_right_arithmetic3A_233 : vector<16xi32>
      %or3A = arith.constant -2147483648 : i32
      %or3A_235 = vector.broadcast %or3A : i32 to vector<16xi32>
      %or3A_236 = arith.ori %shift_right_arithmetic3A_234, %or3A_235 : vector<16xi32>
      %xor3A = arith.xori %bitcast3A, %or3A_236 : vector<16xi32>
      %lt3A = vector.broadcast %while3A_227 : i32 to vector<16xi32>
      %lt3A_237 = arith.cmpi slt, %lt3A, %parallel_loop3A_74#0 : vector<16xi32>
      %shift_right_logical3A = arith.constant 16 : i32
      %shift_right_logical3A_238 = vector.broadcast %shift_right_logical3A : i32 to vector<16xi32>
      %shift_right_logical3A_239 = arith.shrui %xor3A, %shift_right_logical3A_238 : vector<16xi32>
      %and3A = arith.constant 255 : i32
      %and3A_240 = vector.broadcast %and3A : i32 to vector<16xi32>
      %and3A_241 = arith.andi %shift_right_logical3A_239, %and3A_240 : vector<16xi32>
      %lt3A_242 = vector.broadcast %scan3A_104#0 : i32 to vector<16xi32>
      %lt3A_243 = arith.cmpi slt, %and3A_241, %lt3A_242 : vector<16xi32>
      %and3A_244 = arith.andi %lt3A_237, %lt3A_243 : vector<16xi1>
      %jit3A_245 = arith.constant 0.000000e+00 : f32
      %broadcast_in_dim3A_246 = vector.broadcast %jit3A_245 : f32 to vector<16xf32>
      %select_n3A_247 = arith.select %and3A_244, %gather3A, %broadcast_in_dim3A_246 : vector<16xi1>, vector<16xf32>
      %add3A_248 = arith.addf %while3A_229, %select_n3A_247 : vector<16xf32>
      %mul3A_249 = arith.mulf %gather3A, %gather3A : vector<16xf32>
      %jit3A_250 = arith.constant 0.000000e+00 : f32
      %broadcast_in_dim3A_251 = vector.broadcast %jit3A_250 : f32 to vector<16xf32>
      %select_n3A_252 = arith.select %and3A_244, %mul3A_249, %broadcast_in_dim3A_251 : vector<16xi1>, vector<16xf32>
      %add3A_253 = arith.addf %while3A_230, %select_n3A_252 : vector<16xf32>
      %eq3A_254 = vector.broadcast %scan3A_104#0 : i32 to vector<16xi32>
      %eq3A_255 = arith.cmpi eq, %and3A_241, %eq3A_254 : vector<16xi32>
      %and3A_256 = arith.andi %lt3A_237, %eq3A_255 : vector<16xi1>
      %shift_right_logical3A_257 = arith.constant 8 : i32
      %shift_right_logical3A_258 = vector.broadcast %shift_right_logical3A_257 : i32 to vector<16xi32>
      %shift_right_logical3A_259 = arith.shrui %xor3A, %shift_right_logical3A_258 : vector<16xi32>
      %and3A_260 = arith.constant 255 : i32
      %and3A_261 = vector.broadcast %and3A_260 : i32 to vector<16xi32>
      %and3A_262 = arith.andi %shift_right_logical3A_259, %and3A_261 : vector<16xi32>
      %add3A_263 = arith.addi %mul3A_1, %and3A_262 : vector<16xi32>
      tpu.vector_store_idx %arg8[%add3A_263], %broadcast_in_dim3A_2 masked %and3A_256 {add = true} : memref<4224xi32, #tpu.memory_space<vmem>>[vector<16xi32>], vector<16xi32>, vector<16xi1>
      %add3A_264 = arith.addi %mul3A_68, %while3A_228 : vector<16xi32>
      tpu.vector_store_idx %arg4[%add3A_264], %gather3A masked %and3A_256 : memref<32768xf32, #tpu.memory_space<vmem>>[vector<16xi32>], vector<16xf32>, vector<16xi1>
      %convert_element_type3A_265 = arith.extui %and3A_256 : vector<16xi1> to vector<16xi32>
      %add3A_266 = arith.addi %while3A_228, %convert_element_type3A_265 : vector<16xi32>
      scf.yield %add3A_266, %add3A_248, %add3A_253 : vector<16xi32>, vector<16xf32>, vector<16xf32>
    }
    %reduce_max3A_120 = arith.constant true
    %reduce_max3A_121 = vector.broadcast %reduce_max3A_120 : i1 to vector<16xi1>
    %reduce_max3A_122 = arith.constant -2147483648 : i32
    %reduce_max3A_123 = vector.broadcast %reduce_max3A_122 : i32 to vector<16xi32>
    %reduce_max3A_124 = arith.xori %while3A_119#0, %reduce_max3A_123 : vector<16xi32>
    %reduce_max3A_125 = tpu.scan <max>, %reduce_max3A_124 masked %reduce_max3A_121 : vector<16xi32>, vector<16xi1> -> vector<16xi32>
    %reduce_max3A_126 = arith.xori %reduce_max3A_125, %reduce_max3A_123 : vector<16xi32>
    %reduce_max3A_127 = vector.extract %reduce_max3A_126[15] : i32 from vector<16xi32>
    %parallel_loop3A_128 = arith.constant 0 : i32
    %parallel_loop3A_129 = arith.constant 16 : i32
    %parallel_loop3A_130 = arith.constant 1 : i32
    scf.for %parallel_loop3A_227 = %parallel_loop3A_128 to %parallel_loop3A_129 step %parallel_loop3A_130  : i32 {
      %parallel_loop3A_228 = arith.constant 16 : i32
      %parallel_loop3A_229 = arith.muli %parallel_loop3A_227, %parallel_loop3A_228 : i32
      %parallel_loop3A_230 = arith.index_cast %parallel_loop3A_229 : i32 to index
      %parallel_loop3A_231 = tpu.vector_load %arg8[%parallel_loop3A_230] {strides = array<i32>} : memref<4224xi32, #tpu.memory_space<vmem>>, vector<16xi32>,
      %parallel_loop3A_232 = arith.constant 16 : i32
      %parallel_loop3A_233 = arith.muli %parallel_loop3A_227, %parallel_loop3A_232 : i32
      %parallel_loop3A_234 = arith.constant 257 : i32
      %parallel_loop3A_235 = arith.addi %parallel_loop3A_234, %parallel_loop3A_233 : i32
      %parallel_loop3A_236 = arith.index_cast %parallel_loop3A_235 : i32 to index
      %parallel_loop3A_237 = tpu.vector_load %arg8[%parallel_loop3A_236] {strides = array<i32>} : memref<4224xi32, #tpu.memory_space<vmem>>, vector<16xi32>,
      %parallel_loop3A_238 = arith.addi %parallel_loop3A_231, %parallel_loop3A_237 : vector<16xi32>
      %parallel_loop3A_239 = arith.constant 16 : i32
      %parallel_loop3A_240 = arith.muli %parallel_loop3A_227, %parallel_loop3A_239 : i32
      %parallel_loop3A_241 = arith.constant 514 : i32
      %parallel_loop3A_242 = arith.addi %parallel_loop3A_241, %parallel_loop3A_240 : i32
      %parallel_loop3A_243 = arith.index_cast %parallel_loop3A_242 : i32 to index
      %parallel_loop3A_244 = tpu.vector_load %arg8[%parallel_loop3A_243] {strides = array<i32>} : memref<4224xi32, #tpu.memory_space<vmem>>, vector<16xi32>,
      %parallel_loop3A_245 = arith.addi %parallel_loop3A_238, %parallel_loop3A_244 : vector<16xi32>
      %parallel_loop3A_246 = arith.constant 16 : i32
      %parallel_loop3A_247 = arith.muli %parallel_loop3A_227, %parallel_loop3A_246 : i32
      %parallel_loop3A_248 = arith.constant 771 : i32
      %parallel_loop3A_249 = arith.addi %parallel_loop3A_248, %parallel_loop3A_247 : i32
      %parallel_loop3A_250 = arith.index_cast %parallel_loop3A_249 : i32 to index
      %parallel_loop3A_251 = tpu.vector_load %arg8[%parallel_loop3A_250] {strides = array<i32>} : memref<4224xi32, #tpu.memory_space<vmem>>, vector<16xi32>,
      %parallel_loop3A_252 = arith.addi %parallel_loop3A_245, %parallel_loop3A_251 : vector<16xi32>
      %parallel_loop3A_253 = arith.constant 16 : i32
      %parallel_loop3A_254 = arith.muli %parallel_loop3A_227, %parallel_loop3A_253 : i32
      %parallel_loop3A_255 = arith.constant 1028 : i32
      %parallel_loop3A_256 = arith.addi %parallel_loop3A_255, %parallel_loop3A_254 : i32
      %parallel_loop3A_257 = arith.index_cast %parallel_loop3A_256 : i32 to index
      %parallel_loop3A_258 = tpu.vector_load %arg8[%parallel_loop3A_257] {strides = array<i32>} : memref<4224xi32, #tpu.memory_space<vmem>>, vector<16xi32>,
      %parallel_loop3A_259 = arith.addi %parallel_loop3A_252, %parallel_loop3A_258 : vector<16xi32>
      %parallel_loop3A_260 = arith.constant 16 : i32
      %parallel_loop3A_261 = arith.muli %parallel_loop3A_227, %parallel_loop3A_260 : i32
      %parallel_loop3A_262 = arith.constant 1285 : i32
      %parallel_loop3A_263 = arith.addi %parallel_loop3A_262, %parallel_loop3A_261 : i32
      %parallel_loop3A_264 = arith.index_cast %parallel_loop3A_263 : i32 to index
      %parallel_loop3A_265 = tpu.vector_load %arg8[%parallel_loop3A_264] {strides = array<i32>} : memref<4224xi32, #tpu.memory_space<vmem>>, vector<16xi32>,
      %parallel_loop3A_266 = arith.addi %parallel_loop3A_259, %parallel_loop3A_265 : vector<16xi32>
      %parallel_loop3A_267 = arith.constant 16 : i32
      %parallel_loop3A_268 = arith.muli %parallel_loop3A_227, %parallel_loop3A_267 : i32
      %parallel_loop3A_269 = arith.constant 1542 : i32
      %parallel_loop3A_270 = arith.addi %parallel_loop3A_269, %parallel_loop3A_268 : i32
      %parallel_loop3A_271 = arith.index_cast %parallel_loop3A_270 : i32 to index
      %parallel_loop3A_272 = tpu.vector_load %arg8[%parallel_loop3A_271] {strides = array<i32>} : memref<4224xi32, #tpu.memory_space<vmem>>, vector<16xi32>,
      %parallel_loop3A_273 = arith.addi %parallel_loop3A_266, %parallel_loop3A_272 : vector<16xi32>
      %parallel_loop3A_274 = arith.constant 16 : i32
      %parallel_loop3A_275 = arith.muli %parallel_loop3A_227, %parallel_loop3A_274 : i32
      %parallel_loop3A_276 = arith.constant 1799 : i32
      %parallel_loop3A_277 = arith.addi %parallel_loop3A_276, %parallel_loop3A_275 : i32
      %parallel_loop3A_278 = arith.index_cast %parallel_loop3A_277 : i32 to index
      %parallel_loop3A_279 = tpu.vector_load %arg8[%parallel_loop3A_278] {strides = array<i32>} : memref<4224xi32, #tpu.memory_space<vmem>>, vector<16xi32>,
      %parallel_loop3A_280 = arith.addi %parallel_loop3A_273, %parallel_loop3A_279 : vector<16xi32>
      %parallel_loop3A_281 = arith.constant 16 : i32
      %parallel_loop3A_282 = arith.muli %parallel_loop3A_227, %parallel_loop3A_281 : i32
      %parallel_loop3A_283 = arith.constant 2056 : i32
      %parallel_loop3A_284 = arith.addi %parallel_loop3A_283, %parallel_loop3A_282 : i32
      %parallel_loop3A_285 = arith.index_cast %parallel_loop3A_284 : i32 to index
      %parallel_loop3A_286 = tpu.vector_load %arg8[%parallel_loop3A_285] {strides = array<i32>} : memref<4224xi32, #tpu.memory_space<vmem>>, vector<16xi32>,
      %parallel_loop3A_287 = arith.addi %parallel_loop3A_280, %parallel_loop3A_286 : vector<16xi32>
      %parallel_loop3A_288 = arith.constant 16 : i32
      %parallel_loop3A_289 = arith.muli %parallel_loop3A_227, %parallel_loop3A_288 : i32
      %parallel_loop3A_290 = arith.constant 2313 : i32
      %parallel_loop3A_291 = arith.addi %parallel_loop3A_290, %parallel_loop3A_289 : i32
      %parallel_loop3A_292 = arith.index_cast %parallel_loop3A_291 : i32 to index
      %parallel_loop3A_293 = tpu.vector_load %arg8[%parallel_loop3A_292] {strides = array<i32>} : memref<4224xi32, #tpu.memory_space<vmem>>, vector<16xi32>,
      %parallel_loop3A_294 = arith.addi %parallel_loop3A_287, %parallel_loop3A_293 : vector<16xi32>
      %parallel_loop3A_295 = arith.constant 16 : i32
      %parallel_loop3A_296 = arith.muli %parallel_loop3A_227, %parallel_loop3A_295 : i32
      %parallel_loop3A_297 = arith.constant 2570 : i32
      %parallel_loop3A_298 = arith.addi %parallel_loop3A_297, %parallel_loop3A_296 : i32
      %parallel_loop3A_299 = arith.index_cast %parallel_loop3A_298 : i32 to index
      %parallel_loop3A_300 = tpu.vector_load %arg8[%parallel_loop3A_299] {strides = array<i32>} : memref<4224xi32, #tpu.memory_space<vmem>>, vector<16xi32>,
      %parallel_loop3A_301 = arith.addi %parallel_loop3A_294, %parallel_loop3A_300 : vector<16xi32>
      %parallel_loop3A_302 = arith.constant 16 : i32
      %parallel_loop3A_303 = arith.muli %parallel_loop3A_227, %parallel_loop3A_302 : i32
      %parallel_loop3A_304 = arith.constant 2827 : i32
      %parallel_loop3A_305 = arith.addi %parallel_loop3A_304, %parallel_loop3A_303 : i32
      %parallel_loop3A_306 = arith.index_cast %parallel_loop3A_305 : i32 to index
      %parallel_loop3A_307 = tpu.vector_load %arg8[%parallel_loop3A_306] {strides = array<i32>} : memref<4224xi32, #tpu.memory_space<vmem>>, vector<16xi32>,
      %parallel_loop3A_308 = arith.addi %parallel_loop3A_301, %parallel_loop3A_307 : vector<16xi32>
      %parallel_loop3A_309 = arith.constant 16 : i32
      %parallel_loop3A_310 = arith.muli %parallel_loop3A_227, %parallel_loop3A_309 : i32
      %parallel_loop3A_311 = arith.constant 3084 : i32
      %parallel_loop3A_312 = arith.addi %parallel_loop3A_311, %parallel_loop3A_310 : i32
      %parallel_loop3A_313 = arith.index_cast %parallel_loop3A_312 : i32 to index
      %parallel_loop3A_314 = tpu.vector_load %arg8[%parallel_loop3A_313] {strides = array<i32>} : memref<4224xi32, #tpu.memory_space<vmem>>, vector<16xi32>,
      %parallel_loop3A_315 = arith.addi %parallel_loop3A_308, %parallel_loop3A_314 : vector<16xi32>
      %parallel_loop3A_316 = arith.constant 16 : i32
      %parallel_loop3A_317 = arith.muli %parallel_loop3A_227, %parallel_loop3A_316 : i32
      %parallel_loop3A_318 = arith.constant 3341 : i32
      %parallel_loop3A_319 = arith.addi %parallel_loop3A_318, %parallel_loop3A_317 : i32
      %parallel_loop3A_320 = arith.index_cast %parallel_loop3A_319 : i32 to index
      %parallel_loop3A_321 = tpu.vector_load %arg8[%parallel_loop3A_320] {strides = array<i32>} : memref<4224xi32, #tpu.memory_space<vmem>>, vector<16xi32>,
      %parallel_loop3A_322 = arith.addi %parallel_loop3A_315, %parallel_loop3A_321 : vector<16xi32>
      %parallel_loop3A_323 = arith.constant 16 : i32
      %parallel_loop3A_324 = arith.muli %parallel_loop3A_227, %parallel_loop3A_323 : i32
      %parallel_loop3A_325 = arith.constant 3598 : i32
      %parallel_loop3A_326 = arith.addi %parallel_loop3A_325, %parallel_loop3A_324 : i32
      %parallel_loop3A_327 = arith.index_cast %parallel_loop3A_326 : i32 to index
      %parallel_loop3A_328 = tpu.vector_load %arg8[%parallel_loop3A_327] {strides = array<i32>} : memref<4224xi32, #tpu.memory_space<vmem>>, vector<16xi32>,
      %parallel_loop3A_329 = arith.addi %parallel_loop3A_322, %parallel_loop3A_328 : vector<16xi32>
      %parallel_loop3A_330 = arith.constant 16 : i32
      %parallel_loop3A_331 = arith.muli %parallel_loop3A_227, %parallel_loop3A_330 : i32
      %parallel_loop3A_332 = arith.constant 3855 : i32
      %parallel_loop3A_333 = arith.addi %parallel_loop3A_332, %parallel_loop3A_331 : i32
      %parallel_loop3A_334 = arith.index_cast %parallel_loop3A_333 : i32 to index
      %parallel_loop3A_335 = tpu.vector_load %arg8[%parallel_loop3A_334] {strides = array<i32>} : memref<4224xi32, #tpu.memory_space<vmem>>, vector<16xi32>,
      %parallel_loop3A_336 = arith.addi %parallel_loop3A_329, %parallel_loop3A_335 : vector<16xi32>
      %parallel_loop3A_337 = arith.constant 16 : i32
      %parallel_loop3A_338 = arith.muli %parallel_loop3A_227, %parallel_loop3A_337 : i32
      %parallel_loop3A_339 = arith.index_cast %parallel_loop3A_338 : i32 to index
      %parallel_loop3A_340 = tpu.vector_load %arg10[%parallel_loop3A_339] {strides = array<i32>} : memref<256xi32, #tpu.memory_space<vmem>>, vector<16xi32>,
      tpu.vector_store %arg10[%parallel_loop3A_339], %parallel_loop3A_336 {strides = array<i32>} : memref<256xi32, #tpu.memory_space<vmem>>, vector<16xi32>,
    } {sc.loop_unroll_factor = 4 : i64, sc.parallel_access}
    "tpu.region"() ({
      %run_scoped3A = tpu.sem_alloc : memref<!tpu.dma_semaphore, #tpu.memory_space<semaphore_mem>>
      %dma_start3A_227 = arith.constant 0 : i32
      %dma_start3A_228 = tpu.memref_slice %arg12[%arg1, %dma_start3A_227] : memref<16x256xi32, #tpu.memory_space<vmem_shared>> -> memref<1x256xi32, #tpu.memory_space<vmem_shared>>
      %dma_start3A_229 = tpu.memref_squeeze %dma_start3A_228 : memref<1x256xi32, #tpu.memory_space<vmem_shared>> -> memref<256xi32, #tpu.memory_space<vmem_shared>>
      %dma_start3A_230 = arith.constant 0 : i32
      %dma_start3A_231 = tpu.memref_slice %arg12[%arg1, %dma_start3A_230] : memref<16x256xi32, #tpu.memory_space<vmem_shared>> -> memref<1x256xi32, #tpu.memory_space<vmem_shared>>
      %dma_start3A_232 = tpu.memref_squeeze %dma_start3A_231 : memref<1x256xi32, #tpu.memory_space<vmem_shared>> -> memref<256xi32, #tpu.memory_space<vmem_shared>>
      tpu.enqueue_dma source(%arg10 : memref<256xi32, #tpu.memory_space<vmem>>) target(%dma_start3A_232 : memref<256xi32, #tpu.memory_space<vmem_shared>>) target_semaphore(%run_scoped3A : memref<!tpu.dma_semaphore, #tpu.memory_space<semaphore_mem>>)
      %dma_wait3A_233 = arith.constant 0 : i32
      %dma_wait3A_234 = tpu.memref_slice %arg12[%arg1, %dma_wait3A_233] : memref<16x256xi32, #tpu.memory_space<vmem_shared>> -> memref<1x256xi32, #tpu.memory_space<vmem_shared>>
      %dma_wait3A_235 = tpu.memref_squeeze %dma_wait3A_234 : memref<1x256xi32, #tpu.memory_space<vmem_shared>> -> memref<256xi32, #tpu.memory_space<vmem_shared>>
      %dma_wait3A_236 = arith.constant 0 : i32
      %dma_wait3A_237 = tpu.memref_slice %arg12[%arg1, %dma_wait3A_236] : memref<16x256xi32, #tpu.memory_space<vmem_shared>> -> memref<1x256xi32, #tpu.memory_space<vmem_shared>>
      %dma_wait3A_238 = tpu.memref_squeeze %dma_wait3A_237 : memref<1x256xi32, #tpu.memory_space<vmem_shared>> -> memref<256xi32, #tpu.memory_space<vmem_shared>>
      tpu.wait_dma2 semaphore(%run_scoped3A : memref<!tpu.dma_semaphore, #tpu.memory_space<semaphore_mem>>) src(%arg10 : memref<256xi32, #tpu.memory_space<vmem>>) dst(%dma_wait3A_238 : memref<256xi32, #tpu.memory_space<vmem_shared>>)
      tpu.yield
    }) : () -> ()
    %barrier3A_131 = arith.constant 0 : index
    tpu.barrier barrier_id(%barrier3A_131)
    "tpu.region"() ({
      %run_scoped3A = tpu.sem_alloc : memref<!tpu.dma_semaphore, #tpu.memory_space<semaphore_mem>>
      tpu.enqueue_dma source(%arg12 : memref<16x256xi32, #tpu.memory_space<vmem_shared>>) target(%arg11 : memref<16x256xi32, #tpu.memory_space<vmem>>) target_semaphore(%run_scoped3A : memref<!tpu.dma_semaphore, #tpu.memory_space<semaphore_mem>>)
      tpu.wait_dma2 semaphore(%run_scoped3A : memref<!tpu.dma_semaphore, #tpu.memory_space<semaphore_mem>>) src(%arg12 : memref<16x256xi32, #tpu.memory_space<vmem_shared>>) dst(%arg11 : memref<16x256xi32, #tpu.memory_space<vmem>>)
      tpu.yield
    }) : () -> ()
    %scan3A_132 = arith.constant 0 : i32
    %scan3A_133 = arith.constant 0 : i32
    %scan3A_134 = arith.constant 0 : i32
    %scan3A_135 = arith.constant 0 : i32
    %scan3A_136 = arith.constant 16 : i32
    %scan3A_137 = arith.addi %scan3A_135, %scan3A_136 : i32
    %scan3A_138 = arith.constant 1 : i32
    %scan3A_139:3 = scf.for %scan3A_227 = %scan3A_135 to %scan3A_137 step %scan3A_138 iter_args(%scan3A_228 = %scan3A_132, %scan3A_229 = %scan3A_133, %scan3A_230 = %scan3A_134) -> (i32, i32, i32)  : i32 {
      %mul3A_231 = arith.constant 16 : i32
      %mul3A_232 = arith.muli %scan3A_227, %mul3A_231 : i32
      %get3A = arith.constant 0 : i32
      %get3A_233 = arith.index_cast %get3A : i32 to index
      %get3A_234 = arith.index_cast %mul3A_232 : i32 to index
      %get3A_235 = tpu.vector_load %arg11[%get3A_233, %get3A_234] {strides = array<i32>} : memref<16x256xi32, #tpu.memory_space<vmem>>, vector<16xi32>,
      %mul3A_236 = arith.constant 16 : i32
      %mul3A_237 = arith.muli %scan3A_227, %mul3A_236 : i32
      %get3A_238 = arith.constant 1 : i32
      %get3A_239 = arith.index_cast %get3A_238 : i32 to index
      %get3A_240 = arith.index_cast %mul3A_237 : i32 to index
      %get3A_241 = tpu.vector_load %arg11[%get3A_239, %get3A_240] {strides = array<i32>} : memref<16x256xi32, #tpu.memory_space<vmem>>, vector<16xi32>,
      %add3A_242 = arith.addi %get3A_235, %get3A_241 : vector<16xi32>
      %mul3A_243 = arith.constant 16 : i32
      %mul3A_244 = arith.muli %scan3A_227, %mul3A_243 : i32
      %get3A_245 = arith.constant 2 : i32
      %get3A_246 = arith.index_cast %get3A_245 : i32 to index
      %get3A_247 = arith.index_cast %mul3A_244 : i32 to index
      %get3A_248 = tpu.vector_load %arg11[%get3A_246, %get3A_247] {strides = array<i32>} : memref<16x256xi32, #tpu.memory_space<vmem>>, vector<16xi32>,
      %add3A_249 = arith.addi %add3A_242, %get3A_248 : vector<16xi32>
      %mul3A_250 = arith.constant 16 : i32
      %mul3A_251 = arith.muli %scan3A_227, %mul3A_250 : i32
      %get3A_252 = arith.constant 3 : i32
      %get3A_253 = arith.index_cast %get3A_252 : i32 to index
      %get3A_254 = arith.index_cast %mul3A_251 : i32 to index
      %get3A_255 = tpu.vector_load %arg11[%get3A_253, %get3A_254] {strides = array<i32>} : memref<16x256xi32, #tpu.memory_space<vmem>>, vector<16xi32>,
      %add3A_256 = arith.addi %add3A_249, %get3A_255 : vector<16xi32>
      %mul3A_257 = arith.constant 16 : i32
      %mul3A_258 = arith.muli %scan3A_227, %mul3A_257 : i32
      %get3A_259 = arith.constant 4 : i32
      %get3A_260 = arith.index_cast %get3A_259 : i32 to index
      %get3A_261 = arith.index_cast %mul3A_258 : i32 to index
      %get3A_262 = tpu.vector_load %arg11[%get3A_260, %get3A_261] {strides = array<i32>} : memref<16x256xi32, #tpu.memory_space<vmem>>, vector<16xi32>,
      %add3A_263 = arith.addi %add3A_256, %get3A_262 : vector<16xi32>
      %mul3A_264 = arith.constant 16 : i32
      %mul3A_265 = arith.muli %scan3A_227, %mul3A_264 : i32
      %get3A_266 = arith.constant 5 : i32
      %get3A_267 = arith.index_cast %get3A_266 : i32 to index
      %get3A_268 = arith.index_cast %mul3A_265 : i32 to index
      %get3A_269 = tpu.vector_load %arg11[%get3A_267, %get3A_268] {strides = array<i32>} : memref<16x256xi32, #tpu.memory_space<vmem>>, vector<16xi32>,
      %add3A_270 = arith.addi %add3A_263, %get3A_269 : vector<16xi32>
      %mul3A_271 = arith.constant 16 : i32
      %mul3A_272 = arith.muli %scan3A_227, %mul3A_271 : i32
      %get3A_273 = arith.constant 6 : i32
      %get3A_274 = arith.index_cast %get3A_273 : i32 to index
      %get3A_275 = arith.index_cast %mul3A_272 : i32 to index
      %get3A_276 = tpu.vector_load %arg11[%get3A_274, %get3A_275] {strides = array<i32>} : memref<16x256xi32, #tpu.memory_space<vmem>>, vector<16xi32>,
      %add3A_277 = arith.addi %add3A_270, %get3A_276 : vector<16xi32>
      %mul3A_278 = arith.constant 16 : i32
      %mul3A_279 = arith.muli %scan3A_227, %mul3A_278 : i32
      %get3A_280 = arith.constant 7 : i32
      %get3A_281 = arith.index_cast %get3A_280 : i32 to index
      %get3A_282 = arith.index_cast %mul3A_279 : i32 to index
      %get3A_283 = tpu.vector_load %arg11[%get3A_281, %get3A_282] {strides = array<i32>} : memref<16x256xi32, #tpu.memory_space<vmem>>, vector<16xi32>,
      %add3A_284 = arith.addi %add3A_277, %get3A_283 : vector<16xi32>
      %mul3A_285 = arith.constant 16 : i32
      %mul3A_286 = arith.muli %scan3A_227, %mul3A_285 : i32
      %get3A_287 = arith.constant 8 : i32
      %get3A_288 = arith.index_cast %get3A_287 : i32 to index
      %get3A_289 = arith.index_cast %mul3A_286 : i32 to index
      %get3A_290 = tpu.vector_load %arg11[%get3A_288, %get3A_289] {strides = array<i32>} : memref<16x256xi32, #tpu.memory_space<vmem>>, vector<16xi32>,
      %add3A_291 = arith.addi %add3A_284, %get3A_290 : vector<16xi32>
      %mul3A_292 = arith.constant 16 : i32
      %mul3A_293 = arith.muli %scan3A_227, %mul3A_292 : i32
      %get3A_294 = arith.constant 9 : i32
      %get3A_295 = arith.index_cast %get3A_294 : i32 to index
      %get3A_296 = arith.index_cast %mul3A_293 : i32 to index
      %get3A_297 = tpu.vector_load %arg11[%get3A_295, %get3A_296] {strides = array<i32>} : memref<16x256xi32, #tpu.memory_space<vmem>>, vector<16xi32>,
      %add3A_298 = arith.addi %add3A_291, %get3A_297 : vector<16xi32>
      %mul3A_299 = arith.constant 16 : i32
      %mul3A_300 = arith.muli %scan3A_227, %mul3A_299 : i32
      %get3A_301 = arith.constant 10 : i32
      %get3A_302 = arith.index_cast %get3A_301 : i32 to index
      %get3A_303 = arith.index_cast %mul3A_300 : i32 to index
      %get3A_304 = tpu.vector_load %arg11[%get3A_302, %get3A_303] {strides = array<i32>} : memref<16x256xi32, #tpu.memory_space<vmem>>, vector<16xi32>,
      %add3A_305 = arith.addi %add3A_298, %get3A_304 : vector<16xi32>
      %mul3A_306 = arith.constant 16 : i32
      %mul3A_307 = arith.muli %scan3A_227, %mul3A_306 : i32
      %get3A_308 = arith.constant 11 : i32
      %get3A_309 = arith.index_cast %get3A_308 : i32 to index
      %get3A_310 = arith.index_cast %mul3A_307 : i32 to index
      %get3A_311 = tpu.vector_load %arg11[%get3A_309, %get3A_310] {strides = array<i32>} : memref<16x256xi32, #tpu.memory_space<vmem>>, vector<16xi32>,
      %add3A_312 = arith.addi %add3A_305, %get3A_311 : vector<16xi32>
      %mul3A_313 = arith.constant 16 : i32
      %mul3A_314 = arith.muli %scan3A_227, %mul3A_313 : i32
      %get3A_315 = arith.constant 12 : i32
      %get3A_316 = arith.index_cast %get3A_315 : i32 to index
      %get3A_317 = arith.index_cast %mul3A_314 : i32 to index
      %get3A_318 = tpu.vector_load %arg11[%get3A_316, %get3A_317] {strides = array<i32>} : memref<16x256xi32, #tpu.memory_space<vmem>>, vector<16xi32>,
      %add3A_319 = arith.addi %add3A_312, %get3A_318 : vector<16xi32>
      %mul3A_320 = arith.constant 16 : i32
      %mul3A_321 = arith.muli %scan3A_227, %mul3A_320 : i32
      %get3A_322 = arith.constant 13 : i32
      %get3A_323 = arith.index_cast %get3A_322 : i32 to index
      %get3A_324 = arith.index_cast %mul3A_321 : i32 to index
      %get3A_325 = tpu.vector_load %arg11[%get3A_323, %get3A_324] {strides = array<i32>} : memref<16x256xi32, #tpu.memory_space<vmem>>, vector<16xi32>,
      %add3A_326 = arith.addi %add3A_319, %get3A_325 : vector<16xi32>
      %mul3A_327 = arith.constant 16 : i32
      %mul3A_328 = arith.muli %scan3A_227, %mul3A_327 : i32
      %get3A_329 = arith.constant 14 : i32
      %get3A_330 = arith.index_cast %get3A_329 : i32 to index
      %get3A_331 = arith.index_cast %mul3A_328 : i32 to index
      %get3A_332 = tpu.vector_load %arg11[%get3A_330, %get3A_331] {strides = array<i32>} : memref<16x256xi32, #tpu.memory_space<vmem>>, vector<16xi32>,
      %add3A_333 = arith.addi %add3A_326, %get3A_332 : vector<16xi32>
      %mul3A_334 = arith.constant 16 : i32
      %mul3A_335 = arith.muli %scan3A_227, %mul3A_334 : i32
      %get3A_336 = arith.constant 15 : i32
      %get3A_337 = arith.index_cast %get3A_336 : i32 to index
      %get3A_338 = arith.index_cast %mul3A_335 : i32 to index
      %get3A_339 = tpu.vector_load %arg11[%get3A_337, %get3A_338] {strides = array<i32>} : memref<16x256xi32, #tpu.memory_space<vmem>>, vector<16xi32>,
      %add3A_340 = arith.addi %add3A_333, %get3A_339 : vector<16xi32>
      %broadcast_in_dim3A_341 = arith.constant true
      %broadcast_in_dim3A_342 = vector.broadcast %broadcast_in_dim3A_341 : i1 to vector<16xi1>
      %masked_cumsum3A = tpu.scan <sum>, %add3A_340 masked %broadcast_in_dim3A_342 : vector<16xi32>, vector<16xi1> -> vector<16xi32>
      %add3A_343 = vector.broadcast %scan3A_230 : i32 to vector<16xi32>
      %add3A_344 = arith.addi %masked_cumsum3A, %add3A_343 : vector<16xi32>
      %le3A = vector.broadcast %sub3A_106 : i32 to vector<16xi32>
      %le3A_345 = arith.cmpi sle, %add3A_344, %le3A : vector<16xi32>
      %all_reduce_population_count3A = tpu.all_reduce %le3A_345 {dim = 0 : i64, kind = #tpu.reduction_kind<sum>} : vector<16xi1> -> vector<16xi32>
      %slice3A = vector.extract_strided_slice %all_reduce_population_count3A {offsets = [0], sizes = [1], strides = [1]} : vector<16xi32> to vector<1xi32>
      %squeeze3A = vector.extract %slice3A[0] : i32 from vector<1xi32>
      %add3A_346 = arith.addi %scan3A_228, %squeeze3A : i32
      %jit3A_347 = arith.constant 0 : i32
      %broadcast_in_dim3A_348 = vector.broadcast %jit3A_347 : i32 to vector<16xi32>
      %select_n3A_349 = arith.select %le3A_345, %add3A_340, %broadcast_in_dim3A_348 : vector<16xi1>, vector<16xi32>
      %reduce_sum3A_350 = arith.constant true
      %reduce_sum3A_351 = vector.broadcast %reduce_sum3A_350 : i1 to vector<16xi1>
      %reduce_sum3A_352 = tpu.scan <sum>, %select_n3A_349 masked %reduce_sum3A_351 : vector<16xi32>, vector<16xi1> -> vector<16xi32>
      %reduce_sum3A_353 = vector.extract %reduce_sum3A_352[15] : i32 from vector<16xi32>
      %add3A_354 = arith.addi %scan3A_229, %reduce_sum3A_353 : i32
      %slice3A_355 = vector.extract_strided_slice %add3A_344 {offsets = [15], sizes = [1], strides = [1]} : vector<16xi32> to vector<1xi32>
      %squeeze3A_356 = vector.extract %slice3A_355[0] : i32 from vector<1xi32>
      scf.yield %add3A_346, %add3A_354, %squeeze3A_356 : i32, i32, i32
    }
    %scan3A_140 = arith.constant 16 : i32
    %sub3A_141 = arith.subi %sub3A_106, %scan3A_139#1 : i32
    %while3A_142 = arith.constant 0 : i32
    %while3A_143 = arith.subi %reduce_max3A_127, %while3A_142 : i32
    %while3A_144 = arith.addi %while3A_142, %while3A_143 : i32
    %while3A_145 = arith.constant 1 : i32
    %while3A_146 = arith.divsi %while3A_143, %while3A_145 : i32
    %while3A_147 = arith.muli %while3A_146, %while3A_145 : i32
    %while3A_148 = arith.addi %while3A_142, %while3A_147 : i32
    %while3A_149 = arith.constant 1 : i32
    %while3A_150:2 = scf.for %while3A_227 = %while3A_142 to %while3A_148 step %while3A_149 iter_args(%while3A_228 = %while3A_119#1, %while3A_229 = %while3A_119#2) -> (vector<16xf32>, vector<16xf32>)  : i32 {
      %add3A_230 = vector.broadcast %while3A_227 : i32 to vector<16xi32>
      %add3A_231 = arith.addi %mul3A_68, %add3A_230 : vector<16xi32>
      %gather3A = tpu.vector_load_idx %arg4[%add3A_231] : memref<32768xf32, #tpu.memory_space<vmem>>[vector<16xi32>], vector<16xf32>,
      %bitcast3A = vector.bitcast %gather3A : vector<16xf32> to vector<16xi32>
      %shift_right_arithmetic3A = arith.constant 31 : i32
      %shift_right_arithmetic3A_232 = vector.broadcast %shift_right_arithmetic3A : i32 to vector<16xi32>
      %shift_right_arithmetic3A_233 = arith.shrsi %bitcast3A, %shift_right_arithmetic3A_232 : vector<16xi32>
      %or3A = arith.constant -2147483648 : i32
      %or3A_234 = vector.broadcast %or3A : i32 to vector<16xi32>
      %or3A_235 = arith.ori %shift_right_arithmetic3A_233, %or3A_234 : vector<16xi32>
      %xor3A = arith.xori %bitcast3A, %or3A_235 : vector<16xi32>
      %lt3A = vector.broadcast %while3A_227 : i32 to vector<16xi32>
      %lt3A_236 = arith.cmpi slt, %lt3A, %while3A_119#0 : vector<16xi32>
      %shift_right_logical3A = arith.constant 8 : i32
      %shift_right_logical3A_237 = vector.broadcast %shift_right_logical3A : i32 to vector<16xi32>
      %shift_right_logical3A_238 = arith.shrui %xor3A, %shift_right_logical3A_237 : vector<16xi32>
      %and3A = arith.constant 255 : i32
      %and3A_239 = vector.broadcast %and3A : i32 to vector<16xi32>
      %and3A_240 = arith.andi %shift_right_logical3A_238, %and3A_239 : vector<16xi32>
      %lt3A_241 = vector.broadcast %scan3A_139#0 : i32 to vector<16xi32>
      %lt3A_242 = arith.cmpi slt, %and3A_240, %lt3A_241 : vector<16xi32>
      %and3A_243 = arith.andi %lt3A_236, %lt3A_242 : vector<16xi1>
      %jit3A_244 = arith.constant 0.000000e+00 : f32
      %broadcast_in_dim3A_245 = vector.broadcast %jit3A_244 : f32 to vector<16xf32>
      %select_n3A_246 = arith.select %and3A_243, %gather3A, %broadcast_in_dim3A_245 : vector<16xi1>, vector<16xf32>
      %add3A_247 = arith.addf %while3A_228, %select_n3A_246 : vector<16xf32>
      %mul3A_248 = arith.mulf %gather3A, %gather3A : vector<16xf32>
      %jit3A_249 = arith.constant 0.000000e+00 : f32
      %broadcast_in_dim3A_250 = vector.broadcast %jit3A_249 : f32 to vector<16xf32>
      %select_n3A_251 = arith.select %and3A_243, %mul3A_248, %broadcast_in_dim3A_250 : vector<16xi1>, vector<16xf32>
      %add3A_252 = arith.addf %while3A_229, %select_n3A_251 : vector<16xf32>
      %eq3A_253 = vector.broadcast %scan3A_139#0 : i32 to vector<16xi32>
      %eq3A_254 = arith.cmpi eq, %and3A_240, %eq3A_253 : vector<16xi32>
      %and3A_255 = arith.andi %lt3A_236, %eq3A_254 : vector<16xi1>
      %and3A_256 = arith.constant 255 : i32
      %and3A_257 = vector.broadcast %and3A_256 : i32 to vector<16xi32>
      %and3A_258 = arith.andi %xor3A, %and3A_257 : vector<16xi32>
      %add3A_259 = arith.addi %mul3A_1, %and3A_258 : vector<16xi32>
      tpu.vector_store_idx %arg9[%add3A_259], %broadcast_in_dim3A_2 masked %and3A_255 {add = true} : memref<4224xi32, #tpu.memory_space<vmem>>[vector<16xi32>], vector<16xi32>, vector<16xi1>
      scf.yield %add3A_247, %add3A_252 : vector<16xf32>, vector<16xf32>
    }
    %while3A_151 = arith.constant 1 : i32
    %while3A_152:2 = scf.for %while3A_227 = %while3A_148 to %while3A_144 step %while3A_151 iter_args(%while3A_228 = %while3A_150#0, %while3A_229 = %while3A_150#1) -> (vector<16xf32>, vector<16xf32>)  : i32 {
      %add3A_230 = vector.broadcast %while3A_227 : i32 to vector<16xi32>
      %add3A_231 = arith.addi %mul3A_68, %add3A_230 : vector<16xi32>
      %gather3A = tpu.vector_load_idx %arg4[%add3A_231] : memref<32768xf32, #tpu.memory_space<vmem>>[vector<16xi32>], vector<16xf32>,
      %bitcast3A = vector.bitcast %gather3A : vector<16xf32> to vector<16xi32>
      %shift_right_arithmetic3A = arith.constant 31 : i32
      %shift_right_arithmetic3A_232 = vector.broadcast %shift_right_arithmetic3A : i32 to vector<16xi32>
      %shift_right_arithmetic3A_233 = arith.shrsi %bitcast3A, %shift_right_arithmetic3A_232 : vector<16xi32>
      %or3A = arith.constant -2147483648 : i32
      %or3A_234 = vector.broadcast %or3A : i32 to vector<16xi32>
      %or3A_235 = arith.ori %shift_right_arithmetic3A_233, %or3A_234 : vector<16xi32>
      %xor3A = arith.xori %bitcast3A, %or3A_235 : vector<16xi32>
      %lt3A = vector.broadcast %while3A_227 : i32 to vector<16xi32>
      %lt3A_236 = arith.cmpi slt, %lt3A, %while3A_119#0 : vector<16xi32>
      %shift_right_logical3A = arith.constant 8 : i32
      %shift_right_logical3A_237 = vector.broadcast %shift_right_logical3A : i32 to vector<16xi32>
      %shift_right_logical3A_238 = arith.shrui %xor3A, %shift_right_logical3A_237 : vector<16xi32>
      %and3A = arith.constant 255 : i32
      %and3A_239 = vector.broadcast %and3A : i32 to vector<16xi32>
      %and3A_240 = arith.andi %shift_right_logical3A_238, %and3A_239 : vector<16xi32>
      %lt3A_241 = vector.broadcast %scan3A_139#0 : i32 to vector<16xi32>
      %lt3A_242 = arith.cmpi slt, %and3A_240, %lt3A_241 : vector<16xi32>
      %and3A_243 = arith.andi %lt3A_236, %lt3A_242 : vector<16xi1>
      %jit3A_244 = arith.constant 0.000000e+00 : f32
      %broadcast_in_dim3A_245 = vector.broadcast %jit3A_244 : f32 to vector<16xf32>
      %select_n3A_246 = arith.select %and3A_243, %gather3A, %broadcast_in_dim3A_245 : vector<16xi1>, vector<16xf32>
      %add3A_247 = arith.addf %while3A_228, %select_n3A_246 : vector<16xf32>
      %mul3A_248 = arith.mulf %gather3A, %gather3A : vector<16xf32>
      %jit3A_249 = arith.constant 0.000000e+00 : f32
      %broadcast_in_dim3A_250 = vector.broadcast %jit3A_249 : f32 to vector<16xf32>
      %select_n3A_251 = arith.select %and3A_243, %mul3A_248, %broadcast_in_dim3A_250 : vector<16xi1>, vector<16xf32>
      %add3A_252 = arith.addf %while3A_229, %select_n3A_251 : vector<16xf32>
      %eq3A_253 = vector.broadcast %scan3A_139#0 : i32 to vector<16xi32>
      %eq3A_254 = arith.cmpi eq, %and3A_240, %eq3A_253 : vector<16xi32>
      %and3A_255 = arith.andi %lt3A_236, %eq3A_254 : vector<16xi1>
      %and3A_256 = arith.constant 255 : i32
      %and3A_257 = vector.broadcast %and3A_256 : i32 to vector<16xi32>
      %and3A_258 = arith.andi %xor3A, %and3A_257 : vector<16xi32>
      %add3A_259 = arith.addi %mul3A_1, %and3A_258 : vector<16xi32>
      tpu.vector_store_idx %arg9[%add3A_259], %broadcast_in_dim3A_2 masked %and3A_255 {add = true} : memref<4224xi32, #tpu.memory_space<vmem>>[vector<16xi32>], vector<16xi32>, vector<16xi1>
      scf.yield %add3A_247, %add3A_252 : vector<16xf32>, vector<16xf32>
    }
    %parallel_loop3A_153 = arith.constant 0 : i32
    %parallel_loop3A_154 = arith.constant 16 : i32
    %parallel_loop3A_155 = arith.constant 1 : i32
    scf.for %parallel_loop3A_227 = %parallel_loop3A_153 to %parallel_loop3A_154 step %parallel_loop3A_155  : i32 {
      %parallel_loop3A_228 = arith.constant 16 : i32
      %parallel_loop3A_229 = arith.muli %parallel_loop3A_227, %parallel_loop3A_228 : i32
      %parallel_loop3A_230 = arith.index_cast %parallel_loop3A_229 : i32 to index
      %parallel_loop3A_231 = tpu.vector_load %arg9[%parallel_loop3A_230] {strides = array<i32>} : memref<4224xi32, #tpu.memory_space<vmem>>, vector<16xi32>,
      %parallel_loop3A_232 = arith.constant 16 : i32
      %parallel_loop3A_233 = arith.muli %parallel_loop3A_227, %parallel_loop3A_232 : i32
      %parallel_loop3A_234 = arith.constant 257 : i32
      %parallel_loop3A_235 = arith.addi %parallel_loop3A_234, %parallel_loop3A_233 : i32
      %parallel_loop3A_236 = arith.index_cast %parallel_loop3A_235 : i32 to index
      %parallel_loop3A_237 = tpu.vector_load %arg9[%parallel_loop3A_236] {strides = array<i32>} : memref<4224xi32, #tpu.memory_space<vmem>>, vector<16xi32>,
      %parallel_loop3A_238 = arith.addi %parallel_loop3A_231, %parallel_loop3A_237 : vector<16xi32>
      %parallel_loop3A_239 = arith.constant 16 : i32
      %parallel_loop3A_240 = arith.muli %parallel_loop3A_227, %parallel_loop3A_239 : i32
      %parallel_loop3A_241 = arith.constant 514 : i32
      %parallel_loop3A_242 = arith.addi %parallel_loop3A_241, %parallel_loop3A_240 : i32
      %parallel_loop3A_243 = arith.index_cast %parallel_loop3A_242 : i32 to index
      %parallel_loop3A_244 = tpu.vector_load %arg9[%parallel_loop3A_243] {strides = array<i32>} : memref<4224xi32, #tpu.memory_space<vmem>>, vector<16xi32>,
      %parallel_loop3A_245 = arith.addi %parallel_loop3A_238, %parallel_loop3A_244 : vector<16xi32>
      %parallel_loop3A_246 = arith.constant 16 : i32
      %parallel_loop3A_247 = arith.muli %parallel_loop3A_227, %parallel_loop3A_246 : i32
      %parallel_loop3A_248 = arith.constant 771 : i32
      %parallel_loop3A_249 = arith.addi %parallel_loop3A_248, %parallel_loop3A_247 : i32
      %parallel_loop3A_250 = arith.index_cast %parallel_loop3A_249 : i32 to index
      %parallel_loop3A_251 = tpu.vector_load %arg9[%parallel_loop3A_250] {strides = array<i32>} : memref<4224xi32, #tpu.memory_space<vmem>>, vector<16xi32>,
      %parallel_loop3A_252 = arith.addi %parallel_loop3A_245, %parallel_loop3A_251 : vector<16xi32>
      %parallel_loop3A_253 = arith.constant 16 : i32
      %parallel_loop3A_254 = arith.muli %parallel_loop3A_227, %parallel_loop3A_253 : i32
      %parallel_loop3A_255 = arith.constant 1028 : i32
      %parallel_loop3A_256 = arith.addi %parallel_loop3A_255, %parallel_loop3A_254 : i32
      %parallel_loop3A_257 = arith.index_cast %parallel_loop3A_256 : i32 to index
      %parallel_loop3A_258 = tpu.vector_load %arg9[%parallel_loop3A_257] {strides = array<i32>} : memref<4224xi32, #tpu.memory_space<vmem>>, vector<16xi32>,
      %parallel_loop3A_259 = arith.addi %parallel_loop3A_252, %parallel_loop3A_258 : vector<16xi32>
      %parallel_loop3A_260 = arith.constant 16 : i32
      %parallel_loop3A_261 = arith.muli %parallel_loop3A_227, %parallel_loop3A_260 : i32
      %parallel_loop3A_262 = arith.constant 1285 : i32
      %parallel_loop3A_263 = arith.addi %parallel_loop3A_262, %parallel_loop3A_261 : i32
      %parallel_loop3A_264 = arith.index_cast %parallel_loop3A_263 : i32 to index
      %parallel_loop3A_265 = tpu.vector_load %arg9[%parallel_loop3A_264] {strides = array<i32>} : memref<4224xi32, #tpu.memory_space<vmem>>, vector<16xi32>,
      %parallel_loop3A_266 = arith.addi %parallel_loop3A_259, %parallel_loop3A_265 : vector<16xi32>
      %parallel_loop3A_267 = arith.constant 16 : i32
      %parallel_loop3A_268 = arith.muli %parallel_loop3A_227, %parallel_loop3A_267 : i32
      %parallel_loop3A_269 = arith.constant 1542 : i32
      %parallel_loop3A_270 = arith.addi %parallel_loop3A_269, %parallel_loop3A_268 : i32
      %parallel_loop3A_271 = arith.index_cast %parallel_loop3A_270 : i32 to index
      %parallel_loop3A_272 = tpu.vector_load %arg9[%parallel_loop3A_271] {strides = array<i32>} : memref<4224xi32, #tpu.memory_space<vmem>>, vector<16xi32>,
      %parallel_loop3A_273 = arith.addi %parallel_loop3A_266, %parallel_loop3A_272 : vector<16xi32>
      %parallel_loop3A_274 = arith.constant 16 : i32
      %parallel_loop3A_275 = arith.muli %parallel_loop3A_227, %parallel_loop3A_274 : i32
      %parallel_loop3A_276 = arith.constant 1799 : i32
      %parallel_loop3A_277 = arith.addi %parallel_loop3A_276, %parallel_loop3A_275 : i32
      %parallel_loop3A_278 = arith.index_cast %parallel_loop3A_277 : i32 to index
      %parallel_loop3A_279 = tpu.vector_load %arg9[%parallel_loop3A_278] {strides = array<i32>} : memref<4224xi32, #tpu.memory_space<vmem>>, vector<16xi32>,
      %parallel_loop3A_280 = arith.addi %parallel_loop3A_273, %parallel_loop3A_279 : vector<16xi32>
      %parallel_loop3A_281 = arith.constant 16 : i32
      %parallel_loop3A_282 = arith.muli %parallel_loop3A_227, %parallel_loop3A_281 : i32
      %parallel_loop3A_283 = arith.constant 2056 : i32
      %parallel_loop3A_284 = arith.addi %parallel_loop3A_283, %parallel_loop3A_282 : i32
      %parallel_loop3A_285 = arith.index_cast %parallel_loop3A_284 : i32 to index
      %parallel_loop3A_286 = tpu.vector_load %arg9[%parallel_loop3A_285] {strides = array<i32>} : memref<4224xi32, #tpu.memory_space<vmem>>, vector<16xi32>,
      %parallel_loop3A_287 = arith.addi %parallel_loop3A_280, %parallel_loop3A_286 : vector<16xi32>
      %parallel_loop3A_288 = arith.constant 16 : i32
      %parallel_loop3A_289 = arith.muli %parallel_loop3A_227, %parallel_loop3A_288 : i32
      %parallel_loop3A_290 = arith.constant 2313 : i32
      %parallel_loop3A_291 = arith.addi %parallel_loop3A_290, %parallel_loop3A_289 : i32
      %parallel_loop3A_292 = arith.index_cast %parallel_loop3A_291 : i32 to index
      %parallel_loop3A_293 = tpu.vector_load %arg9[%parallel_loop3A_292] {strides = array<i32>} : memref<4224xi32, #tpu.memory_space<vmem>>, vector<16xi32>,
      %parallel_loop3A_294 = arith.addi %parallel_loop3A_287, %parallel_loop3A_293 : vector<16xi32>
      %parallel_loop3A_295 = arith.constant 16 : i32
      %parallel_loop3A_296 = arith.muli %parallel_loop3A_227, %parallel_loop3A_295 : i32
      %parallel_loop3A_297 = arith.constant 2570 : i32
      %parallel_loop3A_298 = arith.addi %parallel_loop3A_297, %parallel_loop3A_296 : i32
      %parallel_loop3A_299 = arith.index_cast %parallel_loop3A_298 : i32 to index
      %parallel_loop3A_300 = tpu.vector_load %arg9[%parallel_loop3A_299] {strides = array<i32>} : memref<4224xi32, #tpu.memory_space<vmem>>, vector<16xi32>,
      %parallel_loop3A_301 = arith.addi %parallel_loop3A_294, %parallel_loop3A_300 : vector<16xi32>
      %parallel_loop3A_302 = arith.constant 16 : i32
      %parallel_loop3A_303 = arith.muli %parallel_loop3A_227, %parallel_loop3A_302 : i32
      %parallel_loop3A_304 = arith.constant 2827 : i32
      %parallel_loop3A_305 = arith.addi %parallel_loop3A_304, %parallel_loop3A_303 : i32
      %parallel_loop3A_306 = arith.index_cast %parallel_loop3A_305 : i32 to index
      %parallel_loop3A_307 = tpu.vector_load %arg9[%parallel_loop3A_306] {strides = array<i32>} : memref<4224xi32, #tpu.memory_space<vmem>>, vector<16xi32>,
      %parallel_loop3A_308 = arith.addi %parallel_loop3A_301, %parallel_loop3A_307 : vector<16xi32>
      %parallel_loop3A_309 = arith.constant 16 : i32
      %parallel_loop3A_310 = arith.muli %parallel_loop3A_227, %parallel_loop3A_309 : i32
      %parallel_loop3A_311 = arith.constant 3084 : i32
      %parallel_loop3A_312 = arith.addi %parallel_loop3A_311, %parallel_loop3A_310 : i32
      %parallel_loop3A_313 = arith.index_cast %parallel_loop3A_312 : i32 to index
      %parallel_loop3A_314 = tpu.vector_load %arg9[%parallel_loop3A_313] {strides = array<i32>} : memref<4224xi32, #tpu.memory_space<vmem>>, vector<16xi32>,
      %parallel_loop3A_315 = arith.addi %parallel_loop3A_308, %parallel_loop3A_314 : vector<16xi32>
      %parallel_loop3A_316 = arith.constant 16 : i32
      %parallel_loop3A_317 = arith.muli %parallel_loop3A_227, %parallel_loop3A_316 : i32
      %parallel_loop3A_318 = arith.constant 3341 : i32
      %parallel_loop3A_319 = arith.addi %parallel_loop3A_318, %parallel_loop3A_317 : i32
      %parallel_loop3A_320 = arith.index_cast %parallel_loop3A_319 : i32 to index
      %parallel_loop3A_321 = tpu.vector_load %arg9[%parallel_loop3A_320] {strides = array<i32>} : memref<4224xi32, #tpu.memory_space<vmem>>, vector<16xi32>,
      %parallel_loop3A_322 = arith.addi %parallel_loop3A_315, %parallel_loop3A_321 : vector<16xi32>
      %parallel_loop3A_323 = arith.constant 16 : i32
      %parallel_loop3A_324 = arith.muli %parallel_loop3A_227, %parallel_loop3A_323 : i32
      %parallel_loop3A_325 = arith.constant 3598 : i32
      %parallel_loop3A_326 = arith.addi %parallel_loop3A_325, %parallel_loop3A_324 : i32
      %parallel_loop3A_327 = arith.index_cast %parallel_loop3A_326 : i32 to index
      %parallel_loop3A_328 = tpu.vector_load %arg9[%parallel_loop3A_327] {strides = array<i32>} : memref<4224xi32, #tpu.memory_space<vmem>>, vector<16xi32>,
      %parallel_loop3A_329 = arith.addi %parallel_loop3A_322, %parallel_loop3A_328 : vector<16xi32>
      %parallel_loop3A_330 = arith.constant 16 : i32
      %parallel_loop3A_331 = arith.muli %parallel_loop3A_227, %parallel_loop3A_330 : i32
      %parallel_loop3A_332 = arith.constant 3855 : i32
      %parallel_loop3A_333 = arith.addi %parallel_loop3A_332, %parallel_loop3A_331 : i32
      %parallel_loop3A_334 = arith.index_cast %parallel_loop3A_333 : i32 to index
      %parallel_loop3A_335 = tpu.vector_load %arg9[%parallel_loop3A_334] {strides = array<i32>} : memref<4224xi32, #tpu.memory_space<vmem>>, vector<16xi32>,
      %parallel_loop3A_336 = arith.addi %parallel_loop3A_329, %parallel_loop3A_335 : vector<16xi32>
      %parallel_loop3A_337 = arith.constant 16 : i32
      %parallel_loop3A_338 = arith.muli %parallel_loop3A_227, %parallel_loop3A_337 : i32
      %parallel_loop3A_339 = arith.index_cast %parallel_loop3A_338 : i32 to index
      %parallel_loop3A_340 = tpu.vector_load %arg10[%parallel_loop3A_339] {strides = array<i32>} : memref<256xi32, #tpu.memory_space<vmem>>, vector<16xi32>,
      tpu.vector_store %arg10[%parallel_loop3A_339], %parallel_loop3A_336 {strides = array<i32>} : memref<256xi32, #tpu.memory_space<vmem>>, vector<16xi32>,
    } {sc.loop_unroll_factor = 4 : i64, sc.parallel_access}
    "tpu.region"() ({
      %run_scoped3A = tpu.sem_alloc : memref<!tpu.dma_semaphore, #tpu.memory_space<semaphore_mem>>
      %dma_start3A_227 = arith.constant 0 : i32
      %dma_start3A_228 = tpu.memref_slice %arg12[%arg1, %dma_start3A_227] : memref<16x256xi32, #tpu.memory_space<vmem_shared>> -> memref<1x256xi32, #tpu.memory_space<vmem_shared>>
      %dma_start3A_229 = tpu.memref_squeeze %dma_start3A_228 : memref<1x256xi32, #tpu.memory_space<vmem_shared>> -> memref<256xi32, #tpu.memory_space<vmem_shared>>
      %dma_start3A_230 = arith.constant 0 : i32
      %dma_start3A_231 = tpu.memref_slice %arg12[%arg1, %dma_start3A_230] : memref<16x256xi32, #tpu.memory_space<vmem_shared>> -> memref<1x256xi32, #tpu.memory_space<vmem_shared>>
      %dma_start3A_232 = tpu.memref_squeeze %dma_start3A_231 : memref<1x256xi32, #tpu.memory_space<vmem_shared>> -> memref<256xi32, #tpu.memory_space<vmem_shared>>
      tpu.enqueue_dma source(%arg10 : memref<256xi32, #tpu.memory_space<vmem>>) target(%dma_start3A_232 : memref<256xi32, #tpu.memory_space<vmem_shared>>) target_semaphore(%run_scoped3A : memref<!tpu.dma_semaphore, #tpu.memory_space<semaphore_mem>>)
      %dma_wait3A_233 = arith.constant 0 : i32
      %dma_wait3A_234 = tpu.memref_slice %arg12[%arg1, %dma_wait3A_233] : memref<16x256xi32, #tpu.memory_space<vmem_shared>> -> memref<1x256xi32, #tpu.memory_space<vmem_shared>>
      %dma_wait3A_235 = tpu.memref_squeeze %dma_wait3A_234 : memref<1x256xi32, #tpu.memory_space<vmem_shared>> -> memref<256xi32, #tpu.memory_space<vmem_shared>>
      %dma_wait3A_236 = arith.constant 0 : i32
      %dma_wait3A_237 = tpu.memref_slice %arg12[%arg1, %dma_wait3A_236] : memref<16x256xi32, #tpu.memory_space<vmem_shared>> -> memref<1x256xi32, #tpu.memory_space<vmem_shared>>
      %dma_wait3A_238 = tpu.memref_squeeze %dma_wait3A_237 : memref<1x256xi32, #tpu.memory_space<vmem_shared>> -> memref<256xi32, #tpu.memory_space<vmem_shared>>
      tpu.wait_dma2 semaphore(%run_scoped3A : memref<!tpu.dma_semaphore, #tpu.memory_space<semaphore_mem>>) src(%arg10 : memref<256xi32, #tpu.memory_space<vmem>>) dst(%dma_wait3A_238 : memref<256xi32, #tpu.memory_space<vmem_shared>>)
      tpu.yield
    }) : () -> ()
    %barrier3A_156 = arith.constant 0 : index
    tpu.barrier barrier_id(%barrier3A_156)
    "tpu.region"() ({
      %run_scoped3A = tpu.sem_alloc : memref<!tpu.dma_semaphore, #tpu.memory_space<semaphore_mem>>
      tpu.enqueue_dma source(%arg12 : memref<16x256xi32, #tpu.memory_space<vmem_shared>>) target(%arg11 : memref<16x256xi32, #tpu.memory_space<vmem>>) target_semaphore(%run_scoped3A : memref<!tpu.dma_semaphore, #tpu.memory_space<semaphore_mem>>)
      tpu.wait_dma2 semaphore(%run_scoped3A : memref<!tpu.dma_semaphore, #tpu.memory_space<semaphore_mem>>) src(%arg12 : memref<16x256xi32, #tpu.memory_space<vmem_shared>>) dst(%arg11 : memref<16x256xi32, #tpu.memory_space<vmem>>)
      tpu.yield
    }) : () -> ()
    %scan3A_157 = arith.constant 0 : i32
    %scan3A_158 = arith.constant 0 : i32
    %scan3A_159 = arith.constant 0 : i32
    %scan3A_160 = arith.constant 0 : i32
    %scan3A_161 = arith.constant 16 : i32
    %scan3A_162 = arith.addi %scan3A_160, %scan3A_161 : i32
    %scan3A_163 = arith.constant 1 : i32
    %scan3A_164:3 = scf.for %scan3A_227 = %scan3A_160 to %scan3A_162 step %scan3A_163 iter_args(%scan3A_228 = %scan3A_157, %scan3A_229 = %scan3A_158, %scan3A_230 = %scan3A_159) -> (i32, i32, i32)  : i32 {
      %mul3A_231 = arith.constant 16 : i32
      %mul3A_232 = arith.muli %scan3A_227, %mul3A_231 : i32
      %get3A = arith.constant 0 : i32
      %get3A_233 = arith.index_cast %get3A : i32 to index
      %get3A_234 = arith.index_cast %mul3A_232 : i32 to index
      %get3A_235 = tpu.vector_load %arg11[%get3A_233, %get3A_234] {strides = array<i32>} : memref<16x256xi32, #tpu.memory_space<vmem>>, vector<16xi32>,
      %mul3A_236 = arith.constant 16 : i32
      %mul3A_237 = arith.muli %scan3A_227, %mul3A_236 : i32
      %get3A_238 = arith.constant 1 : i32
      %get3A_239 = arith.index_cast %get3A_238 : i32 to index
      %get3A_240 = arith.index_cast %mul3A_237 : i32 to index
      %get3A_241 = tpu.vector_load %arg11[%get3A_239, %get3A_240] {strides = array<i32>} : memref<16x256xi32, #tpu.memory_space<vmem>>, vector<16xi32>,
      %add3A_242 = arith.addi %get3A_235, %get3A_241 : vector<16xi32>
      %mul3A_243 = arith.constant 16 : i32
      %mul3A_244 = arith.muli %scan3A_227, %mul3A_243 : i32
      %get3A_245 = arith.constant 2 : i32
      %get3A_246 = arith.index_cast %get3A_245 : i32 to index
      %get3A_247 = arith.index_cast %mul3A_244 : i32 to index
      %get3A_248 = tpu.vector_load %arg11[%get3A_246, %get3A_247] {strides = array<i32>} : memref<16x256xi32, #tpu.memory_space<vmem>>, vector<16xi32>,
      %add3A_249 = arith.addi %add3A_242, %get3A_248 : vector<16xi32>
      %mul3A_250 = arith.constant 16 : i32
      %mul3A_251 = arith.muli %scan3A_227, %mul3A_250 : i32
      %get3A_252 = arith.constant 3 : i32
      %get3A_253 = arith.index_cast %get3A_252 : i32 to index
      %get3A_254 = arith.index_cast %mul3A_251 : i32 to index
      %get3A_255 = tpu.vector_load %arg11[%get3A_253, %get3A_254] {strides = array<i32>} : memref<16x256xi32, #tpu.memory_space<vmem>>, vector<16xi32>,
      %add3A_256 = arith.addi %add3A_249, %get3A_255 : vector<16xi32>
      %mul3A_257 = arith.constant 16 : i32
      %mul3A_258 = arith.muli %scan3A_227, %mul3A_257 : i32
      %get3A_259 = arith.constant 4 : i32
      %get3A_260 = arith.index_cast %get3A_259 : i32 to index
      %get3A_261 = arith.index_cast %mul3A_258 : i32 to index
      %get3A_262 = tpu.vector_load %arg11[%get3A_260, %get3A_261] {strides = array<i32>} : memref<16x256xi32, #tpu.memory_space<vmem>>, vector<16xi32>,
      %add3A_263 = arith.addi %add3A_256, %get3A_262 : vector<16xi32>
      %mul3A_264 = arith.constant 16 : i32
      %mul3A_265 = arith.muli %scan3A_227, %mul3A_264 : i32
      %get3A_266 = arith.constant 5 : i32
      %get3A_267 = arith.index_cast %get3A_266 : i32 to index
      %get3A_268 = arith.index_cast %mul3A_265 : i32 to index
      %get3A_269 = tpu.vector_load %arg11[%get3A_267, %get3A_268] {strides = array<i32>} : memref<16x256xi32, #tpu.memory_space<vmem>>, vector<16xi32>,
      %add3A_270 = arith.addi %add3A_263, %get3A_269 : vector<16xi32>
      %mul3A_271 = arith.constant 16 : i32
      %mul3A_272 = arith.muli %scan3A_227, %mul3A_271 : i32
      %get3A_273 = arith.constant 6 : i32
      %get3A_274 = arith.index_cast %get3A_273 : i32 to index
      %get3A_275 = arith.index_cast %mul3A_272 : i32 to index
      %get3A_276 = tpu.vector_load %arg11[%get3A_274, %get3A_275] {strides = array<i32>} : memref<16x256xi32, #tpu.memory_space<vmem>>, vector<16xi32>,
      %add3A_277 = arith.addi %add3A_270, %get3A_276 : vector<16xi32>
      %mul3A_278 = arith.constant 16 : i32
      %mul3A_279 = arith.muli %scan3A_227, %mul3A_278 : i32
      %get3A_280 = arith.constant 7 : i32
      %get3A_281 = arith.index_cast %get3A_280 : i32 to index
      %get3A_282 = arith.index_cast %mul3A_279 : i32 to index
      %get3A_283 = tpu.vector_load %arg11[%get3A_281, %get3A_282] {strides = array<i32>} : memref<16x256xi32, #tpu.memory_space<vmem>>, vector<16xi32>,
      %add3A_284 = arith.addi %add3A_277, %get3A_283 : vector<16xi32>
      %mul3A_285 = arith.constant 16 : i32
      %mul3A_286 = arith.muli %scan3A_227, %mul3A_285 : i32
      %get3A_287 = arith.constant 8 : i32
      %get3A_288 = arith.index_cast %get3A_287 : i32 to index
      %get3A_289 = arith.index_cast %mul3A_286 : i32 to index
      %get3A_290 = tpu.vector_load %arg11[%get3A_288, %get3A_289] {strides = array<i32>} : memref<16x256xi32, #tpu.memory_space<vmem>>, vector<16xi32>,
      %add3A_291 = arith.addi %add3A_284, %get3A_290 : vector<16xi32>
      %mul3A_292 = arith.constant 16 : i32
      %mul3A_293 = arith.muli %scan3A_227, %mul3A_292 : i32
      %get3A_294 = arith.constant 9 : i32
      %get3A_295 = arith.index_cast %get3A_294 : i32 to index
      %get3A_296 = arith.index_cast %mul3A_293 : i32 to index
      %get3A_297 = tpu.vector_load %arg11[%get3A_295, %get3A_296] {strides = array<i32>} : memref<16x256xi32, #tpu.memory_space<vmem>>, vector<16xi32>,
      %add3A_298 = arith.addi %add3A_291, %get3A_297 : vector<16xi32>
      %mul3A_299 = arith.constant 16 : i32
      %mul3A_300 = arith.muli %scan3A_227, %mul3A_299 : i32
      %get3A_301 = arith.constant 10 : i32
      %get3A_302 = arith.index_cast %get3A_301 : i32 to index
      %get3A_303 = arith.index_cast %mul3A_300 : i32 to index
      %get3A_304 = tpu.vector_load %arg11[%get3A_302, %get3A_303] {strides = array<i32>} : memref<16x256xi32, #tpu.memory_space<vmem>>, vector<16xi32>,
      %add3A_305 = arith.addi %add3A_298, %get3A_304 : vector<16xi32>
      %mul3A_306 = arith.constant 16 : i32
      %mul3A_307 = arith.muli %scan3A_227, %mul3A_306 : i32
      %get3A_308 = arith.constant 11 : i32
      %get3A_309 = arith.index_cast %get3A_308 : i32 to index
      %get3A_310 = arith.index_cast %mul3A_307 : i32 to index
      %get3A_311 = tpu.vector_load %arg11[%get3A_309, %get3A_310] {strides = array<i32>} : memref<16x256xi32, #tpu.memory_space<vmem>>, vector<16xi32>,
      %add3A_312 = arith.addi %add3A_305, %get3A_311 : vector<16xi32>
      %mul3A_313 = arith.constant 16 : i32
      %mul3A_314 = arith.muli %scan3A_227, %mul3A_313 : i32
      %get3A_315 = arith.constant 12 : i32
      %get3A_316 = arith.index_cast %get3A_315 : i32 to index
      %get3A_317 = arith.index_cast %mul3A_314 : i32 to index
      %get3A_318 = tpu.vector_load %arg11[%get3A_316, %get3A_317] {strides = array<i32>} : memref<16x256xi32, #tpu.memory_space<vmem>>, vector<16xi32>,
      %add3A_319 = arith.addi %add3A_312, %get3A_318 : vector<16xi32>
      %mul3A_320 = arith.constant 16 : i32
      %mul3A_321 = arith.muli %scan3A_227, %mul3A_320 : i32
      %get3A_322 = arith.constant 13 : i32
      %get3A_323 = arith.index_cast %get3A_322 : i32 to index
      %get3A_324 = arith.index_cast %mul3A_321 : i32 to index
      %get3A_325 = tpu.vector_load %arg11[%get3A_323, %get3A_324] {strides = array<i32>} : memref<16x256xi32, #tpu.memory_space<vmem>>, vector<16xi32>,
      %add3A_326 = arith.addi %add3A_319, %get3A_325 : vector<16xi32>
      %mul3A_327 = arith.constant 16 : i32
      %mul3A_328 = arith.muli %scan3A_227, %mul3A_327 : i32
      %get3A_329 = arith.constant 14 : i32
      %get3A_330 = arith.index_cast %get3A_329 : i32 to index
      %get3A_331 = arith.index_cast %mul3A_328 : i32 to index
      %get3A_332 = tpu.vector_load %arg11[%get3A_330, %get3A_331] {strides = array<i32>} : memref<16x256xi32, #tpu.memory_space<vmem>>, vector<16xi32>,
      %add3A_333 = arith.addi %add3A_326, %get3A_332 : vector<16xi32>
      %mul3A_334 = arith.constant 16 : i32
      %mul3A_335 = arith.muli %scan3A_227, %mul3A_334 : i32
      %get3A_336 = arith.constant 15 : i32
      %get3A_337 = arith.index_cast %get3A_336 : i32 to index
      %get3A_338 = arith.index_cast %mul3A_335 : i32 to index
      %get3A_339 = tpu.vector_load %arg11[%get3A_337, %get3A_338] {strides = array<i32>} : memref<16x256xi32, #tpu.memory_space<vmem>>, vector<16xi32>,
      %add3A_340 = arith.addi %add3A_333, %get3A_339 : vector<16xi32>
      %broadcast_in_dim3A_341 = arith.constant true
      %broadcast_in_dim3A_342 = vector.broadcast %broadcast_in_dim3A_341 : i1 to vector<16xi1>
      %masked_cumsum3A = tpu.scan <sum>, %add3A_340 masked %broadcast_in_dim3A_342 : vector<16xi32>, vector<16xi1> -> vector<16xi32>
      %add3A_343 = vector.broadcast %scan3A_230 : i32 to vector<16xi32>
      %add3A_344 = arith.addi %masked_cumsum3A, %add3A_343 : vector<16xi32>
      %le3A = vector.broadcast %sub3A_141 : i32 to vector<16xi32>
      %le3A_345 = arith.cmpi sle, %add3A_344, %le3A : vector<16xi32>
      %all_reduce_population_count3A = tpu.all_reduce %le3A_345 {dim = 0 : i64, kind = #tpu.reduction_kind<sum>} : vector<16xi1> -> vector<16xi32>
      %slice3A = vector.extract_strided_slice %all_reduce_population_count3A {offsets = [0], sizes = [1], strides = [1]} : vector<16xi32> to vector<1xi32>
      %squeeze3A = vector.extract %slice3A[0] : i32 from vector<1xi32>
      %add3A_346 = arith.addi %scan3A_228, %squeeze3A : i32
      %jit3A_347 = arith.constant 0 : i32
      %broadcast_in_dim3A_348 = vector.broadcast %jit3A_347 : i32 to vector<16xi32>
      %select_n3A_349 = arith.select %le3A_345, %add3A_340, %broadcast_in_dim3A_348 : vector<16xi1>, vector<16xi32>
      %reduce_sum3A_350 = arith.constant true
      %reduce_sum3A_351 = vector.broadcast %reduce_sum3A_350 : i1 to vector<16xi1>
      %reduce_sum3A_352 = tpu.scan <sum>, %select_n3A_349 masked %reduce_sum3A_351 : vector<16xi32>, vector<16xi1> -> vector<16xi32>
      %reduce_sum3A_353 = vector.extract %reduce_sum3A_352[15] : i32 from vector<16xi32>
      %add3A_354 = arith.addi %scan3A_229, %reduce_sum3A_353 : i32
      %slice3A_355 = vector.extract_strided_slice %add3A_344 {offsets = [15], sizes = [1], strides = [1]} : vector<16xi32> to vector<1xi32>
      %squeeze3A_356 = vector.extract %slice3A_355[0] : i32 from vector<1xi32>
      scf.yield %add3A_346, %add3A_354, %squeeze3A_356 : i32, i32, i32
    }
    %scan3A_165 = arith.constant 16 : i32
    %sub3A_166 = arith.subi %sub3A_141, %scan3A_164#1 : i32
    %while3A_167 = arith.constant 0 : i32
    %while3A_168 = arith.subi %reduce_max3A_127, %while3A_167 : i32
    %while3A_169 = arith.addi %while3A_167, %while3A_168 : i32
    %while3A_170 = arith.constant 1 : i32
    %while3A_171 = arith.divsi %while3A_168, %while3A_170 : i32
    %while3A_172 = arith.muli %while3A_171, %while3A_170 : i32
    %while3A_173 = arith.addi %while3A_167, %while3A_172 : i32
    %while3A_174 = arith.constant 1 : i32
    %while3A_175:2 = scf.for %while3A_227 = %while3A_167 to %while3A_173 step %while3A_174 iter_args(%while3A_228 = %while3A_152#0, %while3A_229 = %while3A_152#1) -> (vector<16xf32>, vector<16xf32>)  : i32 {
      %add3A_230 = vector.broadcast %while3A_227 : i32 to vector<16xi32>
      %add3A_231 = arith.addi %mul3A_68, %add3A_230 : vector<16xi32>
      %gather3A = tpu.vector_load_idx %arg4[%add3A_231] : memref<32768xf32, #tpu.memory_space<vmem>>[vector<16xi32>], vector<16xf32>,
      %bitcast3A = vector.bitcast %gather3A : vector<16xf32> to vector<16xi32>
      %shift_right_arithmetic3A = arith.constant 31 : i32
      %shift_right_arithmetic3A_232 = vector.broadcast %shift_right_arithmetic3A : i32 to vector<16xi32>
      %shift_right_arithmetic3A_233 = arith.shrsi %bitcast3A, %shift_right_arithmetic3A_232 : vector<16xi32>
      %or3A = arith.constant -2147483648 : i32
      %or3A_234 = vector.broadcast %or3A : i32 to vector<16xi32>
      %or3A_235 = arith.ori %shift_right_arithmetic3A_233, %or3A_234 : vector<16xi32>
      %xor3A = arith.xori %bitcast3A, %or3A_235 : vector<16xi32>
      %lt3A = vector.broadcast %while3A_227 : i32 to vector<16xi32>
      %lt3A_236 = arith.cmpi slt, %lt3A, %while3A_119#0 : vector<16xi32>
      %shift_right_logical3A = arith.constant 8 : i32
      %shift_right_logical3A_237 = vector.broadcast %shift_right_logical3A : i32 to vector<16xi32>
      %shift_right_logical3A_238 = arith.shrui %xor3A, %shift_right_logical3A_237 : vector<16xi32>
      %and3A = arith.constant 255 : i32
      %and3A_239 = vector.broadcast %and3A : i32 to vector<16xi32>
      %and3A_240 = arith.andi %shift_right_logical3A_238, %and3A_239 : vector<16xi32>
      %and3A_241 = arith.constant 255 : i32
      %and3A_242 = vector.broadcast %and3A_241 : i32 to vector<16xi32>
      %and3A_243 = arith.andi %xor3A, %and3A_242 : vector<16xi32>
      %eq3A_244 = vector.broadcast %scan3A_139#0 : i32 to vector<16xi32>
      %eq3A_245 = arith.cmpi eq, %and3A_240, %eq3A_244 : vector<16xi32>
      %and3A_246 = arith.andi %lt3A_236, %eq3A_245 : vector<16xi1>
      %lt3A_247 = vector.broadcast %scan3A_164#0 : i32 to vector<16xi32>
      %lt3A_248 = arith.cmpi slt, %and3A_243, %lt3A_247 : vector<16xi32>
      %and3A_249 = arith.andi %and3A_246, %lt3A_248 : vector<16xi1>
      %jit3A_250 = arith.constant 0.000000e+00 : f32
      %broadcast_in_dim3A_251 = vector.broadcast %jit3A_250 : f32 to vector<16xf32>
      %select_n3A_252 = arith.select %and3A_249, %gather3A, %broadcast_in_dim3A_251 : vector<16xi1>, vector<16xf32>
      %add3A_253 = arith.addf %while3A_228, %select_n3A_252 : vector<16xf32>
      %mul3A_254 = arith.mulf %gather3A, %gather3A : vector<16xf32>
      %jit3A_255 = arith.constant 0.000000e+00 : f32
      %broadcast_in_dim3A_256 = vector.broadcast %jit3A_255 : f32 to vector<16xf32>
      %select_n3A_257 = arith.select %and3A_249, %mul3A_254, %broadcast_in_dim3A_256 : vector<16xi1>, vector<16xf32>
      %add3A_258 = arith.addf %while3A_229, %select_n3A_257 : vector<16xf32>
      scf.yield %add3A_253, %add3A_258 : vector<16xf32>, vector<16xf32>
    }
    %while3A_176 = arith.constant 1 : i32
    %while3A_177:2 = scf.for %while3A_227 = %while3A_173 to %while3A_169 step %while3A_176 iter_args(%while3A_228 = %while3A_175#0, %while3A_229 = %while3A_175#1) -> (vector<16xf32>, vector<16xf32>)  : i32 {
      %add3A_230 = vector.broadcast %while3A_227 : i32 to vector<16xi32>
      %add3A_231 = arith.addi %mul3A_68, %add3A_230 : vector<16xi32>
      %gather3A = tpu.vector_load_idx %arg4[%add3A_231] : memref<32768xf32, #tpu.memory_space<vmem>>[vector<16xi32>], vector<16xf32>,
      %bitcast3A = vector.bitcast %gather3A : vector<16xf32> to vector<16xi32>
      %shift_right_arithmetic3A = arith.constant 31 : i32
      %shift_right_arithmetic3A_232 = vector.broadcast %shift_right_arithmetic3A : i32 to vector<16xi32>
      %shift_right_arithmetic3A_233 = arith.shrsi %bitcast3A, %shift_right_arithmetic3A_232 : vector<16xi32>
      %or3A = arith.constant -2147483648 : i32
      %or3A_234 = vector.broadcast %or3A : i32 to vector<16xi32>
      %or3A_235 = arith.ori %shift_right_arithmetic3A_233, %or3A_234 : vector<16xi32>
      %xor3A = arith.xori %bitcast3A, %or3A_235 : vector<16xi32>
      %lt3A = vector.broadcast %while3A_227 : i32 to vector<16xi32>
      %lt3A_236 = arith.cmpi slt, %lt3A, %while3A_119#0 : vector<16xi32>
      %shift_right_logical3A = arith.constant 8 : i32
      %shift_right_logical3A_237 = vector.broadcast %shift_right_logical3A : i32 to vector<16xi32>
      %shift_right_logical3A_238 = arith.shrui %xor3A, %shift_right_logical3A_237 : vector<16xi32>
      %and3A = arith.constant 255 : i32
      %and3A_239 = vector.broadcast %and3A : i32 to vector<16xi32>
      %and3A_240 = arith.andi %shift_right_logical3A_238, %and3A_239 : vector<16xi32>
      %and3A_241 = arith.constant 255 : i32
      %and3A_242 = vector.broadcast %and3A_241 : i32 to vector<16xi32>
      %and3A_243 = arith.andi %xor3A, %and3A_242 : vector<16xi32>
      %eq3A_244 = vector.broadcast %scan3A_139#0 : i32 to vector<16xi32>
      %eq3A_245 = arith.cmpi eq, %and3A_240, %eq3A_244 : vector<16xi32>
      %and3A_246 = arith.andi %lt3A_236, %eq3A_245 : vector<16xi1>
      %lt3A_247 = vector.broadcast %scan3A_164#0 : i32 to vector<16xi32>
      %lt3A_248 = arith.cmpi slt, %and3A_243, %lt3A_247 : vector<16xi32>
      %and3A_249 = arith.andi %and3A_246, %lt3A_248 : vector<16xi1>
      %jit3A_250 = arith.constant 0.000000e+00 : f32
      %broadcast_in_dim3A_251 = vector.broadcast %jit3A_250 : f32 to vector<16xf32>
      %select_n3A_252 = arith.select %and3A_249, %gather3A, %broadcast_in_dim3A_251 : vector<16xi1>, vector<16xf32>
      %add3A_253 = arith.addf %while3A_228, %select_n3A_252 : vector<16xf32>
      %mul3A_254 = arith.mulf %gather3A, %gather3A : vector<16xf32>
      %jit3A_255 = arith.constant 0.000000e+00 : f32
      %broadcast_in_dim3A_256 = vector.broadcast %jit3A_255 : f32 to vector<16xf32>
      %select_n3A_257 = arith.select %and3A_249, %mul3A_254, %broadcast_in_dim3A_256 : vector<16xi1>, vector<16xf32>
      %add3A_258 = arith.addf %while3A_229, %select_n3A_257 : vector<16xf32>
      scf.yield %add3A_253, %add3A_258 : vector<16xf32>, vector<16xf32>
    }
    %eq3A = arith.constant 0 : i32
    %eq3A_178 = vector.broadcast %eq3A : i32 to vector<16xi32>
    %eq3A_179 = arith.cmpi eq, %iota3A, %eq3A_178 : vector<16xi32>
    %reduce_sum3A = arith.constant true
    %reduce_sum3A_180 = vector.broadcast %reduce_sum3A : i1 to vector<16xi1>
    %reduce_sum3A_181 = tpu.scan <sum>, %while3A_177#0 masked %reduce_sum3A_180 : vector<16xf32>, vector<16xi1> -> vector<16xf32>
    %reduce_sum3A_182 = vector.extract %reduce_sum3A_181[15] : f32 from vector<16xf32>
    %jit3A = arith.constant 0.000000e+00 : f32
    %broadcast_in_dim3A_183 = vector.broadcast %reduce_sum3A_182 : f32 to vector<16xf32>
    %broadcast_in_dim3A_184 = vector.broadcast %jit3A : f32 to vector<16xf32>
    %select_n3A = arith.select %eq3A_179, %broadcast_in_dim3A_183, %broadcast_in_dim3A_184 : vector<16xi1>, vector<16xf32>
    %eq3A_185 = arith.constant 1 : i32
    %eq3A_186 = vector.broadcast %eq3A_185 : i32 to vector<16xi32>
    %eq3A_187 = arith.cmpi eq, %iota3A, %eq3A_186 : vector<16xi32>
    %reduce_sum3A_188 = arith.constant true
    %reduce_sum3A_189 = vector.broadcast %reduce_sum3A_188 : i1 to vector<16xi1>
    %reduce_sum3A_190 = tpu.scan <sum>, %while3A_177#1 masked %reduce_sum3A_189 : vector<16xf32>, vector<16xi1> -> vector<16xf32>
    %reduce_sum3A_191 = vector.extract %reduce_sum3A_190[15] : f32 from vector<16xf32>
    %jit3A_192 = arith.constant 0.000000e+00 : f32
    %broadcast_in_dim3A_193 = vector.broadcast %reduce_sum3A_191 : f32 to vector<16xf32>
    %broadcast_in_dim3A_194 = vector.broadcast %jit3A_192 : f32 to vector<16xf32>
    %select_n3A_195 = arith.select %eq3A_187, %broadcast_in_dim3A_193, %broadcast_in_dim3A_194 : vector<16xi1>, vector<16xf32>
    %add3A_196 = arith.addf %select_n3A, %select_n3A_195 : vector<16xf32>
    %eq3A_197 = arith.constant 2 : i32
    %eq3A_198 = vector.broadcast %eq3A_197 : i32 to vector<16xi32>
    %eq3A_199 = arith.cmpi eq, %iota3A, %eq3A_198 : vector<16xi32>
    %reduce_sum3A_200 = arith.constant true
    %reduce_sum3A_201 = vector.broadcast %reduce_sum3A_200 : i1 to vector<16xi1>
    %reduce_sum3A_202 = tpu.scan <sum>, %parallel_loop3A_52#0 masked %reduce_sum3A_201 : vector<16xf32>, vector<16xi1> -> vector<16xf32>
    %reduce_sum3A_203 = vector.extract %reduce_sum3A_202[15] : f32 from vector<16xf32>
    %jit3A_204 = arith.constant 0.000000e+00 : f32
    %broadcast_in_dim3A_205 = vector.broadcast %reduce_sum3A_203 : f32 to vector<16xf32>
    %broadcast_in_dim3A_206 = vector.broadcast %jit3A_204 : f32 to vector<16xf32>
    %select_n3A_207 = arith.select %eq3A_199, %broadcast_in_dim3A_205, %broadcast_in_dim3A_206 : vector<16xi1>, vector<16xf32>
    %add3A_208 = arith.addf %add3A_196, %select_n3A_207 : vector<16xf32>
    %eq3A_209 = arith.constant 3 : i32
    %eq3A_210 = vector.broadcast %eq3A_209 : i32 to vector<16xi32>
    %eq3A_211 = arith.cmpi eq, %iota3A, %eq3A_210 : vector<16xi32>
    %reduce_sum3A_212 = arith.constant true
    %reduce_sum3A_213 = vector.broadcast %reduce_sum3A_212 : i1 to vector<16xi1>
    %reduce_sum3A_214 = tpu.scan <sum>, %parallel_loop3A_52#1 masked %reduce_sum3A_213 : vector<16xf32>, vector<16xi1> -> vector<16xf32>
    %reduce_sum3A_215 = vector.extract %reduce_sum3A_214[15] : f32 from vector<16xf32>
    %jit3A_216 = arith.constant 0.000000e+00 : f32
    %broadcast_in_dim3A_217 = vector.broadcast %reduce_sum3A_215 : f32 to vector<16xf32>
    %broadcast_in_dim3A_218 = vector.broadcast %jit3A_216 : f32 to vector<16xf32>
    %select_n3A_219 = arith.select %eq3A_211, %broadcast_in_dim3A_217, %broadcast_in_dim3A_218 : vector<16xi1>, vector<16xf32>
    %add3A_220 = arith.addf %add3A_208, %select_n3A_219 : vector<16xf32>
    %swap3A = arith.constant 0 : index
    %swap3A_221 = tpu.vector_load %arg14[%swap3A] {strides = array<i32>} : memref<16xf32, #tpu.memory_space<vmem>>, vector<16xf32>,
    tpu.vector_store %arg14[%swap3A], %add3A_220 {strides = array<i32>} : memref<16xf32, #tpu.memory_space<vmem>>, vector<16xf32>,
    %barrier3A_222 = arith.constant 0 : index
    tpu.barrier barrier_id(%barrier3A_222)
    "tpu.region"() ({
      %run_scoped3A = tpu.sem_alloc : memref<!tpu.dma_semaphore, #tpu.memory_space<semaphore_mem>>
      %dma_start3A_227 = arith.constant 0 : i32
      %dma_start3A_228 = tpu.memref_slice %arg13[%arg1, %dma_start3A_227] : memref<16x16xf32, #tpu.memory_space<vmem_shared>> -> memref<1x16xf32, #tpu.memory_space<vmem_shared>>
      %dma_start3A_229 = tpu.memref_squeeze %dma_start3A_228 : memref<1x16xf32, #tpu.memory_space<vmem_shared>> -> memref<16xf32, #tpu.memory_space<vmem_shared>>
      %dma_start3A_230 = arith.constant 0 : i32
      %dma_start3A_231 = tpu.memref_slice %arg13[%arg1, %dma_start3A_230] : memref<16x16xf32, #tpu.memory_space<vmem_shared>> -> memref<1x16xf32, #tpu.memory_space<vmem_shared>>
      %dma_start3A_232 = tpu.memref_squeeze %dma_start3A_231 : memref<1x16xf32, #tpu.memory_space<vmem_shared>> -> memref<16xf32, #tpu.memory_space<vmem_shared>>
      tpu.enqueue_dma source(%arg14 : memref<16xf32, #tpu.memory_space<vmem>>) target(%dma_start3A_232 : memref<16xf32, #tpu.memory_space<vmem_shared>>) target_semaphore(%run_scoped3A : memref<!tpu.dma_semaphore, #tpu.memory_space<semaphore_mem>>)
      %dma_wait3A_233 = arith.constant 0 : i32
      %dma_wait3A_234 = tpu.memref_slice %arg13[%arg1, %dma_wait3A_233] : memref<16x16xf32, #tpu.memory_space<vmem_shared>> -> memref<1x16xf32, #tpu.memory_space<vmem_shared>>
      %dma_wait3A_235 = tpu.memref_squeeze %dma_wait3A_234 : memref<1x16xf32, #tpu.memory_space<vmem_shared>> -> memref<16xf32, #tpu.memory_space<vmem_shared>>
      %dma_wait3A_236 = arith.constant 0 : i32
      %dma_wait3A_237 = tpu.memref_slice %arg13[%arg1, %dma_wait3A_236] : memref<16x16xf32, #tpu.memory_space<vmem_shared>> -> memref<1x16xf32, #tpu.memory_space<vmem_shared>>
      %dma_wait3A_238 = tpu.memref_squeeze %dma_wait3A_237 : memref<1x16xf32, #tpu.memory_space<vmem_shared>> -> memref<16xf32, #tpu.memory_space<vmem_shared>>
      tpu.wait_dma2 semaphore(%run_scoped3A : memref<!tpu.dma_semaphore, #tpu.memory_space<semaphore_mem>>) src(%arg14 : memref<16xf32, #tpu.memory_space<vmem>>) dst(%dma_wait3A_238 : memref<16xf32, #tpu.memory_space<vmem_shared>>)
      tpu.yield
    }) : () -> ()
    %barrier3A_223 = arith.constant 0 : index
    tpu.barrier barrier_id(%barrier3A_223)
    %eq3A_224 = arith.constant 0 : i32
    %eq3A_225 = arith.cmpi eq, %arg1, %eq3A_224 : i32
    %convert_element_type3A = arith.extui %eq3A_225 : i1 to i32
    %cond3A = arith.constant 0 : i32
    %cond3A_226 = arith.cmpi ne, %convert_element_type3A, %cond3A : i32
    scf.if %cond3A_226 {
      "tpu.region"() ({
        %run_scoped3A = tpu.sem_alloc : memref<!tpu.dma_semaphore, #tpu.memory_space<semaphore_mem>>
        tpu.enqueue_dma source(%arg13 : memref<16x16xf32, #tpu.memory_space<vmem_shared>>) target(%arg15 : memref<16x16xf32, #tpu.memory_space<vmem>>) target_semaphore(%run_scoped3A : memref<!tpu.dma_semaphore, #tpu.memory_space<semaphore_mem>>)
        tpu.wait_dma2 semaphore(%run_scoped3A : memref<!tpu.dma_semaphore, #tpu.memory_space<semaphore_mem>>) src(%arg13 : memref<16x16xf32, #tpu.memory_space<vmem_shared>>) dst(%arg15 : memref<16x16xf32, #tpu.memory_space<vmem>>)
        tpu.yield
      }) : () -> ()
      %get3A = arith.constant 0 : i32
      %get3A_227 = arith.index_cast %get3A : i32 to index
      %get3A_228 = arith.constant 0 : index
      %get3A_229 = tpu.vector_load %arg15[%get3A_227, %get3A_228] {strides = array<i32>} : memref<16x16xf32, #tpu.memory_space<vmem>>, vector<16xf32>,
      %get3A_230 = arith.constant 1 : i32
      %get3A_231 = arith.index_cast %get3A_230 : i32 to index
      %get3A_232 = arith.constant 0 : index
      %get3A_233 = tpu.vector_load %arg15[%get3A_231, %get3A_232] {strides = array<i32>} : memref<16x16xf32, #tpu.memory_space<vmem>>, vector<16xf32>,
      %add3A_234 = arith.addf %get3A_229, %get3A_233 : vector<16xf32>
      %get3A_235 = arith.constant 2 : i32
      %get3A_236 = arith.index_cast %get3A_235 : i32 to index
      %get3A_237 = arith.constant 0 : index
      %get3A_238 = tpu.vector_load %arg15[%get3A_236, %get3A_237] {strides = array<i32>} : memref<16x16xf32, #tpu.memory_space<vmem>>, vector<16xf32>,
      %add3A_239 = arith.addf %add3A_234, %get3A_238 : vector<16xf32>
      %get3A_240 = arith.constant 3 : i32
      %get3A_241 = arith.index_cast %get3A_240 : i32 to index
      %get3A_242 = arith.constant 0 : index
      %get3A_243 = tpu.vector_load %arg15[%get3A_241, %get3A_242] {strides = array<i32>} : memref<16x16xf32, #tpu.memory_space<vmem>>, vector<16xf32>,
      %add3A_244 = arith.addf %add3A_239, %get3A_243 : vector<16xf32>
      %get3A_245 = arith.constant 4 : i32
      %get3A_246 = arith.index_cast %get3A_245 : i32 to index
      %get3A_247 = arith.constant 0 : index
      %get3A_248 = tpu.vector_load %arg15[%get3A_246, %get3A_247] {strides = array<i32>} : memref<16x16xf32, #tpu.memory_space<vmem>>, vector<16xf32>,
      %add3A_249 = arith.addf %add3A_244, %get3A_248 : vector<16xf32>
      %get3A_250 = arith.constant 5 : i32
      %get3A_251 = arith.index_cast %get3A_250 : i32 to index
      %get3A_252 = arith.constant 0 : index
      %get3A_253 = tpu.vector_load %arg15[%get3A_251, %get3A_252] {strides = array<i32>} : memref<16x16xf32, #tpu.memory_space<vmem>>, vector<16xf32>,
      %add3A_254 = arith.addf %add3A_249, %get3A_253 : vector<16xf32>
      %get3A_255 = arith.constant 6 : i32
      %get3A_256 = arith.index_cast %get3A_255 : i32 to index
      %get3A_257 = arith.constant 0 : index
      %get3A_258 = tpu.vector_load %arg15[%get3A_256, %get3A_257] {strides = array<i32>} : memref<16x16xf32, #tpu.memory_space<vmem>>, vector<16xf32>,
      %add3A_259 = arith.addf %add3A_254, %get3A_258 : vector<16xf32>
      %get3A_260 = arith.constant 7 : i32
      %get3A_261 = arith.index_cast %get3A_260 : i32 to index
      %get3A_262 = arith.constant 0 : index
      %get3A_263 = tpu.vector_load %arg15[%get3A_261, %get3A_262] {strides = array<i32>} : memref<16x16xf32, #tpu.memory_space<vmem>>, vector<16xf32>,
      %add3A_264 = arith.addf %add3A_259, %get3A_263 : vector<16xf32>
      %get3A_265 = arith.constant 8 : i32
      %get3A_266 = arith.index_cast %get3A_265 : i32 to index
      %get3A_267 = arith.constant 0 : index
      %get3A_268 = tpu.vector_load %arg15[%get3A_266, %get3A_267] {strides = array<i32>} : memref<16x16xf32, #tpu.memory_space<vmem>>, vector<16xf32>,
      %add3A_269 = arith.addf %add3A_264, %get3A_268 : vector<16xf32>
      %get3A_270 = arith.constant 9 : i32
      %get3A_271 = arith.index_cast %get3A_270 : i32 to index
      %get3A_272 = arith.constant 0 : index
      %get3A_273 = tpu.vector_load %arg15[%get3A_271, %get3A_272] {strides = array<i32>} : memref<16x16xf32, #tpu.memory_space<vmem>>, vector<16xf32>,
      %add3A_274 = arith.addf %add3A_269, %get3A_273 : vector<16xf32>
      %get3A_275 = arith.constant 10 : i32
      %get3A_276 = arith.index_cast %get3A_275 : i32 to index
      %get3A_277 = arith.constant 0 : index
      %get3A_278 = tpu.vector_load %arg15[%get3A_276, %get3A_277] {strides = array<i32>} : memref<16x16xf32, #tpu.memory_space<vmem>>, vector<16xf32>,
      %add3A_279 = arith.addf %add3A_274, %get3A_278 : vector<16xf32>
      %get3A_280 = arith.constant 11 : i32
      %get3A_281 = arith.index_cast %get3A_280 : i32 to index
      %get3A_282 = arith.constant 0 : index
      %get3A_283 = tpu.vector_load %arg15[%get3A_281, %get3A_282] {strides = array<i32>} : memref<16x16xf32, #tpu.memory_space<vmem>>, vector<16xf32>,
      %add3A_284 = arith.addf %add3A_279, %get3A_283 : vector<16xf32>
      %get3A_285 = arith.constant 12 : i32
      %get3A_286 = arith.index_cast %get3A_285 : i32 to index
      %get3A_287 = arith.constant 0 : index
      %get3A_288 = tpu.vector_load %arg15[%get3A_286, %get3A_287] {strides = array<i32>} : memref<16x16xf32, #tpu.memory_space<vmem>>, vector<16xf32>,
      %add3A_289 = arith.addf %add3A_284, %get3A_288 : vector<16xf32>
      %get3A_290 = arith.constant 13 : i32
      %get3A_291 = arith.index_cast %get3A_290 : i32 to index
      %get3A_292 = arith.constant 0 : index
      %get3A_293 = tpu.vector_load %arg15[%get3A_291, %get3A_292] {strides = array<i32>} : memref<16x16xf32, #tpu.memory_space<vmem>>, vector<16xf32>,
      %add3A_294 = arith.addf %add3A_289, %get3A_293 : vector<16xf32>
      %get3A_295 = arith.constant 14 : i32
      %get3A_296 = arith.index_cast %get3A_295 : i32 to index
      %get3A_297 = arith.constant 0 : index
      %get3A_298 = tpu.vector_load %arg15[%get3A_296, %get3A_297] {strides = array<i32>} : memref<16x16xf32, #tpu.memory_space<vmem>>, vector<16xf32>,
      %add3A_299 = arith.addf %add3A_294, %get3A_298 : vector<16xf32>
      %get3A_300 = arith.constant 15 : i32
      %get3A_301 = arith.index_cast %get3A_300 : i32 to index
      %get3A_302 = arith.constant 0 : index
      %get3A_303 = tpu.vector_load %arg15[%get3A_301, %get3A_302] {strides = array<i32>} : memref<16x16xf32, #tpu.memory_space<vmem>>, vector<16xf32>,
      %add3A_304 = arith.addf %add3A_299, %get3A_303 : vector<16xf32>
      %mul3A_305 = arith.constant 256 : i32
      %mul3A_306 = arith.muli %scan3A_63#0, %mul3A_305 : i32
      %add3A_307 = arith.addi %mul3A_306, %scan3A_104#0 : i32
      %mul3A_308 = arith.constant 256 : i32
      %mul3A_309 = arith.muli %add3A_307, %mul3A_308 : i32
      %add3A_310 = arith.addi %mul3A_309, %scan3A_139#0 : i32
      %mul3A_311 = arith.constant 256 : i32
      %mul3A_312 = arith.muli %add3A_310, %mul3A_311 : i32
      %add3A_313 = arith.addi %mul3A_312, %scan3A_164#0 : i32
      %broadcast_in_dim3A_314 = arith.constant 0 : i32
      %broadcast_in_dim3A_315 = vector.broadcast %broadcast_in_dim3A_314 : i32 to vector<16xi32>
      %add3A_316 = vector.broadcast %add3A_313 : i32 to vector<16xi32>
      %add3A_317 = arith.addi %broadcast_in_dim3A_315, %add3A_316 : vector<16xi32>
      %lt3A = arith.constant 0 : i32
      %lt3A_318 = vector.broadcast %lt3A : i32 to vector<16xi32>
      %lt3A_319 = arith.cmpi slt, %add3A_317, %lt3A_318 : vector<16xi32>
      %xor3A = arith.constant -2147483648 : i32
      %xor3A_320 = vector.broadcast %xor3A : i32 to vector<16xi32>
      %xor3A_321 = arith.xori %add3A_317, %xor3A_320 : vector<16xi32>
      %not3A = arith.constant dense<-1> : vector<16xi32>
      %not3A_322 = arith.xori %add3A_317, %not3A : vector<16xi32>
      %select_n3A_323 = arith.select %lt3A_319, %xor3A_321, %not3A_322 : vector<16xi1>, vector<16xi32>
      %bitcast3A = vector.bitcast %select_n3A_323 : vector<16xi32> to vector<16xf32>
      %broadcast_in_dim3A_324 = arith.constant 1.000000e+00 : f32
      %broadcast_in_dim3A_325 = vector.broadcast %broadcast_in_dim3A_324 : f32 to vector<16xf32>
      %slice3A = vector.extract_strided_slice %add3A_304 {offsets = [0], sizes = [1], strides = [1]} : vector<16xf32> to vector<1xf32>
      %squeeze3A = vector.extract %slice3A[0] : f32 from vector<1xf32>
      %mul3A_326 = vector.broadcast %squeeze3A : f32 to vector<16xf32>
      %mul3A_327 = arith.mulf %broadcast_in_dim3A_325, %mul3A_326 : vector<16xf32>
      %slice3A_328 = vector.extract_strided_slice %add3A_304 {offsets = [1], sizes = [1], strides = [1]} : vector<16xf32> to vector<1xf32>
      %squeeze3A_329 = vector.extract %slice3A_328[0] : f32 from vector<1xf32>
      %mul3A_330 = vector.broadcast %squeeze3A_329 : f32 to vector<16xf32>
      %mul3A_331 = arith.mulf %broadcast_in_dim3A_325, %mul3A_330 : vector<16xf32>
      %slice3A_332 = vector.extract_strided_slice %add3A_304 {offsets = [2], sizes = [1], strides = [1]} : vector<16xf32> to vector<1xf32>
      %squeeze3A_333 = vector.extract %slice3A_332[0] : f32 from vector<1xf32>
      %mul3A_334 = vector.broadcast %squeeze3A_333 : f32 to vector<16xf32>
      %mul3A_335 = arith.mulf %broadcast_in_dim3A_325, %mul3A_334 : vector<16xf32>
      %slice3A_336 = vector.extract_strided_slice %add3A_304 {offsets = [3], sizes = [1], strides = [1]} : vector<16xf32> to vector<1xf32>
      %squeeze3A_337 = vector.extract %slice3A_336[0] : f32 from vector<1xf32>
      %mul3A_338 = vector.broadcast %squeeze3A_337 : f32 to vector<16xf32>
      %mul3A_339 = arith.mulf %broadcast_in_dim3A_325, %mul3A_338 : vector<16xf32>
      %sub3A_340 = arith.constant 262144 : i32
      %sub3A_341 = arith.subi %sub3A_340, %sub3A_166 : i32
      %convert_element_type3A_342 = arith.sitofp %sub3A_341 : i32 to f32
      %sub3A_343 = arith.constant 2.621440e+05 : f32
      %sub3A_344 = arith.subf %sub3A_343, %convert_element_type3A_342 : f32
      %mul3A_345 = vector.broadcast %sub3A_344 : f32 to vector<16xf32>
      %mul3A_346 = arith.mulf %mul3A_345, %bitcast3A : vector<16xf32>
      %add3A_347 = arith.addf %mul3A_327, %mul3A_346 : vector<16xf32>
      %mul3A_348 = vector.broadcast %sub3A_344 : f32 to vector<16xf32>
      %mul3A_349 = arith.mulf %mul3A_348, %bitcast3A : vector<16xf32>
      %mul3A_350 = arith.mulf %mul3A_349, %bitcast3A : vector<16xf32>
      %add3A_351 = arith.addf %mul3A_331, %mul3A_350 : vector<16xf32>
      %sub3A_352 = arith.subf %mul3A_335, %add3A_347 : vector<16xf32>
      %sub3A_353 = arith.subf %mul3A_339, %add3A_351 : vector<16xf32>
      %div3A = arith.constant 2.621440e+05 : f32
      %div3A_354 = vector.broadcast %div3A : f32 to vector<16xf32>
      %div3A_355 = arith.divf %add3A_347, %div3A_354 : vector<16xf32>
      %div3A_356 = arith.constant 2.621440e+05 : f32
      %div3A_357 = vector.broadcast %div3A_356 : f32 to vector<16xf32>
      %div3A_358 = arith.divf %sub3A_352, %div3A_357 : vector<16xf32>
      %mul3A_359 = arith.mulf %add3A_347, %div3A_355 : vector<16xf32>
      %sub3A_360 = arith.subf %add3A_351, %mul3A_359 : vector<16xf32>
      %sub3A_361 = arith.constant 2.621440e+05 : f32
      %sub3A_362 = arith.constant 1.000000e+00 : f32
      %sub3A_363 = arith.subf %sub3A_361, %sub3A_362 : f32
      %div3A_364 = vector.broadcast %sub3A_363 : f32 to vector<16xf32>
      %div3A_365 = arith.divf %sub3A_360, %div3A_364 : vector<16xf32>
      %mul3A_366 = arith.mulf %sub3A_352, %div3A_358 : vector<16xf32>
      %sub3A_367 = arith.subf %sub3A_353, %mul3A_366 : vector<16xf32>
      %sub3A_368 = arith.constant 2.621440e+05 : f32
      %sub3A_369 = arith.constant 1.000000e+00 : f32
      %sub3A_370 = arith.subf %sub3A_368, %sub3A_369 : f32
      %div3A_371 = vector.broadcast %sub3A_370 : f32 to vector<16xf32>
      %div3A_372 = arith.divf %sub3A_367, %div3A_371 : vector<16xf32>
      %bitcast3A_373 = vector.bitcast %div3A_365 : vector<16xf32> to vector<16xi32>
      %shift_right_arithmetic3A = arith.constant 1 : i32
      %shift_right_arithmetic3A_374 = vector.broadcast %shift_right_arithmetic3A : i32 to vector<16xi32>
      %shift_right_arithmetic3A_375 = arith.shrsi %bitcast3A_373, %shift_right_arithmetic3A_374 : vector<16xi32>
      %sub3A_376 = arith.constant 1597463007 : i32
      %sub3A_377 = vector.broadcast %sub3A_376 : i32 to vector<16xi32>
      %sub3A_378 = arith.subi %sub3A_377, %shift_right_arithmetic3A_375 : vector<16xi32>
      %bitcast3A_379 = vector.bitcast %sub3A_378 : vector<16xi32> to vector<16xf32>
      %mul3A_380 = arith.constant 5.000000e-01 : f32
      %mul3A_381 = vector.broadcast %mul3A_380 : f32 to vector<16xf32>
      %mul3A_382 = arith.mulf %mul3A_381, %div3A_365 : vector<16xf32>
      %mul3A_383 = arith.mulf %mul3A_382, %bitcast3A_379 : vector<16xf32>
      %mul3A_384 = arith.mulf %mul3A_383, %bitcast3A_379 : vector<16xf32>
      %sub3A_385 = arith.constant 1.500000e+00 : f32
      %sub3A_386 = vector.broadcast %sub3A_385 : f32 to vector<16xf32>
      %sub3A_387 = arith.subf %sub3A_386, %mul3A_384 : vector<16xf32>
      %mul3A_388 = arith.mulf %bitcast3A_379, %sub3A_387 : vector<16xf32>
      %mul3A_389 = arith.constant 5.000000e-01 : f32
      %mul3A_390 = vector.broadcast %mul3A_389 : f32 to vector<16xf32>
      %mul3A_391 = arith.mulf %mul3A_390, %div3A_365 : vector<16xf32>
      %mul3A_392 = arith.mulf %mul3A_391, %mul3A_388 : vector<16xf32>
      %mul3A_393 = arith.mulf %mul3A_392, %mul3A_388 : vector<16xf32>
      %sub3A_394 = arith.constant 1.500000e+00 : f32
      %sub3A_395 = vector.broadcast %sub3A_394 : f32 to vector<16xf32>
      %sub3A_396 = arith.subf %sub3A_395, %mul3A_393 : vector<16xf32>
      %mul3A_397 = arith.mulf %mul3A_388, %sub3A_396 : vector<16xf32>
      %mul3A_398 = arith.constant 5.000000e-01 : f32
      %mul3A_399 = vector.broadcast %mul3A_398 : f32 to vector<16xf32>
      %mul3A_400 = arith.mulf %mul3A_399, %div3A_365 : vector<16xf32>
      %mul3A_401 = arith.mulf %mul3A_400, %mul3A_397 : vector<16xf32>
      %mul3A_402 = arith.mulf %mul3A_401, %mul3A_397 : vector<16xf32>
      %sub3A_403 = arith.constant 1.500000e+00 : f32
      %sub3A_404 = vector.broadcast %sub3A_403 : f32 to vector<16xf32>
      %sub3A_405 = arith.subf %sub3A_404, %mul3A_402 : vector<16xf32>
      %mul3A_406 = arith.mulf %mul3A_397, %sub3A_405 : vector<16xf32>
      %mul3A_407 = arith.constant 5.000000e-01 : f32
      %mul3A_408 = vector.broadcast %mul3A_407 : f32 to vector<16xf32>
      %mul3A_409 = arith.mulf %mul3A_408, %div3A_365 : vector<16xf32>
      %mul3A_410 = arith.mulf %mul3A_409, %mul3A_406 : vector<16xf32>
      %mul3A_411 = arith.mulf %mul3A_410, %mul3A_406 : vector<16xf32>
      %sub3A_412 = arith.constant 1.500000e+00 : f32
      %sub3A_413 = vector.broadcast %sub3A_412 : f32 to vector<16xf32>
      %sub3A_414 = arith.subf %sub3A_413, %mul3A_411 : vector<16xf32>
      %mul3A_415 = arith.mulf %mul3A_406, %sub3A_414 : vector<16xf32>
      %mul3A_416 = arith.mulf %div3A_365, %mul3A_415 : vector<16xf32>
      %bitcast3A_417 = vector.bitcast %div3A_372 : vector<16xf32> to vector<16xi32>
      %shift_right_arithmetic3A_418 = arith.constant 1 : i32
      %shift_right_arithmetic3A_419 = vector.broadcast %shift_right_arithmetic3A_418 : i32 to vector<16xi32>
      %shift_right_arithmetic3A_420 = arith.shrsi %bitcast3A_417, %shift_right_arithmetic3A_419 : vector<16xi32>
      %sub3A_421 = arith.constant 1597463007 : i32
      %sub3A_422 = vector.broadcast %sub3A_421 : i32 to vector<16xi32>
      %sub3A_423 = arith.subi %sub3A_422, %shift_right_arithmetic3A_420 : vector<16xi32>
      %bitcast3A_424 = vector.bitcast %sub3A_423 : vector<16xi32> to vector<16xf32>
      %mul3A_425 = arith.constant 5.000000e-01 : f32
      %mul3A_426 = vector.broadcast %mul3A_425 : f32 to vector<16xf32>
      %mul3A_427 = arith.mulf %mul3A_426, %div3A_372 : vector<16xf32>
      %mul3A_428 = arith.mulf %mul3A_427, %bitcast3A_424 : vector<16xf32>
      %mul3A_429 = arith.mulf %mul3A_428, %bitcast3A_424 : vector<16xf32>
      %sub3A_430 = arith.constant 1.500000e+00 : f32
      %sub3A_431 = vector.broadcast %sub3A_430 : f32 to vector<16xf32>
      %sub3A_432 = arith.subf %sub3A_431, %mul3A_429 : vector<16xf32>
      %mul3A_433 = arith.mulf %bitcast3A_424, %sub3A_432 : vector<16xf32>
      %mul3A_434 = arith.constant 5.000000e-01 : f32
      %mul3A_435 = vector.broadcast %mul3A_434 : f32 to vector<16xf32>
      %mul3A_436 = arith.mulf %mul3A_435, %div3A_372 : vector<16xf32>
      %mul3A_437 = arith.mulf %mul3A_436, %mul3A_433 : vector<16xf32>
      %mul3A_438 = arith.mulf %mul3A_437, %mul3A_433 : vector<16xf32>
      %sub3A_439 = arith.constant 1.500000e+00 : f32
      %sub3A_440 = vector.broadcast %sub3A_439 : f32 to vector<16xf32>
      %sub3A_441 = arith.subf %sub3A_440, %mul3A_438 : vector<16xf32>
      %mul3A_442 = arith.mulf %mul3A_433, %sub3A_441 : vector<16xf32>
      %mul3A_443 = arith.constant 5.000000e-01 : f32
      %mul3A_444 = vector.broadcast %mul3A_443 : f32 to vector<16xf32>
      %mul3A_445 = arith.mulf %mul3A_444, %div3A_372 : vector<16xf32>
      %mul3A_446 = arith.mulf %mul3A_445, %mul3A_442 : vector<16xf32>
      %mul3A_447 = arith.mulf %mul3A_446, %mul3A_442 : vector<16xf32>
      %sub3A_448 = arith.constant 1.500000e+00 : f32
      %sub3A_449 = vector.broadcast %sub3A_448 : f32 to vector<16xf32>
      %sub3A_450 = arith.subf %sub3A_449, %mul3A_447 : vector<16xf32>
      %mul3A_451 = arith.mulf %mul3A_442, %sub3A_450 : vector<16xf32>
      %mul3A_452 = arith.constant 5.000000e-01 : f32
      %mul3A_453 = vector.broadcast %mul3A_452 : f32 to vector<16xf32>
      %mul3A_454 = arith.mulf %mul3A_453, %div3A_372 : vector<16xf32>
      %mul3A_455 = arith.mulf %mul3A_454, %mul3A_451 : vector<16xf32>
      %mul3A_456 = arith.mulf %mul3A_455, %mul3A_451 : vector<16xf32>
      %sub3A_457 = arith.constant 1.500000e+00 : f32
      %sub3A_458 = vector.broadcast %sub3A_457 : f32 to vector<16xf32>
      %sub3A_459 = arith.subf %sub3A_458, %mul3A_456 : vector<16xf32>
      %mul3A_460 = arith.mulf %mul3A_451, %sub3A_459 : vector<16xf32>
      %mul3A_461 = arith.mulf %div3A_372, %mul3A_460 : vector<16xf32>
      %bitcast3A_462 = vector.bitcast %mul3A_416 : vector<16xf32> to vector<16xi32>
      %shift_right_arithmetic3A_463 = arith.constant 1 : i32
      %shift_right_arithmetic3A_464 = vector.broadcast %shift_right_arithmetic3A_463 : i32 to vector<16xi32>
      %shift_right_arithmetic3A_465 = arith.shrsi %bitcast3A_462, %shift_right_arithmetic3A_464 : vector<16xi32>
      %sub3A_466 = arith.constant 1597463007 : i32
      %sub3A_467 = vector.broadcast %sub3A_466 : i32 to vector<16xi32>
      %sub3A_468 = arith.subi %sub3A_467, %shift_right_arithmetic3A_465 : vector<16xi32>
      %bitcast3A_469 = vector.bitcast %sub3A_468 : vector<16xi32> to vector<16xf32>
      %mul3A_470 = arith.constant 5.000000e-01 : f32
      %mul3A_471 = vector.broadcast %mul3A_470 : f32 to vector<16xf32>
      %mul3A_472 = arith.mulf %mul3A_471, %mul3A_416 : vector<16xf32>
      %mul3A_473 = arith.mulf %mul3A_472, %bitcast3A_469 : vector<16xf32>
      %mul3A_474 = arith.mulf %mul3A_473, %bitcast3A_469 : vector<16xf32>
      %sub3A_475 = arith.constant 1.500000e+00 : f32
      %sub3A_476 = vector.broadcast %sub3A_475 : f32 to vector<16xf32>
      %sub3A_477 = arith.subf %sub3A_476, %mul3A_474 : vector<16xf32>
      %mul3A_478 = arith.mulf %bitcast3A_469, %sub3A_477 : vector<16xf32>
      %mul3A_479 = arith.constant 5.000000e-01 : f32
      %mul3A_480 = vector.broadcast %mul3A_479 : f32 to vector<16xf32>
      %mul3A_481 = arith.mulf %mul3A_480, %mul3A_416 : vector<16xf32>
      %mul3A_482 = arith.mulf %mul3A_481, %mul3A_478 : vector<16xf32>
      %mul3A_483 = arith.mulf %mul3A_482, %mul3A_478 : vector<16xf32>
      %sub3A_484 = arith.constant 1.500000e+00 : f32
      %sub3A_485 = vector.broadcast %sub3A_484 : f32 to vector<16xf32>
      %sub3A_486 = arith.subf %sub3A_485, %mul3A_483 : vector<16xf32>
      %mul3A_487 = arith.mulf %mul3A_478, %sub3A_486 : vector<16xf32>
      %mul3A_488 = arith.constant 5.000000e-01 : f32
      %mul3A_489 = vector.broadcast %mul3A_488 : f32 to vector<16xf32>
      %mul3A_490 = arith.mulf %mul3A_489, %mul3A_416 : vector<16xf32>
      %mul3A_491 = arith.mulf %mul3A_490, %mul3A_487 : vector<16xf32>
      %mul3A_492 = arith.mulf %mul3A_491, %mul3A_487 : vector<16xf32>
      %sub3A_493 = arith.constant 1.500000e+00 : f32
      %sub3A_494 = vector.broadcast %sub3A_493 : f32 to vector<16xf32>
      %sub3A_495 = arith.subf %sub3A_494, %mul3A_492 : vector<16xf32>
      %mul3A_496 = arith.mulf %mul3A_487, %sub3A_495 : vector<16xf32>
      %mul3A_497 = arith.constant 5.000000e-01 : f32
      %mul3A_498 = vector.broadcast %mul3A_497 : f32 to vector<16xf32>
      %mul3A_499 = arith.mulf %mul3A_498, %mul3A_416 : vector<16xf32>
      %mul3A_500 = arith.mulf %mul3A_499, %mul3A_496 : vector<16xf32>
      %mul3A_501 = arith.mulf %mul3A_500, %mul3A_496 : vector<16xf32>
      %sub3A_502 = arith.constant 1.500000e+00 : f32
      %sub3A_503 = vector.broadcast %sub3A_502 : f32 to vector<16xf32>
      %sub3A_504 = arith.subf %sub3A_503, %mul3A_501 : vector<16xf32>
      %mul3A_505 = arith.mulf %mul3A_496, %sub3A_504 : vector<16xf32>
      %mul3A_506 = arith.mulf %mul3A_416, %mul3A_505 : vector<16xf32>
      %bitcast3A_507 = vector.bitcast %mul3A_461 : vector<16xf32> to vector<16xi32>
      %shift_right_arithmetic3A_508 = arith.constant 1 : i32
      %shift_right_arithmetic3A_509 = vector.broadcast %shift_right_arithmetic3A_508 : i32 to vector<16xi32>
      %shift_right_arithmetic3A_510 = arith.shrsi %bitcast3A_507, %shift_right_arithmetic3A_509 : vector<16xi32>
      %sub3A_511 = arith.constant 1597463007 : i32
      %sub3A_512 = vector.broadcast %sub3A_511 : i32 to vector<16xi32>
      %sub3A_513 = arith.subi %sub3A_512, %shift_right_arithmetic3A_510 : vector<16xi32>
      %bitcast3A_514 = vector.bitcast %sub3A_513 : vector<16xi32> to vector<16xf32>
      %mul3A_515 = arith.constant 5.000000e-01 : f32
      %mul3A_516 = vector.broadcast %mul3A_515 : f32 to vector<16xf32>
      %mul3A_517 = arith.mulf %mul3A_516, %mul3A_461 : vector<16xf32>
      %mul3A_518 = arith.mulf %mul3A_517, %bitcast3A_514 : vector<16xf32>
      %mul3A_519 = arith.mulf %mul3A_518, %bitcast3A_514 : vector<16xf32>
      %sub3A_520 = arith.constant 1.500000e+00 : f32
      %sub3A_521 = vector.broadcast %sub3A_520 : f32 to vector<16xf32>
      %sub3A_522 = arith.subf %sub3A_521, %mul3A_519 : vector<16xf32>
      %mul3A_523 = arith.mulf %bitcast3A_514, %sub3A_522 : vector<16xf32>
      %mul3A_524 = arith.constant 5.000000e-01 : f32
      %mul3A_525 = vector.broadcast %mul3A_524 : f32 to vector<16xf32>
      %mul3A_526 = arith.mulf %mul3A_525, %mul3A_461 : vector<16xf32>
      %mul3A_527 = arith.mulf %mul3A_526, %mul3A_523 : vector<16xf32>
      %mul3A_528 = arith.mulf %mul3A_527, %mul3A_523 : vector<16xf32>
      %sub3A_529 = arith.constant 1.500000e+00 : f32
      %sub3A_530 = vector.broadcast %sub3A_529 : f32 to vector<16xf32>
      %sub3A_531 = arith.subf %sub3A_530, %mul3A_528 : vector<16xf32>
      %mul3A_532 = arith.mulf %mul3A_523, %sub3A_531 : vector<16xf32>
      %mul3A_533 = arith.constant 5.000000e-01 : f32
      %mul3A_534 = vector.broadcast %mul3A_533 : f32 to vector<16xf32>
      %mul3A_535 = arith.mulf %mul3A_534, %mul3A_461 : vector<16xf32>
      %mul3A_536 = arith.mulf %mul3A_535, %mul3A_532 : vector<16xf32>
      %mul3A_537 = arith.mulf %mul3A_536, %mul3A_532 : vector<16xf32>
      %sub3A_538 = arith.constant 1.500000e+00 : f32
      %sub3A_539 = vector.broadcast %sub3A_538 : f32 to vector<16xf32>
      %sub3A_540 = arith.subf %sub3A_539, %mul3A_537 : vector<16xf32>
      %mul3A_541 = arith.mulf %mul3A_532, %sub3A_540 : vector<16xf32>
      %mul3A_542 = arith.constant 5.000000e-01 : f32
      %mul3A_543 = vector.broadcast %mul3A_542 : f32 to vector<16xf32>
      %mul3A_544 = arith.mulf %mul3A_543, %mul3A_461 : vector<16xf32>
      %mul3A_545 = arith.mulf %mul3A_544, %mul3A_541 : vector<16xf32>
      %mul3A_546 = arith.mulf %mul3A_545, %mul3A_541 : vector<16xf32>
      %sub3A_547 = arith.constant 1.500000e+00 : f32
      %sub3A_548 = vector.broadcast %sub3A_547 : f32 to vector<16xf32>
      %sub3A_549 = arith.subf %sub3A_548, %mul3A_546 : vector<16xf32>
      %mul3A_550 = arith.mulf %mul3A_541, %sub3A_549 : vector<16xf32>
      %mul3A_551 = arith.mulf %mul3A_461, %mul3A_550 : vector<16xf32>
      %sub3A_552 = arith.constant -1.000000e+00 : f32
      %sub3A_553 = vector.broadcast %sub3A_552 : f32 to vector<16xf32>
      %sub3A_554 = arith.subf %sub3A_553, %div3A_355 : vector<16xf32>
      %div3A_555 = arith.divf %sub3A_554, %mul3A_506 : vector<16xf32>
      %sub3A_556 = arith.constant 1.000000e+00 : f32
      %sub3A_557 = vector.broadcast %sub3A_556 : f32 to vector<16xf32>
      %sub3A_558 = arith.subf %sub3A_557, %div3A_358 : vector<16xf32>
      %div3A_559 = arith.divf %sub3A_558, %mul3A_551 : vector<16xf32>
      %mul3A_560 = arith.constant -5.000000e-01 : f32
      %mul3A_561 = vector.broadcast %mul3A_560 : f32 to vector<16xf32>
      %mul3A_562 = arith.mulf %mul3A_561, %div3A_555 : vector<16xf32>
      %mul3A_563 = arith.mulf %mul3A_562, %div3A_555 : vector<16xf32>
      %exp3A = math.exp %mul3A_563 : vector<16xf32>
      %mul3A_564 = arith.constant 0.398942292 : f32
      %mul3A_565 = vector.broadcast %mul3A_564 : f32 to vector<16xf32>
      %mul3A_566 = arith.mulf %exp3A, %mul3A_565 : vector<16xf32>
      %div3A_567 = arith.divf %mul3A_566, %mul3A_506 : vector<16xf32>
      %mul3A_568 = arith.constant -5.000000e-01 : f32
      %mul3A_569 = vector.broadcast %mul3A_568 : f32 to vector<16xf32>
      %mul3A_570 = arith.mulf %mul3A_569, %div3A_559 : vector<16xf32>
      %mul3A_571 = arith.mulf %mul3A_570, %div3A_559 : vector<16xf32>
      %exp3A_572 = math.exp %mul3A_571 : vector<16xf32>
      %mul3A_573 = arith.constant 0.398942292 : f32
      %mul3A_574 = vector.broadcast %mul3A_573 : f32 to vector<16xf32>
      %mul3A_575 = arith.mulf %exp3A_572, %mul3A_574 : vector<16xf32>
      %div3A_576 = arith.divf %mul3A_575, %mul3A_551 : vector<16xf32>
      %add3A_577 = arith.constant 1.000000e+00 : f32
      %add3A_578 = vector.broadcast %add3A_577 : f32 to vector<16xf32>
      %add3A_579 = arith.addf %div3A_355, %add3A_578 : vector<16xf32>
      %mul3A_580 = arith.constant 2.500000e-01 : f32
      %mul3A_581 = vector.broadcast %mul3A_580 : f32 to vector<16xf32>
      %mul3A_582 = arith.mulf %mul3A_581, %add3A_579 : vector<16xf32>
      %neg3A = arith.constant 0.000000e+00 : f32
      %neg3A_583 = vector.broadcast %neg3A : f32 to vector<16xf32>
      %neg3A_584 = arith.subf %neg3A_583, %div3A_355 : vector<16xf32>
      %sub3A_585 = arith.constant 1.000000e+00 : f32
      %sub3A_586 = vector.broadcast %sub3A_585 : f32 to vector<16xf32>
      %sub3A_587 = arith.subf %neg3A_584, %sub3A_586 : vector<16xf32>
      %mul3A_588 = arith.constant 1.41421354 : f32
      %mul3A_589 = vector.broadcast %mul3A_588 : f32 to vector<16xf32>
      %mul3A_590 = arith.mulf %mul3A_589, %mul3A_506 : vector<16xf32>
      %div3A_591 = arith.divf %sub3A_587, %mul3A_590 : vector<16xf32>
      %lt3A_592 = arith.constant 0.000000e+00 : f32
      %lt3A_593 = vector.broadcast %lt3A_592 : f32 to vector<16xf32>
      %lt3A_594 = arith.cmpf olt, %div3A_591, %lt3A_593 : vector<16xf32>
      %jit3A_595 = arith.constant -1.000000e+00 : f32
      %jit3A_596 = arith.constant 1.000000e+00 : f32
      %broadcast_in_dim3A_597 = vector.broadcast %jit3A_595 : f32 to vector<16xf32>
      %broadcast_in_dim3A_598 = vector.broadcast %jit3A_596 : f32 to vector<16xf32>
      %select_n3A_599 = arith.select %lt3A_594, %broadcast_in_dim3A_597, %broadcast_in_dim3A_598 : vector<16xi1>, vector<16xf32>
      %abs3A = math.absf %div3A_591 : vector<16xf32>
      %mul3A_600 = arith.constant 0.327591091 : f32
      %mul3A_601 = vector.broadcast %mul3A_600 : f32 to vector<16xf32>
      %mul3A_602 = arith.mulf %mul3A_601, %abs3A : vector<16xf32>
      %add3A_603 = arith.constant 1.000000e+00 : f32
      %add3A_604 = vector.broadcast %add3A_603 : f32 to vector<16xf32>
      %add3A_605 = arith.addf %add3A_604, %mul3A_602 : vector<16xf32>
      %div3A_606 = arith.constant 1.000000e+00 : f32
      %div3A_607 = vector.broadcast %div3A_606 : f32 to vector<16xf32>
      %div3A_608 = arith.divf %div3A_607, %add3A_605 : vector<16xf32>
      %mul3A_609 = arith.constant 1.06140542 : f32
      %mul3A_610 = vector.broadcast %mul3A_609 : f32 to vector<16xf32>
      %mul3A_611 = arith.mulf %div3A_608, %mul3A_610 : vector<16xf32>
      %add3A_612 = arith.constant -1.45315206 : f32
      %add3A_613 = vector.broadcast %add3A_612 : f32 to vector<16xf32>
      %add3A_614 = arith.addf %add3A_613, %mul3A_611 : vector<16xf32>
      %mul3A_615 = arith.mulf %div3A_608, %add3A_614 : vector<16xf32>
      %add3A_616 = arith.constant 1.42141378 : f32
      %add3A_617 = vector.broadcast %add3A_616 : f32 to vector<16xf32>
      %add3A_618 = arith.addf %add3A_617, %mul3A_615 : vector<16xf32>
      %mul3A_619 = arith.mulf %div3A_608, %add3A_618 : vector<16xf32>
      %add3A_620 = arith.constant -0.284496725 : f32
      %add3A_621 = vector.broadcast %add3A_620 : f32 to vector<16xf32>
      %add3A_622 = arith.addf %add3A_621, %mul3A_619 : vector<16xf32>
      %mul3A_623 = arith.mulf %div3A_608, %add3A_622 : vector<16xf32>
      %add3A_624 = arith.constant 0.254829586 : f32
      %add3A_625 = vector.broadcast %add3A_624 : f32 to vector<16xf32>
      %add3A_626 = arith.addf %add3A_625, %mul3A_623 : vector<16xf32>
      %mul3A_627 = arith.mulf %div3A_608, %add3A_626 : vector<16xf32>
      %neg3A_628 = arith.constant 0.000000e+00 : f32
      %neg3A_629 = vector.broadcast %neg3A_628 : f32 to vector<16xf32>
      %neg3A_630 = arith.subf %neg3A_629, %abs3A : vector<16xf32>
      %mul3A_631 = arith.mulf %neg3A_630, %abs3A : vector<16xf32>
      %exp3A_632 = math.exp %mul3A_631 : vector<16xf32>
      %mul3A_633 = arith.mulf %mul3A_627, %exp3A_632 : vector<16xf32>
      %sub3A_634 = arith.constant 1.000000e+00 : f32
      %sub3A_635 = vector.broadcast %sub3A_634 : f32 to vector<16xf32>
      %sub3A_636 = arith.subf %sub3A_635, %mul3A_633 : vector<16xf32>
      %mul3A_637 = arith.mulf %select_n3A_599, %sub3A_636 : vector<16xf32>
      %sub3A_638 = arith.constant 1.000000e+00 : f32
      %sub3A_639 = vector.broadcast %sub3A_638 : f32 to vector<16xf32>
      %sub3A_640 = arith.subf %sub3A_639, %mul3A_637 : vector<16xf32>
      %mul3A_641 = arith.mulf %mul3A_582, %sub3A_640 : vector<16xf32>
      %mul3A_642 = arith.constant 5.000000e-01 : f32
      %mul3A_643 = vector.broadcast %mul3A_642 : f32 to vector<16xf32>
      %mul3A_644 = arith.mulf %mul3A_643, %mul3A_416 : vector<16xf32>
      %mul3A_645 = arith.mulf %mul3A_644, %div3A_567 : vector<16xf32>
      %add3A_646 = arith.addf %mul3A_641, %mul3A_645 : vector<16xf32>
      %sub3A_647 = arith.constant 1.000000e+00 : f32
      %sub3A_648 = vector.broadcast %sub3A_647 : f32 to vector<16xf32>
      %sub3A_649 = arith.subf %sub3A_648, %div3A_358 : vector<16xf32>
      %mul3A_650 = arith.constant 2.500000e-01 : f32
      %mul3A_651 = vector.broadcast %mul3A_650 : f32 to vector<16xf32>
      %mul3A_652 = arith.mulf %mul3A_651, %sub3A_649 : vector<16xf32>
      %mul3A_653 = arith.constant 1.41421354 : f32
      %mul3A_654 = vector.broadcast %mul3A_653 : f32 to vector<16xf32>
      %mul3A_655 = arith.mulf %mul3A_654, %mul3A_551 : vector<16xf32>
      %div3A_656 = arith.divf %sub3A_649, %mul3A_655 : vector<16xf32>
      %lt3A_657 = arith.constant 0.000000e+00 : f32
      %lt3A_658 = vector.broadcast %lt3A_657 : f32 to vector<16xf32>
      %lt3A_659 = arith.cmpf olt, %div3A_656, %lt3A_658 : vector<16xf32>
      %jit3A_660 = arith.constant -1.000000e+00 : f32
      %jit3A_661 = arith.constant 1.000000e+00 : f32
      %broadcast_in_dim3A_662 = vector.broadcast %jit3A_660 : f32 to vector<16xf32>
      %broadcast_in_dim3A_663 = vector.broadcast %jit3A_661 : f32 to vector<16xf32>
      %select_n3A_664 = arith.select %lt3A_659, %broadcast_in_dim3A_662, %broadcast_in_dim3A_663 : vector<16xi1>, vector<16xf32>
      %abs3A_665 = math.absf %div3A_656 : vector<16xf32>
      %mul3A_666 = arith.constant 0.327591091 : f32
      %mul3A_667 = vector.broadcast %mul3A_666 : f32 to vector<16xf32>
      %mul3A_668 = arith.mulf %mul3A_667, %abs3A_665 : vector<16xf32>
      %add3A_669 = arith.constant 1.000000e+00 : f32
      %add3A_670 = vector.broadcast %add3A_669 : f32 to vector<16xf32>
      %add3A_671 = arith.addf %add3A_670, %mul3A_668 : vector<16xf32>
      %div3A_672 = arith.constant 1.000000e+00 : f32
      %div3A_673 = vector.broadcast %div3A_672 : f32 to vector<16xf32>
      %div3A_674 = arith.divf %div3A_673, %add3A_671 : vector<16xf32>
      %mul3A_675 = arith.constant 1.06140542 : f32
      %mul3A_676 = vector.broadcast %mul3A_675 : f32 to vector<16xf32>
      %mul3A_677 = arith.mulf %div3A_674, %mul3A_676 : vector<16xf32>
      %add3A_678 = arith.constant -1.45315206 : f32
      %add3A_679 = vector.broadcast %add3A_678 : f32 to vector<16xf32>
      %add3A_680 = arith.addf %add3A_679, %mul3A_677 : vector<16xf32>
      %mul3A_681 = arith.mulf %div3A_674, %add3A_680 : vector<16xf32>
      %add3A_682 = arith.constant 1.42141378 : f32
      %add3A_683 = vector.broadcast %add3A_682 : f32 to vector<16xf32>
      %add3A_684 = arith.addf %add3A_683, %mul3A_681 : vector<16xf32>
      %mul3A_685 = arith.mulf %div3A_674, %add3A_684 : vector<16xf32>
      %add3A_686 = arith.constant -0.284496725 : f32
      %add3A_687 = vector.broadcast %add3A_686 : f32 to vector<16xf32>
      %add3A_688 = arith.addf %add3A_687, %mul3A_685 : vector<16xf32>
      %mul3A_689 = arith.mulf %div3A_674, %add3A_688 : vector<16xf32>
      %add3A_690 = arith.constant 0.254829586 : f32
      %add3A_691 = vector.broadcast %add3A_690 : f32 to vector<16xf32>
      %add3A_692 = arith.addf %add3A_691, %mul3A_689 : vector<16xf32>
      %mul3A_693 = arith.mulf %div3A_674, %add3A_692 : vector<16xf32>
      %neg3A_694 = arith.constant 0.000000e+00 : f32
      %neg3A_695 = vector.broadcast %neg3A_694 : f32 to vector<16xf32>
      %neg3A_696 = arith.subf %neg3A_695, %abs3A_665 : vector<16xf32>
      %mul3A_697 = arith.mulf %neg3A_696, %abs3A_665 : vector<16xf32>
      %exp3A_698 = math.exp %mul3A_697 : vector<16xf32>
      %mul3A_699 = arith.mulf %mul3A_693, %exp3A_698 : vector<16xf32>
      %sub3A_700 = arith.constant 1.000000e+00 : f32
      %sub3A_701 = vector.broadcast %sub3A_700 : f32 to vector<16xf32>
      %sub3A_702 = arith.subf %sub3A_701, %mul3A_699 : vector<16xf32>
      %mul3A_703 = arith.mulf %select_n3A_664, %sub3A_702 : vector<16xf32>
      %add3A_704 = arith.constant 1.000000e+00 : f32
      %add3A_705 = vector.broadcast %add3A_704 : f32 to vector<16xf32>
      %add3A_706 = arith.addf %add3A_705, %mul3A_703 : vector<16xf32>
      %mul3A_707 = arith.mulf %mul3A_652, %add3A_706 : vector<16xf32>
      %add3A_708 = arith.addf %add3A_646, %mul3A_707 : vector<16xf32>
      %mul3A_709 = arith.constant 5.000000e-01 : f32
      %mul3A_710 = vector.broadcast %mul3A_709 : f32 to vector<16xf32>
      %mul3A_711 = arith.mulf %mul3A_710, %mul3A_461 : vector<16xf32>
      %mul3A_712 = arith.mulf %mul3A_711, %div3A_576 : vector<16xf32>
      %add3A_713 = arith.addf %add3A_708, %mul3A_712 : vector<16xf32>
      %mul3A_714 = arith.mulf %bitcast3A, %bitcast3A : vector<16xf32>
      %add3A_715 = arith.addf %add3A_713, %mul3A_714 : vector<16xf32>
      %swap3A_716 = arith.constant 0 : index
      %swap3A_717 = tpu.vector_load %arg16[%swap3A_716] {strides = array<i32>} : memref<16xf32, #tpu.memory_space<vmem>>, vector<16xf32>,
      tpu.vector_store %arg16[%swap3A_716], %add3A_715 {strides = array<i32>} : memref<16xf32, #tpu.memory_space<vmem>>, vector<16xf32>,
      "tpu.region"() ({
        %run_scoped3A = tpu.sem_alloc : memref<!tpu.dma_semaphore, #tpu.memory_space<semaphore_mem>>
        tpu.enqueue_dma source(%arg16 : memref<16xf32, #tpu.memory_space<vmem>>) target(%arg3 : memref<16xf32, #tpu.memory_space<hbm>>) target_semaphore(%run_scoped3A : memref<!tpu.dma_semaphore, #tpu.memory_space<semaphore_mem>>)
        tpu.wait_dma2 semaphore(%run_scoped3A : memref<!tpu.dma_semaphore, #tpu.memory_space<semaphore_mem>>) src(%arg16 : memref<16xf32, #tpu.memory_space<vmem>>) dst(%arg3 : memref<16xf32, #tpu.memory_space<hbm>>)
        tpu.yield
      }) : () -> ()
    } else {
    }
    return
  }
}

</mosaic_0001>

<sc_bundles>
// kernel: _run.3.cloned.1.call-start
scs
__scs_entry_jumppad:
0x0: {  	(pc) =	sbr.rel $0x88, $3  }
0x1: {  	(tag) =	ssettag $0x0;
	lr =	simm.s32 $0x1  }
0x2: {  	[smem:$0x3FA0] =	sst lr;
	_ =	strace $0xD0000000  }
0x3: {  	_ = 	snop  }
0x4: {  	_ = 	snop  }
0x5: {  	_ = 	snop  }
0x6: {  	_ = 	snop  }
0x7: {  	_ = 	snop  }
__scs_overlays_trampoline_lowered:
0x8: {  	[smem:$0x3FAF] =	sst s0  }
0x9: {  	[smem:$0x3FB0] =	sst s1  }
0xa: {  	[smem:$0x3FB1] =	sst s2  }
0xb: {  	[smem:$0x3FB2] =	sst s3  }
0xc: {  	[smem:$0x3FB3] =	sst s4  }
0xd: {  	[smem:$0x3FB4] =	sst s5  }
0xe: {  	[smem:$0x3FB5] =	sst s6  }
0xf: {  	[smem:$0x3FB6] =	sst s7  }
0x10: {  	[smem:$0x3FB7] =	sst s8  }
0x11: {  	[smem:$0x3FB8] =	sst s9;
	s0 =	simm.s32 @!p0 $0x0  }
0x12: {  	s1 =	sld [smem:$0x3F9E];
	s0 =	simm.s32 @p0 $0x1  }
0x13: {  	[smem:$0x3FB9] =	sst s0;
	s0 =	simm.s32 @!p1 $0x0  }
0x14: {  	s2 =	sld [smem:$0x3F9D];
	s0 =	simm.s32 @p1 $0x1  }
0x15: {  	[smem:$0x3FBA] =	sst s0;
	s0 =	simm.s32 @!p2 $0x0  }
0x16: {  	s3 =	sld [smem:$0x3FDB];
	s0 =	simm.s32 @p2 $0x1  }
0x17: {  	s4 =	simm.s32 $0x1BF5;
	[smem:$0x3FBC] =	sst s0  }
0x18: {  	s0 =	sld [smem:$0x3F9F];
	_ =	swait.ge [sflag:s4], $0x0  }
0x19: {  	s7 =	sld [smem:$0x3FA0]  }
0x1a: {  	s8 =	sadd.s32 $0xFFFFE003, lr  }
0x1b: {  	s9 =	sadd.s32 $0xFFFFFEF7, lr;
	s5 =	simm.s32 $0xFFFFFFFF;
	p2 =	slt.u32 s8, $0xFFFFF086  }
0x1c: {  	p1 =	slt.u32 s9, $0xF7A;
	s5 =	simm.s32 @!p2 $0x0  }
0x1d: {  	s5 =	simm.s32 @p1 $0x1;
	p0 =	seq.s32 s7, s2  }
0x1e: {  	s7 =	smul.u32 @!p0 $0xF7A, s2;
	p2 =	seq.s32 @!p0 s5, $0x0  }
0x1f: {  	s9 =	smul.u32 $0xF7A, s1;
	s8 =	simm.s32 @!p0 $0x1BF5;
	p2 =	por !p2, p0  }
0x20: {  	[sflag:s8] =	ssyncset.s32 @!p0 $0xFFFFF086;
	s6 =	sadd.s32 @!p0 s3, s7;
	s7 =	simm.s32 @!p0 $0x108  }
0x21: {  	s3 =	sadd.s32 s3, s9;
	s6 =	sadd.s32 @!p0 $0x88, s6;
	s7 =	simm.s32 @p2 $0x1082  }
0x22: {  	[simem:s7], [sflag:s8] =	dma.local @!p0 [hbm:s6], $0xF7A  }
0x23: {  	s9 =	sor.u32 $0xD0000000, s2;
	s6 =	simm.s32 $0x108;
	_ =	swait.ge @!p0 [sflag:s8], $0x0  }
0x24: {  	s3 =	sadd.s32 $0x88, s3;
	s6 =	simm.s32 @!p1 $0x1082;
	[sflag:s4] =	ssyncset.s32 $0xFFFFF086  }
0x25: {  	[simem:s6], [sflag:s4] =	dma.local [hbm:s3], $0xF7A  }
0x26: {  	[smem:$0x3FA0] =	sst s1;
	(tag) =	ssettag s2;
	_ =	strace s9  }
0x27: {  	s1 =	sld [smem:$0x3FB0]  }
0x28: {  	s2 =	sld [smem:$0x3FB1]  }
0x29: {  	s4 =	sld [smem:$0x3FB3]  }
0x2a: {  	p0 =	seq.s32 s5, $0x0;
	s5 =	sld [smem:$0x3FB4]  }
0x2b: {  	s6 =	sld [smem:$0x3FB5]  }
0x2c: {  	s7 =	sld [smem:$0x3FB6]  }
0x2d: {  	s3 =	simm.s32 $0x108;
	s8 =	sld [smem:$0x3FB7]  }
0x2e: {  	s3 =	simm.s32 @!p0 $0x1082;
	s9 =	sld [smem:$0x3FB8]  }
0x2f: {  	lr =	sadd.s32 s0, s3;
	s0 =	sld [smem:$0x3FAF]  }
0x30: {  	s3 =	sld [smem:$0x3FB2]  }
0x31: {  	[smem:$0x3FBB] =	sst s10  }
0x32: {  	s10 =	sld [smem:$0x3FB9];
	_ =	sdelay $0x3  }
0x33: {  	p0 =	seq.s32 s10, $0x1;
	s10 =	sld [smem:$0x3FBB];
	_ =	sdelay $0x3  }
0x34: {  	[smem:$0x3FBB] =	sst s10  }
0x35: {  	s10 =	sld [smem:$0x3FBA];
	_ =	sdelay $0x3  }
0x36: {  	p1 =	seq.s32 s10, $0x1;
	s10 =	sld [smem:$0x3FBB];
	_ =	sdelay $0x3  }
0x37: {  	[smem:$0x3FBB] =	sst s10  }
0x38: {  	s10 =	sld [smem:$0x3FBC]  }
0x39: {  	_ = 	snop;
	(pc) =	sbr.ind lr, $3  }
0x3a: {  	_ = 	snop  }
0x3b: {  	_ = 	snop  }
0x3c: {  	p2 =	seq.s32 s10, $0x1;
	s10 =	sld [smem:$0x3FBB]  }
0x3d: {  	_ =	shalt  }
0x3e: {  	_ =	shalt  }
0x3f: {  	_ =	shalt  }
0x40: {  	_ =	shalt  }
0x41: {  	_ =	shalt  }
0x42: {  	_ =	shalt  }
0x43: {  	_ =	shalt  }
0x44: {  	_ =	shalt  }
0x45: {  	_ =	shalt  }
0x46: {  	_ =	shalt  }
0x47: {  	_ =	shalt  }
0x48: {  	_ =	shalt  }
0x49: {  	_ =	shalt  }
0x4a: {  	_ =	shalt  }
0x4b: {  	_ =	shalt  }
0x4c: {  	_ =	shalt  }
0x4d: {  	_ =	shalt  }
0x4e: {  	_ =	shalt  }
0x4f: {  	_ =	shalt  }
0x50: {  	_ =	shalt  }
0x51: {  	_ =	shalt  }
0x52: {  	_ =	shalt  }
0x53: {  	_ =	shalt  }
0x54: {  	_ =	shalt  }
0x55: {  	_ =	shalt  }
0x56: {  	_ =	shalt  }
0x57: {  	_ =	shalt  }
0x58: {  	_ =	shalt  }
0x59: {  	_ =	shalt  }
0x5a: {  	_ =	shalt  }
0x5b: {  	_ =	shalt  }
0x5c: {  	_ =	shalt  }
0x5d: {  	_ =	shalt  }
0x5e: {  	_ =	shalt  }
0x5f: {  	_ =	shalt  }
0x60: {  	_ =	shalt  }
0x61: {  	_ =	shalt  }
0x62: {  	_ =	shalt  }
0x63: {  	_ =	shalt  }
0x64: {  	_ =	shalt  }
0x65: {  	_ =	shalt  }
0x66: {  	_ =	shalt  }
0x67: {  	_ =	shalt  }
0x68: {  	_ =	shalt  }
0x69: {  	_ =	shalt  }
0x6a: {  	_ =	shalt  }
0x6b: {  	_ =	shalt  }
0x6c: {  	_ =	shalt  }
0x6d: {  	_ =	shalt  }
0x6e: {  	_ =	shalt  }
0x6f: {  	_ =	shalt  }
0x70: {  	_ =	shalt  }
0x71: {  	_ =	shalt  }
0x72: {  	_ =	shalt  }
0x73: {  	_ =	shalt  }
0x74: {  	_ =	shalt  }
0x75: {  	_ =	shalt  }
0x76: {  	_ =	shalt  }
0x77: {  	_ =	shalt  }
0x78: {  	_ =	shalt  }
0x79: {  	_ =	shalt  }
0x7a: {  	_ =	shalt  }
0x7b: {  	_ =	shalt  }
0x7c: {  	_ =	shalt  }
0x7d: {  	_ =	shalt  }
0x7e: {  	_ =	shalt  }
0x7f: {  	_ =	shalt  }
0x80: {  	_ =	shalt  }
0x81: {  	_ =	shalt  }
0x82: {  	_ =	shalt  }
0x83: {  	_ =	shalt  }
0x84: {  	_ =	shalt  }
0x85: {  	_ =	shalt  }
0x86: {  	_ =	shalt  }
0x87: {  	_ =	shalt  }
.Lfunc_end0:
.L_simem_size_0:
called_computation_lowered:
.L_overlay_start_0:
0x88: {  	s0 =	sld [smem:$0x3FD9]  }
0x89: {  	s1 =	sld [smem:$0x3FFE];
	_ =	sdelay $0x3  }
0x8a: {  	s0 =	sadd.s32 s1, s0  }
0x8b: {  	[smem:$0x3FC7] =	sst s0  }
0x8c: {  	_ = 	snop  }
0x8d: {  	s0 =	sld [smem:$0x3FC9]  }
0x8e: {  	s17 =	sld [smem:$0x3FD0];
	(tm) =	ssettm $0x1  }
0x8f: {  	s2 =	sld [smem:$0x3FFB];
	_ =	sdelay $0x3  }
0x90: {  	_ =	strace s2  }
0x91: {  	s2 =	sld [smem:$0x3FFC];
	_ =	sdelay $0x3  }
0x92: {  	_ =	strace s2  }
0x93: {  	s2 =	sld [smem:$0x3FFD];
	_ =	sdelay $0x3  }
0x94: {  	_ =	strace s2  }
0x95: {  	_ =	strace $0x8FFFFFFF  }
0x96: {  	s18 =	sld [smem:$0x3FDB];
	_ =	sdelay $0x1  }
0x97: {  	s3 =	simm.s32 $_scs_section_size  }
0x98: {  	s4 =	simm.s32 $_size__tile_overlayer_lowered;
	s5 =	simm.s32 $_tile_overlayer_lowered  }
0x99: {  	s21 =	simm.s32 $0x1BFF;
	s20 =	sshll.u32 s5, $0x1;
	s2 =	sadd.s32 s3, s18  }
0x9a: {  	s6 =	simm.s32 $0x0;
	s19 =	sshll.u32 s4, $0x1;
	s4 =	sadd.s32 s20, s2  }
0x9b: {  	[timem:s6], [sflag:s21] =	dma.local [hbm:s4], s19  }
0x9c: {  	_ =	swait.ge [sflag:s21], s19  }
0x9d: {  	s3 =	ssub.s32 $0x0, s19;
	[sflag:s21] =	ssyncset.done $0x0  }
0x9e: {  	[sflag:s21] =	ssyncadd.s32 s3;
	_ =	sdelay $0x1  }
0x9f: {  	s22 =	simm.s32 $0x1B8B  }
0xa0: {  	_ =	swait.ge [sflag:s22], $0x1  }
0xa1: {  	[sflag:s22] =	ssyncset.done $0x0  }
0xa2: {  	s23 =	simm.s32 $0x1B8E;
	[sflag:s22] =	ssyncadd.s32 $0xFFFFFFFF  }
0xa3: {  	s24 =	simm.s32 $execute0_lowered;
	[smem:$0x3FD2] =	sst s23  }
0xa4: {  	s3 =	sshll.u32 s24, $0x1;
	_ =	strace $0x80000046;
	[dreg:$0x1] =	wrdreg $0xFFFFFFFF  }
0xa5: {  	s25 =	simm.s32 $_size_execute0_lowered;
	s2 =	sadd.s32 s2, s3;
	[dreg:$0x0] =	wrdreg $0x0  }
0xa6: {  	s3 =	sshll.u32 s25, $0x1;
	[dreg:$0x2] =	wrdreg s2  }
0xa7: {  	[dreg:$0x3] =	wrdreg s3  }
0xa8: {  	[dreg:$0x4] =	wrdreg $0xC0  }
0xa9: {  	_ =	task [dreg:s6], $0x5FFFF  }
0xaa: {  	[dreg:$0x1] =	wrdreg $0xFFFFFFFF  }
0xab: {  	[dreg:$0x0] =	wrdreg $0x60  }
0xac: {  	[dreg:$0x2] =	wrdreg s0  }
0xad: {  	[dreg:$0x3] =	wrdreg s17  }
0xae: {  	[dreg:$0x4] =	wrdreg $0x154000  }
0xaf: {  	[dreg:$0x5] =	wrdreg $0x153000  }
0xb0: {  	[dreg:$0x6] =	wrdreg $0x9  }
0xb1: {  	_ =	task.clear_ibuf [dreg:s6], $0x7FFFF;
	_ =	strace $0x90000046  }
0xb2: {  	s26 =	simm.s32 $0x9;
	_ =	strace $0x8000004C  }
0xb3: {  	_ =	swait.ge [sflag:s26], $0x1  }
0xb4: {  	[sflag:s26] =	ssyncadd.s32 $0xFFFFFFFF  }
0xb5: {  	_ =	strace $0x9000004C  }
0xb6: {  	_ =	sfence  }
0xb7: {  	s28 =	sld [smem:$0x0];
	_ =	sdelay $0x1  }
0xb8: {  	s29 =	srdreg.scid  }
0xb9: {  	s30 =	sshll.u32 s29, $0xD;
	s31 =	sshrl.u32 s29, $0x2  }
0xba: {  	s1 =	sand.u32 $0x1, s29;
	s2 =	sand.u32 $0x4000, s30;
	s0 =	sadd.s32 s31, s28  }
0xbb: {  	s1 =	sor.u32 s2, s1;
	s0 =	sshll.u32 s0, $0x11  }
0xbc: {  	s0 =	sor.u32 s0, s1  }
0xbd: {  	s0 =	sadd.s32 $0x8F2B, s0  }
0xbe: {  	[sflag:s0] =	ssyncadd.remote.s32 $0x1  }
0xbf: {  	_ =	sfence.sel $0xFFFF  }
0xc0: {  	[dreg:$0x0] =	wrdreg $0xFFFFFFFF;
	(pc) =	sbr.abs _section_cstart, $3  }
0xc1: {  	[dreg:$0x1] =	wrdreg $0xFFFFFFFF  }
0xc2: {  	_ =	task.clear_ibuf [dreg:s6], $0x2FFFF;
	_ =	strace $0x9FFFFFFF  }
0xc3: {  	(tm) =	ssettm $0x7FFFFFFF  }
tec
execute0_lowered:
.L_overlay_start_1:
0x0: {  	(tag) =	ssettag $0x1  }
0x1: {  	s5 =	rddreg [dreg:$0x0]  }
0x2: {  	s1 =	rddreg [dreg:$0x1]  }
0x3: {  	s2 =	rddreg [dreg:$0x2]  }
0x4: {  	s4 =	rddreg [dreg:$0x3];
	s6 =	simm.s32 $0x0  }
0x5: {  	s3 =	stileid.u32;
	[smem:$0x7FF] =	sst s6  }
0x6: {  	s0 =	rddreg [dreg:$0x4];
	s7 =	sshll.u32 s3, $0xC;
	_ =	strace $0x80000047  }
0x7: {  	s5 =	sadd.s32 s5, s7;
	_ =	strace $0x80000048  }
0x8: {  	[tilespmem:s6], [sflag:$0x1] =	stream.linear.gather [hbm4b:s5+s6], $0x4000, $0x200038;
	[tilespmem:$0x15D10] =	vst v63  }
0x9: {  	s31 =	simm.s32 $0x4000;
	s5 =	sadd.s32 $0x800, s5  }
0xa: {  	[tilespmem:s31], [sflag:$0x2] =	stream.linear.gather [hbm4b:s5+s6], $0x4000, $0x200038;
	[tilespmem:$0x15D10] =	vst v63  }
0xb: {  	v0 =	vimm.s32 $0x0;
	s5 =	simm.s32 $0x10040  }
0xc: {  	[tilespmem:s5+$0xFFFFFFC0] =	vst v0  }
0xd: {  	[tilespmem:s5+$0x30] =	vst v0  }
0xe: {  	[tilespmem:s5+$0x20] =	vst v0  }
0xf: {  	[tilespmem:s5+$0x10] =	vst v0  }
0x10: {  	[tilespmem:s5+$0x0] =	vst v0  }
0x11: {  	[tilespmem:s5+$0xFFFFFFF0] =	vst v0  }
0x12: {  	s6 =	simm.s32 $0x0;
	[tilespmem:s5+$0xFFFFFFE0] =	vst v0  }
.LBB2_1:
0x13: {  	s6 =	sadd.s32 $0x8, s6;
	[tilespmem:s5+$0xFFFFFFD0] =	vst v0;
	s5 =	sadd.s32 $0x80, s5  }
0x14: {  	[tilespmem:s5+$0xFFFFFFC0] =	vst v0;
	p0 =	slt.u32 s6, $0x100  }
0x15: {  	[tilespmem:s5+$0x30] =	vst v0  }
.Ltmp0:
0x16: {  	[tilespmem:s5+$0x20] =	vst v0;
	(pc) =	sbr.rel @p0 .LBB2_1-.Ltmp0, $4  }
0x17: {  	[tilespmem:s5+$0x10] =	vst v0  }
0x18: {  	[tilespmem:s5+$0x0] =	vst v0  }
0x19: {  	[tilespmem:s5+$0xFFFFFFF0] =	vst v0  }
0x1a: {  	[tilespmem:s5+$0xFFFFFFE0] =	vst v0  }
0x1b: {  	[tilespmem:s5+$0xFFFFFFD0] =	vst v0;
	s5 =	simm.s32 $0x110C0;
	v0 =	vimm.s32 $0x0  }
0x1c: {  	[tilespmem:s5+$0xFFFFFFC0] =	vst v0  }
0x1d: {  	[tilespmem:s5+$0x30] =	vst v0  }
0x1e: {  	[tilespmem:s5+$0x20] =	vst v0  }
0x1f: {  	[tilespmem:s5+$0x10] =	vst v0  }
0x20: {  	[tilespmem:s5+$0x0] =	vst v0  }
0x21: {  	[tilespmem:s5+$0xFFFFFFF0] =	vst v0  }
0x22: {  	s6 =	simm.s32 $0x0;
	[tilespmem:s5+$0xFFFFFFE0] =	vst v0  }
.LBB2_3:
0x23: {  	s6 =	sadd.s32 $0x8, s6;
	[tilespmem:s5+$0xFFFFFFD0] =	vst v0;
	s5 =	sadd.s32 $0x80, s5  }
0x24: {  	[tilespmem:s5+$0xFFFFFFC0] =	vst v0;
	p0 =	slt.u32 s6, $0x100  }
0x25: {  	[tilespmem:s5+$0x30] =	vst v0  }
.Ltmp1:
0x26: {  	[tilespmem:s5+$0x20] =	vst v0;
	(pc) =	sbr.rel @p0 .LBB2_3-.Ltmp1, $4  }
0x27: {  	[tilespmem:s5+$0x10] =	vst v0  }
0x28: {  	[tilespmem:s5+$0x0] =	vst v0  }
0x29: {  	[tilespmem:s5+$0xFFFFFFF0] =	vst v0  }
0x2a: {  	[tilespmem:s5+$0xFFFFFFE0] =	vst v0  }
0x2b: {  	[tilespmem:s5+$0xFFFFFFD0] =	vst v0;
	s5 =	simm.s32 $0x12140;
	v0 =	vimm.s32 $0x0  }
0x2c: {  	[tilespmem:s5+$0xFFFFFFC0] =	vst v0  }
0x2d: {  	[tilespmem:s5+$0x30] =	vst v0  }
0x2e: {  	[tilespmem:s5+$0x20] =	vst v0  }
0x2f: {  	[tilespmem:s5+$0x10] =	vst v0  }
0x30: {  	[tilespmem:s5+$0x0] =	vst v0  }
0x31: {  	[tilespmem:s5+$0xFFFFFFF0] =	vst v0  }
0x32: {  	s6 =	simm.s32 $0x0;
	[tilespmem:s5+$0xFFFFFFE0] =	vst v0  }
.LBB2_5:
0x33: {  	s6 =	sadd.s32 $0x8, s6;
	[tilespmem:s5+$0xFFFFFFD0] =	vst v0;
	s5 =	sadd.s32 $0x80, s5  }
0x34: {  	[tilespmem:s5+$0xFFFFFFC0] =	vst v0;
	p0 =	slt.u32 s6, $0x100  }
0x35: {  	[tilespmem:s5+$0x30] =	vst v0  }
.Ltmp2:
0x36: {  	[tilespmem:s5+$0x20] =	vst v0;
	(pc) =	sbr.rel @p0 .LBB2_5-.Ltmp2, $4  }
0x37: {  	[tilespmem:s5+$0x10] =	vst v0  }
0x38: {  	[tilespmem:s5+$0x0] =	vst v0  }
0x39: {  	[tilespmem:s5+$0xFFFFFFF0] =	vst v0  }
0x3a: {  	[tilespmem:s5+$0xFFFFFFE0] =	vst v0  }
0x3b: {  	[tilespmem:s5+$0xFFFFFFD0] =	vst v0;
	s5 =	simm.s32 $0x131C0;
	v0 =	vimm.s32 $0x0  }
0x3c: {  	[tilespmem:s5+$0xFFFFFFC0] =	vst v0  }
0x3d: {  	[tilespmem:s5+$0x30] =	vst v0  }
0x3e: {  	[tilespmem:s5+$0x20] =	vst v0  }
0x3f: {  	[tilespmem:s5+$0x10] =	vst v0  }
0x40: {  	[tilespmem:s5+$0x0] =	vst v0  }
0x41: {  	[tilespmem:s5+$0xFFFFFFF0] =	vst v0  }
0x42: {  	s6 =	simm.s32 $0x0;
	[tilespmem:s5+$0xFFFFFFE0] =	vst v0  }
.LBB2_7:
0x43: {  	s6 =	sadd.s32 $0x8, s6;
	[tilespmem:s5+$0xFFFFFFD0] =	vst v0;
	s5 =	sadd.s32 $0x80, s5  }
0x44: {  	[tilespmem:s5+$0xFFFFFFC0] =	vst v0;
	p0 =	slt.u32 s6, $0x100  }
0x45: {  	[tilespmem:s5+$0x30] =	vst v0  }
.Ltmp3:
0x46: {  	[tilespmem:s5+$0x20] =	vst v0;
	(pc) =	sbr.rel @p0 .LBB2_7-.Ltmp3, $4  }
0x47: {  	[tilespmem:s5+$0x10] =	vst v0  }
0x48: {  	[tilespmem:s5+$0x0] =	vst v0  }
0x49: {  	[tilespmem:s5+$0xFFFFFFF0] =	vst v0  }
0x4a: {  	[tilespmem:s5+$0xFFFFFFE0] =	vst v0  }
0x4b: {  	[tilespmem:s5+$0xFFFFFFD0] =	vst v0;
	s30 =	simm.s32 $0x1  }
0x4c: {  	_ =	swait.ge [sflag:s30], $0x4000  }
0x4d: {  	[sflag:s30] =	ssyncset.done $0x0  }
0x4e: {  	[sflag:s30] =	ssyncadd.s32 $0xFFFFC000  }
0x4f: {  	_ =	strace $0x90000048  }
0x50: {  	s31 =	simm.s32 $0x40;
	_ =	strace $0x80000049  }
0x51: {  	v3 =	vld [tilespmem:s31+$0x30]  }
0x52: {  	v2 =	vld [tilespmem:s31+$0x20]  }
0x53: {  	v0 =	vld [tilespmem:s31+$0x10]  }
0x54: {  	v9 =	vld [tilespmem:s31+$0xFFFFFFD0]  }
0x55: {  	v6 =	vld [tilespmem:s31+$0xFFFFFFF0]  }
0x56: {  	v12 =	vld [tilespmem:s31+$0xFFFFFFC0]  }
0x57: {  	v1 =	vlaneseq.u32  }
0x58: {  	v10 =	vimm.f32 $0.0e+00;
	v4 =	vmul.u32 $0x101, v1;
	v1 =	vimm.s32 $0x1  }
0x59: {  	v7 =	vshra.s32 v3, $0x1F;
	v11 =	vshra.s32 v2, $0x1F;
	v8 =	vmul.f32 v0, v0  }
0x5a: {  	v14 =	vshra.s32 v9, $0x1F;
	v15 =	vshra.s32 v0, $0x1F;
	v18 =	vmul.f32 v9, v9  }
0x5b: {  	v19 =	vshra.s32 v6, $0x1F;
	v20 =	vadd.f32 v12, v10;
	v24 =	vshra.s32 v12, $0x1F  }
0x5c: {  	v13 =	vor.u32 $0x80000000, v11;
	v11 =	vld [tilespmem:s31+$0xFFFFFFE0];
	v14 =	vor.u32 $0x80000000, v14;
	v16 =	vor.u32 $0x80000000, v15  }
0x5d: {  	v5 =	vld [tilespmem:s31+$0x0];
	v7 =	vor.u32 $0x80000000, v7;
	v15 =	vxor.u32 v9, v14;
	v14 =	vxor.u32 v0, v16  }
0x5e: {  	v63 =	vor.u32 $0x80000000, v19;
	v16 =	vmul.f32 v12, v12;
	v14 =	vshrl.u32 v14, $0x18  }
0x5f: {  	v13 =	vxor.u32 v2, v13;
	v9 =	vadd.f32 v9, v20;
	v23 =	vadd.s32 v4, v14  }
0x60: {  	v22 =	vxor.u32 v3, v7;
	v13 =	vshrl.u32 v13, $0x18;
	v10 =	vadd.f32 v16, v10  }
0x61: {  	v17 =	vadd.s32 v4, v13;
	v16 =	vadd.f32 v11, v9;
	v9 =	vxor.u32 v6, v63  }
0x62: {  	v7 =	vmul.f32 v5, v5;
	v20 =	vor.u32 $0x80000000, v24;
	v13 =	vmul.f32 v6, v6  }
0x63: {  	s5 =	simm.s32 $0x10000;
	v14 =	vmul.f32 v11, v11;
	v21 =	vshra.s32 v11, $0x1F;
	v18 =	vadd.f32 v18, v10  }
0x64: {  	s6 =	simm.s32 $0x0;
	s7 =	simm.s32 $0xC0;
	v22 =	vshrl.u32 v22, $0x18;
	v19 =	vor.u32 $0x80000000, v21;
	v21 =	vshrl.u32 v9, $0x18;
	v10 =	vmovc v2;
	[tilespmem:v23+s5+$0x0] =	vst.idx.add.s32.msk $0xffff, v1;
	v9 =	vmovc v3  }
.LBB2_9:
0x65: {  	v23 =	vmov v3  }
0x66: {  	s6 =	sadd.s32 $0x8, s6;
	v12 =	vxor.u32 v12, v20;
	v15 =	vshrl.u32 v15, $0x18;
	[tilespmem:v17+s5+$0x0] =	vst.idx.add.s32.msk $0xffff, v1;
	v17 =	vadd.s32 v4, v22  }
0x67: {  	v11 =	vxor.u32 v11, v19;
	p0 =	slt.u32 s6, $0x3F8;
	v14 =	vadd.f32 v14, v18;
	v18 =	vadd.s32 v4, v21;
	v20 =	vld [tilespmem:s7+$0x10]  }
0x68: {  	v19 =	vshra.s32 v5, $0x1F;
	v12 =	vshrl.u32 v12, $0x18;
	v11 =	vshrl.u32 v11, $0x18;
	v3 =	vld [tilespmem:s7+$0x30]  }
0x69: {  	v24 =	vmul.f32 v10, v2;
	v21 =	vadd.s32 v4, v12;
	v22 =	vadd.s32 v4, v11;
	v10 =	vld [tilespmem:s7+$0x20]  }
0x6a: {  	v12 =	vadd.s32 v4, v15;
	v15 =	vor.u32 $0x80000000, v19;
	v25 =	vld [tilespmem:s7+$0xFFFFFFD0]  }
0x6b: {  	v19 =	vmul.f32 v23, v9;
	v15 =	vxor.u32 v5, v15;
	v11 =	vld [tilespmem:s7+$0xFFFFFFE0]  }
0x6c: {  	v16 =	vadd.f32 v6, v16;
	v13 =	vadd.f32 v13, v14;
	v6 =	vshrl.u32 v15, $0x18;
	v23 =	vld [tilespmem:s7+$0x0]  }
0x6d: {  	v27 =	vadd.s32 v4, v6;
	v26 =	vmul.f32 v20, v20;
	v14 =	vshra.s32 v3, $0x1F;
	[tilespmem:v17+s5+$0x0] =	vst.idx.add.s32.msk $0xffff, v1  }
0x6e: {  	v30 =	vadd.f32 v5, v16;
	v6 =	vld [tilespmem:s7+$0xFFFFFFF0];
	v15 =	vshra.s32 v10, $0x1F;
	v14 =	vor.u32 $0x80000000, v14  }
0x6f: {  	v13 =	vadd.f32 v7, v13;
	v16 =	vor.u32 $0x80000000, v15;
	v28 =	vxor.u32 v3, v14;
	[tilespmem:v12+s5+$0x0] =	vst.idx.add.s32.msk $0xffff, v1  }
0x70: {  	v17 =	vadd.f32 v0, v30;
	v0 =	vmovc v20;
	v14 =	vshra.s32 v25, $0x1F;
	v15 =	vshra.s32 v20, $0x1F;
	v12 =	vld [tilespmem:s7+$0xFFFFFFC0]  }
0x71: {  	v8 =	vadd.f32 v8, v13;
	v29 =	vmul.f32 v25, v25;
	v7 =	vmul.f32 v23, v23;
	v5 =	vmovc v23  }
0x72: {  	v17 =	vadd.f32 v2, v17;
	v2 =	vmovc v10;
	v13 =	vor.u32 $0x80000000, v14;
	v14 =	vor.u32 $0x80000000, v15;
	[tilespmem:v18+s5+$0x0] =	vst.idx.add.s32.msk $0xffff, v1  }
0x73: {  	v8 =	vadd.f32 v24, v8;
	v15 =	vxor.u32 v25, v13;
	v18 =	vshra.s32 v6, $0x1F;
	[tilespmem:v27+s5+$0x0] =	vst.idx.add.s32.msk $0xffff, v1  }
0x74: {  	v16 =	vxor.u32 v2, v16;
	v13 =	vxor.u32 v0, v14;
	v17 =	vadd.f32 v9, v17;
	v9 =	vmovc v3  }
0x75: {  	v14 =	vmul.f32 v11, v11;
	v13 =	vshrl.u32 v13, $0x18;
	v23 =	vmul.f32 v12, v12;
	[tilespmem:v21+s5+$0x0] =	vst.idx.add.s32.msk $0xffff, v1  }
0x76: {  	v24 =	vadd.s32 v4, v13;
	v13 =	vshrl.u32 v16, $0x18;
	v20 =	vadd.f32 v12, v17;
	[tilespmem:v22+s5+$0x0] =	vst.idx.add.s32.msk $0xffff, v1  }
.Ltmp4:
0x77: {  	v19 =	vadd.f32 v19, v8;
	v8 =	vmovc v26;
	v16 =	vshra.s32 v11, $0x1F;
	v17 =	vadd.s32 v4, v13;
	(pc) =	sbr.rel @p0 .LBB2_9-.Ltmp4, $4  }
0x78: {  	v21 =	vshra.s32 v12, $0x1F;
	v13 =	vmul.f32 v6, v6;
	v22 =	vadd.f32 v25, v20  }
0x79: {  	v18 =	vor.u32 $0x80000000, v18;
	v20 =	vor.u32 $0x80000000, v21;
	v21 =	vadd.f32 v23, v19  }
0x7a: {  	v19 =	vor.u32 $0x80000000, v16;
	v16 =	vadd.f32 v11, v22;
	v22 =	vxor.u32 v6, v18  }
0x7b: {  	s7 =	sadd.s32 $0x80, s7;
	v18 =	vadd.f32 v29, v21;
	v21 =	vshrl.u32 v22, $0x18;
	v22 =	vshrl.u32 v28, $0x18;
	[tilespmem:v24+s5+$0x0] =	vst.idx.add.s32.msk $0xffff, v1  }
0x7c: {  	v23 =	vshra.s32 v5, $0x1F;
	v15 =	vshrl.u32 v15, $0x18;
	v22 =	vadd.s32 v4, v22  }
0x7d: {  	v12 =	vxor.u32 v12, v20;
	v20 =	vadd.s32 v4, v21;
	v23 =	vor.u32 $0x80000000, v23  }
0x7e: {  	v15 =	vadd.s32 v4, v15;
	v12 =	vshrl.u32 v12, $0x18;
	v23 =	vxor.u32 v5, v23  }
0x7f: {  	v11 =	vxor.u32 v11, v19;
	v12 =	vadd.s32 v4, v12;
	v21 =	vshrl.u32 v23, $0x18  }
0x80: {  	[tilespmem:v17+s5+$0x0] =	vst.idx.add.s32.msk $0xffff, v1;
	v11 =	vshrl.u32 v11, $0x18;
	v19 =	vadd.s32 v4, v21  }
0x81: {  	v4 =	vadd.s32 v4, v11;
	[tilespmem:v22+s5+$0x0] =	vst.idx.add.s32.msk $0xffff, v1  }
0x82: {  	[tilespmem:v20+s5+$0x0] =	vst.idx.add.s32.msk $0xffff, v1  }
0x83: {  	[tilespmem:v15+s5+$0x0] =	vst.idx.add.s32.msk $0xffff, v1  }
0x84: {  	[tilespmem:v12+s5+$0x0] =	vst.idx.add.s32.msk $0xffff, v1  }
0x85: {  	[tilespmem:v19+s5+$0x0] =	vst.idx.add.s32.msk $0xffff, v1  }
0x86: {  	v6 =	vadd.f32 v6, v16;
	s30 =	simm.s32 $0x2;
	v11 =	vadd.f32 v14, v18;
	[tilespmem:v4+s5+$0x0] =	vst.idx.add.s32.msk $0xffff, v1  }
0x87: {  	_ =	swait.ge [sflag:s30], $0x4000  }
0x88: {  	v1 =	vadd.f32 v13, v11;
	v4 =	vadd.f32 v5, v6;
	[sflag:s30] =	ssyncset.done $0x0  }
0x89: {  	s31 =	simm.s32 $0x4070;
	[sflag:s30] =	ssyncadd.s32 $0xFFFFC000  }
0x8a: {  	v5 =	vadd.f32 v7, v1;
	v4 =	vadd.f32 v0, v4;
	v1 =	vld [tilespmem:s31+$0x0]  }
0x8b: {  	v0 =	vld [tilespmem:s31+$0xFFFFFFF0]  }
0x8c: {  	v6 =	vmul.f32 v10, v2;
	v5 =	vadd.f32 v8, v5;
	v4 =	vadd.f32 v2, v4;
	v2 =	vld [tilespmem:s31+$0xFFFFFFE0]  }
0x8d: {  	v15 =	vld [tilespmem:s31+$0xFFFFFF90]  }
0x8e: {  	v7 =	vmul.f32 v3, v9;
	v5 =	vadd.f32 v6, v5;
	v6 =	vld [tilespmem:s31+$0xFFFFFFA0]  }
0x8f: {  	v8 =	vadd.f32 v9, v4;
	v4 =	vlaneseq.u32;
	v9 =	vimm.s32 $0x1  }
0x90: {  	v10 =	vmul.u32 $0x101, v4;
	v14 =	vadd.f32 v7, v5;
	v5 =	vshra.s32 v1, $0x1F  }
0x91: {  	v11 =	vshra.s32 v0, $0x1F;
	v7 =	vmul.f32 v2, v2;
	v16 =	vshra.s32 v2, $0x1F  }
0x92: {  	v4 =	vld [tilespmem:s31+$0xFFFFFFC0];
	v8 =	vadd.f32 v15, v8;
	v20 =	vshra.s32 v15, $0x1F;
	v5 =	vor.u32 $0x80000000, v5  }
0x93: {  	v12 =	vor.u32 $0x80000000, v11;
	v16 =	vor.u32 $0x80000000, v16;
	v13 =	vshra.s32 v6, $0x1F  }
0x94: {  	v11 =	vld [tilespmem:s31+$0xFFFFFFB0];
	v20 =	vor.u32 $0x80000000, v20;
	v22 =	vxor.u32 v1, v5;
	v13 =	vor.u32 $0x80000000, v13  }
0x95: {  	v3 =	vld [tilespmem:s31+$0xFFFFFFD0];
	v21 =	vmul.f32 v6, v6;
	v17 =	vxor.u32 v6, v13;
	v13 =	vxor.u32 v2, v16  }
0x96: {  	v12 =	vxor.u32 v0, v12;
	v16 =	vmul.f32 v15, v15;
	v13 =	vshrl.u32 v13, $0x18  }
0x97: {  	v19 =	vshra.s32 v4, $0x1F;
	v6 =	vadd.f32 v6, v8;
	v23 =	vadd.s32 v10, v13  }
0x98: {  	v12 =	vshrl.u32 v12, $0x18;
	v8 =	vadd.f32 v16, v14;
	v16 =	vor.u32 $0x80000000, v19  }
0x99: {  	v18 =	vadd.s32 v10, v12;
	v14 =	vadd.f32 v11, v6;
	v6 =	vxor.u32 v4, v16  }
0x9a: {  	v5 =	vmul.f32 v3, v3;
	v22 =	vshrl.u32 v22, $0x18;
	v24 =	vshra.s32 v11, $0x1F  }
0x9b: {  	s5 =	simm.s32 $0x10000;
	v12 =	vmul.f32 v4, v4;
	v13 =	vmul.f32 v11, v11;
	v19 =	vor.u32 $0x80000000, v24  }
0x9c: {  	s6 =	simm.s32 $0x400;
	s7 =	simm.s32 $0x40F0;
	v16 =	vadd.f32 v21, v8;
	v21 =	vshrl.u32 v6, $0x18;
	v8 =	vmovc v0;
	v6 =	vmov v1;
	[tilespmem:v23+s5+$0x0] =	vst.idx.add.s32.msk $0xffff, v9  }
.LBB2_11:
0x9d: {  	v23 =	vmov v1  }
0x9e: {  	s6 =	sadd.s32 $0x8, s6;
	v15 =	vxor.u32 v15, v20;
	v17 =	vshrl.u32 v17, $0x18;
	[tilespmem:v18+s5+$0x0] =	vst.idx.add.s32.msk $0xffff, v9;
	v18 =	vadd.s32 v10, v22  }
0x9f: {  	v11 =	vxor.u32 v11, v19;
	p0 =	slt.u32 s6, $0x7F8;
	v13 =	vadd.f32 v13, v16;
	v16 =	vadd.s32 v10, v21;
	v20 =	vld [tilespmem:s7+$0xFFFFFFE0]  }
0xa0: {  	v19 =	vshra.s32 v3, $0x1F;
	v15 =	vshrl.u32 v15, $0x18;
	v11 =	vshrl.u32 v11, $0x18;
	v1 =	vld [tilespmem:s7+$0x0]  }
0xa1: {  	v24 =	vmul.f32 v8, v0;
	v21 =	vadd.s32 v10, v15;
	v22 =	vadd.s32 v10, v11;
	v8 =	vld [tilespmem:s7+$0xFFFFFFF0]  }
0xa2: {  	v15 =	vadd.s32 v10, v17;
	v17 =	vor.u32 $0x80000000, v19;
	v25 =	vld [tilespmem:s7+$0xFFFFFFA0]  }
0xa3: {  	v19 =	vmul.f32 v23, v6;
	v17 =	vxor.u32 v3, v17;
	v11 =	vld [tilespmem:s7+$0xFFFFFFB0]  }
0xa4: {  	v14 =	vadd.f32 v4, v14;
	v12 =	vadd.f32 v12, v13;
	v4 =	vshrl.u32 v17, $0x18;
	v23 =	vld [tilespmem:s7+$0xFFFFFFD0]  }
0xa5: {  	v27 =	vadd.s32 v10, v4;
	v26 =	vmul.f32 v20, v20;
	v13 =	vshra.s32 v1, $0x1F;
	[tilespmem:v18+s5+$0x0] =	vst.idx.add.s32.msk $0xffff, v9  }
0xa6: {  	v30 =	vadd.f32 v3, v14;
	v4 =	vld [tilespmem:s7+$0xFFFFFFC0];
	v17 =	vshra.s32 v8, $0x1F;
	v13 =	vor.u32 $0x80000000, v13  }
0xa7: {  	v12 =	vadd.f32 v5, v12;
	v14 =	vor.u32 $0x80000000, v17;
	v28 =	vxor.u32 v1, v13;
	[tilespmem:v15+s5+$0x0] =	vst.idx.add.s32.msk $0xffff, v9  }
0xa8: {  	v18 =	vadd.f32 v2, v30;
	v2 =	vmovc v20;
	v13 =	vshra.s32 v25, $0x1F;
	v17 =	vshra.s32 v20, $0x1F;
	v15 =	vld [tilespmem:s7+$0xFFFFFF90]  }
0xa9: {  	v7 =	vadd.f32 v7, v12;
	v29 =	vmul.f32 v25, v25;
	v5 =	vmul.f32 v23, v23;
	v3 =	vmovc v23  }
0xaa: {  	v12 =	vor.u32 $0x80000000, v13;
	v13 =	vor.u32 $0x80000000, v17;
	[tilespmem:v16+s5+$0x0] =	vst.idx.add.s32.msk $0xffff, v9;
	v16 =	vadd.f32 v0, v18;
	v0 =	vmovc v8  }
0xab: {  	v7 =	vadd.f32 v24, v7;
	v17 =	vxor.u32 v25, v12;
	v23 =	vshra.s32 v4, $0x1F;
	[tilespmem:v27+s5+$0x0] =	vst.idx.add.s32.msk $0xffff, v9  }
0xac: {  	v12 =	vxor.u32 v2, v13;
	v14 =	vxor.u32 v0, v14;
	v16 =	vadd.f32 v6, v16;
	v6 =	vmovc v1  }
0xad: {  	v13 =	vmul.f32 v11, v11;
	v12 =	vshrl.u32 v12, $0x18;
	v24 =	vmul.f32 v15, v15;
	[tilespmem:v21+s5+$0x0] =	vst.idx.add.s32.msk $0xffff, v9  }
0xae: {  	v27 =	vadd.s32 v10, v12;
	v12 =	vshrl.u32 v14, $0x18;
	v16 =	vadd.f32 v15, v16;
	[tilespmem:v22+s5+$0x0] =	vst.idx.add.s32.msk $0xffff, v9  }
.Ltmp5:
0xaf: {  	v19 =	vadd.f32 v19, v7;
	v7 =	vmovc v26;
	v14 =	vshra.s32 v11, $0x1F;
	v18 =	vadd.s32 v10, v12;
	(pc) =	sbr.rel @p0 .LBB2_11-.Ltmp5, $4  }
0xb0: {  	v20 =	vshra.s32 v15, $0x1F;
	v12 =	vmul.f32 v4, v4;
	v16 =	vadd.f32 v25, v16  }
0xb1: {  	v20 =	vor.u32 $0x80000000, v20;
	v22 =	vor.u32 $0x80000000, v23;
	v21 =	vadd.f32 v24, v19  }
0xb2: {  	v19 =	vor.u32 $0x80000000, v14;
	v22 =	vxor.u32 v4, v22;
	v14 =	vadd.f32 v11, v16  }
0xb3: {  	s7 =	sadd.s32 $0x80, s7;
	v16 =	vadd.f32 v29, v21;
	v21 =	vshrl.u32 v22, $0x18;
	v22 =	vshrl.u32 v28, $0x18;
	[tilespmem:v27+s5+$0x0] =	vst.idx.add.s32.msk $0xffff, v9  }
0xb4: {  	v23 =	vshra.s32 v3, $0x1F;
	v17 =	vshrl.u32 v17, $0x18;
	v22 =	vadd.s32 v10, v22  }
0xb5: {  	v15 =	vxor.u32 v15, v20;
	v52 =	vadd.s32 v10, v21;
	v23 =	vor.u32 $0x80000000, v23  }
0xb6: {  	v17 =	vadd.s32 v10, v17;
	v15 =	vshrl.u32 v15, $0x18;
	v23 =	vxor.u32 v3, v23  }
0xb7: {  	v11 =	vxor.u32 v11, v19;
	v15 =	vadd.s32 v10, v15;
	v53 =	vshrl.u32 v23, $0x18  }
0xb8: {  	[tilespmem:v18+s5+$0x0] =	vst.idx.add.s32.msk $0xffff, v9;
	v11 =	vshrl.u32 v11, $0x18;
	v54 =	vadd.s32 v10, v53  }
0xb9: {  	v10 =	vadd.s32 v10, v11;
	[tilespmem:v22+s5+$0x0] =	vst.idx.add.s32.msk $0xffff, v9  }
0xba: {  	[tilespmem:v52+s5+$0x0] =	vst.idx.add.s32.msk $0xffff, v9  }
0xbb: {  	[tilespmem:v17+s5+$0x0] =	vst.idx.add.s32.msk $0xffff, v9  }
0xbc: {  	[tilespmem:v15+s5+$0x0] =	vst.idx.add.s32.msk $0xffff, v9  }
0xbd: {  	[tilespmem:v54+s5+$0x0] =	vst.idx.add.s32.msk $0xffff, v9  }
0xbe: {  	[tilespmem:v10+s5+$0x0] =	vst.idx.add.s32.msk $0xffff, v9  }
0xbf: {  	s7 =	simm.s32 $0x10808;
	_ =	strace $0x90000049  }
0xc0: {  	v9 =	vld [tilespmem:s7+$0xFFFFF828]  }
0xc1: {  	v10 =	vld [tilespmem:s7+$0xFFFFF929]  }
0xc2: {  	v11 =	vld [tilespmem:s7+$0xFFFFFA2A]  }
0xc3: {  	v55 =	vld [tilespmem:s7+$0xFFFFFB2B]  }
0xc4: {  	v56 =	vld [tilespmem:s7+$0xFFFFFC2C]  }
0xc5: {  	v57 =	vld [tilespmem:s7+$0xFFFFFD2D]  }
0xc6: {  	v58 =	vld [tilespmem:s7+$0xFFFFFE2E]  }
0xc7: {  	v59 =	vld [tilespmem:s7+$0xFFFFFF2F]  }
0xc8: {  	v60 =	vld [tilespmem:s7+$0x30]  }
0xc9: {  	v61 =	vld [tilespmem:s7+$0x131]  }
0xca: {  	v62 =	vld [tilespmem:s7+$0x232]  }
0xcb: {  	v24 =	vld [tilespmem:s7+$0x333]  }
0xcc: {  	v25 =	vld [tilespmem:s7+$0x434]  }
0xcd: {  	v26 =	vld [tilespmem:s7+$0x535]  }
0xce: {  	v27 =	vld [tilespmem:s7+$0x636]  }
0xcf: {  	v28 =	vld [tilespmem:s7+$0x737]  }
0xd0: {  	v29 =	vld [tilespmem:s7+$0xFFFFF8F9]  }
0xd1: {  	v30 =	vld [tilespmem:s7+$0xFFFFF808]  }
0xd2: {  	v31 =	vld [tilespmem:s7+$0xFFFFF909]  }
0xd3: {  	v32 =	vld [tilespmem:s7+$0xFFFFF818]  }
0xd4: {  	v33 =	vld [tilespmem:s7+$0xFFFFF919]  }
0xd5: {  	v34 =	vld [tilespmem:s7+$0xFFFFF7F8]  }
0xd6: {  	v35 =	vld [tilespmem:s7+$0xFFFFF9FA]  }
0xd7: {  	v36 =	vld [tilespmem:s7+$0xFFFFFA0A]  }
0xd8: {  	v37 =	vld [tilespmem:s7+$0xFFFFFA1A]  }
0xd9: {  	v38 =	vld [tilespmem:s7+$0xFFFFFAFB]  }
0xda: {  	v39 =	vld [tilespmem:s7+$0xFFFFFB0B]  }
0xdb: {  	v40 =	vld [tilespmem:s7+$0xFFFFFB1B]  }
0xdc: {  	v41 =	vld [tilespmem:s7+$0xFFFFFBFC]  }
0xdd: {  	v42 =	vld [tilespmem:s7+$0xFFFFFC0C]  }
0xde: {  	v43 =	vld [tilespmem:s7+$0xFFFFFC1C]  }
0xdf: {  	v44 =	vld [tilespmem:s7+$0xFFFFFCFD]  }
0xe0: {  	v45 =	vld [tilespmem:s7+$0xFFFFFD0D]  }
0xe1: {  	v46 =	vld [tilespmem:s7+$0xFFFFFD1D]  }
0xe2: {  	v47 =	vld [tilespmem:s7+$0xFFFFFDFE]  }
0xe3: {  	v13 =	vadd.f32 v13, v16;
	v48 =	vld [tilespmem:s7+$0xFFFFFE0E]  }
0xe4: {  	v4 =	vadd.f32 v4, v14;
	v63 =	vld [tilespmem:s7+$0xFFFFFF0F];
	v9 =	vadd.s32 v9, v10  }
0xe5: {  	v12 =	vadd.f32 v12, v13;
	v49 =	vld [tilespmem:s7+$0xFFFFFF1F];
	v9 =	vadd.s32 v11, v9  }
0xe6: {  	v3 =	vadd.f32 v3, v4;
	v50 =	vld [tilespmem:s7+$0x0];
	v9 =	vadd.s32 v55, v9  }
0xe7: {  	v5 =	vadd.f32 v5, v12;
	v51 =	vld [tilespmem:s7+$0x10];
	v9 =	vadd.s32 v56, v9  }
0xe8: {  	v2 =	vadd.f32 v2, v3;
	v52 =	vld [tilespmem:s7+$0x20];
	v9 =	vadd.s32 v57, v9  }
0xe9: {  	v5 =	vadd.f32 v7, v5;
	v7 =	vmul.f32 v8, v0;
	v53 =	vld [tilespmem:s7+$0x111];
	v9 =	vadd.s32 v58, v9  }
0xea: {  	v0 =	vadd.f32 v0, v2;
	v8 =	vld [tilespmem:s7+$0x202];
	v9 =	vadd.s32 v59, v9  }
0xeb: {  	v1 =	vmul.f32 v1, v6;
	v5 =	vadd.f32 v7, v5;
	v7 =	vld [tilespmem:s7+$0x222];
	v4 =	vadd.s32 v60, v9  }
0xec: {  	v0 =	vadd.f32 v6, v0;
	v6 =	vld [tilespmem:s7+$0x303];
	v4 =	vadd.s32 v61, v4  }
0xed: {  	v1 =	vadd.f32 v1, v5;
	v5 =	vld [tilespmem:s7+$0x313];
	v3 =	vadd.s32 v62, v4  }
0xee: {  	v10 =	vld [tilespmem:s7+$0xFFFFFE1E];
	v3 =	vadd.s32 v24, v3  }
0xef: {  	v11 =	vld [tilespmem:s7+$0xFFFFFEFF];
	v2 =	vadd.s32 v25, v3  }
0xf0: {  	v57 =	vld [tilespmem:s7+$0x323];
	v2 =	vadd.s32 v26, v2  }
0xf1: {  	v58 =	vld [tilespmem:s7+$0x404];
	v2 =	vadd.s32 v27, v2  }
0xf2: {  	v55 =	vadd.s32 v30, v31;
	v59 =	vld [tilespmem:s7+$0x414];
	v54 =	vadd.s32 v28, v2;
	v2 =	vadd.s32 v34, v29  }
0xf3: {  	v56 =	vadd.s32 v32, v33;
	v19 =	vadd.s32 v36, v55;
	v9 =	vld [tilespmem:s7+$0x101];
	v2 =	vadd.s32 v35, v2  }
0xf4: {  	v20 =	vadd.s32 v37, v56;
	v19 =	vadd.s32 v39, v19;
	v60 =	vld [tilespmem:s7+$0x424];
	v2 =	vadd.s32 v38, v2  }
0xf5: {  	v20 =	vadd.s32 v40, v20;
	v19 =	vadd.s32 v42, v19;
	v61 =	vld [tilespmem:s7+$0x505];
	v2 =	vadd.s32 v41, v2  }
0xf6: {  	v20 =	vadd.s32 v43, v20;
	v19 =	vadd.s32 v45, v19;
	v4 =	vld [tilespmem:s7+$0x121];
	v2 =	vadd.s32 v44, v2  }
0xf7: {  	v20 =	vadd.s32 v46, v20;
	v19 =	vadd.s32 v48, v19;
	v3 =	vld [tilespmem:s7+$0x212];
	v2 =	vadd.s32 v47, v2  }
0xf8: {  	v10 =	vadd.s32 v10, v20;
	v15 =	vadd.s32 v63, v19;
	v63 =	vld [tilespmem:s7+$0x606];
	v2 =	vadd.s32 v11, v2  }
0xf9: {  	v10 =	vadd.s32 v49, v10;
	v62 =	vld [tilespmem:s7+$0x525];
	v2 =	vadd.s32 v50, v2  }
0xfa: {  	v14 =	vadd.s32 v51, v15;
	v10 =	vadd.s32 v52, v10;
	v11 =	vld [tilespmem:s7+$0x515];
	v2 =	vadd.s32 v9, v2  }
0xfb: {  	v4 =	vadd.s32 v4, v10;
	v9 =	vadd.s32 v53, v14;
	v8 =	vadd.s32 v8, v2;
	v2 =	vld [tilespmem:s7+$0x616]  }
0xfc: {  	v4 =	vadd.s32 v7, v4;
	v9 =	vadd.s32 v3, v9;
	v3 =	vld [tilespmem:s7+$0x626];
	v6 =	vadd.s32 v6, v8  }
0xfd: {  	v4 =	vadd.s32 v57, v4;
	v7 =	vadd.s32 v5, v9;
	v5 =	vld [tilespmem:s7+$0x707];
	v6 =	vadd.s32 v58, v6  }
0xfe: {  	s5 =	simm.s32 $0x14220;
	v8 =	vadd.s32 v60, v4;
	v4 =	vld [tilespmem:s7+$0x717];
	v7 =	vadd.s32 v59, v7;
	v6 =	vadd.s32 v61, v6  }
0xff: {  	s6 =	simm.s32 $0x0;
	[tilespmem:s5+$0x10] =	vst v54;
	v9 =	vadd.s32 v11, v7;
	v7 =	vadd.s32 v62, v8;
	v8 =	vadd.s32 v63, v6;
	v6 =	vld [tilespmem:s7+$0x727];
	s7 =	simm.s32 $0x10848  }
.LBB2_13:
0x100: {  	v10 =	vld [tilespmem:s7+$0xFFFFF828];
	v2 =	vadd.s32 v2, v9  }
0x101: {  	s6 =	sadd.s32 $0x4, s6;
	v9 =	vld [tilespmem:s7+$0xFFFFF929];
	v3 =	vadd.s32 v3, v7  }
0x102: {  	p0 =	slt.u32 s6, $0xC;
	v7 =	vld [tilespmem:s7+$0xFFFFFA2A];
	v5 =	vadd.s32 v5, v8  }
0x103: {  	v8 =	vld [tilespmem:s7+$0xFFFFFB2B];
	[tilespmem:s5+$0xFFFFFFE0] =	vst v5;
	v2 =	vadd.s32 v4, v2  }
0x104: {  	v4 =	vld [tilespmem:s7+$0xFFFFFC2C];
	[tilespmem:s5+$0xFFFFFFF0] =	vst v2;
	v2 =	vadd.s32 v6, v3  }
0x105: {  	v3 =	vld [tilespmem:s7+$0xFFFFFD2D];
	[tilespmem:s5+$0x0] =	vst v2  }
0x106: {  	v2 =	vadd.s32 v10, v9;
	v5 =	vld [tilespmem:s7+$0xFFFFFE2E]  }
0x107: {  	v2 =	vadd.s32 v7, v2;
	v6 =	vld [tilespmem:s7+$0xFFFFFF2F]  }
0x108: {  	v2 =	vadd.s32 v8, v2;
	v7 =	vld [tilespmem:s7+$0x30]  }
0x109: {  	v2 =	vadd.s32 v4, v2;
	v4 =	vld [tilespmem:s7+$0x131]  }
0x10a: {  	v2 =	vadd.s32 v3, v2;
	v3 =	vld [tilespmem:s7+$0x232]  }
0x10b: {  	v2 =	vadd.s32 v5, v2;
	v5 =	vld [tilespmem:s7+$0x333]  }
0x10c: {  	v2 =	vadd.s32 v6, v2;
	v6 =	vld [tilespmem:s7+$0x434]  }
0x10d: {  	v2 =	vadd.s32 v7, v2;
	v7 =	vld [tilespmem:s7+$0x535]  }
0x10e: {  	v2 =	vadd.s32 v4, v2;
	v4 =	vld [tilespmem:s7+$0x636]  }
0x10f: {  	v2 =	vadd.s32 v3, v2;
	v3 =	vld [tilespmem:s7+$0x737]  }
0x110: {  	v8 =	vld [tilespmem:s7+$0xFFFFF8F9];
	v2 =	vadd.s32 v5, v2  }
0x111: {  	v5 =	vld [tilespmem:s7+$0xFFFFF808];
	v2 =	vadd.s32 v6, v2  }
0x112: {  	v6 =	vld [tilespmem:s7+$0xFFFFF909];
	v2 =	vadd.s32 v7, v2  }
0x113: {  	v7 =	vld [tilespmem:s7+$0xFFFFF818];
	v2 =	vadd.s32 v4, v2  }
0x114: {  	s5 =	sadd.s32 $0x40, s5;
	v4 =	vld [tilespmem:s7+$0xFFFFF919];
	v2 =	vadd.s32 v3, v2  }
0x115: {  	v3 =	vld [tilespmem:s7+$0xFFFFF7F8];
	[tilespmem:s5+$0x10] =	vst v2  }
0x116: {  	v2 =	vld [tilespmem:s7+$0xFFFFF9FA]  }
0x117: {  	v5 =	vadd.s32 v5, v6;
	v6 =	vld [tilespmem:s7+$0xFFFFFA0A]  }
0x118: {  	v9 =	vld [tilespmem:s7+$0xFFFFFA1A]  }
0x119: {  	v10 =	vld [tilespmem:s7+$0xFFFFFAFB];
	v4 =	vadd.s32 v7, v4  }
0x11a: {  	v3 =	vadd.s32 v3, v8;
	v7 =	vld [tilespmem:s7+$0xFFFFFB0B]  }
0x11b: {  	v2 =	vadd.s32 v2, v3;
	v3 =	vld [tilespmem:s7+$0xFFFFFB1B]  }
0x11c: {  	v8 =	vld [tilespmem:s7+$0xFFFFFBFC];
	v5 =	vadd.s32 v6, v5  }
0x11d: {  	v6 =	vld [tilespmem:s7+$0xFFFFFC0C];
	v4 =	vadd.s32 v9, v4  }
0x11e: {  	v2 =	vadd.s32 v10, v2;
	v9 =	vld [tilespmem:s7+$0xFFFFFC1C]  }
0x11f: {  	v10 =	vld [tilespmem:s7+$0xFFFFFCFD];
	v5 =	vadd.s32 v7, v5  }
0x120: {  	v7 =	vld [tilespmem:s7+$0xFFFFFD0D];
	v3 =	vadd.s32 v3, v4  }
0x121: {  	v2 =	vadd.s32 v8, v2;
	v4 =	vld [tilespmem:s7+$0xFFFFFD1D]  }
0x122: {  	v8 =	vld [tilespmem:s7+$0xFFFFFDFE];
	v5 =	vadd.s32 v6, v5  }
0x123: {  	v6 =	vld [tilespmem:s7+$0xFFFFFE0E];
	v3 =	vadd.s32 v9, v3  }
0x124: {  	v2 =	vadd.s32 v10, v2;
	v9 =	vld [tilespmem:s7+$0xFFFFFE1E]  }
0x125: {  	v10 =	vld [tilespmem:s7+$0xFFFFFEFF];
	v5 =	vadd.s32 v7, v5  }
0x126: {  	v7 =	vld [tilespmem:s7+$0xFFFFFF0F];
	v3 =	vadd.s32 v4, v3  }
0x127: {  	v2 =	vadd.s32 v8, v2;
	v4 =	vld [tilespmem:s7+$0xFFFFFF1F]  }
0x128: {  	v8 =	vld [tilespmem:s7+$0x0];
	v5 =	vadd.s32 v6, v5  }
0x129: {  	v6 =	vld [tilespmem:s7+$0x10];
	v3 =	vadd.s32 v9, v3  }
0x12a: {  	v2 =	vadd.s32 v10, v2;
	v9 =	vld [tilespmem:s7+$0x20]  }
0x12b: {  	v10 =	vld [tilespmem:s7+$0x101];
	v5 =	vadd.s32 v7, v5  }
0x12c: {  	v7 =	vld [tilespmem:s7+$0x111];
	v3 =	vadd.s32 v4, v3  }
0x12d: {  	v2 =	vadd.s32 v8, v2;
	v4 =	vld [tilespmem:s7+$0x121]  }
0x12e: {  	v8 =	vld [tilespmem:s7+$0x202];
	v5 =	vadd.s32 v6, v5  }
0x12f: {  	v6 =	vld [tilespmem:s7+$0x212];
	v3 =	vadd.s32 v9, v3  }
0x130: {  	v2 =	vadd.s32 v10, v2;
	v9 =	vld [tilespmem:s7+$0x222]  }
0x131: {  	v10 =	vld [tilespmem:s7+$0x303];
	v5 =	vadd.s32 v7, v5  }
0x132: {  	v7 =	vld [tilespmem:s7+$0x313];
	v3 =	vadd.s32 v4, v3  }
0x133: {  	v2 =	vadd.s32 v8, v2;
	v4 =	vld [tilespmem:s7+$0x323]  }
0x134: {  	v8 =	vld [tilespmem:s7+$0x404];
	v5 =	vadd.s32 v6, v5  }
0x135: {  	v6 =	vld [tilespmem:s7+$0x414];
	v3 =	vadd.s32 v9, v3  }
0x136: {  	v2 =	vadd.s32 v10, v2;
	v9 =	vld [tilespmem:s7+$0x424]  }
0x137: {  	v10 =	vld [tilespmem:s7+$0x505];
	v5 =	vadd.s32 v7, v5  }
0x138: {  	v7 =	vld [tilespmem:s7+$0x515];
	v3 =	vadd.s32 v4, v3  }
0x139: {  	v4 =	vadd.s32 v8, v2;
	v8 =	vld [tilespmem:s7+$0x525]  }
0x13a: {  	v11 =	vld [tilespmem:s7+$0x606];
	v6 =	vadd.s32 v6, v5  }
.Ltmp6:
0x13b: {  	v2 =	vld [tilespmem:s7+$0x616];
	v12 =	vadd.s32 v9, v3;
	(pc) =	sbr.rel @p0 .LBB2_13-.Ltmp6, $4  }
0x13c: {  	v10 =	vadd.s32 v10, v4;
	v3 =	vld [tilespmem:s7+$0x626]  }
0x13d: {  	v5 =	vld [tilespmem:s7+$0x707];
	v9 =	vadd.s32 v7, v6  }
0x13e: {  	v4 =	vld [tilespmem:s7+$0x717];
	v7 =	vadd.s32 v8, v12  }
0x13f: {  	v8 =	vadd.s32 v11, v10;
	v6 =	vld [tilespmem:s7+$0x727];
	s7 =	sadd.s32 $0x40, s7  }
0x140: {  	_ =	sdelay $0x1  }
0x141: {  	s6 =	sshll.u32 s3, $0x8;
	v2 =	vadd.s32 v2, v9;
	v5 =	vadd.s32 v5, v8  }
0x142: {  	s7 =	sshll.u32 s3, $0x7;
	s18 =	simm.s32 $0x80;
	s6 =	sand.u32 $0x800, s6;
	v3 =	vadd.s32 v3, v7;
	[tilespmem:s5+$0xFFFFFFE0] =	vst v5;
	v2 =	vadd.s32 v4, v2  }
0x143: {  	s19 =	simm.s32 $0x400;
	s8 =	sand.u32 $0x380, s7;
	s6 =	sadd.s32 s6, s4;
	[tilespmem:s5+$0xFFFFFFF0] =	vst v2;
	v2 =	vadd.s32 v6, v3  }
0x144: {  	s9 =	simm.s32 $0x14200;
	s20 =	simm.s32 $0x3;
	s6 =	sadd.s32 s8, s6;
	[tilespmem:s5+$0x0] =	vst v2  }
0x145: {  	[spmem:s6] =	stream.strided.scatter [tilespmem:s9], [sflag:$0x3], $0x100, s19, s18, $0x38;
	[tilespmem:$0x15D10] =	vst v63  }
0x146: {  	_ =	swait.ge [sflag:s20], $0x100  }
0x147: {  	[sflag:s20] =	ssyncset.done $0x0  }
0x148: {  	[sflag:s20] =	ssyncadd.s32 $0xFFFFFF00  }
0x149: {  	s21 =	simm.s32 $0x14300;
	[bflag:$0x0] =	sbarrier.arrive $0xFFFF  }
0x14a: {  	[tilespmem:s21], [sflag:$0x3] =	stream.linear.gather [spmem:s4], $0x1000, $0x38;
	[tilespmem:$0x15D10] =	vst v63  }
0x14b: {  	_ =	swait.ge [sflag:s20], $0x1000  }
0x14c: {  	s5 =	simm.s32 $0x0;
	[sflag:s20] =	ssyncset.done $0x0  }
0x14d: {  	s22 =	sand.u32 $0x70, s5;
	s23 =	sand.u32 $0x400, s5;
	[sflag:s20] =	ssyncadd.s32 $0xFFFFF000  }
0x14e: {  	s8 =	sor.u32 s22, s23;
	_ =	strace $0x8000004A  }
0x14f: {  	v2 =	vld [tilespmem:s8+$0x14300]  }
0x150: {  	v3 =	vld [tilespmem:s8+$0x14380]  }
0x151: {  	v4 =	vld [tilespmem:s8+$0x14400]  }
0x152: {  	v5 =	vld [tilespmem:s8+$0x14480]  }
0x153: {  	v6 =	vld [tilespmem:s8+$0x14500]  }
0x154: {  	s24 =	sor.u32 s5, s5;
	v7 =	vld [tilespmem:s8+$0x14580]  }
0x155: {  	s9 =	sor.u32 $0x380, s24;
	v8 =	vld [tilespmem:s8+$0x14600]  }
0x156: {  	v9 =	vld [tilespmem:s9+$0x14300]  }
0x157: {  	v2 =	vadd.s32 v2, v3;
	v3 =	vld [tilespmem:s8+$0x14B00]  }
0x158: {  	v2 =	vadd.s32 v4, v2;
	v4 =	vld [tilespmem:s8+$0x14B80]  }
0x159: {  	v2 =	vadd.s32 v5, v2;
	v5 =	vld [tilespmem:s8+$0x14C00]  }
0x15a: {  	v2 =	vadd.s32 v6, v2;
	v6 =	vld [tilespmem:s8+$0x14C80]  }
0x15b: {  	v2 =	vadd.s32 v7, v2;
	v7 =	vld [tilespmem:s8+$0x14D00]  }
0x15c: {  	s25 =	simm.s32 $0x10;
	s10 =	simm.s32 $0x80;
	v2 =	vadd.s32 v8, v2;
	v8 =	vld [tilespmem:s8+$0x14D80]  }
0x15d: {  	s11 =	sand.u32 $0x70, s25;
	s12 =	sand.u32 $0x400, s10;
	v2 =	vadd.s32 v9, v2;
	v9 =	vld [tilespmem:s8+$0x14E00]  }
0x15e: {  	s26 =	sor.u32 s11, s12;
	v2 =	vadd.s32 v3, v2;
	v3 =	vld [tilespmem:s8+$0x14E80]  }
0x15f: {  	v2 =	vadd.s32 v4, v2;
	v4 =	vld [tilespmem:s26+$0x14300]  }
0x160: {  	v2 =	vadd.s32 v5, v2;
	v5 =	vld [tilespmem:s26+$0x14380]  }
0x161: {  	v2 =	vadd.s32 v6, v2;
	v6 =	vld [tilespmem:s26+$0x14400]  }
0x162: {  	v2 =	vadd.s32 v7, v2;
	v7 =	vld [tilespmem:s26+$0x14480]  }
0x163: {  	v2 =	vadd.s32 v8, v2;
	v8 =	vld [tilespmem:s26+$0x14500]  }
0x164: {  	s9 =	sor.u32 s10, s25;
	v2 =	vadd.s32 v9, v2;
	v9 =	vld [tilespmem:s26+$0x14580]  }
0x165: {  	s9 =	sor.u32 $0x380, s9;
	v2 =	vadd.s32 v3, v2;
	v3 =	vld [tilespmem:s26+$0x14600];
	v4 =	vadd.s32 v4, v5  }
0x166: {  	v10 =	vld [tilespmem:s9+$0x14300];
	v4 =	vadd.s32 v6, v4  }
0x167: {  	v11 =	vld [tilespmem:s26+$0x14B00];
	(xrf0) =	vadd.scan.msk.s32 $0xffff, v2;
	v4 =	vadd.s32 v7, v4  }
0x168: {  	v5 =	vld [tilespmem:s26+$0x14B80];
	v4 =	vadd.s32 v8, v4  }
0x169: {  	v6 =	vld [tilespmem:s26+$0x14C00];
	v4 =	vadd.s32 v9, v4  }
0x16a: {  	v7 =	vld [tilespmem:s26+$0x14C80];
	v3 =	vadd.s32 v3, v4  }
0x16b: {  	v8 =	vld [tilespmem:s26+$0x14D00];
	v3 =	vadd.s32 v10, v3  }
0x16c: {  	v3 =	vadd.s32 v11, v3  }
0x16d: {  	v9, _, _ =	vpop (xrf0);
	v3 =	vadd.s32 v5, v3  }
0x16e: {  	s28 =	simm.s32 $0x20;
	v12 =	vld [tilespmem:s26+$0x14D80];
	s9 =	simm.s32 $0x100;
	v9 =	vadd.s32 s5, v9;
	v3 =	vadd.s32 v6, v3  }
0x16f: {  	s29 =	sand.u32 $0x70, s28;
	v13 =	vld [tilespmem:s26+$0x14E00];
	s30 =	sand.u32 $0x400, s9;
	vm0 =	vlt.s32 v9, $0x40001;
	(v2sf) =	vpush v9, $0xF;
	v3 =	vadd.s32 v7, v3  }
0x170: {  	s11 =	sor.u32 s29, s30;
	v10 =	vld [tilespmem:s26+$0x14E80];
	v2 =	vnsel vm0, $0x0, v2;
	v4 =	vadd.s32 v8, v3;
	v8 =	vmpcnt.ones.xlane vm0  }
0x171: {  	v11 =	vld [tilespmem:s11+$0x14300];
	(xrf0) =	vadd.scan.msk.s32 $0xffff, v2  }
0x172: {  	v2 =	vld [tilespmem:s11+$0x14380];
	(v2sf) =	vpush v8, $0x0;
	_ =	sdelay $0x2  }
0x173: {  	v5 =	vadd.s32 v12, v4  }
0x174: {  	v6 =	vld [tilespmem:s11+$0x14400];
	v9 =	vadd.s32 v13, v5  }
0x175: {  	v7 =	vld [tilespmem:s11+$0x14480];
	v11 =	vadd.s32 v11, v2;
	v2 =	vadd.s32 v10, v9;
	v8, _, _ =	vpop (xrf0)  }
0x176: {  	v3 =	vld [tilespmem:s11+$0x14500];
	(xrf0) =	vadd.scan.msk.s32 $0xffff, v2;
	(v2sf) =	vpush v8, $0xF  }
0x177: {  	s31 =	sor.u32 s9, s28;
	v4 =	vld [tilespmem:s11+$0x14580]  }
0x178: {  	s8 =	sor.u32 $0x380, s31;
	v5 =	vld [tilespmem:s11+$0x14600]  }
0x179: {  	s13 =	simm.s32 $0x50;
	v9 =	vadd.s32 v6, v11;
	v6 =	vld [tilespmem:s8+$0x14300]  }
0x17a: {  	s12 =	simm.s32 $0x30;
	s10 =	simm.s32 $0x40;
	s8 =	simm.s32 $0x0;
	v8 =	vadd.s32 v7, v9;
	v7 =	vld [tilespmem:s11+$0x14B00]  }
.LBB2_15:
0x17b: {  	p0 =	sne.s32 s13, $0xF0;
	v3 =	vadd.s32 v3, v8;
	v8 =	vld [tilespmem:s11+$0x14B80]  }
0x17c: {  	v3 =	vadd.s32 v4, v3;
	v4 =	vld [tilespmem:s11+$0x14C00];
	v9, _, _ =	vpop (xrf0);
	s14 =	spop (v2sf)  }
0x17d: {  	v3 =	vadd.s32 v5, v3;
	v5 =	vld [tilespmem:s11+$0x14C80];
	v9 =	vadd.s32 s14, v9  }
0x17e: {  	v3 =	vadd.s32 v6, v3;
	v6 =	vld [tilespmem:s11+$0x14D00];
	vm0 =	vlt.s32 v9, $0x40001;
	(v2sf) =	vpush v9, $0xF  }
0x17f: {  	v3 =	vadd.s32 v7, v3;
	v7 =	vld [tilespmem:s11+$0x14D80];
	v9 =	vmpcnt.ones.xlane vm0;
	v2 =	vnsel vm0, $0x0, v2;
	s14 =	spop (v2sf)  }
0x180: {  	s9 =	sadd.s32 $0x80, s9;
	v3 =	vadd.s32 v8, v3;
	v8 =	vld [tilespmem:s11+$0x14E00];
	(xrf0) =	vadd.scan.msk.s32 $0xffff, v2;
	s5 =	sadd.s32 s5, s14  }
0x181: {  	s15 =	sand.u32 $0x400, s9;
	s14 =	sand.u32 $0x70, s12;
	v2 =	vadd.s32 v4, v3;
	v3 =	vld [tilespmem:s11+$0x14E80];
	(v2sf) =	vpush v9, $0x0  }
0x182: {  	s11 =	sor.u32 s14, s15;
	v2 =	vadd.s32 v5, v2  }
0x183: {  	v5 =	vld [tilespmem:s11+$0x14300];
	v2 =	vadd.s32 v6, v2  }
0x184: {  	v6 =	vld [tilespmem:s11+$0x14380];
	v2 =	vadd.s32 v7, v2  }
0x185: {  	v7 =	vld [tilespmem:s11+$0x14400];
	v2 =	vadd.s32 v8, v2;
	s14 =	spop (v2sf)  }
0x186: {  	v8 =	vld [tilespmem:s11+$0x14480];
	v2 =	vadd.s32 v3, v2;
	v4, _, _ =	vpop (xrf0);
	s8 =	sadd.s32 s8, s14  }
.Ltmp7:
0x187: {  	v3 =	vld [tilespmem:s11+$0x14500];
	(xrf0) =	vadd.scan.msk.s32 $0xffff, v2;
	(v2sf) =	vpush v4, $0xF;
	(pc) =	sbr.rel @p0 .LBB2_15-.Ltmp7, $4  }
0x188: {  	s14 =	sor.u32 s9, s12;
	s12 =	smov.u32 s10;
	s10 =	smov.u32 s13;
	v4 =	vld [tilespmem:s11+$0x14580]  }
0x189: {  	s14 =	sor.u32 $0x380, s14;
	v6 =	vadd.s32 v5, v6;
	v5 =	vld [tilespmem:s11+$0x14600]  }
0x18a: {  	v7 =	vadd.s32 v7, v6;
	v6 =	vld [tilespmem:s14+$0x14300]  }
0x18b: {  	s13 =	sadd.s32 $0x10, s13;
	v8 =	vadd.s32 v8, v7;
	v7 =	vld [tilespmem:s11+$0x14B00]  }
0x18c: {  	v3 =	vadd.s32 v3, v8;
	v8 =	vld [tilespmem:s11+$0x14B80]  }
0x18d: {  	v3 =	vadd.s32 v4, v3;
	v4 =	vld [tilespmem:s11+$0x14C00];
	v9, _, _ =	vpop (xrf0);
	s13 =	spop (v2sf)  }
0x18e: {  	v3 =	vadd.s32 v5, v3;
	v5 =	vld [tilespmem:s11+$0x14C80];
	v9 =	vadd.s32 s13, v9  }
0x18f: {  	v3 =	vadd.s32 v6, v3;
	v6 =	vld [tilespmem:s11+$0x14D00];
	(v2sf) =	vpush v9, $0xF  }
0x190: {  	v3 =	vadd.s32 v7, v3;
	v7 =	vld [tilespmem:s11+$0x14D80]  }
0x191: {  	s15 =	sadd.s32 $0x80, s9;
	v3 =	vadd.s32 v8, v3;
	v8 =	vld [tilespmem:s11+$0x14E00]  }
0x192: {  	s16 =	sand.u32 $0x70, s12;
	s14 =	sand.u32 $0x400, s15;
	v3 =	vadd.s32 v4, v3;
	v4 =	vld [tilespmem:s11+$0x14E80]  }
0x193: {  	s17 =	sor.u32 s16, s14;
	v3 =	vadd.s32 v5, v3  }
0x194: {  	v5 =	vld [tilespmem:s17+$0x14300];
	v3 =	vadd.s32 v6, v3  }
0x195: {  	vm0 =	vlt.s32 v9, $0x40001;
	v6 =	vld [tilespmem:s17+$0x14380];
	v3 =	vadd.s32 v7, v3  }
0x196: {  	v2 =	vnsel vm0, $0x0, v2;
	v7 =	vld [tilespmem:s17+$0x14400];
	v3 =	vadd.s32 v8, v3  }
0x197: {  	(xrf0) =	vadd.scan.msk.s32 $0xffff, v2;
	v2 =	vld [tilespmem:s17+$0x14480];
	v3 =	vadd.s32 v4, v3  }
0x198: {  	v4 =	vld [tilespmem:s17+$0x14500];
	(xrf0) =	vadd.scan.msk.s32 $0xffff, v3  }
0x199: {  	s18 =	sor.u32 s15, s12;
	v8 =	vld [tilespmem:s17+$0x14580]  }
0x19a: {  	s9 =	sor.u32 $0x380, s18;
	v9 =	vmpcnt.ones.xlane vm0;
	v5 =	vadd.s32 v5, v6;
	v6 =	vld [tilespmem:s17+$0x14600]  }
0x19b: {  	v5 =	vadd.s32 v7, v5;
	v7 =	vld [tilespmem:s9+$0x14300]  }
0x19c: {  	s14 =	spop (v2sf);
	v2 =	vadd.s32 v2, v5;
	v5 =	vld [tilespmem:s17+$0x14B00]  }
0x19d: {  	v10, _, _ =	vpop (xrf0);
	s9 =	spop (v2sf);
	v2 =	vadd.s32 v4, v2;
	v4 =	vld [tilespmem:s17+$0x14B80]  }
0x19e: {  	(v2sf) =	vpush v9, $0x0;
	v2 =	vadd.s32 v8, v2;
	v8 =	vld [tilespmem:s17+$0x14C00];
	v9, _, _ =	vpop (xrf0);
	s19 =	spop (v2sf)  }
0x19f: {  	(v2sf) =	vpush v10, $0xF;
	v2 =	vadd.s32 v6, v2;
	v6 =	vld [tilespmem:s17+$0x14C80];
	v9 =	vadd.s32 s19, v9  }
0x1a0: {  	v2 =	vadd.s32 v7, v2;
	v7 =	vld [tilespmem:s17+$0x14D00];
	(v2sf) =	vpush v9, $0xF  }
0x1a1: {  	v2 =	vadd.s32 v5, v2;
	v5 =	vld [tilespmem:s17+$0x14D80]  }
0x1a2: {  	s20 =	sadd.s32 $0x80, s15;
	v2 =	vadd.s32 v4, v2;
	v4 =	vld [tilespmem:s17+$0x14E00]  }
0x1a3: {  	s21 =	sand.u32 $0x70, s10;
	s15 =	sand.u32 $0x400, s20;
	v2 =	vadd.s32 v8, v2;
	v8 =	vld [tilespmem:s17+$0x14E80]  }
0x1a4: {  	s22 =	sor.u32 s21, s15;
	v2 =	vadd.s32 v6, v2  }
0x1a5: {  	v6 =	vld [tilespmem:s22+$0x14300];
	v2 =	vadd.s32 v7, v2  }
0x1a6: {  	vm0 =	vlt.s32 v9, $0x40001;
	v7 =	vld [tilespmem:s22+$0x14380];
	v2 =	vadd.s32 v5, v2  }
0x1a7: {  	v3 =	vnsel vm0, $0x0, v3;
	v5 =	vld [tilespmem:s22+$0x14400];
	v2 =	vadd.s32 v4, v2  }
0x1a8: {  	(xrf0) =	vadd.scan.msk.s32 $0xffff, v3;
	v3 =	vld [tilespmem:s22+$0x14480];
	v2 =	vadd.s32 v8, v2  }
0x1a9: {  	v4 =	vld [tilespmem:s22+$0x14500];
	(xrf0) =	vadd.scan.msk.s32 $0xffff, v2  }
0x1aa: {  	s23 =	sor.u32 s20, s10;
	v8 =	vld [tilespmem:s22+$0x14580]  }
0x1ab: {  	s10 =	sor.u32 $0x380, s23;
	v9 =	vmpcnt.ones.xlane vm0;
	v6 =	vadd.s32 v6, v7;
	v7 =	vld [tilespmem:s22+$0x14600]  }
0x1ac: {  	v5 =	vadd.s32 v5, v6;
	v6 =	vld [tilespmem:s10+$0x14300]  }
0x1ad: {  	s24 =	spop (v2sf);
	v3 =	vadd.s32 v3, v5;
	v5 =	vld [tilespmem:s22+$0x14B00]  }
0x1ae: {  	v10, _, _ =	vpop (xrf0);
	s25 =	spop (v2sf);
	v3 =	vadd.s32 v4, v3;
	v4 =	vld [tilespmem:s22+$0x14B80]  }
0x1af: {  	(v2sf) =	vpush v9, $0x0;
	v3 =	vadd.s32 v8, v3;
	v8 =	vld [tilespmem:s22+$0x14C00];
	v9, _, _ =	vpop (xrf0);
	s26 =	spop (v2sf)  }
0x1b0: {  	(v2sf) =	vpush v10, $0xF;
	v3 =	vadd.s32 v7, v3;
	v7 =	vld [tilespmem:s22+$0x14C80];
	v9 =	vadd.s32 s26, v9  }
0x1b1: {  	v3 =	vadd.s32 v6, v3;
	v6 =	vld [tilespmem:s22+$0x14D00];
	(v2sf) =	vpush v9, $0xF  }
0x1b2: {  	v3 =	vadd.s32 v5, v3;
	v5 =	vld [tilespmem:s22+$0x14D80]  }
0x1b3: {  	v3 =	vadd.s32 v4, v3;
	v4 =	vld [tilespmem:s22+$0x14E00]  }
0x1b4: {  	v3 =	vadd.s32 v8, v3;
	v8 =	vld [tilespmem:s22+$0x14E80]  }
0x1b5: {  	v3 =	vadd.s32 v7, v3  }
0x1b6: {  	v3 =	vadd.s32 v6, v3  }
0x1b7: {  	vm0 =	vlt.s32 v9, $0x40001;
	v3 =	vadd.s32 v5, v3  }
0x1b8: {  	v2 =	vnsel vm0, $0x0, v2;
	v3 =	vadd.s32 v4, v3  }
0x1b9: {  	(xrf0) =	vadd.scan.msk.s32 $0xffff, v2;
	v2 =	vadd.s32 v8, v3  }
0x1ba: {  	(xrf0) =	vadd.scan.msk.s32 $0xffff, v2;
	_ =	sdelay $0x3  }
0x1bb: {  	s16 =	spop (v2sf)  }
0x1bc: {  	v3, _, _ =	vpop (xrf0);
	s28 =	spop (v2sf)  }
0x1bd: {  	v4, _, _ =	vpop (xrf0);
	s29 =	spop (v2sf)  }
0x1be: {  	v4 =	vadd.s32 s29, v4  }
0x1bf: {  	vm1 =	vlt.s32 v4, $0x40001  }
0x1c0: {  	v2 =	vnsel vm1, $0x0, v2  }
0x1c1: {  	(xrf0) =	vadd.scan.msk.s32 $0xffff, v2;
	v2 =	vmpcnt.ones.xlane vm0;
	_ =	sdelay $0x1  }
0x1c2: {  	(v2sf) =	vpush v2, $0x0;
	v2 =	vmpcnt.ones.xlane vm1;
	_ =	sdelay $0x1  }
0x1c3: {  	(v2sf) =	vpush v3, $0xF  }
0x1c4: {  	(v2sf) =	vpush v4, $0xF  }
0x1c5: {  	(v2sf) =	vpush v2, $0x0;
	v2, _, _ =	vpop (xrf0)  }
0x1c6: {  	(v2sf) =	vpush v2, $0xF;
	_ =	sdelay $0xa  }
0x1c7: {  	s17 =	spop (v2sf)  }
0x1c8: {  	s30 =	spop (v2sf)  }
0x1c9: {  	s31 =	spop (v2sf)  }
0x1ca: {  	s18 =	spop (v2sf)  }
0x1cb: {  	s12 =	spop (v2sf)  }
0x1cc: {  	_ =	strace $0x9000004A  }
0x1cd: {  	s19 =	simm.s32 $0x40;
	_ =	strace $0x8000004B  }
0x1ce: {  	v8 =	vld [tilespmem:s19+$0x30]  }
0x1cf: {  	v6 =	vld [tilespmem:s19+$0x20]  }
0x1d0: {  	v9 =	vld [tilespmem:s19+$0x10]  }
0x1d1: {  	s5 =	sadd.s32 s5, s14;
	v2 =	vld [tilespmem:s19+$0x0]  }
0x1d2: {  	s5 =	sadd.s32 s5, s24;
	v5 =	vlaneseq.u32;
	v4 =	vld [tilespmem:s19+$0xFFFFFFF0]  }
0x1d3: {  	v10 =	vmul.u32 $0x800, v5;
	s5 =	sadd.s32 s5, s16;
	v3 =	vld [tilespmem:s19+$0xFFFFFFE0]  }
0x1d4: {  	v7 =	vimm.s32 $0x0;
	s5 =	sadd.s32 s5, s17;
	v5 =	vld [tilespmem:s19+$0xFFFFFFD0]  }
0x1d5: {  	v14 =	vimm.f32 $0.0e+00;
	v23 =	vadd.s32 v10, v7;
	s5 =	sadd.s32 s5, s18;
	v21 =	vld [tilespmem:s19+$0xFFFFFFC0]  }
0x1d6: {  	v12 =	vmov s5;
	v16 =	vmul.f32 v6, v6;
	v11 =	vmul.f32 v8, v8  }
0x1d7: {  	v18 =	vmul.f32 v2, v2;
	v19 =	vmul.f32 v9, v9;
	v13 =	vshra.s32 v8, $0x1F  }
0x1d8: {  	v20 =	vmul.f32 v3, v3;
	v22 =	vmul.f32 v4, v4;
	v15 =	vshra.s32 v6, $0x1F  }
0x1d9: {  	v17 =	vmul.f32 v5, v5;
	v24 =	vshra.s32 v2, $0x1F;
	v25 =	vshra.s32 v9, $0x1F  }
0x1da: {  	v26 =	vmul.f32 v21, v21;
	v27 =	vshra.s32 v3, $0x1F;
	v28 =	vshra.s32 v4, $0x1F  }
0x1db: {  	v29 =	vshra.s32 v21, $0x1F;
	v30 =	vshra.s32 v5, $0x1F;
	v13 =	vor.u32 $0x80000000, v13  }
0x1dc: {  	v24 =	vor.u32 $0x80000000, v24;
	v25 =	vor.u32 $0x80000000, v25;
	v15 =	vor.u32 $0x80000000, v15  }
0x1dd: {  	v30 =	vor.u32 $0x80000000, v30;
	v27 =	vor.u32 $0x80000000, v27;
	v28 =	vor.u32 $0x80000000, v28  }
0x1de: {  	v29 =	vor.u32 $0x80000000, v29;
	v15 =	vxor.u32 v6, v15;
	v13 =	vxor.u32 v8, v13  }
0x1df: {  	v28 =	vxor.u32 v4, v28;
	v24 =	vxor.u32 v2, v24;
	v25 =	vxor.u32 v9, v25  }
0x1e0: {  	v29 =	vxor.u32 v21, v29;
	v30 =	vxor.u32 v5, v30;
	v27 =	vxor.u32 v3, v27  }
0x1e1: {  	v25 =	vshrl.u32 v25, $0x18;
	v15 =	vshrl.u32 v15, $0x18;
	v13 =	vshrl.u32 v13, $0x18  }
0x1e2: {  	v27 =	vshrl.u32 v27, $0x18;
	v28 =	vshrl.u32 v28, $0x18;
	v24 =	vshrl.u32 v24, $0x18  }
0x1e3: {  	v29 =	vshrl.u32 v29, $0x18;
	v30 =	vshrl.u32 v30, $0x18;
	vm7 =	vlt.s32 v13, v12  }
0x1e4: {  	vm10 =	vlt.s32 v25, v12;
	vm11 =	vlt.s32 v15, v12;
	vm6 =	veq.s32 v13, v12  }
0x1e5: {  	vm9 =	vlt.s32 v24, v12;
	vm3 =	veq.s32 v25, v12;
	vm5 =	veq.s32 v15, v12  }
0x1e6: {  	vm12 =	vlt.s32 v28, v12;
	vm2 =	veq.s32 v28, v12;
	vm4 =	veq.s32 v24, v12  }
0x1e7: {  	vm0 =	veq.s32 v30, v12;
	vm13 =	vlt.s32 v27, v12;
	vm1 =	veq.s32 v27, v12  }
0x1e8: {  	vm14 =	vlt.s32 v29, v12;
	vm8 =	veq.s32 v29, v12;
	vm15 =	vlt.s32 v30, v12  }
0x1e9: {  	v15 =	vnsel vm14, $0x0, v21;
	v24 =	vnsel vm14, $0x0, v26;
	v13 =	vnsel vm7, $0x0, v8  }
0x1ea: {  	v17 =	vnsel vm15, $0x0, v17;
	v25 =	vadd.f32 v15, v14;
	v14 =	vadd.f32 v24, v14  }
0x1eb: {  	v16 =	vnsel vm11, $0x0, v16;
	v20 =	vnsel vm13, $0x0, v20;
	v24 =	vnsel vm15, $0x0, v5  }
0x1ec: {  	v19 =	vnsel vm10, $0x0, v19;
	v24 =	vadd.f32 v24, v25;
	v14 =	vadd.f32 v17, v14  }
0x1ed: {  	v22 =	vnsel vm12, $0x0, v22;
	v26 =	vnsel vm9, $0x0, v18;
	v25 =	vnsel vm13, $0x0, v3  }
0x1ee: {  	v18 =	vsel vm8, $0x1, v7;
	v24 =	vadd.f32 v25, v24;
	v14 =	vadd.f32 v20, v14  }
0x1ef: {  	s8 =	sadd.s32 s8, s9;
	v27 =	vsel vm1, $0x1, v7;
	v15 =	vnsel vm11, $0x0, v6;
	v20 =	vnsel vm12, $0x0, v4  }
0x1f0: {  	s8 =	sadd.s32 s8, s25;
	v18 =	vadd.s32 v18, v7;
	v24 =	vadd.f32 v20, v24;
	v22 =	vadd.f32 v22, v14  }
0x1f1: {  	s8 =	sadd.s32 s8, s28;
	v17 =	vnsel vm10, $0x0, v9;
	v25 =	vnsel vm9, $0x0, v2;
	v14 =	vsel vm0, $0x1, v7  }
0x1f2: {  	s10 =	simm.s32 $0x8000;
	s8 =	sadd.s32 s8, s30;
	v20 =	vadd.s32 v14, v18;
	v14 =	vadd.f32 v25, v24;
	v22 =	vadd.f32 v26, v22  }
0x1f3: {  	s11 =	simm.s32 $0xC0;
	s9 =	simm.s32 $0x0;
	s8 =	sadd.s32 s8, s12;
	[tilespmem:v23+s10+$0x0] =	vst.idx.msk vm8, v21;
	v23 =	vsel vm4, $0x1, v7;
	v21 =	vadd.s32 v27, v20;
	v24 =	vsel vm2, $0x1, v7  }
.LBB2_17:
0x1f4: {  	v25 =	vld [tilespmem:s11+$0x30];
	v24 =	vadd.s32 v24, v21;
	v14 =	vadd.f32 v17, v14;
	v17 =	vadd.f32 v19, v22  }
0x1f5: {  	v26 =	vsel vm5, $0x1, v7;
	v19 =	vld [tilespmem:s11+$0x20];
	v22 =	vadd.s32 v23, v24;
	v23 =	vsel vm3, $0x1, v7  }
0x1f6: {  	v27 =	vld [tilespmem:s11+$0x10];
	v23 =	vadd.s32 v23, v22;
	v14 =	vadd.f32 v15, v14;
	v15 =	vadd.f32 v16, v17  }
0x1f7: {  	v11 =	vnsel vm7, $0x0, v11;
	v16 =	vld [tilespmem:s11+$0x0];
	v17 =	vadd.s32 v26, v23;
	v26 =	vsel vm6, $0x1, v7  }
0x1f8: {  	v28 =	vld [tilespmem:s11+$0xFFFFFFF0];
	v29 =	vadd.f32 v13, v14;
	v15 =	vadd.f32 v11, v15;
	v14 =	vadd.s32 v26, v17  }
0x1f9: {  	v22 =	vadd.s32 v10, v22;
	v23 =	vadd.s32 v10, v23;
	v17 =	vadd.s32 v10, v17;
	v13 =	vld [tilespmem:s11+$0xFFFFFFE0]  }
0x1fa: {  	v20 =	vadd.s32 v10, v20;
	v21 =	vadd.s32 v10, v21;
	v24 =	vadd.s32 v10, v24;
	v26 =	vld [tilespmem:s11+$0xFFFFFFD0]  }
0x1fb: {  	v18 =	vadd.s32 v10, v18;
	v31 =	vadd.s32 v10, v14;
	v30 =	vld [tilespmem:s11+$0xFFFFFFC0]  }
0x1fc: {  	v11 =	vmul.f32 v25, v25;
	v32 =	vmul.f32 v19, v19  }
0x1fd: {  	v35 =	vshra.s32 v25, $0x1F;
	v34 =	vmul.f32 v27, v27;
	v33 =	vmul.f32 v16, v16  }
0x1fe: {  	v38 =	vshra.s32 v19, $0x1F;
	v37 =	vmul.f32 v28, v28;
	v36 =	vmul.f32 v13, v13;
	[tilespmem:v17+s10+$0x0] =	vst.idx.msk vm6, v8  }
0x1ff: {  	v40 =	vshra.s32 v27, $0x1F;
	v39 =	vshra.s32 v16, $0x1F;
	v8 =	vmovc v25;
	v17 =	vmul.f32 v26, v26;
	[tilespmem:v23+s10+$0x0] =	vst.idx.msk vm5, v6  }
0x200: {  	v41 =	vshra.s32 v28, $0x1F;
	v25 =	vshra.s32 v13, $0x1F;
	v6 =	vmovc v19;
	v23 =	vmul.f32 v30, v30;
	[tilespmem:v22+s10+$0x0] =	vst.idx.msk vm3, v9  }
0x201: {  	v35 =	vor.u32 $0x80000000, v35;
	v19 =	vshra.s32 v30, $0x1F;
	v22 =	vshra.s32 v26, $0x1F;
	v9 =	vmovc v27;
	[tilespmem:v24+s10+$0x0] =	vst.idx.msk vm4, v2;
	v2 =	vmovc v16  }
0x202: {  	v27 =	vor.u32 $0x80000000, v38;
	v16 =	vor.u32 $0x80000000, v39;
	v24 =	vor.u32 $0x80000000, v40;
	[tilespmem:v21+s10+$0x0] =	vst.idx.msk vm2, v4;
	v4 =	vmovc v28  }
0x203: {  	v21 =	vor.u32 $0x80000000, v22;
	v22 =	vor.u32 $0x80000000, v25;
	v25 =	vor.u32 $0x80000000, v41;
	[tilespmem:v20+s10+$0x0] =	vst.idx.msk vm1, v3;
	v3 =	vmovc v13  }
0x204: {  	v13 =	vor.u32 $0x80000000, v19;
	v19 =	vxor.u32 v6, v27;
	v20 =	vxor.u32 v8, v35;
	[tilespmem:v18+s10+$0x0] =	vst.idx.msk vm0, v5  }
0x205: {  	s9 =	sadd.s32 $0x8, s9;
	v16 =	vxor.u32 v2, v16;
	v24 =	vxor.u32 v9, v24;
	v18 =	vxor.u32 v4, v25;
	v5 =	vmovc v26  }
0x206: {  	p0 =	slt.u32 s9, $0x7F8;
	v13 =	vxor.u32 v30, v13;
	v22 =	vxor.u32 v3, v22;
	v21 =	vxor.u32 v5, v21  }
0x207: {  	v24 =	vshrl.u32 v24, $0x18;
	v19 =	vshrl.u32 v19, $0x18;
	v20 =	vshrl.u32 v20, $0x18  }
0x208: {  	v16 =	vshrl.u32 v16, $0x18;
	v22 =	vshrl.u32 v22, $0x18;
	v18 =	vshrl.u32 v18, $0x18  }
0x209: {  	v13 =	vshrl.u32 v13, $0x18;
	vm7 =	vlt.s32 v20, v12;
	v21 =	vshrl.u32 v21, $0x18  }
0x20a: {  	vm10 =	vlt.s32 v24, v12;
	vm11 =	vlt.s32 v19, v12;
	vm6 =	veq.s32 v20, v12  }
0x20b: {  	vm8 =	vlt.s32 v16, v12;
	vm3 =	veq.s32 v24, v12;
	vm5 =	veq.s32 v19, v12  }
0x20c: {  	vm4 =	veq.s32 v16, v12;
	vm9 =	vlt.s32 v18, v12;
	vm2 =	veq.s32 v18, v12  }
0x20d: {  	vm12 =	vlt.s32 v22, v12;
	vm1 =	veq.s32 v22, v12;
	vm0 =	veq.s32 v21, v12  }
0x20e: {  	vm13 =	vlt.s32 v13, v12;
	vm14 =	veq.s32 v13, v12;
	vm15 =	vlt.s32 v21, v12  }
0x20f: {  	v13 =	vnsel vm7, $0x0, v8;
	v16 =	vnsel vm13, $0x0, v30;
	v18 =	vnsel vm13, $0x0, v23  }
0x210: {  	v19 =	vadd.f32 v16, v29;
	v18 =	vadd.f32 v18, v15;
	v15 =	vnsel vm11, $0x0, v6  }
0x211: {  	v20 =	vnsel vm15, $0x0, v5;
	v17 =	vnsel vm15, $0x0, v17;
	v16 =	vnsel vm11, $0x0, v32  }
0x212: {  	v20 =	vadd.f32 v20, v19;
	v18 =	vadd.f32 v17, v18;
	v17 =	vnsel vm10, $0x0, v9  }
0x213: {  	v21 =	vnsel vm12, $0x0, v3;
	v22 =	vnsel vm12, $0x0, v36;
	v19 =	vnsel vm10, $0x0, v34  }
0x214: {  	v20 =	vadd.f32 v21, v20;
	v18 =	vadd.f32 v22, v18;
	v21 =	vnsel vm8, $0x0, v2;
	[tilespmem:v31+s10+$0x0] =	vst.idx.msk vm14, v30  }
.Ltmp8:
0x215: {  	v24 =	vnsel vm8, $0x0, v33;
	v23 =	vnsel vm9, $0x0, v37;
	v22 =	vnsel vm9, $0x0, v4;
	(pc) =	sbr.rel @p0 .LBB2_17-.Ltmp8, $4  }
0x216: {  	v25 =	vsel vm14, $0x1, v7;
	v22 =	vadd.f32 v22, v20;
	v23 =	vadd.f32 v23, v18  }
0x217: {  	v18 =	vadd.s32 v25, v14;
	v14 =	vsel vm0, $0x1, v7;
	v25 =	vsel vm1, $0x1, v7  }
0x218: {  	v20 =	vadd.s32 v14, v18;
	v14 =	vadd.f32 v21, v22;
	v22 =	vadd.f32 v24, v23  }
0x219: {  	s11 =	sadd.s32 $0x80, s11;
	v21 =	vadd.s32 v25, v20;
	v24 =	vsel vm2, $0x1, v7;
	v23 =	vsel vm4, $0x1, v7  }
0x21a: {  	v12 =	vadd.s32 v24, v21  }
0x21b: {  	v58 =	vsel vm3, $0x1, v7;
	v23 =	vadd.s32 v23, v12  }
0x21c: {  	v25 =	vsel vm5, $0x1, v7;
	v24 =	vadd.s32 v58, v23  }
0x21d: {  	v7 =	vsel vm6, $0x1, v7;
	v25 =	vadd.s32 v25, v24  }
0x21e: {  	v7 =	vadd.s32 v7, v25  }
0x21f: {  	v26 =	vxor.u32 $0x80000000, v7  }
0x220: {  	(xrf0) =	vmax.scan.msk.u32 $0xffff, v26;
	_ =	sdelay $0x5  }
0x221: {  	v26, _, _ =	vpop (xrf0)  }
0x222: {  	(v2sf) =	vpush v26, $0xF;
	_ =	sdelay $0x9  }
0x223: {  	v59 =	vimm.f32 $2.621440000e+05;
	v61 =	vadd.s32 v10, v21  }
0x224: {  	v60 =	vimm.f32 $2.621430000e+05;
	(erf) = vrcp.f32 v59;
	v25 =	vadd.s32 v10, v25  }
0x225: {  	(erf) = vrcp.f32 v60;
	v24 =	vadd.s32 v10, v24  }
0x226: {  	v62 =	vadd.s32 v10, v18  }
0x227: {  	v12 =	vadd.s32 v10, v12  }
0x228: {  	v23 =	vadd.s32 v10, v23;
	[tilespmem:v61+s10+$0x0] =	vst.idx.msk vm2, v4;
	s9 =	spop (v2sf)  }
0x229: {  	[tilespmem:v25+s10+$0x0] =	vst.idx.msk vm6, v8;
	v8 =	vadd.s32 v10, v20;
	s9 =	sxor.u32 $0x80000000, s9  }
0x22a: {  	v63 =	vadd.f32 v19, v22;
	[tilespmem:v24+s10+$0x0] =	vst.idx.msk vm5, v6;
	v6 =	vadd.f32 v17, v14;
	p0 =	slt.s32 s9, $0x1  }
.Ltmp9:
0x22b: {  	[tilespmem:v62+s10+$0x0] =	vst.idx.msk vm0, v5;
	(pc) =	sbr.rel @p0 .LBB2_22-.Ltmp9, $4  }
0x22c: {  	[tilespmem:v12+s10+$0x0] =	vst.idx.msk vm4, v2;
	v4 =	vadd.f32 v15, v6;
	v6 =	vadd.f32 v16, v63  }
0x22d: {  	v5 =	vnsel vm7, $0x0, v11;
	[tilespmem:v23+s10+$0x0] =	vst.idx.msk vm3, v9;
	v2 =	vpop (erf)  }
0x22e: {  	v4 =	vadd.f32 v13, v4;
	v5 =	vadd.f32 v5, v6;
	[tilespmem:v8+s10+$0x0] =	vst.idx.msk vm1, v3;
	v3 =	vpop (erf)  }
0x22f: {  	_ =	strace $0x9000004B  }
0x230: {  	v8 =	vlaneseq.u32  }
0x231: {  	v6 =	vmul.u32 $0x800, v8  }
0x232: {  	s11 =	simm.s32 $0x0  }
0x233: {  	v9 =	vadd.s32 s11, v6;
	_ =	sdelay $0x3  }
0x234: {  	s10 =	simm.s32 $0x8000  }
0x235: {  	v9 =	vld.idx.msk [tilespmem:v9+s10+$0x0], $0xffff;
	_ =	sdelay $0x3  }
0x236: {  	p1 =	sne.s32 s9, $0x1  }
.Ltmp10:
0x237: {  	v10 =	vshra.s32 v9, $0x1F;
	(pc) =	sbr.rel @!p1 .LBB2_21-.Ltmp10, $4  }
0x238: {  	v9 =	vxor.u32 v9, v10  }
0x239: {  	v8 =	vmul.u32 $0x101, v8;
	v10 =	vmov s11;
	v9 =	vshrl.u32 v9, $0x10  }
0x23a: {  	vm0 =	vlt.s32 v10, v7;
	v11 =	vand.u32 $0xFF, v9  }
0x23b: {  	s12 =	simm.s32 $0x1;
	s11 =	simm.s32 $0x11080;
	v9 =	vimm.s32 $0x1;
	v10 =	vadd.s32 v8, v11  }
.LBB2_20:
0x23c: {  	v11 =	vadd.s32 s12, v6;
	s13 =	smov.u32 s12;
	s12 =	sadd.s32 $0x1, s12  }
0x23d: {  	p1 =	sne.s32 s9, s12;
	_ =	sdelay $0x2  }
0x23e: {  	[tilespmem:v10+s11+$0x0] =	vst.idx.add.s32.msk vm0, v9  }
0x23f: {  	v10 =	vld.idx.msk [tilespmem:v11+s10+$0x0], $0xffff;
	_ =	sdelay $0x5  }
.Ltmp11:
0x240: {  	v11 =	vshra.s32 v10, $0x1F;
	(pc) =	sbr.rel @p1 .LBB2_20-.Ltmp11, $4  }
0x241: {  	v10 =	vxor.u32 v10, v11  }
0x242: {  	v11 =	vmov s13;
	v10 =	vshrl.u32 v10, $0x10  }
0x243: {  	vm0 =	vlt.s32 v11, v7;
	v10 =	vand.u32 $0xFF, v10  }
0x244: {  	v10 =	vadd.s32 v8, v10  }
.LBB2_21:
0x245: {  	_ =	sdelay $0x4  }
0x246: {  	[tilespmem:v10+s11+$0x0] =	vst.idx.add.s32.msk vm0, v9  }
.LBB2_22:
0x247: {  	s12 =	simm.s32 $0x11888  }
0x248: {  	v6 =	vld [tilespmem:s12+$0xFFFFF828]  }
0x249: {  	v8 =	vld [tilespmem:s12+$0xFFFFF929]  }
0x24a: {  	v9 =	vld [tilespmem:s12+$0xFFFFFA2A]  }
0x24b: {  	v10 =	vld [tilespmem:s12+$0xFFFFFB2B]  }
0x24c: {  	v11 =	vld [tilespmem:s12+$0xFFFFFC2C]  }
0x24d: {  	v12 =	vld [tilespmem:s12+$0xFFFFFD2D]  }
0x24e: {  	v13 =	vld [tilespmem:s12+$0xFFFFFE2E]  }
0x24f: {  	v14 =	vld [tilespmem:s12+$0xFFFFFF2F]  }
0x250: {  	v15 =	vld [tilespmem:s12+$0x30]  }
0x251: {  	v16 =	vld [tilespmem:s12+$0x131]  }
0x252: {  	v17 =	vld [tilespmem:s12+$0x232]  }
0x253: {  	v18 =	vld [tilespmem:s12+$0x333]  }
0x254: {  	v19 =	vld [tilespmem:s12+$0x434]  }
0x255: {  	v20 =	vld [tilespmem:s12+$0x535]  }
0x256: {  	v21 =	vld [tilespmem:s12+$0x636]  }
0x257: {  	v22 =	vld [tilespmem:s12+$0x737]  }
0x258: {  	v23 =	vld [tilespmem:s12+$0xFFFFF8F9]  }
0x259: {  	v24 =	vld [tilespmem:s12+$0xFFFFF808]  }
0x25a: {  	v25 =	vld [tilespmem:s12+$0xFFFFF909]  }
0x25b: {  	v26 =	vld [tilespmem:s12+$0xFFFFF818]  }
0x25c: {  	v27 =	vld [tilespmem:s12+$0xFFFFF919]  }
0x25d: {  	v28 =	vld [tilespmem:s12+$0xFFFFF7F8]  }
0x25e: {  	v29 =	vld [tilespmem:s12+$0xFFFFF9FA]  }
0x25f: {  	v30 =	vld [tilespmem:s12+$0xFFFFFA0A]  }
0x260: {  	v31 =	vld [tilespmem:s12+$0xFFFFFA1A]  }
0x261: {  	v32 =	vld [tilespmem:s12+$0xFFFFFAFB]  }
0x262: {  	v33 =	vld [tilespmem:s12+$0xFFFFFB0B]  }
0x263: {  	v34 =	vld [tilespmem:s12+$0xFFFFFB1B]  }
0x264: {  	v35 =	vld [tilespmem:s12+$0xFFFFFBFC]  }
0x265: {  	v36 =	vld [tilespmem:s12+$0xFFFFFC0C]  }
0x266: {  	v37 =	vld [tilespmem:s12+$0xFFFFFC1C]  }
0x267: {  	v38 =	vld [tilespmem:s12+$0xFFFFFCFD]  }
0x268: {  	v39 =	vld [tilespmem:s12+$0xFFFFFD0D]  }
0x269: {  	v40 =	vld [tilespmem:s12+$0xFFFFFD1D]  }
0x26a: {  	v41 =	vld [tilespmem:s12+$0xFFFFFDFE]  }
0x26b: {  	v42 =	vld [tilespmem:s12+$0xFFFFFE0E]  }
0x26c: {  	v49 =	vld [tilespmem:s12+$0x111];
	v6 =	vadd.s32 v6, v8  }
0x26d: {  	v50 =	vld [tilespmem:s12+$0x121];
	v6 =	vadd.s32 v9, v6  }
0x26e: {  	v51 =	vld [tilespmem:s12+$0x202];
	v6 =	vadd.s32 v10, v6  }
0x26f: {  	v52 =	vld [tilespmem:s12+$0x212];
	v6 =	vadd.s32 v11, v6  }
0x270: {  	v53 =	vld [tilespmem:s12+$0x222];
	v6 =	vadd.s32 v12, v6  }
0x271: {  	v54 =	vld [tilespmem:s12+$0x303];
	v6 =	vadd.s32 v13, v6  }
0x272: {  	v55 =	vld [tilespmem:s12+$0x313];
	v6 =	vadd.s32 v14, v6  }
0x273: {  	v57 =	vld [tilespmem:s12+$0x323];
	v6 =	vadd.s32 v15, v6  }
0x274: {  	v58 =	vld [tilespmem:s12+$0x404];
	v6 =	vadd.s32 v16, v6  }
0x275: {  	v59 =	vld [tilespmem:s12+$0x414];
	v6 =	vadd.s32 v17, v6  }
0x276: {  	v8 =	vld [tilespmem:s12+$0xFFFFFE1E];
	v6 =	vadd.s32 v18, v6  }
0x277: {  	v9 =	vld [tilespmem:s12+$0xFFFFFEFF];
	v6 =	vadd.s32 v19, v6  }
0x278: {  	v10 =	vld [tilespmem:s12+$0xFFFFFF0F];
	v6 =	vadd.s32 v20, v6  }
0x279: {  	v11 =	vld [tilespmem:s12+$0xFFFFFF1F];
	v6 =	vadd.s32 v21, v6  }
0x27a: {  	v12 =	vld [tilespmem:s12+$0x0];
	v22 =	vadd.s32 v22, v6;
	v6 =	vadd.s32 v28, v23  }
0x27b: {  	v24 =	vadd.s32 v24, v25;
	v56 =	vadd.s32 v26, v27;
	v13 =	vld [tilespmem:s12+$0x10];
	v6 =	vadd.s32 v29, v6  }
0x27c: {  	v24 =	vadd.s32 v30, v24;
	v25 =	vadd.s32 v31, v56;
	v14 =	vld [tilespmem:s12+$0x20];
	v6 =	vadd.s32 v32, v6  }
0x27d: {  	v24 =	vadd.s32 v33, v24;
	v25 =	vadd.s32 v34, v25;
	v15 =	vld [tilespmem:s12+$0x101];
	v6 =	vadd.s32 v35, v6  }
0x27e: {  	v60 =	vld [tilespmem:s12+$0x424];
	v24 =	vadd.s32 v36, v24;
	v25 =	vadd.s32 v37, v25;
	v6 =	vadd.s32 v38, v6  }
0x27f: {  	v61 =	vld [tilespmem:s12+$0x505];
	v24 =	vadd.s32 v39, v24;
	v25 =	vadd.s32 v40, v25;
	v6 =	vadd.s32 v41, v6  }
0x280: {  	v62 =	vld [tilespmem:s12+$0x515];
	v24 =	vadd.s32 v42, v24;
	v8 =	vadd.s32 v8, v25;
	v6 =	vadd.s32 v9, v6  }
0x281: {  	v8 =	vadd.s32 v11, v8;
	v11 =	vld [tilespmem:s12+$0x525];
	v9 =	vadd.s32 v10, v24;
	v6 =	vadd.s32 v12, v6  }
0x282: {  	v8 =	vadd.s32 v14, v8;
	v14 =	vld [tilespmem:s12+$0x606];
	v9 =	vadd.s32 v13, v9;
	v6 =	vadd.s32 v15, v6  }
0x283: {  	v8 =	vadd.s32 v50, v8;
	v9 =	vadd.s32 v49, v9;
	v10 =	vadd.s32 v51, v6;
	v6 =	vld [tilespmem:s12+$0x616]  }
0x284: {  	v12 =	vadd.s32 v53, v8;
	v8 =	vld [tilespmem:s12+$0x626];
	v9 =	vadd.s32 v52, v9;
	v10 =	vadd.s32 v54, v10  }
0x285: {  	v12 =	vadd.s32 v57, v12;
	v13 =	vadd.s32 v55, v9;
	v9 =	vld [tilespmem:s12+$0x707];
	v10 =	vadd.s32 v58, v10  }
0x286: {  	s7 =	sadd.s32 s7, s2;
	s11 =	simm.s32 $0x14220;
	v15 =	vadd.s32 v60, v12;
	v13 =	vadd.s32 v59, v13;
	v63 =	vadd.s32 v61, v10;
	v10 =	vld [tilespmem:s12+$0x717]  }
0x287: {  	s10 =	ssub.s32 $0x40000, s8;
	s8 =	simm.s32 $0x0;
	[tilespmem:s11+$0x10] =	vst v22;
	v12 =	vadd.s32 v62, v13;
	v13 =	vadd.s32 v11, v15;
	v11 =	vld [tilespmem:s12+$0x727];
	s12 =	simm.s32 $0x118C8;
	v14 =	vadd.s32 v14, v63  }
.LBB2_23:
0x288: {  	v15 =	vld [tilespmem:s12+$0xFFFFF828];
	v6 =	vadd.s32 v6, v12  }
0x289: {  	s8 =	sadd.s32 $0x4, s8;
	v12 =	vld [tilespmem:s12+$0xFFFFF929];
	v8 =	vadd.s32 v8, v13  }
0x28a: {  	p1 =	slt.u32 s8, $0xC;
	v13 =	vld [tilespmem:s12+$0xFFFFFA2A];
	v9 =	vadd.s32 v9, v14  }
0x28b: {  	v14 =	vld [tilespmem:s12+$0xFFFFFB2B];
	[tilespmem:s11+$0xFFFFFFE0] =	vst v9;
	v6 =	vadd.s32 v10, v6  }
0x28c: {  	v9 =	vld [tilespmem:s12+$0xFFFFFC2C];
	[tilespmem:s11+$0xFFFFFFF0] =	vst v6;
	v6 =	vadd.s32 v11, v8  }
0x28d: {  	v8 =	vld [tilespmem:s12+$0xFFFFFD2D];
	[tilespmem:s11+$0x0] =	vst v6  }
0x28e: {  	v6 =	vadd.s32 v15, v12;
	v10 =	vld [tilespmem:s12+$0xFFFFFE2E]  }
0x28f: {  	v6 =	vadd.s32 v13, v6;
	v11 =	vld [tilespmem:s12+$0xFFFFFF2F]  }
0x290: {  	v6 =	vadd.s32 v14, v6;
	v12 =	vld [tilespmem:s12+$0x30]  }
0x291: {  	v6 =	vadd.s32 v9, v6;
	v9 =	vld [tilespmem:s12+$0x131]  }
0x292: {  	v6 =	vadd.s32 v8, v6;
	v8 =	vld [tilespmem:s12+$0x232]  }
0x293: {  	v6 =	vadd.s32 v10, v6;
	v10 =	vld [tilespmem:s12+$0x333]  }
0x294: {  	v6 =	vadd.s32 v11, v6;
	v11 =	vld [tilespmem:s12+$0x434]  }
0x295: {  	v6 =	vadd.s32 v12, v6;
	v12 =	vld [tilespmem:s12+$0x535]  }
0x296: {  	v6 =	vadd.s32 v9, v6;
	v9 =	vld [tilespmem:s12+$0x636]  }
0x297: {  	v6 =	vadd.s32 v8, v6;
	v8 =	vld [tilespmem:s12+$0x737]  }
0x298: {  	v13 =	vld [tilespmem:s12+$0xFFFFF8F9];
	v6 =	vadd.s32 v10, v6  }
0x299: {  	v10 =	vld [tilespmem:s12+$0xFFFFF808];
	v6 =	vadd.s32 v11, v6  }
0x29a: {  	v11 =	vld [tilespmem:s12+$0xFFFFF909];
	v6 =	vadd.s32 v12, v6  }
0x29b: {  	v12 =	vld [tilespmem:s12+$0xFFFFF818];
	v6 =	vadd.s32 v9, v6  }
0x29c: {  	s11 =	sadd.s32 $0x40, s11;
	v9 =	vld [tilespmem:s12+$0xFFFFF919];
	v6 =	vadd.s32 v8, v6  }
0x29d: {  	v8 =	vld [tilespmem:s12+$0xFFFFF7F8];
	[tilespmem:s11+$0x10] =	vst v6  }
0x29e: {  	v6 =	vld [tilespmem:s12+$0xFFFFF9FA]  }
0x29f: {  	v10 =	vadd.s32 v10, v11;
	v11 =	vld [tilespmem:s12+$0xFFFFFA0A]  }
0x2a0: {  	v14 =	vld [tilespmem:s12+$0xFFFFFA1A]  }
0x2a1: {  	v15 =	vld [tilespmem:s12+$0xFFFFFAFB];
	v9 =	vadd.s32 v12, v9  }
0x2a2: {  	v8 =	vadd.s32 v8, v13;
	v12 =	vld [tilespmem:s12+$0xFFFFFB0B]  }
0x2a3: {  	v6 =	vadd.s32 v6, v8;
	v8 =	vld [tilespmem:s12+$0xFFFFFB1B]  }
0x2a4: {  	v13 =	vld [tilespmem:s12+$0xFFFFFBFC];
	v10 =	vadd.s32 v11, v10  }
0x2a5: {  	v11 =	vld [tilespmem:s12+$0xFFFFFC0C];
	v9 =	vadd.s32 v14, v9  }
0x2a6: {  	v6 =	vadd.s32 v15, v6;
	v14 =	vld [tilespmem:s12+$0xFFFFFC1C]  }
0x2a7: {  	v15 =	vld [tilespmem:s12+$0xFFFFFCFD];
	v10 =	vadd.s32 v12, v10  }
0x2a8: {  	v12 =	vld [tilespmem:s12+$0xFFFFFD0D];
	v8 =	vadd.s32 v8, v9  }
0x2a9: {  	v6 =	vadd.s32 v13, v6;
	v9 =	vld [tilespmem:s12+$0xFFFFFD1D]  }
0x2aa: {  	v13 =	vld [tilespmem:s12+$0xFFFFFDFE];
	v10 =	vadd.s32 v11, v10  }
0x2ab: {  	v11 =	vld [tilespmem:s12+$0xFFFFFE0E];
	v8 =	vadd.s32 v14, v8  }
0x2ac: {  	v6 =	vadd.s32 v15, v6;
	v14 =	vld [tilespmem:s12+$0xFFFFFE1E]  }
0x2ad: {  	v15 =	vld [tilespmem:s12+$0xFFFFFEFF];
	v10 =	vadd.s32 v12, v10  }
0x2ae: {  	v12 =	vld [tilespmem:s12+$0xFFFFFF0F];
	v8 =	vadd.s32 v9, v8  }
0x2af: {  	v6 =	vadd.s32 v13, v6;
	v9 =	vld [tilespmem:s12+$0xFFFFFF1F]  }
0x2b0: {  	v13 =	vld [tilespmem:s12+$0x0];
	v10 =	vadd.s32 v11, v10  }
0x2b1: {  	v11 =	vld [tilespmem:s12+$0x10];
	v8 =	vadd.s32 v14, v8  }
0x2b2: {  	v6 =	vadd.s32 v15, v6;
	v14 =	vld [tilespmem:s12+$0x20]  }
0x2b3: {  	v15 =	vld [tilespmem:s12+$0x101];
	v10 =	vadd.s32 v12, v10  }
0x2b4: {  	v12 =	vld [tilespmem:s12+$0x111];
	v8 =	vadd.s32 v9, v8  }
0x2b5: {  	v6 =	vadd.s32 v13, v6;
	v9 =	vld [tilespmem:s12+$0x121]  }
0x2b6: {  	v13 =	vld [tilespmem:s12+$0x202];
	v10 =	vadd.s32 v11, v10  }
0x2b7: {  	v11 =	vld [tilespmem:s12+$0x212];
	v8 =	vadd.s32 v14, v8  }
0x2b8: {  	v6 =	vadd.s32 v15, v6;
	v14 =	vld [tilespmem:s12+$0x222]  }
0x2b9: {  	v15 =	vld [tilespmem:s12+$0x303];
	v10 =	vadd.s32 v12, v10  }
0x2ba: {  	v12 =	vld [tilespmem:s12+$0x313];
	v8 =	vadd.s32 v9, v8  }
0x2bb: {  	v6 =	vadd.s32 v13, v6;
	v9 =	vld [tilespmem:s12+$0x323]  }
0x2bc: {  	v13 =	vld [tilespmem:s12+$0x404];
	v10 =	vadd.s32 v11, v10  }
0x2bd: {  	v11 =	vld [tilespmem:s12+$0x414];
	v8 =	vadd.s32 v14, v8  }
0x2be: {  	v6 =	vadd.s32 v15, v6;
	v14 =	vld [tilespmem:s12+$0x424]  }
0x2bf: {  	v15 =	vld [tilespmem:s12+$0x505];
	v10 =	vadd.s32 v12, v10  }
0x2c0: {  	v12 =	vld [tilespmem:s12+$0x515];
	v8 =	vadd.s32 v9, v8  }
0x2c1: {  	v9 =	vadd.s32 v13, v6;
	v13 =	vld [tilespmem:s12+$0x525]  }
0x2c2: {  	v16 =	vld [tilespmem:s12+$0x606];
	v10 =	vadd.s32 v11, v10  }
.Ltmp12:
0x2c3: {  	v6 =	vld [tilespmem:s12+$0x616];
	v11 =	vadd.s32 v14, v8;
	(pc) =	sbr.rel @p1 .LBB2_23-.Ltmp12, $4  }
0x2c4: {  	v14 =	vadd.s32 v15, v9;
	v8 =	vld [tilespmem:s12+$0x626]  }
0x2c5: {  	v9 =	vld [tilespmem:s12+$0x707];
	v12 =	vadd.s32 v12, v10  }
0x2c6: {  	v10 =	vld [tilespmem:s12+$0x717];
	v13 =	vadd.s32 v13, v11  }
0x2c7: {  	v14 =	vadd.s32 v16, v14;
	v11 =	vld [tilespmem:s12+$0x727];
	s12 =	sadd.s32 $0x40, s12  }
0x2c8: {  	_ =	sdelay $0x1  }
0x2c9: {  	v6 =	vadd.s32 v6, v12;
	v9 =	vadd.s32 v9, v14  }
0x2ca: {  	v8 =	vadd.s32 v8, v13;
	[tilespmem:s11+$0xFFFFFFE0] =	vst v9;
	v6 =	vadd.s32 v10, v6  }
0x2cb: {  	s8 =	simm.s32 $0x80;
	[tilespmem:s11+$0xFFFFFFF0] =	vst v6;
	v6 =	vadd.s32 v11, v8  }
0x2cc: {  	s18 =	simm.s32 $0x400;
	s12 =	simm.s32 $0x14200;
	s19 =	simm.s32 $0x3;
	[tilespmem:s11+$0x0] =	vst v6  }
0x2cd: {  	[spmem:s6] =	stream.strided.scatter [tilespmem:s12], [sflag:$0x3], $0x100, s18, s8, $0x38;
	[tilespmem:$0x15D10] =	vst v63  }
0x2ce: {  	_ =	swait.ge [sflag:s19], $0x100  }
0x2cf: {  	[sflag:s19] =	ssyncset.done $0x0  }
0x2d0: {  	[sflag:s19] =	ssyncadd.s32 $0xFFFFFF00  }
0x2d1: {  	s20 =	simm.s32 $0x14300;
	[bflag:$0x0] =	sbarrier.arrive $0xFFFF  }
0x2d2: {  	[tilespmem:s20], [sflag:$0x3] =	stream.linear.gather [spmem:s4], $0x1000, $0x38;
	[tilespmem:$0x15D10] =	vst v63  }
0x2d3: {  	s8 =	simm.s32 $0x0;
	_ =	swait.ge [sflag:s19], $0x1000  }
0x2d4: {  	s21 =	sand.u32 $0x70, s8;
	s13 =	sand.u32 $0x400, s8;
	[sflag:s19] =	ssyncset.done $0x0  }
0x2d5: {  	s22 =	sor.u32 s21, s13;
	[sflag:s19] =	ssyncadd.s32 $0xFFFFF000  }
0x2d6: {  	v6 =	vld [tilespmem:s22+$0x14300]  }
0x2d7: {  	v8 =	vld [tilespmem:s22+$0x14380]  }
0x2d8: {  	v9 =	vld [tilespmem:s22+$0x14400]  }
0x2d9: {  	v10 =	vld [tilespmem:s22+$0x14480]  }
0x2da: {  	v11 =	vld [tilespmem:s22+$0x14500]  }
0x2db: {  	s23 =	sor.u32 s8, s8;
	v12 =	vld [tilespmem:s22+$0x14580]  }
0x2dc: {  	s12 =	sor.u32 $0x380, s23;
	v13 =	vld [tilespmem:s22+$0x14600]  }
0x2dd: {  	v14 =	vld [tilespmem:s12+$0x14300]  }
0x2de: {  	v6 =	vadd.s32 v6, v8;
	v8 =	vld [tilespmem:s22+$0x14B00]  }
0x2df: {  	v6 =	vadd.s32 v9, v6;
	v9 =	vld [tilespmem:s22+$0x14B80]  }
0x2e0: {  	v6 =	vadd.s32 v10, v6;
	v10 =	vld [tilespmem:s22+$0x14C00]  }
0x2e1: {  	v6 =	vadd.s32 v11, v6;
	v11 =	vld [tilespmem:s22+$0x14C80]  }
0x2e2: {  	v6 =	vadd.s32 v12, v6;
	v12 =	vld [tilespmem:s22+$0x14D00]  }
0x2e3: {  	s24 =	simm.s32 $0x10;
	s25 =	simm.s32 $0x80;
	v6 =	vadd.s32 v13, v6;
	v13 =	vld [tilespmem:s22+$0x14D80]  }
0x2e4: {  	s14 =	sand.u32 $0x70, s24;
	s15 =	sand.u32 $0x400, s25;
	v6 =	vadd.s32 v14, v6;
	v14 =	vld [tilespmem:s22+$0x14E00]  }
0x2e5: {  	s26 =	sor.u32 s14, s15;
	v6 =	vadd.s32 v8, v6;
	v8 =	vld [tilespmem:s22+$0x14E80]  }
0x2e6: {  	v6 =	vadd.s32 v9, v6;
	v9 =	vld [tilespmem:s26+$0x14300]  }
0x2e7: {  	v6 =	vadd.s32 v10, v6;
	v10 =	vld [tilespmem:s26+$0x14380]  }
0x2e8: {  	v6 =	vadd.s32 v11, v6;
	v11 =	vld [tilespmem:s26+$0x14400]  }
0x2e9: {  	v6 =	vadd.s32 v12, v6;
	v12 =	vld [tilespmem:s26+$0x14480]  }
0x2ea: {  	v6 =	vadd.s32 v13, v6;
	v13 =	vld [tilespmem:s26+$0x14500]  }
0x2eb: {  	s12 =	sor.u32 s25, s24;
	v6 =	vadd.s32 v14, v6;
	v14 =	vld [tilespmem:s26+$0x14580]  }
0x2ec: {  	v15 =	vld [tilespmem:s26+$0x14600];
	s12 =	sor.u32 $0x380, s12;
	v8 =	vadd.s32 v8, v6;
	v6 =	vadd.s32 v9, v10  }
0x2ed: {  	v16 =	vld [tilespmem:s12+$0x14300];
	v6 =	vadd.s32 v11, v6  }
0x2ee: {  	v17 =	vld [tilespmem:s26+$0x14B00];
	(xrf0) =	vadd.scan.msk.s32 $0xffff, v8;
	v6 =	vadd.s32 v12, v6  }
0x2ef: {  	v9 =	vld [tilespmem:s26+$0x14B80];
	v6 =	vadd.s32 v13, v6  }
0x2f0: {  	v10 =	vld [tilespmem:s26+$0x14C00];
	v13 =	vadd.s32 v14, v6  }
0x2f1: {  	v11 =	vld [tilespmem:s26+$0x14C80];
	v13 =	vadd.s32 v15, v13  }
0x2f2: {  	v12 =	vld [tilespmem:s26+$0x14D00];
	v13 =	vadd.s32 v16, v13  }
0x2f3: {  	v13 =	vadd.s32 v17, v13  }
0x2f4: {  	v14, _, _ =	vpop (xrf0);
	v9 =	vadd.s32 v9, v13  }
0x2f5: {  	s28 =	simm.s32 $0x20;
	s13 =	simm.s32 $0x100;
	v18 =	vld [tilespmem:s26+$0x14D80];
	v6 =	vmov s10;
	v14 =	vadd.s32 s8, v14;
	v9 =	vadd.s32 v10, v9  }
0x2f6: {  	s29 =	sand.u32 $0x70, s28;
	s30 =	sand.u32 $0x400, s13;
	v15 =	vld [tilespmem:s26+$0x14E00];
	vm0 =	vle.s32 v14, v6;
	(v2sf) =	vpush v14, $0xF;
	v9 =	vadd.s32 v11, v9  }
0x2f7: {  	s14 =	sor.u32 s29, s30;
	v62 =	vld [tilespmem:s26+$0x14E80];
	v8 =	vnsel vm0, $0x0, v8;
	v10 =	vadd.s32 v12, v9;
	v12 =	vmpcnt.ones.xlane vm0  }
0x2f8: {  	v63 =	vld [tilespmem:s14+$0x14300];
	(xrf0) =	vadd.scan.msk.s32 $0xffff, v8  }
0x2f9: {  	v8 =	vld [tilespmem:s14+$0x14380];
	(v2sf) =	vpush v12, $0x0  }
0x2fa: {  	v11 =	vadd.s32 v18, v10  }
0x2fb: {  	v14 =	vadd.s32 v15, v11;
	_ =	sdelay $0x1  }
0x2fc: {  	v13 =	vld [tilespmem:s14+$0x14400]  }
0x2fd: {  	v19 =	vld [tilespmem:s14+$0x14480];
	v15 =	vadd.s32 v63, v8;
	v8 =	vadd.s32 v62, v14;
	v14, _, _ =	vpop (xrf0)  }
0x2fe: {  	v9 =	vld [tilespmem:s14+$0x14500];
	(xrf0) =	vadd.scan.msk.s32 $0xffff, v8;
	(v2sf) =	vpush v14, $0xF  }
0x2ff: {  	s31 =	sor.u32 s13, s28;
	v10 =	vld [tilespmem:s14+$0x14580]  }
0x300: {  	s11 =	sor.u32 $0x380, s31;
	v11 =	vld [tilespmem:s14+$0x14600]  }
0x301: {  	s16 =	simm.s32 $0x50;
	v12 =	vld [tilespmem:s11+$0x14300];
	v13 =	vadd.s32 v13, v15  }
0x302: {  	s15 =	simm.s32 $0x30;
	s12 =	simm.s32 $0x40;
	s11 =	simm.s32 $0x0;
	v14 =	vadd.s32 v19, v13;
	v13 =	vld [tilespmem:s14+$0x14B00]  }
.LBB2_25:
0x303: {  	p1 =	sne.s32 s16, $0xF0;
	v9 =	vadd.s32 v9, v14;
	v14 =	vld [tilespmem:s14+$0x14B80]  }
0x304: {  	v9 =	vadd.s32 v10, v9;
	v10 =	vld [tilespmem:s14+$0x14C00];
	v15, _, _ =	vpop (xrf0);
	s17 =	spop (v2sf)  }
0x305: {  	v9 =	vadd.s32 v11, v9;
	v11 =	vld [tilespmem:s14+$0x14C80];
	v15 =	vadd.s32 s17, v15  }
0x306: {  	v9 =	vadd.s32 v12, v9;
	v12 =	vld [tilespmem:s14+$0x14D00];
	vm0 =	vle.s32 v15, v6;
	(v2sf) =	vpush v15, $0xF  }
0x307: {  	v9 =	vadd.s32 v13, v9;
	v13 =	vld [tilespmem:s14+$0x14D80];
	v15 =	vmpcnt.ones.xlane vm0;
	v8 =	vnsel vm0, $0x0, v8;
	s17 =	spop (v2sf)  }
0x308: {  	s13 =	sadd.s32 $0x80, s13;
	v9 =	vadd.s32 v14, v9;
	v14 =	vld [tilespmem:s14+$0x14E00];
	(xrf0) =	vadd.scan.msk.s32 $0xffff, v8;
	s8 =	sadd.s32 s8, s17  }
0x309: {  	s18 =	sand.u32 $0x400, s13;
	s17 =	sand.u32 $0x70, s15;
	v8 =	vadd.s32 v10, v9;
	v9 =	vld [tilespmem:s14+$0x14E80];
	(v2sf) =	vpush v15, $0x0  }
0x30a: {  	s14 =	sor.u32 s17, s18;
	v8 =	vadd.s32 v11, v8  }
0x30b: {  	v11 =	vld [tilespmem:s14+$0x14300];
	v8 =	vadd.s32 v12, v8  }
0x30c: {  	v12 =	vld [tilespmem:s14+$0x14380];
	v8 =	vadd.s32 v13, v8  }
0x30d: {  	v13 =	vld [tilespmem:s14+$0x14400];
	v8 =	vadd.s32 v14, v8;
	s17 =	spop (v2sf)  }
0x30e: {  	v14 =	vld [tilespmem:s14+$0x14480];
	v8 =	vadd.s32 v9, v8;
	v10, _, _ =	vpop (xrf0);
	s11 =	sadd.s32 s11, s17  }
.Ltmp13:
0x30f: {  	v9 =	vld [tilespmem:s14+$0x14500];
	(xrf0) =	vadd.scan.msk.s32 $0xffff, v8;
	(v2sf) =	vpush v10, $0xF;
	(pc) =	sbr.rel @p1 .LBB2_25-.Ltmp13, $4  }
0x310: {  	s17 =	sor.u32 s13, s15;
	s15 =	smov.u32 s12;
	s12 =	smov.u32 s16;
	v10 =	vld [tilespmem:s14+$0x14580]  }
0x311: {  	s17 =	sor.u32 $0x380, s17;
	v12 =	vadd.s32 v11, v12;
	v11 =	vld [tilespmem:s14+$0x14600]  }
0x312: {  	v13 =	vadd.s32 v13, v12;
	v12 =	vld [tilespmem:s17+$0x14300]  }
0x313: {  	s16 =	sadd.s32 $0x10, s16;
	v14 =	vadd.s32 v14, v13;
	v13 =	vld [tilespmem:s14+$0x14B00]  }
0x314: {  	v9 =	vadd.s32 v9, v14;
	v21 =	vld [tilespmem:s14+$0x14B80]  }
0x315: {  	v22 =	vld [tilespmem:s14+$0x14C00];
	v9 =	vadd.s32 v10, v9;
	v15, _, _ =	vpop (xrf0);
	s16 =	spop (v2sf)  }
0x316: {  	v23 =	vld [tilespmem:s14+$0x14C80];
	v9 =	vadd.s32 v11, v9;
	v15 =	vadd.s32 s16, v15  }
0x317: {  	v24 =	vld [tilespmem:s14+$0x14D00];
	v9 =	vadd.s32 v12, v9;
	(v2sf) =	vpush v15, $0xF  }
0x318: {  	v25 =	vld [tilespmem:s14+$0x14D80];
	v9 =	vadd.s32 v13, v9  }
0x319: {  	v26 =	vld [tilespmem:s14+$0x14E00];
	s28 =	sadd.s32 $0x80, s13;
	v9 =	vadd.s32 v21, v9  }
0x31a: {  	s30 =	sand.u32 $0x70, s15;
	v27 =	vld [tilespmem:s14+$0x14E80];
	s17 =	sand.u32 $0x400, s28;
	v9 =	vadd.s32 v22, v9  }
0x31b: {  	s17 =	sor.u32 s30, s17;
	v9 =	vadd.s32 v23, v9  }
0x31c: {  	v28 =	vld [tilespmem:s17+$0x14300];
	v9 =	vadd.s32 v24, v9  }
0x31d: {  	vm0 =	vle.s32 v15, v6;
	v29 =	vld [tilespmem:s17+$0x14380];
	v9 =	vadd.s32 v25, v9  }
0x31e: {  	v30 =	vld [tilespmem:s17+$0x14400];
	v8 =	vnsel vm0, $0x0, v8;
	v9 =	vadd.s32 v26, v9  }
0x31f: {  	(xrf0) =	vadd.scan.msk.s32 $0xffff, v8;
	v8 =	vld [tilespmem:s17+$0x14480];
	v9 =	vadd.s32 v27, v9  }
0x320: {  	v31 =	vld [tilespmem:s17+$0x14500];
	(xrf0) =	vadd.scan.msk.s32 $0xffff, v9  }
0x321: {  	s31 =	sor.u32 s28, s15;
	v32 =	vld [tilespmem:s17+$0x14580]  }
0x322: {  	s13 =	sor.u32 $0x380, s31;
	v33 =	vld [tilespmem:s17+$0x14600];
	v11 =	vadd.s32 v28, v29  }
0x323: {  	v34 =	vld [tilespmem:s13+$0x14300];
	v11 =	vadd.s32 v30, v11  }
0x324: {  	v35 =	vld [tilespmem:s17+$0x14B00];
	v15 =	vmpcnt.ones.xlane vm0;
	s14 =	spop (v2sf);
	v8 =	vadd.s32 v8, v11  }
0x325: {  	v36 =	vld [tilespmem:s17+$0x14B80];
	s29 =	spop (v2sf);
	v16, _, _ =	vpop (xrf0);
	v8 =	vadd.s32 v31, v8  }
0x326: {  	v37 =	vld [tilespmem:s17+$0x14C00];
	(v2sf) =	vpush v15, $0x0;
	v8 =	vadd.s32 v32, v8;
	v38, _, _ =	vpop (xrf0);
	s30 =	spop (v2sf)  }
0x327: {  	v39 =	vld [tilespmem:s17+$0x14C80];
	(v2sf) =	vpush v16, $0xF;
	v8 =	vadd.s32 v33, v8;
	v15 =	vadd.s32 s30, v38  }
0x328: {  	v40 =	vld [tilespmem:s17+$0x14D00];
	v8 =	vadd.s32 v34, v8;
	(v2sf) =	vpush v15, $0xF  }
0x329: {  	v41 =	vld [tilespmem:s17+$0x14D80];
	v8 =	vadd.s32 v35, v8  }
0x32a: {  	s31 =	sadd.s32 $0x80, s28;
	v42 =	vld [tilespmem:s17+$0x14E00];
	v8 =	vadd.s32 v36, v8  }
0x32b: {  	s19 =	sand.u32 $0x70, s12;
	s18 =	sand.u32 $0x400, s31;
	v43 =	vld [tilespmem:s17+$0x14E80];
	v8 =	vadd.s32 v37, v8  }
0x32c: {  	s16 =	sor.u32 s19, s18;
	v8 =	vadd.s32 v39, v8  }
0x32d: {  	v44 =	vld [tilespmem:s16+$0x14300];
	v8 =	vadd.s32 v40, v8  }
0x32e: {  	v45 =	vld [tilespmem:s16+$0x14380];
	vm14 =	vle.s32 v15, v6;
	v8 =	vadd.s32 v41, v8  }
0x32f: {  	v46 =	vld [tilespmem:s16+$0x14400];
	v9 =	vnsel vm14, $0x0, v9;
	v8 =	vadd.s32 v42, v8  }
0x330: {  	v47 =	vld [tilespmem:s16+$0x14480];
	(xrf0) =	vadd.scan.msk.s32 $0xffff, v9;
	v8 =	vadd.s32 v43, v8  }
0x331: {  	v48 =	vld [tilespmem:s16+$0x14500];
	(xrf0) =	vadd.scan.msk.s32 $0xffff, v8  }
0x332: {  	s20 =	sor.u32 s31, s12;
	v49 =	vld [tilespmem:s16+$0x14580]  }
0x333: {  	s12 =	sor.u32 $0x380, s20;
	v50 =	vld [tilespmem:s16+$0x14600];
	v12 =	vadd.s32 v44, v45  }
0x334: {  	v51 =	vld [tilespmem:s12+$0x14300];
	v11 =	vadd.s32 v46, v12  }
0x335: {  	v52 =	vld [tilespmem:s16+$0x14B00];
	v15 =	vmpcnt.ones.xlane vm14;
	v9 =	vadd.s32 v47, v11;
	s21 =	spop (v2sf)  }
0x336: {  	v54 =	vld [tilespmem:s16+$0x14B80];
	v9 =	vadd.s32 v48, v9;
	s22 =	spop (v2sf);
	v53, _, _ =	vpop (xrf0)  }
0x337: {  	v55 =	vld [tilespmem:s16+$0x14C00];
	v9 =	vadd.s32 v49, v9;
	(v2sf) =	vpush v15, $0x0;
	v56, _, _ =	vpop (xrf0);
	s23 =	spop (v2sf)  }
0x338: {  	v57 =	vld [tilespmem:s16+$0x14C80];
	v9 =	vadd.s32 v50, v9;
	(v2sf) =	vpush v53, $0xF;
	v15 =	vadd.s32 s23, v56  }
0x339: {  	v58 =	vld [tilespmem:s16+$0x14D00];
	v9 =	vadd.s32 v51, v9;
	(v2sf) =	vpush v15, $0xF  }
0x33a: {  	v59 =	vld [tilespmem:s16+$0x14D80];
	v9 =	vadd.s32 v52, v9  }
0x33b: {  	v60 =	vld [tilespmem:s16+$0x14E00];
	v9 =	vadd.s32 v54, v9  }
0x33c: {  	v61 =	vld [tilespmem:s16+$0x14E80];
	v9 =	vadd.s32 v55, v9  }
0x33d: {  	v9 =	vadd.s32 v57, v9  }
0x33e: {  	v9 =	vadd.s32 v58, v9  }
0x33f: {  	v9 =	vadd.s32 v59, v9;
	vm15 =	vle.s32 v15, v6  }
0x340: {  	v9 =	vadd.s32 v60, v9;
	v8 =	vnsel vm15, $0x0, v8  }
0x341: {  	(xrf0) =	vadd.scan.msk.s32 $0xffff, v8;
	v8 =	vadd.s32 v61, v9  }
0x342: {  	(xrf0) =	vadd.scan.msk.s32 $0xffff, v8;
	_ =	sdelay $0x3  }
0x343: {  	s24 =	spop (v2sf)  }
0x344: {  	s25 =	spop (v2sf);
	v62, _, _ =	vpop (xrf0)  }
0x345: {  	v63, _, _ =	vpop (xrf0);
	s26 =	spop (v2sf)  }
0x346: {  	v10 =	vadd.s32 s26, v63  }
0x347: {  	vm1 =	vle.s32 v10, v6  }
0x348: {  	v6 =	vnsel vm1, $0x0, v8  }
0x349: {  	(xrf0) =	vadd.scan.msk.s32 $0xffff, v6;
	v6 =	vmpcnt.ones.xlane vm15;
	_ =	sdelay $0x1  }
0x34a: {  	(v2sf) =	vpush v6, $0x0;
	v6 =	vmpcnt.ones.xlane vm1;
	_ =	sdelay $0x1  }
0x34b: {  	(v2sf) =	vpush v62, $0xF  }
0x34c: {  	(v2sf) =	vpush v10, $0xF  }
0x34d: {  	(v2sf) =	vpush v6, $0x0;
	v6, _, _ =	vpop (xrf0)  }
0x34e: {  	(v2sf) =	vpush v6, $0xF;
	_ =	sdelay $0xa  }
0x34f: {  	s8 =	sadd.s32 s8, s14;
	s28 =	spop (v2sf)  }
.Ltmp14:
0x350: {  	s11 =	sadd.s32 s11, s29;
	s29 =	spop (v2sf);
	(pc) =	sbr.rel @p0 .LBB2_27-.Ltmp14, $4  }
0x351: {  	s8 =	sadd.s32 s8, s21;
	s11 =	sadd.s32 s11, s22;
	s30 =	spop (v2sf)  }
0x352: {  	s8 =	sadd.s32 s8, s24;
	s11 =	sadd.s32 s11, s25;
	s12 =	spop (v2sf)  }
0x353: {  	s8 =	sadd.s32 s8, s28;
	s11 =	sadd.s32 s11, s29;
	s31 =	spop (v2sf)  }
0x354: {  	s8 =	sadd.s32 s8, s12;
	s11 =	sadd.s32 s11, s31  }
0x355: {  	v6 =	vlaneseq.u32  }
0x356: {  	v8 =	vmul.u32 $0x800, v6  }
0x357: {  	s12 =	simm.s32 $0x0  }
0x358: {  	v9 =	vadd.s32 s12, v8;
	_ =	sdelay $0x3  }
0x359: {  	s13 =	simm.s32 $0x8000  }
0x35a: {  	v9 =	vld.idx.msk [tilespmem:v9+s13+$0x0], $0xffff;
	_ =	sdelay $0x4  }
0x35b: {  	v12 =	vshra.s32 v9, $0x1F  }
0x35c: {  	v10 =	vmov s8;
	v11 =	vimm.s32 $0x0;
	v15 =	vxor.u32 v9, v12  }
0x35d: {  	p0 =	sne.s32 s9, $0x1;
	v13 =	vmul.u32 $0x101, v6;
	v16 =	vmov s12;
	v6 =	vshrl.u32 v15, $0x10  }
.Ltmp15:
0x35e: {  	vm1 =	vlt.s32 v16, v7;
	v16 =	vadd.s32 v8, v11;
	v6 =	vand.u32 $0xFF, v6;
	(pc) =	sbr.rel @!p0 .LBB2_30-.Ltmp15, $4  }
0x35f: {  	v14 =	vmul.f32 v9, v9;
	v15 =	vshrl.u32 v15, $0x8;
	vm0 =	veq.s32 v6, v10  }
0x360: {  	vm2 =	vlt.s32 v6, v10;
	v6 =	vand.u32 $0xFF, v15;
	vm0 =	vmand vm1, vm0  }
0x361: {  	vm1 =	vmand vm1, vm2;
	v15 =	vadd.s32 v13, v6;
	v6 =	vsel vm0, $0x1, v11  }
0x362: {  	s14 =	simm.s32 $0x12100;
	s15 =	simm.s32 $0x1;
	v12 =	vimm.s32 $0x1;
	v17 =	vnsel vm1, $0x0, v9;
	v6 =	vadd.s32 v6, v11  }
.LBB2_29:
0x363: {  	v18 =	vadd.s32 s15, v8;
	v4 =	vadd.f32 v17, v4;
	v14 =	vnsel vm1, $0x0, v14;
	s16 =	smov.u32 s15  }
0x364: {  	s15 =	sadd.s32 $0x1, s15;
	v5 =	vadd.f32 v14, v5  }
0x365: {  	p0 =	sne.s32 s9, s15  }
0x366: {  	[tilespmem:v15+s14+$0x0] =	vst.idx.add.s32.msk vm0, v12  }
0x367: {  	[tilespmem:v16+s12+$0x0] =	vst.idx.msk vm0, v9  }
0x368: {  	v9 =	vld.idx.msk [tilespmem:v18+s13+$0x0], $0xffff;
	_ =	sdelay $0x5  }
0x369: {  	v15 =	vshra.s32 v9, $0x1F;
	v14 =	vmul.f32 v9, v9  }
0x36a: {  	v15 =	vxor.u32 v9, v15  }
0x36b: {  	v16 =	vshrl.u32 v15, $0x10  }
.Ltmp16:
0x36c: {  	v17 =	vmov s16;
	v16 =	vand.u32 $0xFF, v16;
	(pc) =	sbr.rel @p0 .LBB2_29-.Ltmp16, $4  }
0x36d: {  	vm1 =	vlt.s32 v17, v7;
	v15 =	vshrl.u32 v15, $0x8;
	vm0 =	veq.s32 v16, v10  }
0x36e: {  	v15 =	vand.u32 $0xFF, v15;
	vm2 =	vlt.s32 v16, v10;
	vm0 =	vmand vm1, vm0  }
0x36f: {  	v15 =	vadd.s32 v13, v15;
	vm1 =	vmand vm1, vm2;
	v18 =	vsel vm0, $0x1, v11  }
0x370: {  	v16 =	vadd.s32 v8, v6;
	v17 =	vnsel vm1, $0x0, v9;
	v6 =	vadd.s32 v18, v6  }
.LBB2_30:
0x371: {  	_ =	sdelay $0x1  }
.Ltmp17:
0x372: {  	_ = 	snop;
	(pc) =	sbr.rel .LBB2_31-.Ltmp17, $4  }
0x373: {  	_ = 	snop  }
0x374: {  	v7 =	vnsel vm1, $0x0, v14  }
0x375: {  	[tilespmem:v15+s14+$0x0] =	vst.idx.add.s32.msk vm0, v12;
	v4 =	vadd.f32 v17, v4;
	v5 =	vadd.f32 v7, v5  }
0x376: {  	[tilespmem:v16+s12+$0x0] =	vst.idx.msk vm0, v9  }
.LBB2_27:
0x377: {  	v6 =	vimm.s32 $0x0  }
.LBB2_31:
0x378: {  	s12 =	simm.s32 $0x12908  }
0x379: {  	v7 =	vld [tilespmem:s12+$0xFFFFF828]  }
0x37a: {  	v8 =	vld [tilespmem:s12+$0xFFFFF929]  }
0x37b: {  	v9 =	vld [tilespmem:s12+$0xFFFFFA2A]  }
0x37c: {  	v10 =	vld [tilespmem:s12+$0xFFFFFB2B]  }
0x37d: {  	v11 =	vld [tilespmem:s12+$0xFFFFFC2C]  }
0x37e: {  	v12 =	vld [tilespmem:s12+$0xFFFFFD2D]  }
0x37f: {  	v13 =	vld [tilespmem:s12+$0xFFFFFE2E]  }
0x380: {  	v14 =	vld [tilespmem:s12+$0xFFFFFF2F]  }
0x381: {  	v15 =	vld [tilespmem:s12+$0x30]  }
0x382: {  	v16 =	vld [tilespmem:s12+$0x131]  }
0x383: {  	v17 =	vld [tilespmem:s12+$0x232]  }
0x384: {  	v18 =	vld [tilespmem:s12+$0x333]  }
0x385: {  	v19 =	vld [tilespmem:s12+$0x434]  }
0x386: {  	v20 =	vld [tilespmem:s12+$0x535]  }
0x387: {  	v21 =	vld [tilespmem:s12+$0x636]  }
0x388: {  	v22 =	vld [tilespmem:s12+$0x737]  }
0x389: {  	v23 =	vld [tilespmem:s12+$0xFFFFF8F9]  }
0x38a: {  	v24 =	vld [tilespmem:s12+$0xFFFFF808]  }
0x38b: {  	v25 =	vld [tilespmem:s12+$0xFFFFF909]  }
0x38c: {  	v26 =	vld [tilespmem:s12+$0xFFFFF818]  }
0x38d: {  	v27 =	vld [tilespmem:s12+$0xFFFFF919]  }
0x38e: {  	v28 =	vld [tilespmem:s12+$0xFFFFF7F8]  }
0x38f: {  	v29 =	vld [tilespmem:s12+$0xFFFFF9FA]  }
0x390: {  	v30 =	vld [tilespmem:s12+$0xFFFFFA0A]  }
0x391: {  	v31 =	vld [tilespmem:s12+$0xFFFFFA1A]  }
0x392: {  	v32 =	vld [tilespmem:s12+$0xFFFFFAFB]  }
0x393: {  	v33 =	vld [tilespmem:s12+$0xFFFFFB0B]  }
0x394: {  	v34 =	vld [tilespmem:s12+$0xFFFFFB1B]  }
0x395: {  	v35 =	vld [tilespmem:s12+$0xFFFFFBFC]  }
0x396: {  	v36 =	vld [tilespmem:s12+$0xFFFFFC0C]  }
0x397: {  	v37 =	vld [tilespmem:s12+$0xFFFFFC1C]  }
0x398: {  	v38 =	vld [tilespmem:s12+$0xFFFFFCFD]  }
0x399: {  	v39 =	vld [tilespmem:s12+$0xFFFFFD0D]  }
0x39a: {  	v40 =	vld [tilespmem:s12+$0xFFFFFD1D]  }
0x39b: {  	v41 =	vld [tilespmem:s12+$0xFFFFFDFE]  }
0x39c: {  	v42 =	vld [tilespmem:s12+$0xFFFFFE0E]  }
0x39d: {  	v49 =	vld [tilespmem:s12+$0x111];
	v7 =	vadd.s32 v7, v8  }
0x39e: {  	v50 =	vld [tilespmem:s12+$0x121];
	v7 =	vadd.s32 v9, v7  }
0x39f: {  	v51 =	vld [tilespmem:s12+$0x202];
	v7 =	vadd.s32 v10, v7  }
0x3a0: {  	v52 =	vld [tilespmem:s12+$0x212];
	v7 =	vadd.s32 v11, v7  }
0x3a1: {  	v53 =	vld [tilespmem:s12+$0x222];
	v7 =	vadd.s32 v12, v7  }
0x3a2: {  	v54 =	vld [tilespmem:s12+$0x303];
	v7 =	vadd.s32 v13, v7  }
0x3a3: {  	v55 =	vld [tilespmem:s12+$0x313];
	v7 =	vadd.s32 v14, v7  }
0x3a4: {  	v57 =	vld [tilespmem:s12+$0x323];
	v7 =	vadd.s32 v15, v7  }
0x3a5: {  	v58 =	vld [tilespmem:s12+$0x404];
	v7 =	vadd.s32 v16, v7  }
0x3a6: {  	v59 =	vld [tilespmem:s12+$0x414];
	v7 =	vadd.s32 v17, v7  }
0x3a7: {  	v8 =	vld [tilespmem:s12+$0xFFFFFE1E];
	v7 =	vadd.s32 v18, v7  }
0x3a8: {  	v9 =	vld [tilespmem:s12+$0xFFFFFEFF];
	v7 =	vadd.s32 v19, v7  }
0x3a9: {  	v10 =	vld [tilespmem:s12+$0xFFFFFF0F];
	v7 =	vadd.s32 v20, v7  }
0x3aa: {  	v11 =	vld [tilespmem:s12+$0xFFFFFF1F];
	v7 =	vadd.s32 v21, v7  }
0x3ab: {  	v12 =	vld [tilespmem:s12+$0x0];
	v22 =	vadd.s32 v22, v7;
	v7 =	vadd.s32 v28, v23  }
0x3ac: {  	v24 =	vadd.s32 v24, v25;
	v56 =	vadd.s32 v26, v27;
	v13 =	vld [tilespmem:s12+$0x10];
	v7 =	vadd.s32 v29, v7  }
0x3ad: {  	v24 =	vadd.s32 v30, v24;
	v25 =	vadd.s32 v31, v56;
	v14 =	vld [tilespmem:s12+$0x20];
	v7 =	vadd.s32 v32, v7  }
0x3ae: {  	v24 =	vadd.s32 v33, v24;
	v25 =	vadd.s32 v34, v25;
	v15 =	vld [tilespmem:s12+$0x101];
	v7 =	vadd.s32 v35, v7  }
0x3af: {  	v60 =	vld [tilespmem:s12+$0x424];
	v24 =	vadd.s32 v36, v24;
	v25 =	vadd.s32 v37, v25;
	v7 =	vadd.s32 v38, v7  }
0x3b0: {  	v61 =	vld [tilespmem:s12+$0x505];
	v24 =	vadd.s32 v39, v24;
	v25 =	vadd.s32 v40, v25;
	v7 =	vadd.s32 v41, v7  }
0x3b1: {  	v62 =	vld [tilespmem:s12+$0x515];
	v24 =	vadd.s32 v42, v24;
	v8 =	vadd.s32 v8, v25;
	v7 =	vadd.s32 v9, v7  }
0x3b2: {  	v8 =	vadd.s32 v11, v8;
	v11 =	vld [tilespmem:s12+$0x525];
	v9 =	vadd.s32 v10, v24;
	v7 =	vadd.s32 v12, v7  }
0x3b3: {  	v8 =	vadd.s32 v14, v8;
	v14 =	vld [tilespmem:s12+$0x606];
	v9 =	vadd.s32 v13, v9;
	v7 =	vadd.s32 v15, v7  }
0x3b4: {  	v8 =	vadd.s32 v50, v8;
	v9 =	vadd.s32 v49, v9;
	v10 =	vadd.s32 v51, v7;
	v7 =	vld [tilespmem:s12+$0x616]  }
0x3b5: {  	v12 =	vadd.s32 v53, v8;
	v8 =	vld [tilespmem:s12+$0x626];
	v9 =	vadd.s32 v52, v9;
	v10 =	vadd.s32 v54, v10  }
0x3b6: {  	v12 =	vadd.s32 v57, v12;
	v13 =	vadd.s32 v55, v9;
	v9 =	vld [tilespmem:s12+$0x707];
	v10 =	vadd.s32 v58, v10  }
0x3b7: {  	s9 =	simm.s32 $0x14220;
	v15 =	vadd.s32 v60, v12;
	v13 =	vadd.s32 v59, v13;
	v63 =	vadd.s32 v61, v10;
	v10 =	vld [tilespmem:s12+$0x717]  }
0x3b8: {  	s10 =	ssub.s32 s10, s11;
	s11 =	simm.s32 $0x0;
	[tilespmem:s9+$0x10] =	vst v22;
	v12 =	vadd.s32 v62, v13;
	v13 =	vadd.s32 v11, v15;
	v11 =	vld [tilespmem:s12+$0x727];
	s12 =	simm.s32 $0x12948;
	v14 =	vadd.s32 v14, v63  }
.LBB2_32:
0x3b9: {  	v15 =	vld [tilespmem:s12+$0xFFFFF828];
	v7 =	vadd.s32 v7, v12  }
0x3ba: {  	s11 =	sadd.s32 $0x4, s11;
	v12 =	vld [tilespmem:s12+$0xFFFFF929];
	v8 =	vadd.s32 v8, v13  }
0x3bb: {  	p0 =	slt.u32 s11, $0xC;
	v13 =	vld [tilespmem:s12+$0xFFFFFA2A];
	v9 =	vadd.s32 v9, v14  }
0x3bc: {  	v14 =	vld [tilespmem:s12+$0xFFFFFB2B];
	[tilespmem:s9+$0xFFFFFFE0] =	vst v9;
	v7 =	vadd.s32 v10, v7  }
0x3bd: {  	v9 =	vld [tilespmem:s12+$0xFFFFFC2C];
	[tilespmem:s9+$0xFFFFFFF0] =	vst v7;
	v7 =	vadd.s32 v11, v8  }
0x3be: {  	v8 =	vld [tilespmem:s12+$0xFFFFFD2D];
	[tilespmem:s9+$0x0] =	vst v7  }
0x3bf: {  	v7 =	vadd.s32 v15, v12;
	v10 =	vld [tilespmem:s12+$0xFFFFFE2E]  }
0x3c0: {  	v7 =	vadd.s32 v13, v7;
	v11 =	vld [tilespmem:s12+$0xFFFFFF2F]  }
0x3c1: {  	v7 =	vadd.s32 v14, v7;
	v12 =	vld [tilespmem:s12+$0x30]  }
0x3c2: {  	v7 =	vadd.s32 v9, v7;
	v9 =	vld [tilespmem:s12+$0x131]  }
0x3c3: {  	v7 =	vadd.s32 v8, v7;
	v8 =	vld [tilespmem:s12+$0x232]  }
0x3c4: {  	v7 =	vadd.s32 v10, v7;
	v10 =	vld [tilespmem:s12+$0x333]  }
0x3c5: {  	v7 =	vadd.s32 v11, v7;
	v11 =	vld [tilespmem:s12+$0x434]  }
0x3c6: {  	v7 =	vadd.s32 v12, v7;
	v12 =	vld [tilespmem:s12+$0x535]  }
0x3c7: {  	v7 =	vadd.s32 v9, v7;
	v9 =	vld [tilespmem:s12+$0x636]  }
0x3c8: {  	v7 =	vadd.s32 v8, v7;
	v8 =	vld [tilespmem:s12+$0x737]  }
0x3c9: {  	v13 =	vld [tilespmem:s12+$0xFFFFF8F9];
	v7 =	vadd.s32 v10, v7  }
0x3ca: {  	v10 =	vld [tilespmem:s12+$0xFFFFF808];
	v7 =	vadd.s32 v11, v7  }
0x3cb: {  	v11 =	vld [tilespmem:s12+$0xFFFFF909];
	v7 =	vadd.s32 v12, v7  }
0x3cc: {  	v12 =	vld [tilespmem:s12+$0xFFFFF818];
	v7 =	vadd.s32 v9, v7  }
0x3cd: {  	s9 =	sadd.s32 $0x40, s9;
	v9 =	vld [tilespmem:s12+$0xFFFFF919];
	v7 =	vadd.s32 v8, v7  }
0x3ce: {  	v8 =	vld [tilespmem:s12+$0xFFFFF7F8];
	[tilespmem:s9+$0x10] =	vst v7  }
0x3cf: {  	v7 =	vld [tilespmem:s12+$0xFFFFF9FA]  }
0x3d0: {  	v10 =	vadd.s32 v10, v11;
	v11 =	vld [tilespmem:s12+$0xFFFFFA0A]  }
0x3d1: {  	v14 =	vld [tilespmem:s12+$0xFFFFFA1A]  }
0x3d2: {  	v15 =	vld [tilespmem:s12+$0xFFFFFAFB];
	v9 =	vadd.s32 v12, v9  }
0x3d3: {  	v8 =	vadd.s32 v8, v13;
	v12 =	vld [tilespmem:s12+$0xFFFFFB0B]  }
0x3d4: {  	v7 =	vadd.s32 v7, v8;
	v8 =	vld [tilespmem:s12+$0xFFFFFB1B]  }
0x3d5: {  	v13 =	vld [tilespmem:s12+$0xFFFFFBFC];
	v10 =	vadd.s32 v11, v10  }
0x3d6: {  	v11 =	vld [tilespmem:s12+$0xFFFFFC0C];
	v9 =	vadd.s32 v14, v9  }
0x3d7: {  	v7 =	vadd.s32 v15, v7;
	v14 =	vld [tilespmem:s12+$0xFFFFFC1C]  }
0x3d8: {  	v15 =	vld [tilespmem:s12+$0xFFFFFCFD];
	v10 =	vadd.s32 v12, v10  }
0x3d9: {  	v12 =	vld [tilespmem:s12+$0xFFFFFD0D];
	v8 =	vadd.s32 v8, v9  }
0x3da: {  	v7 =	vadd.s32 v13, v7;
	v9 =	vld [tilespmem:s12+$0xFFFFFD1D]  }
0x3db: {  	v13 =	vld [tilespmem:s12+$0xFFFFFDFE];
	v10 =	vadd.s32 v11, v10  }
0x3dc: {  	v11 =	vld [tilespmem:s12+$0xFFFFFE0E];
	v8 =	vadd.s32 v14, v8  }
0x3dd: {  	v7 =	vadd.s32 v15, v7;
	v14 =	vld [tilespmem:s12+$0xFFFFFE1E]  }
0x3de: {  	v15 =	vld [tilespmem:s12+$0xFFFFFEFF];
	v10 =	vadd.s32 v12, v10  }
0x3df: {  	v12 =	vld [tilespmem:s12+$0xFFFFFF0F];
	v8 =	vadd.s32 v9, v8  }
0x3e0: {  	v7 =	vadd.s32 v13, v7;
	v9 =	vld [tilespmem:s12+$0xFFFFFF1F]  }
0x3e1: {  	v13 =	vld [tilespmem:s12+$0x0];
	v10 =	vadd.s32 v11, v10  }
0x3e2: {  	v11 =	vld [tilespmem:s12+$0x10];
	v8 =	vadd.s32 v14, v8  }
0x3e3: {  	v7 =	vadd.s32 v15, v7;
	v14 =	vld [tilespmem:s12+$0x20]  }
0x3e4: {  	v15 =	vld [tilespmem:s12+$0x101];
	v10 =	vadd.s32 v12, v10  }
0x3e5: {  	v12 =	vld [tilespmem:s12+$0x111];
	v8 =	vadd.s32 v9, v8  }
0x3e6: {  	v7 =	vadd.s32 v13, v7;
	v9 =	vld [tilespmem:s12+$0x121]  }
0x3e7: {  	v13 =	vld [tilespmem:s12+$0x202];
	v10 =	vadd.s32 v11, v10  }
0x3e8: {  	v11 =	vld [tilespmem:s12+$0x212];
	v8 =	vadd.s32 v14, v8  }
0x3e9: {  	v7 =	vadd.s32 v15, v7;
	v14 =	vld [tilespmem:s12+$0x222]  }
0x3ea: {  	v15 =	vld [tilespmem:s12+$0x303];
	v10 =	vadd.s32 v12, v10  }
0x3eb: {  	v12 =	vld [tilespmem:s12+$0x313];
	v8 =	vadd.s32 v9, v8  }
0x3ec: {  	v7 =	vadd.s32 v13, v7;
	v9 =	vld [tilespmem:s12+$0x323]  }
0x3ed: {  	v13 =	vld [tilespmem:s12+$0x404];
	v10 =	vadd.s32 v11, v10  }
0x3ee: {  	v11 =	vld [tilespmem:s12+$0x414];
	v8 =	vadd.s32 v14, v8  }
0x3ef: {  	v7 =	vadd.s32 v15, v7;
	v14 =	vld [tilespmem:s12+$0x424]  }
0x3f0: {  	v15 =	vld [tilespmem:s12+$0x505];
	v10 =	vadd.s32 v12, v10  }
0x3f1: {  	v12 =	vld [tilespmem:s12+$0x515];
	v8 =	vadd.s32 v9, v8  }
0x3f2: {  	v9 =	vadd.s32 v13, v7;
	v13 =	vld [tilespmem:s12+$0x525]  }
0x3f3: {  	v16 =	vld [tilespmem:s12+$0x606];
	v10 =	vadd.s32 v11, v10  }
.Ltmp18:
0x3f4: {  	v7 =	vld [tilespmem:s12+$0x616];
	v11 =	vadd.s32 v14, v8;
	(pc) =	sbr.rel @p0 .LBB2_32-.Ltmp18, $4  }
0x3f5: {  	v14 =	vadd.s32 v15, v9;
	v8 =	vld [tilespmem:s12+$0x626]  }
0x3f6: {  	v9 =	vld [tilespmem:s12+$0x707];
	v12 =	vadd.s32 v12, v10  }
0x3f7: {  	v10 =	vld [tilespmem:s12+$0x717];
	v13 =	vadd.s32 v13, v11  }
0x3f8: {  	v14 =	vadd.s32 v16, v14;
	v11 =	vld [tilespmem:s12+$0x727];
	s12 =	sadd.s32 $0x40, s12  }
0x3f9: {  	_ =	sdelay $0x1  }
0x3fa: {  	v7 =	vadd.s32 v7, v12;
	v9 =	vadd.s32 v9, v14  }
0x3fb: {  	v8 =	vadd.s32 v8, v13;
	[tilespmem:s9+$0xFFFFFFE0] =	vst v9;
	v7 =	vadd.s32 v10, v7  }
0x3fc: {  	s18 =	simm.s32 $0x80;
	[tilespmem:s9+$0xFFFFFFF0] =	vst v7;
	v7 =	vadd.s32 v11, v8  }
0x3fd: {  	s11 =	simm.s32 $0x400;
	s12 =	simm.s32 $0x14200;
	s19 =	simm.s32 $0x3;
	[tilespmem:s9+$0x0] =	vst v7  }
0x3fe: {  	[spmem:s6] =	stream.strided.scatter [tilespmem:s12], [sflag:$0x3], $0x100, s11, s18, $0x38;
	[tilespmem:$0x15D10] =	vst v63  }
0x3ff: {  	_ =	swait.ge [sflag:s19], $0x100  }
0x400: {  	[sflag:s19] =	ssyncset.done $0x0  }
0x401: {  	[sflag:s19] =	ssyncadd.s32 $0xFFFFFF00  }
0x402: {  	s20 =	simm.s32 $0x14300;
	[bflag:$0x0] =	sbarrier.arrive $0xFFFF  }
0x403: {  	[tilespmem:s20], [sflag:$0x3] =	stream.linear.gather [spmem:s4], $0x1000, $0x38;
	[tilespmem:$0x15D10] =	vst v63  }
0x404: {  	s9 =	simm.s32 $0x0;
	_ =	swait.ge [sflag:s19], $0x1000  }
0x405: {  	s21 =	sand.u32 $0x70, s9;
	s13 =	sand.u32 $0x400, s9;
	[sflag:s19] =	ssyncset.done $0x0  }
0x406: {  	s22 =	sor.u32 s21, s13;
	[sflag:s19] =	ssyncadd.s32 $0xFFFFF000  }
0x407: {  	v7 =	vld [tilespmem:s22+$0x14300]  }
0x408: {  	v8 =	vld [tilespmem:s22+$0x14380]  }
0x409: {  	v9 =	vld [tilespmem:s22+$0x14400]  }
0x40a: {  	v10 =	vld [tilespmem:s22+$0x14480]  }
0x40b: {  	v11 =	vld [tilespmem:s22+$0x14500]  }
0x40c: {  	s23 =	sor.u32 s9, s9;
	v12 =	vld [tilespmem:s22+$0x14580]  }
0x40d: {  	s12 =	sor.u32 $0x380, s23;
	v13 =	vld [tilespmem:s22+$0x14600]  }
0x40e: {  	v14 =	vld [tilespmem:s12+$0x14300]  }
0x40f: {  	v7 =	vadd.s32 v7, v8;
	v8 =	vld [tilespmem:s22+$0x14B00]  }
0x410: {  	v7 =	vadd.s32 v9, v7;
	v9 =	vld [tilespmem:s22+$0x14B80]  }
0x411: {  	v7 =	vadd.s32 v10, v7;
	v10 =	vld [tilespmem:s22+$0x14C00]  }
0x412: {  	v7 =	vadd.s32 v11, v7;
	v11 =	vld [tilespmem:s22+$0x14C80]  }
0x413: {  	v7 =	vadd.s32 v12, v7;
	v12 =	vld [tilespmem:s22+$0x14D00]  }
0x414: {  	s24 =	simm.s32 $0x10;
	s25 =	simm.s32 $0x80;
	v7 =	vadd.s32 v13, v7;
	v13 =	vld [tilespmem:s22+$0x14D80]  }
0x415: {  	s14 =	sand.u32 $0x70, s24;
	s15 =	sand.u32 $0x400, s25;
	v7 =	vadd.s32 v14, v7;
	v14 =	vld [tilespmem:s22+$0x14E00]  }
0x416: {  	s26 =	sor.u32 s14, s15;
	v7 =	vadd.s32 v8, v7;
	v8 =	vld [tilespmem:s22+$0x14E80]  }
0x417: {  	v7 =	vadd.s32 v9, v7;
	v9 =	vld [tilespmem:s26+$0x14300]  }
0x418: {  	v7 =	vadd.s32 v10, v7;
	v10 =	vld [tilespmem:s26+$0x14380]  }
0x419: {  	v7 =	vadd.s32 v11, v7;
	v11 =	vld [tilespmem:s26+$0x14400]  }
0x41a: {  	v7 =	vadd.s32 v12, v7;
	v12 =	vld [tilespmem:s26+$0x14480]  }
0x41b: {  	v7 =	vadd.s32 v13, v7;
	v13 =	vld [tilespmem:s26+$0x14500]  }
0x41c: {  	s12 =	sor.u32 s25, s24;
	v7 =	vadd.s32 v14, v7;
	v14 =	vld [tilespmem:s26+$0x14580]  }
0x41d: {  	v15 =	vld [tilespmem:s26+$0x14600];
	s12 =	sor.u32 $0x380, s12;
	v8 =	vadd.s32 v8, v7;
	v7 =	vadd.s32 v9, v10  }
0x41e: {  	v16 =	vld [tilespmem:s12+$0x14300];
	v7 =	vadd.s32 v11, v7  }
0x41f: {  	v17 =	vld [tilespmem:s26+$0x14B00];
	(xrf0) =	vadd.scan.msk.s32 $0xffff, v8;
	v7 =	vadd.s32 v12, v7  }
0x420: {  	v9 =	vld [tilespmem:s26+$0x14B80];
	v7 =	vadd.s32 v13, v7  }
0x421: {  	v10 =	vld [tilespmem:s26+$0x14C00];
	v13 =	vadd.s32 v14, v7  }
0x422: {  	v11 =	vld [tilespmem:s26+$0x14C80];
	v13 =	vadd.s32 v15, v13  }
0x423: {  	v12 =	vld [tilespmem:s26+$0x14D00];
	v13 =	vadd.s32 v16, v13  }
0x424: {  	v13 =	vadd.s32 v17, v13  }
0x425: {  	v14, _, _ =	vpop (xrf0);
	v9 =	vadd.s32 v9, v13  }
0x426: {  	s28 =	simm.s32 $0x20;
	s13 =	simm.s32 $0x100;
	v18 =	vld [tilespmem:s26+$0x14D80];
	v7 =	vmov s10;
	v14 =	vadd.s32 s9, v14;
	v9 =	vadd.s32 v10, v9  }
0x427: {  	s29 =	sand.u32 $0x70, s28;
	s30 =	sand.u32 $0x400, s13;
	v15 =	vld [tilespmem:s26+$0x14E00];
	vm0 =	vle.s32 v14, v7;
	(v2sf) =	vpush v14, $0xF;
	v9 =	vadd.s32 v11, v9  }
0x428: {  	s14 =	sor.u32 s29, s30;
	v62 =	vld [tilespmem:s26+$0x14E80];
	v8 =	vnsel vm0, $0x0, v8;
	v10 =	vadd.s32 v12, v9;
	v12 =	vmpcnt.ones.xlane vm0  }
0x429: {  	v63 =	vld [tilespmem:s14+$0x14300];
	(xrf0) =	vadd.scan.msk.s32 $0xffff, v8  }
0x42a: {  	v8 =	vld [tilespmem:s14+$0x14380];
	(v2sf) =	vpush v12, $0x0  }
0x42b: {  	v11 =	vadd.s32 v18, v10  }
0x42c: {  	v14 =	vadd.s32 v15, v11;
	_ =	sdelay $0x1  }
0x42d: {  	v13 =	vld [tilespmem:s14+$0x14400]  }
0x42e: {  	v19 =	vld [tilespmem:s14+$0x14480];
	v15 =	vadd.s32 v63, v8;
	v8 =	vadd.s32 v62, v14;
	v14, _, _ =	vpop (xrf0)  }
0x42f: {  	v9 =	vld [tilespmem:s14+$0x14500];
	(xrf0) =	vadd.scan.msk.s32 $0xffff, v8;
	(v2sf) =	vpush v14, $0xF  }
0x430: {  	s31 =	sor.u32 s13, s28;
	v10 =	vld [tilespmem:s14+$0x14580]  }
0x431: {  	s11 =	sor.u32 $0x380, s31;
	v11 =	vld [tilespmem:s14+$0x14600]  }
0x432: {  	s16 =	simm.s32 $0x50;
	v12 =	vld [tilespmem:s11+$0x14300];
	v13 =	vadd.s32 v13, v15  }
0x433: {  	s15 =	simm.s32 $0x30;
	s12 =	simm.s32 $0x40;
	s11 =	simm.s32 $0x0;
	v14 =	vadd.s32 v19, v13;
	v13 =	vld [tilespmem:s14+$0x14B00]  }
.LBB2_34:
0x434: {  	p0 =	sne.s32 s16, $0xF0;
	v9 =	vadd.s32 v9, v14;
	v14 =	vld [tilespmem:s14+$0x14B80]  }
0x435: {  	v9 =	vadd.s32 v10, v9;
	v10 =	vld [tilespmem:s14+$0x14C00];
	v15, _, _ =	vpop (xrf0);
	s17 =	spop (v2sf)  }
0x436: {  	v9 =	vadd.s32 v11, v9;
	v11 =	vld [tilespmem:s14+$0x14C80];
	v15 =	vadd.s32 s17, v15  }
0x437: {  	v9 =	vadd.s32 v12, v9;
	v12 =	vld [tilespmem:s14+$0x14D00];
	vm0 =	vle.s32 v15, v7;
	(v2sf) =	vpush v15, $0xF  }
0x438: {  	v9 =	vadd.s32 v13, v9;
	v13 =	vld [tilespmem:s14+$0x14D80];
	v15 =	vmpcnt.ones.xlane vm0;
	v8 =	vnsel vm0, $0x0, v8;
	s17 =	spop (v2sf)  }
0x439: {  	s13 =	sadd.s32 $0x80, s13;
	v9 =	vadd.s32 v14, v9;
	v14 =	vld [tilespmem:s14+$0x14E00];
	(xrf0) =	vadd.scan.msk.s32 $0xffff, v8;
	s9 =	sadd.s32 s9, s17  }
0x43a: {  	s18 =	sand.u32 $0x400, s13;
	s17 =	sand.u32 $0x70, s15;
	v8 =	vadd.s32 v10, v9;
	v9 =	vld [tilespmem:s14+$0x14E80];
	(v2sf) =	vpush v15, $0x0  }
0x43b: {  	s14 =	sor.u32 s17, s18;
	v8 =	vadd.s32 v11, v8  }
0x43c: {  	v11 =	vld [tilespmem:s14+$0x14300];
	v8 =	vadd.s32 v12, v8  }
0x43d: {  	v12 =	vld [tilespmem:s14+$0x14380];
	v8 =	vadd.s32 v13, v8  }
0x43e: {  	v13 =	vld [tilespmem:s14+$0x14400];
	v8 =	vadd.s32 v14, v8;
	s17 =	spop (v2sf)  }
0x43f: {  	v14 =	vld [tilespmem:s14+$0x14480];
	v8 =	vadd.s32 v9, v8;
	v10, _, _ =	vpop (xrf0);
	s11 =	sadd.s32 s11, s17  }
.Ltmp19:
0x440: {  	v9 =	vld [tilespmem:s14+$0x14500];
	(xrf0) =	vadd.scan.msk.s32 $0xffff, v8;
	(v2sf) =	vpush v10, $0xF;
	(pc) =	sbr.rel @p0 .LBB2_34-.Ltmp19, $4  }
0x441: {  	s17 =	sor.u32 s13, s15;
	s15 =	smov.u32 s12;
	s12 =	smov.u32 s16;
	v10 =	vld [tilespmem:s14+$0x14580]  }
0x442: {  	s17 =	sor.u32 $0x380, s17;
	v12 =	vadd.s32 v11, v12;
	v11 =	vld [tilespmem:s14+$0x14600]  }
0x443: {  	v13 =	vadd.s32 v13, v12;
	v12 =	vld [tilespmem:s17+$0x14300]  }
0x444: {  	s16 =	sadd.s32 $0x10, s16;
	v14 =	vadd.s32 v14, v13;
	v13 =	vld [tilespmem:s14+$0x14B00]  }
0x445: {  	v9 =	vadd.s32 v9, v14;
	v21 =	vld [tilespmem:s14+$0x14B80]  }
0x446: {  	v22 =	vld [tilespmem:s14+$0x14C00];
	v9 =	vadd.s32 v10, v9;
	v15, _, _ =	vpop (xrf0);
	s16 =	spop (v2sf)  }
0x447: {  	v23 =	vld [tilespmem:s14+$0x14C80];
	v9 =	vadd.s32 v11, v9;
	v15 =	vadd.s32 s16, v15  }
0x448: {  	v24 =	vld [tilespmem:s14+$0x14D00];
	v9 =	vadd.s32 v12, v9;
	(v2sf) =	vpush v15, $0xF  }
0x449: {  	v25 =	vld [tilespmem:s14+$0x14D80];
	v9 =	vadd.s32 v13, v9  }
0x44a: {  	v26 =	vld [tilespmem:s14+$0x14E00];
	s24 =	sadd.s32 $0x80, s13;
	v9 =	vadd.s32 v21, v9  }
0x44b: {  	s25 =	sand.u32 $0x70, s15;
	v27 =	vld [tilespmem:s14+$0x14E80];
	s17 =	sand.u32 $0x400, s24;
	v9 =	vadd.s32 v22, v9  }
0x44c: {  	s17 =	sor.u32 s25, s17;
	v9 =	vadd.s32 v23, v9  }
0x44d: {  	v28 =	vld [tilespmem:s17+$0x14300];
	v9 =	vadd.s32 v24, v9  }
0x44e: {  	vm0 =	vle.s32 v15, v7;
	v29 =	vld [tilespmem:s17+$0x14380];
	v9 =	vadd.s32 v25, v9  }
0x44f: {  	v30 =	vld [tilespmem:s17+$0x14400];
	v8 =	vnsel vm0, $0x0, v8;
	v9 =	vadd.s32 v26, v9  }
0x450: {  	(xrf0) =	vadd.scan.msk.s32 $0xffff, v8;
	v8 =	vld [tilespmem:s17+$0x14480];
	v9 =	vadd.s32 v27, v9  }
0x451: {  	v31 =	vld [tilespmem:s17+$0x14500];
	(xrf0) =	vadd.scan.msk.s32 $0xffff, v9  }
0x452: {  	s26 =	sor.u32 s24, s15;
	v32 =	vld [tilespmem:s17+$0x14580]  }
0x453: {  	s13 =	sor.u32 $0x380, s26;
	v33 =	vld [tilespmem:s17+$0x14600];
	v11 =	vadd.s32 v28, v29  }
0x454: {  	v34 =	vld [tilespmem:s13+$0x14300];
	v11 =	vadd.s32 v30, v11  }
0x455: {  	v35 =	vld [tilespmem:s17+$0x14B00];
	v15 =	vmpcnt.ones.xlane vm0;
	s13 =	spop (v2sf);
	v8 =	vadd.s32 v8, v11  }
0x456: {  	v36 =	vld [tilespmem:s17+$0x14B80];
	s14 =	spop (v2sf);
	v16, _, _ =	vpop (xrf0);
	v8 =	vadd.s32 v31, v8  }
0x457: {  	v37 =	vld [tilespmem:s17+$0x14C00];
	(v2sf) =	vpush v15, $0x0;
	v8 =	vadd.s32 v32, v8;
	v38, _, _ =	vpop (xrf0);
	s28 =	spop (v2sf)  }
0x458: {  	v39 =	vld [tilespmem:s17+$0x14C80];
	(v2sf) =	vpush v16, $0xF;
	v8 =	vadd.s32 v33, v8;
	v15 =	vadd.s32 s28, v38  }
0x459: {  	v40 =	vld [tilespmem:s17+$0x14D00];
	v8 =	vadd.s32 v34, v8;
	(v2sf) =	vpush v15, $0xF  }
0x45a: {  	v41 =	vld [tilespmem:s17+$0x14D80];
	v8 =	vadd.s32 v35, v8  }
0x45b: {  	s29 =	sadd.s32 $0x80, s24;
	v42 =	vld [tilespmem:s17+$0x14E00];
	v8 =	vadd.s32 v36, v8  }
0x45c: {  	s30 =	sand.u32 $0x70, s12;
	s18 =	sand.u32 $0x400, s29;
	v43 =	vld [tilespmem:s17+$0x14E80];
	v8 =	vadd.s32 v37, v8  }
0x45d: {  	s16 =	sor.u32 s30, s18;
	v8 =	vadd.s32 v39, v8  }
0x45e: {  	v44 =	vld [tilespmem:s16+$0x14300];
	v8 =	vadd.s32 v40, v8  }
0x45f: {  	v45 =	vld [tilespmem:s16+$0x14380];
	vm14 =	vle.s32 v15, v7;
	v8 =	vadd.s32 v41, v8  }
0x460: {  	v46 =	vld [tilespmem:s16+$0x14400];
	v9 =	vnsel vm14, $0x0, v9;
	v8 =	vadd.s32 v42, v8  }
0x461: {  	v47 =	vld [tilespmem:s16+$0x14480];
	(xrf0) =	vadd.scan.msk.s32 $0xffff, v9;
	v8 =	vadd.s32 v43, v8  }
0x462: {  	v48 =	vld [tilespmem:s16+$0x14500];
	(xrf0) =	vadd.scan.msk.s32 $0xffff, v8  }
0x463: {  	s31 =	sor.u32 s29, s12;
	v49 =	vld [tilespmem:s16+$0x14580]  }
0x464: {  	s12 =	sor.u32 $0x380, s31;
	v50 =	vld [tilespmem:s16+$0x14600];
	v12 =	vadd.s32 v44, v45  }
0x465: {  	v51 =	vld [tilespmem:s12+$0x14300];
	v11 =	vadd.s32 v46, v12  }
0x466: {  	v52 =	vld [tilespmem:s16+$0x14B00];
	v15 =	vmpcnt.ones.xlane vm14;
	s15 =	spop (v2sf);
	v9 =	vadd.s32 v47, v11  }
0x467: {  	v54 =	vld [tilespmem:s16+$0x14B80];
	v9 =	vadd.s32 v48, v9;
	s21 =	spop (v2sf);
	v53, _, _ =	vpop (xrf0)  }
0x468: {  	v55 =	vld [tilespmem:s16+$0x14C00];
	(v2sf) =	vpush v15, $0x0;
	v9 =	vadd.s32 v49, v9;
	v56, _, _ =	vpop (xrf0);
	s22 =	spop (v2sf)  }
0x469: {  	v57 =	vld [tilespmem:s16+$0x14C80];
	v9 =	vadd.s32 v50, v9;
	(v2sf) =	vpush v53, $0xF;
	v15 =	vadd.s32 s22, v56  }
0x46a: {  	v58 =	vld [tilespmem:s16+$0x14D00];
	v9 =	vadd.s32 v51, v9;
	(v2sf) =	vpush v15, $0xF  }
0x46b: {  	v59 =	vld [tilespmem:s16+$0x14D80];
	v9 =	vadd.s32 v52, v9  }
0x46c: {  	v60 =	vld [tilespmem:s16+$0x14E00];
	v9 =	vadd.s32 v54, v9  }
0x46d: {  	v61 =	vld [tilespmem:s16+$0x14E80];
	v9 =	vadd.s32 v55, v9  }
0x46e: {  	v9 =	vadd.s32 v57, v9  }
0x46f: {  	v9 =	vadd.s32 v58, v9  }
0x470: {  	v9 =	vadd.s32 v59, v9;
	vm15 =	vle.s32 v15, v7  }
0x471: {  	v9 =	vadd.s32 v60, v9;
	v8 =	vnsel vm15, $0x0, v8  }
0x472: {  	(xrf0) =	vadd.scan.msk.s32 $0xffff, v8;
	v8 =	vadd.s32 v61, v9  }
0x473: {  	(xrf0) =	vadd.scan.msk.s32 $0xffff, v8;
	_ =	sdelay $0x3  }
0x474: {  	s23 =	spop (v2sf)  }
0x475: {  	s24 =	spop (v2sf);
	v62, _, _ =	vpop (xrf0)  }
0x476: {  	v63, _, _ =	vpop (xrf0);
	s25 =	spop (v2sf)  }
0x477: {  	v10 =	vadd.s32 s25, v63  }
0x478: {  	vm1 =	vle.s32 v10, v7  }
0x479: {  	v7 =	vnsel vm1, $0x0, v8  }
0x47a: {  	(xrf0) =	vadd.scan.msk.s32 $0xffff, v7;
	v7 =	vxor.u32 $0x80000000, v6  }
0x47b: {  	v8 =	vmpcnt.ones.xlane vm15;
	(xrf0) =	vmax.scan.msk.u32 $0xffff, v7;
	_ =	sdelay $0x1  }
0x47c: {  	(v2sf) =	vpush v8, $0x0;
	v7 =	vmpcnt.ones.xlane vm1  }
0x47d: {  	(v2sf) =	vpush v62, $0xF  }
0x47e: {  	(v2sf) =	vpush v10, $0xF  }
0x47f: {  	(v2sf) =	vpush v7, $0x0;
	v8, _, _ =	vpop (xrf0)  }
0x480: {  	(v2sf) =	vpush v8, $0xF;
	v7, _, _ =	vpop (xrf0)  }
0x481: {  	(v2sf) =	vpush v7, $0xF;
	_ =	sdelay $0x9  }
0x482: {  	s26 =	spop (v2sf)  }
0x483: {  	s19 =	spop (v2sf)  }
0x484: {  	s20 =	spop (v2sf)  }
0x485: {  	s28 =	spop (v2sf)  }
0x486: {  	s11 =	sadd.s32 s11, s14;
	s29 =	spop (v2sf)  }
0x487: {  	s9 =	sadd.s32 s9, s13;
	s11 =	sadd.s32 s11, s21;
	s30 =	spop (v2sf)  }
0x488: {  	s9 =	sadd.s32 s9, s15;
	s15 =	sadd.s32 s11, s24;
	s11 =	sxor.u32 $0x80000000, s30  }
0x489: {  	p0 =	slt.s32 s11, $0x1  }
.Ltmp20:
0x48a: {  	_ = 	snop;
	(pc) =	sbr.rel @p0 .LBB2_39-.Ltmp20, $4  }
0x48b: {  	s9 =	sadd.s32 s9, s23  }
0x48c: {  	s9 =	sadd.s32 s9, s26  }
0x48d: {  	s31 =	sadd.s32 s15, s19;
	s9 =	sadd.s32 s9, s28  }
0x48e: {  	v7 =	vmov s9;
	s12 =	sadd.s32 s31, s29  }
0x48f: {  	v8 =	vlaneseq.u32  }
0x490: {  	v9 =	vmul.u32 $0x800, v8  }
0x491: {  	s13 =	simm.s32 $0x0  }
0x492: {  	v11 =	vadd.s32 s13, v9;
	_ =	sdelay $0x4  }
0x493: {  	v11 =	vld.idx.msk [tilespmem:v11+s13+$0x0], $0xffff;
	_ =	sdelay $0x4  }
0x494: {  	v12 =	vshra.s32 v11, $0x1F  }
0x495: {  	p1 =	seq.s32 s11, $0x1;
	v12 =	vxor.u32 v11, v12  }
.Ltmp21:
0x496: {  	v10 =	vmul.u32 $0x101, v8;
	v15 =	vmov s13;
	v13 =	vshrl.u32 v12, $0x8;
	(pc) =	sbr.rel @p1 .LBB2_38-.Ltmp21, $4  }
0x497: {  	v8 =	vimm.s32 $0x1;
	vm0 =	vlt.s32 v15, v6;
	v13 =	vand.u32 $0xFF, v13  }
0x498: {  	v14 =	vmul.f32 v11, v11;
	vm1 =	vlt.s32 v13, v7;
	vm2 =	veq.s32 v13, v7  }
0x499: {  	v15 =	vand.u32 $0xFF, v12;
	vm1 =	vmand vm0, vm1;
	vm0 =	vmand vm0, vm2  }
0x49a: {  	s14 =	simm.s32 $0x13180;
	s15 =	simm.s32 $0x1;
	v12 =	vnsel vm1, $0x0, v11;
	v13 =	vnsel vm1, $0x0, v14;
	v11 =	vadd.s32 v10, v15  }
.LBB2_37:
0x49b: {  	v14 =	vadd.s32 s15, v9;
	v4 =	vadd.f32 v12, v4;
	v5 =	vadd.f32 v13, v5;
	s16 =	smov.u32 s15;
	s15 =	sadd.s32 $0x1, s15  }
0x49c: {  	p1 =	seq.s32 s11, s15;
	_ =	sdelay $0x2  }
0x49d: {  	[tilespmem:v11+s14+$0x0] =	vst.idx.add.s32.msk vm0, v8  }
0x49e: {  	v11 =	vld.idx.msk [tilespmem:v14+s13+$0x0], $0xffff;
	_ =	sdelay $0x5  }
0x49f: {  	v12 =	vshra.s32 v11, $0x1F;
	v13 =	vmul.f32 v11, v11  }
0x4a0: {  	v12 =	vxor.u32 v11, v12  }
.Ltmp22:
0x4a1: {  	v14 =	vshrl.u32 v12, $0x8;
	(pc) =	sbr.rel @!p1 .LBB2_37-.Ltmp22, $4  }
0x4a2: {  	v15 =	vmov s16;
	v14 =	vand.u32 $0xFF, v14  }
0x4a3: {  	vm0 =	vlt.s32 v15, v6;
	vm1 =	vlt.s32 v14, v7;
	vm2 =	veq.s32 v14, v7  }
0x4a4: {  	v14 =	vand.u32 $0xFF, v12;
	vm1 =	vmand vm0, vm1;
	vm0 =	vmand vm0, vm2  }
0x4a5: {  	v12 =	vnsel vm1, $0x0, v11;
	v13 =	vnsel vm1, $0x0, v13;
	v11 =	vadd.s32 v10, v14  }
.LBB2_38:
0x4a6: {  	_ =	sdelay $0x4  }
0x4a7: {  	v4 =	vadd.f32 v12, v4;
	v5 =	vadd.f32 v13, v5;
	[tilespmem:v11+s14+$0x0] =	vst.idx.add.s32.msk vm0, v8  }
.LBB2_39:
0x4a8: {  	s14 =	simm.s32 $0x13988  }
0x4a9: {  	v8 =	vld [tilespmem:s14+$0xFFFFF828]  }
0x4aa: {  	v9 =	vld [tilespmem:s14+$0xFFFFF929]  }
0x4ab: {  	v10 =	vld [tilespmem:s14+$0xFFFFFA2A]  }
0x4ac: {  	v11 =	vld [tilespmem:s14+$0xFFFFFB2B]  }
0x4ad: {  	v12 =	vld [tilespmem:s14+$0xFFFFFC2C]  }
0x4ae: {  	v13 =	vld [tilespmem:s14+$0xFFFFFD2D]  }
0x4af: {  	v14 =	vld [tilespmem:s14+$0xFFFFFE2E]  }
0x4b0: {  	v15 =	vld [tilespmem:s14+$0xFFFFFF2F]  }
0x4b1: {  	v16 =	vld [tilespmem:s14+$0x30]  }
0x4b2: {  	v17 =	vld [tilespmem:s14+$0x131]  }
0x4b3: {  	v18 =	vld [tilespmem:s14+$0x232]  }
0x4b4: {  	v19 =	vld [tilespmem:s14+$0x333]  }
0x4b5: {  	v20 =	vld [tilespmem:s14+$0x434]  }
0x4b6: {  	v21 =	vld [tilespmem:s14+$0x535]  }
0x4b7: {  	v22 =	vld [tilespmem:s14+$0x636]  }
0x4b8: {  	v23 =	vld [tilespmem:s14+$0x737]  }
0x4b9: {  	v24 =	vld [tilespmem:s14+$0xFFFFF8F9]  }
0x4ba: {  	v25 =	vld [tilespmem:s14+$0xFFFFF808]  }
0x4bb: {  	v26 =	vld [tilespmem:s14+$0xFFFFF909]  }
0x4bc: {  	v27 =	vld [tilespmem:s14+$0xFFFFF818]  }
0x4bd: {  	v28 =	vld [tilespmem:s14+$0xFFFFF919]  }
0x4be: {  	v29 =	vld [tilespmem:s14+$0xFFFFF7F8]  }
0x4bf: {  	v30 =	vld [tilespmem:s14+$0xFFFFF9FA]  }
0x4c0: {  	v31 =	vld [tilespmem:s14+$0xFFFFFA0A]  }
0x4c1: {  	v32 =	vld [tilespmem:s14+$0xFFFFFA1A]  }
0x4c2: {  	v33 =	vld [tilespmem:s14+$0xFFFFFAFB]  }
0x4c3: {  	v34 =	vld [tilespmem:s14+$0xFFFFFB0B]  }
0x4c4: {  	v35 =	vld [tilespmem:s14+$0xFFFFFB1B]  }
0x4c5: {  	v36 =	vld [tilespmem:s14+$0xFFFFFBFC]  }
0x4c6: {  	v37 =	vld [tilespmem:s14+$0xFFFFFC0C]  }
0x4c7: {  	v38 =	vld [tilespmem:s14+$0xFFFFFC1C]  }
0x4c8: {  	v39 =	vld [tilespmem:s14+$0xFFFFFCFD]  }
0x4c9: {  	v40 =	vld [tilespmem:s14+$0xFFFFFD0D]  }
0x4ca: {  	v41 =	vld [tilespmem:s14+$0xFFFFFD1D]  }
0x4cb: {  	v42 =	vld [tilespmem:s14+$0xFFFFFDFE]  }
0x4cc: {  	v43 =	vld [tilespmem:s14+$0xFFFFFE0E]  }
0x4cd: {  	v51 =	vld [tilespmem:s14+$0x121];
	v8 =	vadd.s32 v8, v9  }
0x4ce: {  	v52 =	vld [tilespmem:s14+$0x202];
	v8 =	vadd.s32 v10, v8  }
0x4cf: {  	v53 =	vld [tilespmem:s14+$0x212];
	v8 =	vadd.s32 v11, v8  }
0x4d0: {  	v54 =	vld [tilespmem:s14+$0x222];
	v8 =	vadd.s32 v12, v8  }
0x4d1: {  	v55 =	vld [tilespmem:s14+$0x303];
	v8 =	vadd.s32 v13, v8  }
0x4d2: {  	v56 =	vld [tilespmem:s14+$0x313];
	v8 =	vadd.s32 v14, v8  }
0x4d3: {  	v58 =	vld [tilespmem:s14+$0x323];
	v8 =	vadd.s32 v15, v8  }
0x4d4: {  	v59 =	vld [tilespmem:s14+$0x404];
	v8 =	vadd.s32 v16, v8  }
0x4d5: {  	v60 =	vld [tilespmem:s14+$0x414];
	v8 =	vadd.s32 v17, v8  }
0x4d6: {  	v61 =	vld [tilespmem:s14+$0x424];
	v8 =	vadd.s32 v18, v8  }
0x4d7: {  	v9 =	vld [tilespmem:s14+$0xFFFFFE1E];
	v8 =	vadd.s32 v19, v8  }
0x4d8: {  	v10 =	vld [tilespmem:s14+$0xFFFFFEFF];
	v8 =	vadd.s32 v20, v8  }
0x4d9: {  	v11 =	vld [tilespmem:s14+$0xFFFFFF0F];
	v8 =	vadd.s32 v21, v8  }
0x4da: {  	v12 =	vld [tilespmem:s14+$0xFFFFFF1F];
	v8 =	vadd.s32 v22, v8  }
0x4db: {  	v13 =	vld [tilespmem:s14+$0x0];
	v23 =	vadd.s32 v23, v8;
	v8 =	vadd.s32 v29, v24  }
0x4dc: {  	v25 =	vadd.s32 v25, v26;
	v57 =	vadd.s32 v27, v28;
	v14 =	vld [tilespmem:s14+$0x10];
	v8 =	vadd.s32 v30, v8  }
0x4dd: {  	v25 =	vadd.s32 v31, v25;
	v26 =	vadd.s32 v32, v57;
	v15 =	vld [tilespmem:s14+$0x20];
	v8 =	vadd.s32 v33, v8  }
0x4de: {  	v25 =	vadd.s32 v34, v25;
	v26 =	vadd.s32 v35, v26;
	v16 =	vld [tilespmem:s14+$0x101];
	v8 =	vadd.s32 v36, v8  }
0x4df: {  	v25 =	vadd.s32 v37, v25;
	v26 =	vadd.s32 v38, v26;
	v17 =	vld [tilespmem:s14+$0x111];
	v8 =	vadd.s32 v39, v8  }
0x4e0: {  	v62 =	vld [tilespmem:s14+$0x505];
	v25 =	vadd.s32 v40, v25;
	v26 =	vadd.s32 v41, v26;
	v8 =	vadd.s32 v42, v8  }
0x4e1: {  	v63 =	vld [tilespmem:s14+$0x515];
	v25 =	vadd.s32 v43, v25;
	v9 =	vadd.s32 v9, v26;
	v8 =	vadd.s32 v10, v8  }
0x4e2: {  	v9 =	vadd.s32 v12, v9;
	v12 =	vld [tilespmem:s14+$0x525];
	v10 =	vadd.s32 v11, v25;
	v8 =	vadd.s32 v13, v8  }
0x4e3: {  	v9 =	vadd.s32 v15, v9;
	v10 =	vadd.s32 v14, v10;
	v14 =	vld [tilespmem:s14+$0x606];
	v8 =	vadd.s32 v16, v8  }
0x4e4: {  	v9 =	vadd.s32 v51, v9;
	v10 =	vadd.s32 v17, v10;
	v11 =	vadd.s32 v52, v8;
	v8 =	vld [tilespmem:s14+$0x616]  }
0x4e5: {  	v13 =	vadd.s32 v54, v9;
	v9 =	vld [tilespmem:s14+$0x626];
	v10 =	vadd.s32 v53, v10;
	v11 =	vadd.s32 v55, v11  }
0x4e6: {  	v13 =	vadd.s32 v58, v13;
	v15 =	vadd.s32 v56, v10;
	v10 =	vld [tilespmem:s14+$0x707];
	v11 =	vadd.s32 v59, v11  }
0x4e7: {  	s10 =	ssub.s32 s10, s12;
	s12 =	simm.s32 $0x14220;
	v13 =	vadd.s32 v61, v13;
	v15 =	vadd.s32 v60, v15;
	v16 =	vadd.s32 v62, v11;
	v11 =	vld [tilespmem:s14+$0x717]  }
0x4e8: {  	s13 =	simm.s32 $0x0;
	[tilespmem:s12+$0x10] =	vst v23;
	v13 =	vadd.s32 v12, v13;
	v12 =	vld [tilespmem:s14+$0x727];
	v15 =	vadd.s32 v63, v15;
	s14 =	simm.s32 $0x139C8;
	v14 =	vadd.s32 v14, v16  }
.LBB2_40:
0x4e9: {  	v16 =	vld [tilespmem:s14+$0xFFFFF828];
	v8 =	vadd.s32 v8, v15  }
0x4ea: {  	s13 =	sadd.s32 $0x4, s13;
	v15 =	vld [tilespmem:s14+$0xFFFFF929];
	v9 =	vadd.s32 v9, v13  }
0x4eb: {  	p1 =	slt.u32 s13, $0xC;
	v13 =	vld [tilespmem:s14+$0xFFFFFA2A];
	v10 =	vadd.s32 v10, v14  }
0x4ec: {  	v14 =	vld [tilespmem:s14+$0xFFFFFB2B];
	[tilespmem:s12+$0xFFFFFFE0] =	vst v10;
	v8 =	vadd.s32 v11, v8  }
0x4ed: {  	v10 =	vld [tilespmem:s14+$0xFFFFFC2C];
	[tilespmem:s12+$0xFFFFFFF0] =	vst v8;
	v8 =	vadd.s32 v12, v9  }
0x4ee: {  	v9 =	vld [tilespmem:s14+$0xFFFFFD2D];
	[tilespmem:s12+$0x0] =	vst v8  }
0x4ef: {  	v8 =	vadd.s32 v16, v15;
	v11 =	vld [tilespmem:s14+$0xFFFFFE2E]  }
0x4f0: {  	v8 =	vadd.s32 v13, v8;
	v12 =	vld [tilespmem:s14+$0xFFFFFF2F]  }
0x4f1: {  	v8 =	vadd.s32 v14, v8;
	v13 =	vld [tilespmem:s14+$0x30]  }
0x4f2: {  	v8 =	vadd.s32 v10, v8;
	v10 =	vld [tilespmem:s14+$0x131]  }
0x4f3: {  	v8 =	vadd.s32 v9, v8;
	v9 =	vld [tilespmem:s14+$0x232]  }
0x4f4: {  	v8 =	vadd.s32 v11, v8;
	v11 =	vld [tilespmem:s14+$0x333]  }
0x4f5: {  	v8 =	vadd.s32 v12, v8;
	v12 =	vld [tilespmem:s14+$0x434]  }
0x4f6: {  	v8 =	vadd.s32 v13, v8;
	v13 =	vld [tilespmem:s14+$0x535]  }
0x4f7: {  	v8 =	vadd.s32 v10, v8;
	v10 =	vld [tilespmem:s14+$0x636]  }
0x4f8: {  	v8 =	vadd.s32 v9, v8;
	v9 =	vld [tilespmem:s14+$0x737]  }
0x4f9: {  	v14 =	vld [tilespmem:s14+$0xFFFFF8F9];
	v8 =	vadd.s32 v11, v8  }
0x4fa: {  	v11 =	vld [tilespmem:s14+$0xFFFFF808];
	v8 =	vadd.s32 v12, v8  }
0x4fb: {  	v12 =	vld [tilespmem:s14+$0xFFFFF909];
	v8 =	vadd.s32 v13, v8  }
0x4fc: {  	v13 =	vld [tilespmem:s14+$0xFFFFF818];
	v8 =	vadd.s32 v10, v8  }
0x4fd: {  	s12 =	sadd.s32 $0x40, s12;
	v10 =	vld [tilespmem:s14+$0xFFFFF919];
	v8 =	vadd.s32 v9, v8  }
0x4fe: {  	v9 =	vld [tilespmem:s14+$0xFFFFF7F8];
	[tilespmem:s12+$0x10] =	vst v8  }
0x4ff: {  	v8 =	vld [tilespmem:s14+$0xFFFFF9FA]  }
0x500: {  	v11 =	vadd.s32 v11, v12;
	v12 =	vld [tilespmem:s14+$0xFFFFFA0A]  }
0x501: {  	v15 =	vld [tilespmem:s14+$0xFFFFFA1A]  }
0x502: {  	v16 =	vld [tilespmem:s14+$0xFFFFFAFB];
	v10 =	vadd.s32 v13, v10  }
0x503: {  	v9 =	vadd.s32 v9, v14;
	v13 =	vld [tilespmem:s14+$0xFFFFFB0B]  }
0x504: {  	v8 =	vadd.s32 v8, v9;
	v9 =	vld [tilespmem:s14+$0xFFFFFB1B]  }
0x505: {  	v14 =	vld [tilespmem:s14+$0xFFFFFBFC];
	v11 =	vadd.s32 v12, v11  }
0x506: {  	v12 =	vld [tilespmem:s14+$0xFFFFFC0C];
	v10 =	vadd.s32 v15, v10  }
0x507: {  	v8 =	vadd.s32 v16, v8;
	v15 =	vld [tilespmem:s14+$0xFFFFFC1C]  }
0x508: {  	v16 =	vld [tilespmem:s14+$0xFFFFFCFD];
	v11 =	vadd.s32 v13, v11  }
0x509: {  	v13 =	vld [tilespmem:s14+$0xFFFFFD0D];
	v9 =	vadd.s32 v9, v10  }
0x50a: {  	v8 =	vadd.s32 v14, v8;
	v10 =	vld [tilespmem:s14+$0xFFFFFD1D]  }
0x50b: {  	v14 =	vld [tilespmem:s14+$0xFFFFFDFE];
	v11 =	vadd.s32 v12, v11  }
0x50c: {  	v12 =	vld [tilespmem:s14+$0xFFFFFE0E];
	v9 =	vadd.s32 v15, v9  }
0x50d: {  	v8 =	vadd.s32 v16, v8;
	v15 =	vld [tilespmem:s14+$0xFFFFFE1E]  }
0x50e: {  	v16 =	vld [tilespmem:s14+$0xFFFFFEFF];
	v11 =	vadd.s32 v13, v11  }
0x50f: {  	v13 =	vld [tilespmem:s14+$0xFFFFFF0F];
	v9 =	vadd.s32 v10, v9  }
0x510: {  	v8 =	vadd.s32 v14, v8;
	v10 =	vld [tilespmem:s14+$0xFFFFFF1F]  }
0x511: {  	v14 =	vld [tilespmem:s14+$0x0];
	v11 =	vadd.s32 v12, v11  }
0x512: {  	v12 =	vld [tilespmem:s14+$0x10];
	v9 =	vadd.s32 v15, v9  }
0x513: {  	v8 =	vadd.s32 v16, v8;
	v15 =	vld [tilespmem:s14+$0x20]  }
0x514: {  	v16 =	vld [tilespmem:s14+$0x101];
	v11 =	vadd.s32 v13, v11  }
0x515: {  	v13 =	vld [tilespmem:s14+$0x111];
	v9 =	vadd.s32 v10, v9  }
0x516: {  	v8 =	vadd.s32 v14, v8;
	v10 =	vld [tilespmem:s14+$0x121]  }
0x517: {  	v14 =	vld [tilespmem:s14+$0x202];
	v11 =	vadd.s32 v12, v11  }
0x518: {  	v12 =	vld [tilespmem:s14+$0x212];
	v9 =	vadd.s32 v15, v9  }
0x519: {  	v8 =	vadd.s32 v16, v8;
	v15 =	vld [tilespmem:s14+$0x222]  }
0x51a: {  	v16 =	vld [tilespmem:s14+$0x303];
	v11 =	vadd.s32 v13, v11  }
0x51b: {  	v13 =	vld [tilespmem:s14+$0x313];
	v9 =	vadd.s32 v10, v9  }
0x51c: {  	v8 =	vadd.s32 v14, v8;
	v10 =	vld [tilespmem:s14+$0x323]  }
0x51d: {  	v14 =	vld [tilespmem:s14+$0x404];
	v11 =	vadd.s32 v12, v11  }
0x51e: {  	v12 =	vld [tilespmem:s14+$0x414];
	v9 =	vadd.s32 v15, v9  }
0x51f: {  	v8 =	vadd.s32 v16, v8;
	v15 =	vld [tilespmem:s14+$0x424]  }
0x520: {  	v16 =	vld [tilespmem:s14+$0x505];
	v11 =	vadd.s32 v13, v11  }
0x521: {  	v13 =	vld [tilespmem:s14+$0x515];
	v9 =	vadd.s32 v10, v9  }
0x522: {  	v10 =	vadd.s32 v14, v8;
	v14 =	vld [tilespmem:s14+$0x525]  }
0x523: {  	v17 =	vld [tilespmem:s14+$0x606];
	v11 =	vadd.s32 v12, v11  }
.Ltmp23:
0x524: {  	v8 =	vld [tilespmem:s14+$0x616];
	v12 =	vadd.s32 v15, v9;
	(pc) =	sbr.rel @p1 .LBB2_40-.Ltmp23, $4  }
0x525: {  	v16 =	vadd.s32 v16, v10;
	v9 =	vld [tilespmem:s14+$0x626]  }
0x526: {  	v10 =	vld [tilespmem:s14+$0x707];
	v15 =	vadd.s32 v13, v11  }
0x527: {  	v11 =	vld [tilespmem:s14+$0x717];
	v13 =	vadd.s32 v14, v12  }
0x528: {  	v14 =	vadd.s32 v17, v16;
	v12 =	vld [tilespmem:s14+$0x727];
	s14 =	sadd.s32 $0x40, s14  }
0x529: {  	_ =	sdelay $0x1  }
0x52a: {  	v8 =	vadd.s32 v8, v15;
	v10 =	vadd.s32 v10, v14  }
0x52b: {  	v9 =	vadd.s32 v9, v13;
	[tilespmem:s12+$0xFFFFFFE0] =	vst v10;
	v8 =	vadd.s32 v11, v8  }
0x52c: {  	s16 =	simm.s32 $0x80;
	[tilespmem:s12+$0xFFFFFFF0] =	vst v8;
	v8 =	vadd.s32 v12, v9  }
0x52d: {  	s13 =	simm.s32 $0x400;
	s14 =	simm.s32 $0x14200;
	s17 =	simm.s32 $0x3;
	[tilespmem:s12+$0x0] =	vst v8  }
0x52e: {  	[spmem:s6] =	stream.strided.scatter [tilespmem:s14], [sflag:$0x3], $0x100, s13, s16, $0x38;
	[tilespmem:$0x15D10] =	vst v63  }
0x52f: {  	_ =	swait.ge [sflag:s17], $0x100  }
0x530: {  	[sflag:s17] =	ssyncset.done $0x0  }
0x531: {  	[sflag:s17] =	ssyncadd.s32 $0xFFFFFF00  }
0x532: {  	s18 =	simm.s32 $0x14300;
	[bflag:$0x0] =	sbarrier.arrive $0xFFFF  }
0x533: {  	[tilespmem:s18], [sflag:$0x3] =	stream.linear.gather [spmem:s4], $0x1000, $0x38;
	[tilespmem:$0x15D10] =	vst v63  }
0x534: {  	s4 =	simm.s32 $0x0;
	_ =	swait.ge [sflag:s17], $0x1000  }
0x535: {  	s19 =	sand.u32 $0x70, s4;
	s20 =	sand.u32 $0x400, s4;
	[sflag:s17] =	ssyncset.done $0x0  }
0x536: {  	s21 =	sor.u32 s19, s20;
	[sflag:s17] =	ssyncadd.s32 $0xFFFFF000  }
0x537: {  	v8 =	vld [tilespmem:s21+$0x14300]  }
0x538: {  	v9 =	vld [tilespmem:s21+$0x14380]  }
0x539: {  	v10 =	vld [tilespmem:s21+$0x14400]  }
0x53a: {  	v11 =	vld [tilespmem:s21+$0x14480]  }
0x53b: {  	v12 =	vld [tilespmem:s21+$0x14500]  }
0x53c: {  	s22 =	sor.u32 s4, s4;
	v13 =	vld [tilespmem:s21+$0x14580]  }
0x53d: {  	s12 =	sor.u32 $0x380, s22;
	v14 =	vld [tilespmem:s21+$0x14600]  }
0x53e: {  	v15 =	vld [tilespmem:s12+$0x14300]  }
0x53f: {  	v8 =	vadd.s32 v8, v9;
	v9 =	vld [tilespmem:s21+$0x14B00]  }
0x540: {  	v8 =	vadd.s32 v10, v8;
	v10 =	vld [tilespmem:s21+$0x14B80]  }
0x541: {  	v8 =	vadd.s32 v11, v8;
	v11 =	vld [tilespmem:s21+$0x14C00]  }
0x542: {  	v8 =	vadd.s32 v12, v8;
	v12 =	vld [tilespmem:s21+$0x14C80]  }
0x543: {  	v8 =	vadd.s32 v13, v8;
	v13 =	vld [tilespmem:s21+$0x14D00]  }
0x544: {  	s23 =	simm.s32 $0x10;
	s24 =	simm.s32 $0x80;
	v8 =	vadd.s32 v14, v8;
	v14 =	vld [tilespmem:s21+$0x14D80]  }
0x545: {  	s25 =	sand.u32 $0x70, s23;
	s15 =	sand.u32 $0x400, s24;
	v8 =	vadd.s32 v15, v8;
	v15 =	vld [tilespmem:s21+$0x14E00]  }
0x546: {  	s26 =	sor.u32 s25, s15;
	v8 =	vadd.s32 v9, v8;
	v9 =	vld [tilespmem:s21+$0x14E80]  }
0x547: {  	v8 =	vadd.s32 v10, v8;
	v10 =	vld [tilespmem:s26+$0x14300]  }
0x548: {  	v8 =	vadd.s32 v11, v8;
	v11 =	vld [tilespmem:s26+$0x14380]  }
0x549: {  	v8 =	vadd.s32 v12, v8;
	v12 =	vld [tilespmem:s26+$0x14400]  }
0x54a: {  	v8 =	vadd.s32 v13, v8;
	v13 =	vld [tilespmem:s26+$0x14480]  }
0x54b: {  	v8 =	vadd.s32 v14, v8;
	v14 =	vld [tilespmem:s26+$0x14500]  }
0x54c: {  	s12 =	sor.u32 s24, s23;
	v8 =	vadd.s32 v15, v8;
	v15 =	vld [tilespmem:s26+$0x14580]  }
0x54d: {  	v16 =	vld [tilespmem:s26+$0x14600];
	s12 =	sor.u32 $0x380, s12;
	v9 =	vadd.s32 v9, v8;
	v8 =	vadd.s32 v10, v11  }
0x54e: {  	v17 =	vld [tilespmem:s12+$0x14300];
	v8 =	vadd.s32 v12, v8  }
0x54f: {  	v18 =	vld [tilespmem:s26+$0x14B00];
	(xrf0) =	vadd.scan.msk.s32 $0xffff, v9;
	v8 =	vadd.s32 v13, v8  }
0x550: {  	v10 =	vld [tilespmem:s26+$0x14B80];
	v8 =	vadd.s32 v14, v8  }
0x551: {  	v11 =	vld [tilespmem:s26+$0x14C00];
	v14 =	vadd.s32 v15, v8  }
0x552: {  	v12 =	vld [tilespmem:s26+$0x14C80];
	v14 =	vadd.s32 v16, v14  }
0x553: {  	v13 =	vld [tilespmem:s26+$0x14D00];
	v14 =	vadd.s32 v17, v14  }
0x554: {  	v14 =	vadd.s32 v18, v14  }
0x555: {  	s28 =	simm.s32 $0x20;
	s13 =	simm.s32 $0x100;
	v15, _, _ =	vpop (xrf0);
	v10 =	vadd.s32 v10, v14  }
0x556: {  	s29 =	sand.u32 $0x70, s28;
	s30 =	sand.u32 $0x400, s13;
	v19 =	vld [tilespmem:s26+$0x14D80];
	v8 =	vmov s10;
	v15 =	vadd.s32 s4, v15;
	v10 =	vadd.s32 v11, v10  }
0x557: {  	s14 =	sor.u32 s29, s30;
	v16 =	vld [tilespmem:s26+$0x14E00];
	vm0 =	vle.s32 v15, v8;
	(v2sf) =	vpush v15, $0xF;
	v10 =	vadd.s32 v12, v10  }
0x558: {  	v63 =	vld [tilespmem:s14+$0x14300];
	v9 =	vnsel vm0, $0x0, v9;
	v11 =	vadd.s32 v13, v10;
	v13 =	vmpcnt.ones.xlane vm0  }
0x559: {  	v17 =	vld [tilespmem:s26+$0x14E80];
	(xrf0) =	vadd.scan.msk.s32 $0xffff, v9  }
0x55a: {  	v9 =	vld [tilespmem:s14+$0x14380];
	(v2sf) =	vpush v13, $0x0  }
0x55b: {  	v12 =	vadd.s32 v19, v11  }
0x55c: {  	v15 =	vadd.s32 v16, v12;
	_ =	sdelay $0x1  }
0x55d: {  	v14 =	vld [tilespmem:s14+$0x14400]  }
0x55e: {  	v20 =	vld [tilespmem:s14+$0x14480];
	v16 =	vadd.s32 v63, v9;
	v9 =	vadd.s32 v17, v15;
	v15, _, _ =	vpop (xrf0)  }
0x55f: {  	v10 =	vld [tilespmem:s14+$0x14500];
	(xrf0) =	vadd.scan.msk.s32 $0xffff, v9;
	(v2sf) =	vpush v15, $0xF  }
0x560: {  	s31 =	sor.u32 s13, s28;
	v11 =	vld [tilespmem:s14+$0x14580]  }
0x561: {  	s6 =	sor.u32 $0x380, s31;
	v12 =	vld [tilespmem:s14+$0x14600]  }
0x562: {  	s15 =	simm.s32 $0x30;
	v13 =	vld [tilespmem:s6+$0x14300];
	v14 =	vadd.s32 v14, v16  }
0x563: {  	s16 =	simm.s32 $0x50;
	s12 =	simm.s32 $0x40;
	s6 =	simm.s32 $0x0;
	v15 =	vadd.s32 v20, v14;
	v14 =	vld [tilespmem:s14+$0x14B00]  }
.LBB2_42:
0x564: {  	p1 =	sne.s32 s16, $0xF0;
	v10 =	vadd.s32 v10, v15;
	v15 =	vld [tilespmem:s14+$0x14B80]  }
0x565: {  	v10 =	vadd.s32 v11, v10;
	v11 =	vld [tilespmem:s14+$0x14C00];
	v16, _, _ =	vpop (xrf0);
	s17 =	spop (v2sf)  }
0x566: {  	v10 =	vadd.s32 v12, v10;
	v12 =	vld [tilespmem:s14+$0x14C80];
	v16 =	vadd.s32 s17, v16  }
0x567: {  	v10 =	vadd.s32 v13, v10;
	v13 =	vld [tilespmem:s14+$0x14D00];
	vm0 =	vle.s32 v16, v8;
	(v2sf) =	vpush v16, $0xF  }
0x568: {  	v10 =	vadd.s32 v14, v10;
	v14 =	vld [tilespmem:s14+$0x14D80];
	v16 =	vmpcnt.ones.xlane vm0;
	v9 =	vnsel vm0, $0x0, v9;
	s17 =	spop (v2sf)  }
0x569: {  	s13 =	sadd.s32 $0x80, s13;
	v10 =	vadd.s32 v15, v10;
	v15 =	vld [tilespmem:s14+$0x14E00];
	(xrf0) =	vadd.scan.msk.s32 $0xffff, v9;
	s4 =	sadd.s32 s4, s17  }
0x56a: {  	s18 =	sand.u32 $0x400, s13;
	s17 =	sand.u32 $0x70, s15;
	v9 =	vadd.s32 v11, v10;
	v10 =	vld [tilespmem:s14+$0x14E80];
	(v2sf) =	vpush v16, $0x0  }
0x56b: {  	s14 =	sor.u32 s17, s18;
	v9 =	vadd.s32 v12, v9  }
0x56c: {  	v12 =	vld [tilespmem:s14+$0x14300];
	v9 =	vadd.s32 v13, v9  }
0x56d: {  	v13 =	vld [tilespmem:s14+$0x14380];
	v9 =	vadd.s32 v14, v9  }
0x56e: {  	v14 =	vld [tilespmem:s14+$0x14400];
	v9 =	vadd.s32 v15, v9;
	s17 =	spop (v2sf)  }
0x56f: {  	v15 =	vld [tilespmem:s14+$0x14480];
	v9 =	vadd.s32 v10, v9;
	v11, _, _ =	vpop (xrf0);
	s6 =	sadd.s32 s6, s17  }
.Ltmp24:
0x570: {  	v10 =	vld [tilespmem:s14+$0x14500];
	(xrf0) =	vadd.scan.msk.s32 $0xffff, v9;
	(v2sf) =	vpush v11, $0xF;
	(pc) =	sbr.rel @p1 .LBB2_42-.Ltmp24, $4  }
0x571: {  	s17 =	sor.u32 s13, s15;
	s15 =	smov.u32 s12;
	s12 =	smov.u32 s16;
	v11 =	vld [tilespmem:s14+$0x14580]  }
0x572: {  	s17 =	sor.u32 $0x380, s17;
	v13 =	vadd.s32 v12, v13;
	v12 =	vld [tilespmem:s14+$0x14600]  }
0x573: {  	v14 =	vadd.s32 v14, v13;
	v13 =	vld [tilespmem:s17+$0x14300]  }
0x574: {  	s16 =	sadd.s32 $0x10, s16;
	v15 =	vadd.s32 v15, v14;
	v14 =	vld [tilespmem:s14+$0x14B00]  }
0x575: {  	v10 =	vadd.s32 v10, v15;
	v63 =	vld [tilespmem:s14+$0x14B80]  }
0x576: {  	v20 =	vld [tilespmem:s14+$0x14C00];
	v10 =	vadd.s32 v11, v10;
	v16, _, _ =	vpop (xrf0);
	s16 =	spop (v2sf)  }
0x577: {  	v21 =	vld [tilespmem:s14+$0x14C80];
	v10 =	vadd.s32 v12, v10;
	v16 =	vadd.s32 s16, v16  }
0x578: {  	v22 =	vld [tilespmem:s14+$0x14D00];
	v10 =	vadd.s32 v13, v10;
	(v2sf) =	vpush v16, $0xF  }
0x579: {  	v23 =	vld [tilespmem:s14+$0x14D80];
	v10 =	vadd.s32 v14, v10  }
0x57a: {  	v24 =	vld [tilespmem:s14+$0x14E00];
	s28 =	sadd.s32 $0x80, s13;
	v10 =	vadd.s32 v63, v10  }
0x57b: {  	s30 =	sand.u32 $0x70, s15;
	v25 =	vld [tilespmem:s14+$0x14E80];
	s17 =	sand.u32 $0x400, s28;
	v10 =	vadd.s32 v20, v10  }
0x57c: {  	s17 =	sor.u32 s30, s17;
	v10 =	vadd.s32 v21, v10  }
0x57d: {  	v26 =	vld [tilespmem:s17+$0x14300];
	v10 =	vadd.s32 v22, v10  }
0x57e: {  	vm0 =	vle.s32 v16, v8;
	v27 =	vld [tilespmem:s17+$0x14380];
	v10 =	vadd.s32 v23, v10  }
0x57f: {  	v28 =	vld [tilespmem:s17+$0x14400];
	v9 =	vnsel vm0, $0x0, v9;
	v10 =	vadd.s32 v24, v10  }
0x580: {  	v29 =	vld [tilespmem:s17+$0x14480];
	(xrf0) =	vadd.scan.msk.s32 $0xffff, v9;
	v10 =	vadd.s32 v25, v10  }
0x581: {  	v30 =	vld [tilespmem:s17+$0x14500];
	(xrf0) =	vadd.scan.msk.s32 $0xffff, v10  }
0x582: {  	s31 =	sor.u32 s28, s15;
	v31 =	vld [tilespmem:s17+$0x14580]  }
0x583: {  	s13 =	sor.u32 $0x380, s31;
	v32 =	vld [tilespmem:s17+$0x14600];
	v12 =	vadd.s32 v26, v27  }
0x584: {  	v33 =	vld [tilespmem:s13+$0x14300];
	v12 =	vadd.s32 v28, v12  }
0x585: {  	v34 =	vld [tilespmem:s17+$0x14B00];
	v16 =	vmpcnt.ones.xlane vm0;
	s14 =	spop (v2sf);
	v9 =	vadd.s32 v29, v12  }
0x586: {  	v35 =	vld [tilespmem:s17+$0x14B80];
	s29 =	spop (v2sf);
	v17, _, _ =	vpop (xrf0);
	v9 =	vadd.s32 v30, v9  }
0x587: {  	v36 =	vld [tilespmem:s17+$0x14C00];
	(v2sf) =	vpush v16, $0x0;
	v9 =	vadd.s32 v31, v9;
	v37, _, _ =	vpop (xrf0);
	s30 =	spop (v2sf)  }
0x588: {  	v38 =	vld [tilespmem:s17+$0x14C80];
	(v2sf) =	vpush v17, $0xF;
	v9 =	vadd.s32 v32, v9;
	v16 =	vadd.s32 s30, v37  }
0x589: {  	v39 =	vld [tilespmem:s17+$0x14D00];
	v9 =	vadd.s32 v33, v9;
	(v2sf) =	vpush v16, $0xF  }
0x58a: {  	v40 =	vld [tilespmem:s17+$0x14D80];
	v9 =	vadd.s32 v34, v9  }
0x58b: {  	s31 =	sadd.s32 $0x80, s28;
	v41 =	vld [tilespmem:s17+$0x14E00];
	v9 =	vadd.s32 v35, v9  }
0x58c: {  	s19 =	sand.u32 $0x70, s12;
	s18 =	sand.u32 $0x400, s31;
	v42 =	vld [tilespmem:s17+$0x14E80];
	v9 =	vadd.s32 v36, v9  }
0x58d: {  	s16 =	sor.u32 s19, s18;
	v9 =	vadd.s32 v38, v9  }
0x58e: {  	v43 =	vld [tilespmem:s16+$0x14300];
	v9 =	vadd.s32 v39, v9  }
0x58f: {  	v44 =	vld [tilespmem:s16+$0x14380];
	vm14 =	vle.s32 v16, v8;
	v9 =	vadd.s32 v40, v9  }
0x590: {  	v45 =	vld [tilespmem:s16+$0x14400];
	v10 =	vnsel vm14, $0x0, v10;
	v9 =	vadd.s32 v41, v9  }
0x591: {  	v46 =	vld [tilespmem:s16+$0x14480];
	(xrf0) =	vadd.scan.msk.s32 $0xffff, v10;
	v9 =	vadd.s32 v42, v9  }
0x592: {  	v47 =	vld [tilespmem:s16+$0x14500];
	(xrf0) =	vadd.scan.msk.s32 $0xffff, v9  }
0x593: {  	s20 =	sor.u32 s31, s12;
	v48 =	vld [tilespmem:s16+$0x14580]  }
0x594: {  	s12 =	sor.u32 $0x380, s20;
	v49 =	vld [tilespmem:s16+$0x14600];
	v13 =	vadd.s32 v43, v44  }
0x595: {  	v50 =	vld [tilespmem:s12+$0x14300];
	v12 =	vadd.s32 v45, v13  }
0x596: {  	v51 =	vld [tilespmem:s16+$0x14B00];
	v16 =	vmpcnt.ones.xlane vm14;
	v10 =	vadd.s32 v46, v12;
	s21 =	spop (v2sf)  }
0x597: {  	v53 =	vld [tilespmem:s16+$0x14B80];
	v10 =	vadd.s32 v47, v10;
	s22 =	spop (v2sf);
	v52, _, _ =	vpop (xrf0)  }
0x598: {  	v54 =	vld [tilespmem:s16+$0x14C00];
	v10 =	vadd.s32 v48, v10;
	(v2sf) =	vpush v16, $0x0;
	v55, _, _ =	vpop (xrf0);
	s23 =	spop (v2sf)  }
0x599: {  	v56 =	vld [tilespmem:s16+$0x14C80];
	v10 =	vadd.s32 v49, v10;
	(v2sf) =	vpush v52, $0xF;
	v16 =	vadd.s32 s23, v55  }
0x59a: {  	v57 =	vld [tilespmem:s16+$0x14D00];
	v10 =	vadd.s32 v50, v10;
	(v2sf) =	vpush v16, $0xF  }
0x59b: {  	v58 =	vld [tilespmem:s16+$0x14D80];
	v10 =	vadd.s32 v51, v10  }
0x59c: {  	v59 =	vld [tilespmem:s16+$0x14E00];
	v10 =	vadd.s32 v53, v10  }
0x59d: {  	v60 =	vld [tilespmem:s16+$0x14E80];
	v10 =	vadd.s32 v54, v10  }
0x59e: {  	v10 =	vadd.s32 v56, v10  }
0x59f: {  	v10 =	vadd.s32 v57, v10  }
0x5a0: {  	v10 =	vadd.s32 v58, v10;
	vm15 =	vle.s32 v16, v8  }
0x5a1: {  	v10 =	vadd.s32 v59, v10;
	v9 =	vnsel vm15, $0x0, v9  }
0x5a2: {  	v61 =	vadd.s32 v60, v10;
	(xrf0) =	vadd.scan.msk.s32 $0xffff, v9  }
0x5a3: {  	(xrf0) =	vadd.scan.msk.s32 $0xffff, v61;
	_ =	sdelay $0x3  }
0x5a4: {  	s24 =	spop (v2sf)  }
0x5a5: {  	s25 =	spop (v2sf);
	v62, _, _ =	vpop (xrf0)  }
0x5a6: {  	v63, _, _ =	vpop (xrf0);
	s26 =	spop (v2sf)  }
0x5a7: {  	v11 =	vadd.s32 s26, v63  }
0x5a8: {  	vm1 =	vle.s32 v11, v8  }
0x5a9: {  	v8 =	vnsel vm1, $0x0, v61  }
0x5aa: {  	(xrf0) =	vadd.scan.msk.s32 $0xffff, v8;
	v8 =	vmpcnt.ones.xlane vm15;
	_ =	sdelay $0x1  }
0x5ab: {  	(v2sf) =	vpush v8, $0x0;
	v8 =	vmpcnt.ones.xlane vm1;
	_ =	sdelay $0x1  }
0x5ac: {  	(v2sf) =	vpush v62, $0xF  }
0x5ad: {  	(v2sf) =	vpush v11, $0xF  }
0x5ae: {  	(v2sf) =	vpush v8, $0x0;
	v8, _, _ =	vpop (xrf0)  }
0x5af: {  	(v2sf) =	vpush v8, $0xF;
	_ =	sdelay $0xa  }
0x5b0: {  	s4 =	sadd.s32 s4, s14;
	s28 =	spop (v2sf)  }
.Ltmp25:
0x5b1: {  	s6 =	sadd.s32 s6, s29;
	s29 =	spop (v2sf);
	(pc) =	sbr.rel @p0 .LBB2_55-.Ltmp25, $4  }
0x5b2: {  	s4 =	sadd.s32 s4, s21;
	s6 =	sadd.s32 s6, s22;
	s30 =	spop (v2sf)  }
0x5b3: {  	s4 =	sadd.s32 s4, s24;
	s6 =	sadd.s32 s6, s25;
	s12 =	spop (v2sf)  }
0x5b4: {  	s4 =	sadd.s32 s4, s28;
	s6 =	sadd.s32 s6, s29;
	s31 =	spop (v2sf)  }
0x5b5: {  	s4 =	sadd.s32 s4, s12;
	s6 =	sadd.s32 s6, s31  }
0x5b6: {  	p3 =	sne.s32 s11, $0x1  }
.Ltmp26:
0x5b7: {  	_ = 	snop;
	(pc) =	sbr.rel @!p3 .LBB2_45-.Ltmp26, $3  }
0x5b8: {  	_ =	sdelay $0x1  }
0x5b9: {  	s12 =	simm.s32 $0x0;
	v9 =	vlaneseq.u32;
	s14 =	simm.s32 $0x1  }
0x5ba: {  	v8 =	vmov s4;
	p0 =	por $0x0, $0x0;
	p1 =	por $0x0, $0x0;
	p2 =	por $0x0, $0x0;
	v9 =	vmul.u32 $0x800, v9  }
0x5bb: {  	_ = 	snop  }
0x5bc: {  	p3 =	sne.s32 s11, $0x2;
	v10 =	vadd.s32 s12, v9  }
.Ltmp27:
0x5bd: {  	_ = 	snop;
	(pc) =	sbr.rel @!p3 .LBB2_47-.Ltmp27, $2  }
0x5be: {  	_ =	sdelay $0x2  }
0x5bf: {  	s15 =	simm.s32 $0x2;
	p0 =	por $0x1, $0x1;
	v10 =	vld.idx.msk [tilespmem:v10+s12+$0x0], $0xffff  }
0x5c0: {  	v12 =	vadd.s32 s14, v9;
	p3 =	sne.s32 s11, $0x3  }
.Ltmp28:
0x5c1: {  	_ = 	snop;
	(pc) =	sbr.rel @!p3 .LBB2_49-.Ltmp28, $2  }
0x5c2: {  	_ =	sdelay $0x2  }
0x5c3: {  	s13 =	simm.s32 $0x3;
	v11 =	vmov s12;
	p1 =	por $0x1, $0x1;
	v16 =	vld.idx.msk [tilespmem:v12+s12+$0x0], $0xffff;
	v12 =	vshra.s32 v10, $0x1F  }
0x5c4: {  	v13 =	vadd.s32 s15, v9;
	v14 =	vxor.u32 v10, v12;
	p3 =	sne.s32 s11, $0x4  }
.Ltmp29:
0x5c5: {  	v15 =	vshrl.u32 v14, $0x8;
	v14 =	vand.u32 $0xFF, v14;
	(pc) =	sbr.rel @!p3 .LBB2_56-.Ltmp29, $4  }
0x5c6: {  	vm0 =	vlt.s32 v11, v6;
	v15 =	vand.u32 $0xFF, v15;
	vm1 =	vlt.s32 v14, v8  }
0x5c7: {  	v14 =	vmul.f32 v10, v10;
	vm2 =	veq.s32 v15, v7;
	vm0 =	vmand vm0, vm1  }
0x5c8: {  	v17 =	vmov s14;
	vm0 =	vmand vm0, vm2  }
0x5c9: {  	s14 =	simm.s32 $0x4;
	p2 =	por $0x1, $0x1;
	v18 =	vshra.s32 v16, $0x1F;
	v13 =	vld.idx.msk [tilespmem:v13+s12+$0x0], $0xffff;
	v21 =	vnsel vm0, $0x0, v10;
	v19 =	vnsel vm0, $0x0, v14  }
0x5ca: {  	v15 =	vmov v4;
	v14 =	vmov v5;
	v20 =	vmov v16  }
.LBB2_52:
0x5cb: {  	_ =	sdelay $0x3  }
0x5cc: {  	v22 =	vmov v20;
	s16 =	smov.u32 s14;
	s14 =	sadd.s32 $0x1, s14;
	v20 =	vmov v13  }
0x5cd: {  	v18 =	vxor.u32 v16, v18;
	v15 =	vadd.f32 v21, v15;
	p3 =	sne.s32 s11, s14;
	v13 =	vadd.s32 s13, v9  }
.Ltmp30:
0x5ce: {  	v14 =	vadd.f32 v19, v14;
	v21 =	vshrl.u32 v18, $0x8;
	v18 =	vand.u32 $0xFF, v18;
	(pc) =	sbr.rel @p3 .LBB2_52-.Ltmp30, $4  }
0x5cf: {  	vm0 =	vlt.s32 v17, v6;
	v17 =	vand.u32 $0xFF, v21;
	vm1 =	vlt.s32 v18, v8  }
0x5d0: {  	v19 =	vmul.f32 v22, v16;
	vm2 =	veq.s32 v17, v7;
	vm0 =	vmand vm0, vm1  }
0x5d1: {  	v17 =	vmov s15;
	s15 =	smov.u32 s13;
	vm0 =	vmand vm0, vm2;
	s13 =	smov.u32 s16  }
0x5d2: {  	v18 =	vshra.s32 v20, $0x1F;
	v21 =	vnsel vm0, $0x0, v16;
	v19 =	vnsel vm0, $0x0, v19;
	v16 =	vmovc v20;
	v13 =	vld.idx.msk [tilespmem:v13+s12+$0x0], $0xffff  }
0x5d3: {  	v22 =	vmov v16;
	s14 =	smov.u32 s15  }
.LBB2_54:
0x5d4: {  	v9 =	vadd.s32 s13, v9  }
0x5d5: {  	v16 =	vxor.u32 @p1 v22, v18;
	v15 =	vadd.f32 @p2 v21, v15;
	vm0 =	vlt.s32 @p1 v17, v6  }
0x5d6: {  	v14 =	vadd.f32 @p2 v19, v14;
	v61 =	vmov s13;
	v18 =	vshrl.u32 @p1 v16, $0x8  }
0x5d7: {  	v16 =	vand.u32 @p1 $0xFF, v16;
	vm13 =	vlt.s32 v61, v6;
	v17 =	vand.u32 @p1 $0xFF, v18  }
0x5d8: {  	vm1 =	vlt.s32 @p1 v16, v8;
	v16 =	vmul.f32 @p1 v20, v22;
	v15 =	vpsel p2, v15, v4  }
0x5d9: {  	v14 =	vpsel p2, v14, v5;
	vm2 =	veq.s32 @p1 v17, v7;
	vm0 =	vmand @p1 vm0, vm1  }
0x5da: {  	v17 =	vmov @p0 s14;
	v18 =	vshra.s32 @p0 v13, $0x1F;
	v20 =	vmovc @p0 v13;
	vm0 =	vmand @p1 vm0, vm2  }
0x5db: {  	v12 =	vpsel p0, v18, v12;
	v10 =	vpsel p0, v20, v10;
	v11 =	vpsel p0, v17, v11  }
0x5dc: {  	v19 =	vnsel @p1 vm0, $0x0, v22;
	v16 =	vnsel @p1 vm0, $0x0, v16;
	v9 =	vld.idx.msk [tilespmem:v9+s12+$0x0], $0xffff;
	v12 =	vxor.u32 @p0 v10, v12  }
0x5dd: {  	vm0 =	vlt.s32 @p0 v11, v6;
	v18 =	vpsel p1, v19, v0;
	v16 =	vpsel p1, v16, v0  }
0x5de: {  	v17 =	vshrl.u32 @p0 v12, $0x8;
	v12 =	vand.u32 @p0 $0xFF, v12;
	v15 =	vadd.f32 @p1 v18, v15  }
0x5df: {  	v14 =	vadd.f32 @p1 v16, v14;
	v11 =	vand.u32 @p0 $0xFF, v17;
	vm1 =	vlt.s32 @p0 v12, v8  }
0x5e0: {  	vm2 =	veq.s32 @p0 v11, v7;
	vm0 =	vmand @p0 vm0, vm1;
	v11 =	vmul.f32 @p0 v13, v10  }
0x5e1: {  	vm0 =	vmand @p0 vm0, vm2;
	v15 =	vpsel p1, v15, v4;
	v62 =	vshra.s32 v9, $0x1F  }
0x5e2: {  	v14 =	vpsel p1, v14, v5;
	v10 =	vnsel @p0 vm0, $0x0, v10;
	v13 =	vxor.u32 v9, v62  }
0x5e3: {  	v11 =	vnsel @p0 vm0, $0x0, v11;
	v10 =	vpsel p0, v10, v0;
	v63 =	vshrl.u32 v13, $0x8  }
0x5e4: {  	v11 =	vpsel p0, v11, v0;
	v13 =	vand.u32 $0xFF, v13;
	v6 =	vand.u32 $0xFF, v63  }
0x5e5: {  	vm14 =	vlt.s32 v13, v8;
	v8 =	vadd.f32 @p0 v10, v15;
	vm15 =	veq.s32 v6, v7  }
0x5e6: {  	vm0 =	vmand vm13, vm14;
	v6 =	vadd.f32 @p0 v11, v14;
	v7 =	vmul.f32 v9, v9  }
0x5e7: {  	vm0 =	vmand vm0, vm15;
	v4 =	vpsel p0, v8, v4  }
0x5e8: {  	v9 =	vnsel vm0, $0x0, v9;
	v7 =	vnsel vm0, $0x0, v7;
	v5 =	vpsel p0, v6, v5  }
0x5e9: {  	v4 =	vadd.f32 v9, v4;
	v5 =	vadd.f32 v7, v5  }
.LBB2_55:
0x5ea: {  	_ = 	snop  }
0x5eb: {  	(xrf2) =	vadd.scan.msk.f32 $0xffff, v4  }
0x5ec: {  	(xrf2) =	vadd.scan.msk.f32 $0xffff, v5;
	_ =	sdelay $0x3  }
0x5ed: {  	(xrf2) =	vadd.scan.msk.f32 $0xffff, v0;
	_ =	sdelay $0x1  }
0x5ee: {  	(xrf2) =	vadd.scan.msk.f32 $0xffff, v1;
	_ =	sdelay $0x2  }
0x5ef: {  	v0, _, _ =	vpop (xrf2)  }
0x5f0: {  	v1, _, _ =	vpop (xrf2)  }
0x5f1: {  	v1 =	vbroadcast v1, $0xF  }
0x5f2: {  	vm1 =	vcmask $0x704  }
0x5f3: {  	v0 =	vbroadcast v0, $0xF;
	v1 =	vnsel vm1, $0x0, v1  }
0x5f4: {  	vm0 =	vmmov $0x1;
	v4, _, _ =	vpop (xrf2)  }
0x5f5: {  	v0 =	vnsel vm0, $0x0, v0;
	v4 =	vbroadcast v4, $0xF  }
0x5f6: {  	vm14 =	vcmask $0xB08;
	v0 =	vadd.f32 v1, v0;
	v1, _, _ =	vpop (xrf2)  }
0x5f7: {  	v4 =	vnsel vm14, $0x0, v4;
	v1 =	vbroadcast v1, $0xF  }
0x5f8: {  	vm15 =	vcmask $0xF0C;
	v0 =	vadd.f32 v0, v4  }
0x5f9: {  	v1 =	vnsel vm15, $0x0, v1  }
0x5fa: {  	v0 =	vadd.f32 v0, v1;
	_ =	sdelay $0x1  }
0x5fb: {  	[tilespmem:$0x15410] =	vst v0  }
0x5fc: {  	s11 =	simm.s32 $0x15410;
	[bflag:$0x0] =	sbarrier.arrive $0xFFFF  }
0x5fd: {  	[spmem:s7] =	stream.linear.scatter [tilespmem:s11], [sflag:$0x3], $0x80, $0x38;
	[tilespmem:$0x15D10] =	vst v63  }
0x5fe: {  	s7 =	simm.s32 $0x3  }
0x5ff: {  	_ =	swait.ge [sflag:s7], $0x80  }
0x600: {  	[sflag:s7] =	ssyncset.done $0x0  }
0x601: {  	[sflag:s7] =	ssyncadd.s32 $0xFFFFFF80  }
0x602: {  	p0 =	sne.s32 s3, $0x0;
	[bflag:$0x0] =	sbarrier.arrive $0xFFFF  }
0x603: {  	_ =	sfence.sel @p0 $0x180000  }
0x604: {  	[bflag:$0x0] =	sbarrier.arrive @p0 $0xFFFF  }
0x605: {  	_ =	strace @p0 $0x90000047  }
0x606: {  	[bflag:$0x2] =	sbarrier.arrive @p0 $0xFFFF  }
0x607: {  	_ =	shalt @p0  }
.Ltmp31:
0x608: {  	_ = 	snop;
	(pc) =	sbr.rel .LBB2_57-.Ltmp31, $4  }
0x609: {  	_ = 	snop  }
0x60a: {  	_ = 	snop  }
0x60b: {  	_ = 	snop  }
0x60c: {  	_ = 	snop  }
.LBB2_57:
0x60d: {  	s3 =	simm.s32 $0x15490  }
0x60e: {  	[tilespmem:s3], [sflag:$0x3] =	stream.linear.gather [spmem:s2], $0x800, $0x38;
	[tilespmem:$0x15D10] =	vst v63  }
0x60f: {  	_ =	swait.ge [sflag:s7], $0x800  }
0x610: {  	[sflag:s7] =	ssyncset.done $0x0  }
0x611: {  	[sflag:s7] =	ssyncadd.s32 $0xFFFFF800  }
0x612: {  	v0 =	vld [tilespmem:$0x15490]  }
0x613: {  	v1 =	vld [tilespmem:$0x15510];
	_ =	sdelay $0x1  }
0x614: {  	v4 =	vld [tilespmem:$0x15590];
	_ =	sdelay $0x1  }
0x615: {  	v5 =	vld [tilespmem:$0x15610]  }
0x616: {  	v0 =	vadd.f32 v1, v0  }
0x617: {  	v12 =	vld [tilespmem:$0x15690]  }
0x618: {  	v0 =	vadd.f32 v4, v0  }
0x619: {  	v13 =	vld [tilespmem:$0x15710]  }
0x61a: {  	v0 =	vadd.f32 v5, v0  }
0x61b: {  	v14 =	vld [tilespmem:$0x15790]  }
0x61c: {  	v0 =	vadd.f32 v12, v0  }
0x61d: {  	v15 =	vld [tilespmem:$0x15810]  }
0x61e: {  	v0 =	vadd.f32 v13, v0  }
0x61f: {  	v16 =	vld [tilespmem:$0x15890]  }
0x620: {  	v0 =	vadd.f32 v14, v0  }
0x621: {  	v17 =	vld [tilespmem:$0x15910]  }
0x622: {  	v0 =	vadd.f32 v15, v0  }
0x623: {  	v18 =	vld [tilespmem:$0x15990]  }
0x624: {  	v0 =	vadd.f32 v16, v0  }
0x625: {  	v19 =	vld [tilespmem:$0x15A10]  }
0x626: {  	v0 =	vadd.f32 v17, v0  }
0x627: {  	v20 =	vld [tilespmem:$0x15A90]  }
0x628: {  	v0 =	vadd.f32 v18, v0  }
0x629: {  	v21 =	vld [tilespmem:$0x15B10]  }
0x62a: {  	v0 =	vadd.f32 v19, v0  }
0x62b: {  	s26 =	sshll.u32 s5, $0x10;
	s28 =	sshll.u32 s8, $0x8;
	v22 =	vld [tilespmem:$0x15B90]  }
0x62c: {  	s2 =	sadd.s32 s26, s28;
	v0 =	vadd.f32 v20, v0  }
0x62d: {  	s2 =	sadd.s32 s9, s2;
	v23 =	vld [tilespmem:$0x15C10]  }
0x62e: {  	s29 =	ssub.s32 s6, s10;
	s2 =	sshll.u32 s2, $0x8;
	v0 =	vadd.f32 v21, v0  }
0x62f: {  	s3 =	sadd.s32 $0x40000, s29;
	s2 =	sadd.s32 s2, s4  }
0x630: {  	s3 =	scvt.s32.f32 s3;
	v24 =	vmov s2;
	v0 =	vadd.f32 v22, v0  }
0x631: {  	v25 =	vimm.s32 $0x80000000;
	vm0 =	vgt.s32 v24, $0xFFFFFFFF  }
0x632: {  	s3 =	ssub.f32 $2.621440000e+05, s3;
	v26 =	vsel vm0, $0xFFFFFFFF, v25;
	v4 =	vadd.f32 v23, v0  }
0x633: {  	v0 =	vxor.u32 s2, v26  }
0x634: {  	v28 =	vmul.f32 s3, v0;
	v27 =	vbroadcast v4, $0x0;
	_ =	sdelay $0x1  }
0x635: {  	v6 =	vbroadcast v4, $0x2;
	v7 =	vadd.f32 v27, v28;
	_ =	sdelay $0x1  }
0x636: {  	v8 =	vbroadcast v4, $0x1;
	v5 =	vmul.f32 v0, v28;
	v6 =	vsub.f32 v6, v7  }
0x637: {  	v1 =	vmul.f32 v7, v2  }
0x638: {  	v4 =	vbroadcast v4, $0x3;
	v5 =	vadd.f32 v8, v5;
	v29 =	vmul.f32 v6, v2  }
0x639: {  	v7 =	vmul.f32 v1, v7  }
0x63a: {  	v4 =	vsub.f32 v4, v5;
	v6 =	vmul.f32 v29, v6  }
0x63b: {  	v5 =	vsub.f32 v5, v7  }
0x63c: {  	v4 =	vsub.f32 v4, v6  }
0x63d: {  	v5 =	vmul.f32 v5, v3  }
0x63e: {  	v30 =	vmul.f32 v4, v3  }
0x63f: {  	v31 =	vshra.s32 v5, $0x1;
	v32 =	vmul.f32 $5.000000000e-01, v5  }
0x640: {  	v4 =	vsub.s32 $0x5F3759DF, v31;
	v33 =	vshra.s32 v30, $0x1;
	v34 =	vmul.f32 $5.000000000e-01, v30  }
0x641: {  	v9 =	vmul.f32 v4, v32;
	v7 =	vsub.s32 $0x5F3759DF, v33  }
0x642: {  	v10 =	vmul.f32 v7, v34  }
0x643: {  	v9 =	vmul.f32 v4, v9  }
0x644: {  	v10 =	vmul.f32 v7, v10  }
0x645: {  	v9 =	vsub.f32 $1.500000000e+00, v9  }
0x646: {  	v10 =	vsub.f32 $1.500000000e+00, v10  }
0x647: {  	v4 =	vmul.f32 v4, v9  }
0x648: {  	v7 =	vmul.f32 v7, v10  }
0x649: {  	v9 =	vmul.f32 v4, v32  }
0x64a: {  	v10 =	vmul.f32 v7, v34  }
0x64b: {  	v9 =	vmul.f32 v9, v4  }
0x64c: {  	v10 =	vmul.f32 v10, v7  }
0x64d: {  	v9 =	vsub.f32 $1.500000000e+00, v9  }
0x64e: {  	v10 =	vsub.f32 $1.500000000e+00, v10  }
0x64f: {  	v4 =	vmul.f32 v9, v4  }
0x650: {  	v7 =	vmul.f32 v10, v7  }
0x651: {  	v9 =	vmul.f32 v4, v32  }
0x652: {  	v10 =	vmul.f32 v7, v34  }
0x653: {  	v9 =	vmul.f32 v9, v4  }
0x654: {  	v10 =	vmul.f32 v10, v7  }
0x655: {  	v9 =	vsub.f32 $1.500000000e+00, v9  }
0x656: {  	v10 =	vsub.f32 $1.500000000e+00, v10  }
0x657: {  	v4 =	vmul.f32 v9, v4  }
0x658: {  	v7 =	vmul.f32 v10, v7  }
0x659: {  	v6 =	vmul.f32 v4, v32  }
0x65a: {  	v8 =	vmul.f32 v7, v34  }
0x65b: {  	v6 =	vmul.f32 v6, v4  }
0x65c: {  	v8 =	vmul.f32 v8, v7  }
0x65d: {  	v6 =	vsub.f32 $1.500000000e+00, v6  }
0x65e: {  	v8 =	vsub.f32 $1.500000000e+00, v8  }
0x65f: {  	v4 =	vmul.f32 v6, v4  }
0x660: {  	v35 =	vmul.f32 v8, v7  }
0x661: {  	v4 =	vmul.f32 v4, v5  }
0x662: {  	v3 =	vmul.f32 v35, v30  }
0x663: {  	v5 =	vshra.s32 v4, $0x1;
	v36 =	vmul.f32 $5.000000000e-01, v4  }
0x664: {  	v5 =	vsub.s32 $0x5F3759DF, v5;
	v37 =	vshra.s32 v3, $0x1;
	v38 =	vmul.f32 $5.000000000e-01, v3  }
0x665: {  	v39 =	vmul.f32 v5, v36;
	v7 =	vsub.s32 $0x5F3759DF, v37  }
0x666: {  	v40 =	vmul.f32 v7, v38  }
0x667: {  	v9 =	vmul.f32 v5, v39  }
0x668: {  	v10 =	vmul.f32 v7, v40  }
0x669: {  	v9 =	vsub.f32 $1.500000000e+00, v9  }
0x66a: {  	v10 =	vsub.f32 $1.500000000e+00, v10  }
0x66b: {  	v5 =	vmul.f32 v5, v9  }
0x66c: {  	v7 =	vmul.f32 v7, v10  }
0x66d: {  	v9 =	vmul.f32 v5, v36  }
0x66e: {  	v10 =	vmul.f32 v7, v38  }
0x66f: {  	v9 =	vmul.f32 v9, v5  }
0x670: {  	v10 =	vmul.f32 v10, v7  }
0x671: {  	v9 =	vsub.f32 $1.500000000e+00, v9  }
0x672: {  	v10 =	vsub.f32 $1.500000000e+00, v10  }
0x673: {  	v5 =	vmul.f32 v9, v5  }
0x674: {  	v7 =	vmul.f32 v10, v7  }
0x675: {  	v9 =	vmul.f32 v5, v36  }
0x676: {  	v10 =	vmul.f32 v7, v38  }
0x677: {  	v9 =	vmul.f32 v9, v5  }
0x678: {  	v10 =	vmul.f32 v10, v7  }
0x679: {  	v9 =	vsub.f32 $1.500000000e+00, v9  }
0x67a: {  	v10 =	vsub.f32 $1.500000000e+00, v10  }
0x67b: {  	v5 =	vmul.f32 v9, v5  }
0x67c: {  	v7 =	vmul.f32 v10, v7  }
0x67d: {  	v9 =	vmul.f32 v5, v36  }
0x67e: {  	v10 =	vmul.f32 v7, v38  }
0x67f: {  	v9 =	vmul.f32 v9, v5  }
0x680: {  	v10 =	vmul.f32 v10, v7  }
0x681: {  	v9 =	vsub.f32 $1.500000000e+00, v9  }
0x682: {  	v10 =	vsub.f32 $1.500000000e+00, v10  }
0x683: {  	v5 =	vmul.f32 v9, v5  }
0x684: {  	v7 =	vmul.f32 v10, v7  }
0x685: {  	v4 =	vmul.f32 v5, v4  }
0x686: {  	v3 =	vmul.f32 v7, v3  }
0x687: {  	(erf) = vrcp.f32 v4  }
0x688: {  	(erf) = vrcp.f32 v3;
	_ =	sdelay $0x6  }
0x689: {  	v41 =	vsub.f32 $-1.000000000e+00, v1  }
0x68a: {  	v2 =	vsub.f32 $1.000000000e+00, v29;
	v42 =	vpop (erf)  }
0x68b: {  	v43 =	vmul.f32 v42, v41;
	v44 =	vpop (erf)  }
0x68c: {  	v11 =	vmul.f32 v44, v2  }
0x68d: {  	v12 =	vmul.f32 $-5.000000000e-01, v43  }
0x68e: {  	v13 =	vmul.f32 $-5.000000000e-01, v11  }
0x68f: {  	v9 =	vmul.f32 v12, v43  }
0x690: {  	v11 =	vmul.f32 v13, v11  }
0x691: {  	v9 =	vmul.f32 $1.442695020e+00, v9  }
0x692: {  	v11 =	vmul.f32 $1.442695020e+00, v11  }
0x693: {  	v4 =	vmul.f32 $1.414213540e+00, v4;
	(erf) = vpow2.f32 v9  }
0x694: {  	(erf) = vpow2.f32 v11  }
0x695: {  	(erf) = vrcp.f32 v4;
	_ =	sdelay $0x6  }
0x696: {  	v45 =	vpop (erf)  }
0x697: {  	v46 =	vpop (erf)  }
0x698: {  	v47 =	vpop (erf)  }
0x699: {  	v5 =	vmul.f32 v47, v41;
	_ =	sdelay $0x1  }
0x69a: {  	v11 =	vand.u32 $0x7FFFFFFF, v5  }
0x69b: {  	v48 =	vsub.f32 $0.0e+00, v11  }
0x69c: {  	v49 =	vmul.f32 $3.275910910e-01, v11  }
0x69d: {  	v11 =	vmul.f32 v48, v11  }
0x69e: {  	v50 =	vadd.f32 $1.000000000e+00, v49  }
0x69f: {  	v11 =	vmul.f32 $1.442695020e+00, v11  }
0x6a0: {  	v3 =	vmul.f32 $1.414213540e+00, v3;
	(erf) = vrcp.f32 v50  }
0x6a1: {  	(erf) = vpow2.f32 v11  }
0x6a2: {  	(erf) = vrcp.f32 v3;
	_ =	sdelay $0x6  }
0x6a3: {  	v51 =	vpop (erf)  }
0x6a4: {  	v11 =	vpop (erf)  }
0x6a5: {  	v52 =	vpop (erf)  }
0x6a6: {  	v12 =	vmul.f32 v52, v2;
	_ =	sdelay $0x1  }
0x6a7: {  	v53 =	vand.u32 $0x7FFFFFFF, v12  }
0x6a8: {  	v14 =	vmul.f32 $3.275910910e-01, v53;
	_ =	sdelay $0x1  }
0x6a9: {  	v14 =	vadd.f32 $1.000000000e+00, v14;
	_ =	sdelay $0x1  }
0x6aa: {  	(erf) = vrcp.f32 v14;
	_ =	sdelay $0x7  }
0x6ab: {  	v54 =	vmul.f32 $1.061405420e+00, v51  }
0x6ac: {  	v15 =	vpop (erf)  }
0x6ad: {  	v14 =	vadd.f32 $-1.453152060e+00, v54;
	v16 =	vmul.f32 $1.061405420e+00, v15;
	_ =	sdelay $0x1  }
0x6ae: {  	v17 =	vsub.f32 $0.0e+00, v53;
	v14 =	vmul.f32 v14, v51;
	v16 =	vadd.f32 $-1.453152060e+00, v16;
	_ =	sdelay $0x1  }
0x6af: {  	v13 =	vmul.f32 v17, v53;
	v14 =	vadd.f32 $1.421413780e+00, v14;
	v16 =	vmul.f32 v16, v15;
	_ =	sdelay $0x1  }
0x6b0: {  	v13 =	vmul.f32 $1.442695020e+00, v13;
	v14 =	vmul.f32 v14, v51;
	v16 =	vadd.f32 $1.421413780e+00, v16;
	_ =	sdelay $0x1  }
0x6b1: {  	v14 =	vadd.f32 $-2.844967250e-01, v14;
	(erf) = vpow2.f32 v13;
	v55 =	vmul.f32 v16, v15;
	_ =	sdelay $0x1  }
0x6b2: {  	v14 =	vmul.f32 v14, v51;
	v13 =	vadd.f32 $-2.844967250e-01, v55;
	_ =	sdelay $0x1  }
0x6b3: {  	v14 =	vadd.f32 $2.548295860e-01, v14;
	v13 =	vmul.f32 v13, v15;
	_ =	sdelay $0x1  }
0x6b4: {  	v3 =	vmul.f32 v14, v51;
	v13 =	vadd.f32 $2.548295860e-01, v13;
	_ =	sdelay $0x1  }
0x6b5: {  	v3 =	vmul.f32 v3, v11;
	v56 =	vmul.f32 v13, v15  }
0x6b6: {  	v57 =	vpop (erf)  }
0x6b7: {  	v3 =	vsub.f32 $1.000000000e+00, v3;
	v11 =	vmul.f32 v56, v57  }
0x6b8: {  	v1 =	vadd.f32 $1.000000000e+00, v1;
	v4 =	vmul.f32 $3.989422920e-01, v45  }
0x6b9: {  	vm14 =	vlt.f32 v5, $0.0e+00;
	v58 =	vxor.u32 $0x80000000, v3;
	v59 =	vsub.f32 $1.000000000e+00, v11  }
0x6ba: {  	v1 =	vmul.f32 $2.500000000e-01, v1;
	v4 =	vmul.f32 v4, v42;
	v3 =	vsel vm14, v58, v3  }
0x6bb: {  	vm15 =	vlt.f32 v12, $0.0e+00;
	v3 =	vsub.f32 $1.000000000e+00, v3;
	v60 =	vxor.u32 $0x80000000, v59  }
0x6bc: {  	v9 =	vmul.f32 $3.989422920e-01, v46;
	v4 =	vmul.f32 v4, v36;
	v61 =	vsel vm15, v60, v59  }
0x6bd: {  	v2 =	vmul.f32 $2.500000000e-01, v2;
	v1 =	vmul.f32 v3, v1;
	v3 =	vadd.f32 $1.000000000e+00, v61;
	_ =	sdelay $0x1  }
0x6be: {  	v62 =	vmul.f32 v9, v44;
	v1 =	vadd.f32 v1, v4;
	v2 =	vmul.f32 v3, v2;
	_ =	sdelay $0x1  }
0x6bf: {  	v63 =	vmul.f32 v62, v38;
	v1 =	vadd.f32 v2, v1;
	_ =	sdelay $0x1  }
0x6c0: {  	v0 =	vmul.f32 v0, v0;
	v1 =	vadd.f32 v1, v63;
	_ =	sdelay $0x1  }
0x6c1: {  	v0 =	vadd.f32 v1, v0;
	_ =	sdelay $0x1  }
0x6c2: {  	s30 =	simm.s32 $0x0;
	s31 =	simm.s32 $0x15C90;
	[tilespmem:$0x15C90] =	vst v0  }
0x6c3: {  	[hbm4b:s1+s30] =	stream.linear.scatter [tilespmem:s31], [sflag:$0x3], $0x80, $0x38;
	[tilespmem:$0x15D10] =	vst v63  }
0x6c4: {  	_ =	swait.ge [sflag:s7], $0x80  }
0x6c5: {  	[sflag:s7] =	ssyncset.done $0x0  }
0x6c6: {  	[sflag:s7] =	ssyncadd.s32 $0xFFFFFF80  }
0x6c7: {  	_ =	sfence.sel $0x180000  }
0x6c8: {  	[bflag:$0x0] =	sbarrier.arrive $0xFFFF  }
0x6c9: {  	_ =	strace $0x90000047  }
0x6ca: {  	s0 =	sadd.s32 $0x100000, s0;
	[bflag:$0x2] =	sbarrier.arrive $0xFFFF  }
0x6cb: {  	[sflag:s0] =	ssyncadd.tile.s32 $0x1;
	_ =	shalt  }
.LBB2_45:
.Ltmp32:
0x6cc: {  	(pc) =	sbr.rel .LBB2_54-.Ltmp32, $2  }
0x6cd: {  	_ =	sdelay $0x2  }
0x6ce: {  	s13 =	simm.s32 $0x0;
	v15 =	vmov v4;
	v14 =	vmov v5  }
.LBB2_47:
.Ltmp33:
0x6cf: {  	_ = 	snop;
	(pc) =	sbr.rel .LBB2_54-.Ltmp33, $2  }
0x6d0: {  	_ =	sdelay $0x2  }
0x6d1: {  	s13 =	simm.s32 $0x1;
	v15 =	vmov v4;
	v14 =	vmov v5;
	s14 =	simm.s32 $0x0;
	v13 =	vmov v10  }
.LBB2_49:
.Ltmp34:
0x6d2: {  	_ = 	snop;
	(pc) =	sbr.rel .LBB2_54-.Ltmp34, $3  }
0x6d3: {  	_ =	sdelay $0x1  }
0x6d4: {  	v18 =	vmov v12;
	v22 =	vmov v10  }
0x6d5: {  	s13 =	simm.s32 $0x2;
	v15 =	vmovc v4;
	v14 =	vmovc v5;
	v17 =	vmov v11;
	v20 =	vmov v10;
	v13 =	vmov v16  }
.LBB2_56:
.Ltmp35:
0x6d6: {  	(pc) =	sbr.rel .LBB2_54-.Ltmp35, $2  }
0x6d7: {  	_ =	sdelay $0x2  }
0x6d8: {  	v22 =	vmovc v16;
	v15 =	vmov v4;
	v14 =	vmov v5;
	v20 =	vmov v16;
	s14 =	simm.s32 $0x2  }
.Lfunc_end2:
_tile_overlayer_lowered:
.L_overlay_start_2:
0x6d9: {  	(tag) =	ssettag $0x2  }
0x6da: {  	s0 =	rddreg [dreg:$0x0];
	s2 =	stileid.u32  }
0x6db: {  	s1 =	rddreg [dreg:$0x1];
	p0 =	sne.s32 s2, $0x0  }
0x6dc: {  	s3 =	rddreg [dreg:$0x2];
	[bflag:$0x3] =	sbarrier.arrive $0xFFFF;
	s2 =	simm.s32 @!p0 $0x1C03  }
0x6dd: {  	[timem:s3], [sflag:s2] =	dma.local @!p0 [hbm:s0], s1  }
0x6de: {  	s0 =	simm.s32 @!p0 $0x3  }
0x6df: {  	_ =	swait.ge @!p0 [sflag:s0], s1  }
0x6e0: {  	s1 =	ssub.s32 @!p0 $0x0, s1;
	[sflag:s0] =	ssyncset.done @!p0 $0x0  }
0x6e1: {  	[sflag:s0] =	ssyncadd.s32 @!p0 s1  }
0x6e2: {  	[bflag:$0x3] =	sbarrier.arrive $0xFFFF  }
0x6e3: {  	_ =	shalt  }

</sc_bundles>
